<compile_context>
chip_gen: v7x
topology: tpu7x:2x2x1
jax: 0.10.2.dev20260603
libtpu: 0.0.44.dev20260713+nightly
codegen_flags: <defaults>
</compile_context>

<pallas_src>
import functools

import jax
import jax.numpy as jnp
from jax import lax
from jax.experimental import pallas as pl
from jax.experimental.pallas import tpu as pltpu
from jax.experimental.pallas import tpu_sc as plsc

_B, _L, _V, _D = 1024, 1024, 21, 128
_VP = 24
_EPS = 1e-5


_LB = 256


def _precompute_body(pe_ref, table_ref, gamma_ref, beta_ref, out_ref):
    pe_t = pe_ref[...]
    tab = table_ref[...]
    g = gamma_ref[...]
    b = beta_ref[...]
    cpe = pe_t - jnp.mean(pe_t, axis=1, keepdims=True)
    ct = tab - jnp.mean(tab, axis=1, keepdims=True)
    vpe = jnp.mean(cpe * cpe, axis=1, keepdims=True)
    vt = jnp.mean(ct * ct, axis=1, keepdims=True)
    cross = lax.dot_general(cpe, ct, (((1,), (1,)), ((), ())),
                            preferred_element_type=jnp.float32)
    var = vpe + vt.reshape(1, _V) + (2.0 / _D) * cross
    rstd = 1.0 / jnp.sqrt(var + _EPS)
    for v in range(_V):
        y = (cpe + ct[v:v + 1, :]) * rstd[:, v:v + 1]
        out_ref[:, v, :] = y * g + b


def _precompute(pe, table, gamma, beta):
    return pl.pallas_call(
        _precompute_body,
        grid=(_L // _LB,),
        in_specs=[
            pl.BlockSpec((_LB, _D), lambda i: (i, 0)),
            pl.BlockSpec((_V, _D), lambda i: (0, 0)),
            pl.BlockSpec((1, _D), lambda i: (0, 0)),
            pl.BlockSpec((1, _D), lambda i: (0, 0)),
        ],
        out_specs=pl.BlockSpec((_LB, _VP, _D), lambda i: (i, 0, 0)),
        out_shape=jax.ShapeDtypeStruct((_L, _VP, _D), jnp.float32),
    )(pe, table, gamma.reshape(1, _D), beta.reshape(1, _D))



_NC, _NS = 2, 16
_LH = _L // _NC
_HROWS = _LH * _VP
_BPW = _B // _NS
_CHUNK = 64
_RING = 3
_GSEQ = 4
_CPS = _LH // _CHUNK
_GCH = _GSEQ * _CPS
_PPC = _CHUNK // 16


@functools.cache
def _make_gather():
    mesh = plsc.VectorSubcoreMesh(core_axis_name="c", subcore_axis_name="s")

    @functools.partial(
        pl.kernel,
        mesh=mesh,
        out_type=jax.ShapeDtypeStruct((_B * _L // _CHUNK, _CHUNK, _D), jnp.float32),
        scratch_types=[
            pltpu.VMEM_SHARED((_HROWS, _D), jnp.float32),
            pltpu.VMEM((_GSEQ, _LH), jnp.int32),
            pltpu.VMEM((_LH,), jnp.int32),
            pltpu.VMEM((_GSEQ * _LH,), jnp.int32),
        ] + [pltpu.VMEM((_CHUNK, _D), jnp.float32) for _ in range(_RING)] + [
            pltpu.SemaphoreType.DMA,
            pltpu.SemaphoreType.DMA,
        ],
    )
    def gather_k(tok_hbm, loff_hbm, precomp_hbm, out_hbm,
                 shared_v, tok_v, loff_v, idx_v, *rest):
        rows = rest[:_RING]
        semg, semw = rest[_RING], rest[_RING + 1]
        c = lax.axis_index("c")
        s = lax.axis_index("s")
        rows_per_sub = _HROWS // _NS
        pltpu.sync_copy(
            precomp_hbm.at[pl.ds(c * _HROWS + s * rows_per_sub, rows_per_sub)],
            shared_v.at[pl.ds(s * rows_per_sub, rows_per_sub)])
        pltpu.sync_copy(loff_hbm, loff_v)
        plsc.subcore_barrier()

        def pending_write(buf):
            return pltpu.make_async_copy(buf, out_hbm.at[0], semw)

        def group_body(g, carry):
            b0 = s * _BPW + g * _GSEQ
            pltpu.sync_copy(
                tok_hbm.at[pl.ds(b0, _GSEQ), pl.ds(c * _LH, _LH)], tok_v)

            @pl.when(g > 0)
            def _():
                for p in range(_RING):
                    pending_write(rows[p]).wait()

            gcp = [None] * _RING
            wcp = [None] * _RING
            for t in range(_GCH):
                p = t % _RING
                r, j = divmod(t, _CPS)
                for m in range(_PPC):
                    col = j * _CHUNK + m * 16
                    idx_v[pl.ds(r * _LH + col, 16)] = (
                        tok_v[r, pl.ds(col, 16)] + loff_v[pl.ds(col, 16)])
                if t >= _RING:
                    wcp[p].wait()
                gcp[p] = pltpu.async_copy(
                    shared_v.at[idx_v.at[pl.ds(t * _CHUNK, _CHUNK)]],
                    rows[p], semg)
                if t >= 1:
                    q = (t - 1) % _RING
                    r, j = divmod(t - 1, _CPS)
                    gcp[q].wait()
                    wcp[q] = pltpu.async_copy(
                        rows[q],
                        out_hbm.at[(b0 + r) * (_L // _CHUNK) + c * _CPS + j],
                        semw)
            p = (_GCH - 1) % _RING
            r, j = divmod(_GCH - 1, _CPS)
            gcp[p].wait()
            wcp[p] = pltpu.async_copy(
                rows[p], out_hbm.at[(b0 + r) * (_L // _CHUNK) + c * _CPS + j],
                semw)
            return carry

        lax.fori_loop(0, _BPW // _GSEQ, group_body, 0)
        for p in range(_RING):
            pending_write(rows[p]).wait()

    return gather_k


def kernel(seq_tokens, table, pe, gamma, beta):
    precomp = _precompute(pe, table, gamma, beta)
    precomp_flat = precomp.reshape(_L * _VP, _D)
    loff = jnp.arange(_LH, dtype=jnp.int32) * _VP
    out = _make_gather()(seq_tokens, loff, precomp_flat)
    return out.reshape(_B, _L, _D)

# --- scband reference (transcript-rebuilt; emitter-appended) ---
"""Pipeline reference for scband-sequence-encoder-52158082842750 (READ-ONLY COPY).

The authoritative reference and input builder live on the scoring server;
editing this copy changes nothing except your own understanding.
"""

import jax, jax.numpy as jnp
import numpy as np
import math

B, L, V, D, ML = 1024, 1024, 21, 128, 1024


def make_pe(max_len, d_model):
    position = np.arange(0, max_len).astype(np.float32)[:, None]
    div_term = np.exp(np.arange(0, d_model, 2).astype(np.float32) * (-math.log(10000.0) / d_model))
    pe = np.zeros((max_len, d_model), dtype=np.float32)
    pe[:, 0::2] = np.sin(position * div_term)
    pe[:, 1::2] = np.cos(position * div_term)
    return jnp.asarray(pe)


def setup_inputs(seed: int = 0) -> dict:
    key = jax.random.key(seed)
    k1, k2 = jax.random.split(key, 2)
    seq_tokens = jax.random.randint(k1, (B, L), 0, V, dtype=jnp.int32)
    table = jax.random.normal(k2, (V, D), dtype=jnp.float32)
    pe = make_pe(ML, D)
    gamma = jnp.ones((D,), dtype=jnp.float32)
    beta = jnp.zeros((D,), dtype=jnp.float32)
    return {"seq_tokens": seq_tokens, "table": table, "pe": pe, "gamma": gamma, "beta": beta}


def reference(seq_tokens, table, pe, gamma, beta):
    # embedding gather
    x = jnp.take(table, seq_tokens, axis=0)  # [B, L, D]
    # add positional encoding (sliced to seq length)
    x = x + pe[: x.shape[1]]
    # LayerNorm over last dim (eps=1e-5, biased variance, affine)
    mean = jnp.mean(x, axis=-1, keepdims=True)
    var = jnp.mean((x - mean) ** 2, axis=-1, keepdims=True)
    x = (x - mean) / jnp.sqrt(var + 1e-5)
    x = x * gamma + beta
    # dropout is identity in eval mode
    return x

if __name__ == "__main__":
    import jax
    _d = setup_inputs()
    print(jax.jit(kernel)(*tuple(_d.values())))

</pallas_src>

<mosaic_0001>
#map = affine_map<(d0, d1) -> (0, 0)>
#map1 = affine_map<(d0, d1) -> (0)>
#map2 = affine_map<(d0, d1) -> (0, 0, 0)>
module attributes {stable_mosaic.version = 14 : i64} {
  func.func @gather_k(%arg0: i32, %arg1: i32, %arg2: memref<1024x1024xi32, #tpu.memory_space<hbm>>, %arg3: memref<512xi32, #tpu.memory_space<hbm>>, %arg4: memref<24576x128xf32, #tpu.memory_space<hbm>>, %arg5: memref<16384x64x128xf32, #tpu.memory_space<hbm>>, %arg6: memref<12288x128xf32, #tpu.memory_space<vmem_shared>>, %arg7: memref<4x512xi32, #tpu.memory_space<vmem>>, %arg8: memref<512xi32, #tpu.memory_space<vmem>>, %arg9: memref<2048xi32, #tpu.memory_space<vmem>>, %arg10: memref<64x128xf32, #tpu.memory_space<vmem>>, %arg11: memref<64x128xf32, #tpu.memory_space<vmem>>, %arg12: memref<64x128xf32, #tpu.memory_space<vmem>>, %arg13: memref<!tpu.dma_semaphore, #tpu.memory_space<semaphore_mem>>, %arg14: memref<!tpu.dma_semaphore, #tpu.memory_space<semaphore_mem>>) attributes {dimension_semantics = [#tpu.dimension_semantics<core_parallel>, #tpu.dimension_semantics<subcore_parallel>], iteration_bounds = array<i64: 2, 16>, scalar_prefetch = 0 : i64, scratch_operands = 9 : i64, tpu.core_type = #tpu.core_type<sc_vector_subcore>, window_params = [{transform_indices = #map}, {transform_indices = #map1}, {transform_indices = #map}, {transform_indices = #map2}]} {
    %mul3A = arith.constant 12288 : i32
    %mul3A_0 = arith.muli %arg0, %mul3A : i32
    %mul3A_1 = arith.constant 768 : i32
    %mul3A_2 = arith.muli %arg1, %mul3A_1 : i32
    %add3A = arith.addi %mul3A_0, %mul3A_2 : i32
    %mul3A_3 = arith.constant 768 : i32
    %mul3A_4 = arith.muli %arg1, %mul3A_3 : i32
    "tpu.region"() ({
      %run_scoped3A = tpu.sem_alloc : memref<!tpu.dma_semaphore, #tpu.memory_space<semaphore_mem>>
      %dma_start3A = arith.constant 0 : i32
      %dma_start3A_36 = tpu.memref_slice %arg6[%mul3A_4, %dma_start3A] : memref<12288x128xf32, #tpu.memory_space<vmem_shared>> -> memref<768x128xf32, #tpu.memory_space<vmem_shared>>
      %dma_start3A_37 = arith.constant 0 : i32
      %dma_start3A_38 = tpu.memref_slice %arg4[%add3A, %dma_start3A_37] : memref<24576x128xf32, #tpu.memory_space<hbm>> -> memref<768x128xf32, #tpu.memory_space<hbm>>
      tpu.enqueue_dma source(%dma_start3A_38 : memref<768x128xf32, #tpu.memory_space<hbm>>) target(%dma_start3A_36 : memref<768x128xf32, #tpu.memory_space<vmem_shared>>) target_semaphore(%run_scoped3A : memref<!tpu.dma_semaphore, #tpu.memory_space<semaphore_mem>>)
      %dma_wait3A_39 = arith.constant 0 : i32
      %dma_wait3A_40 = tpu.memref_slice %arg6[%mul3A_4, %dma_wait3A_39] : memref<12288x128xf32, #tpu.memory_space<vmem_shared>> -> memref<768x128xf32, #tpu.memory_space<vmem_shared>>
      %dma_wait3A_41 = arith.constant 0 : i32
      %dma_wait3A_42 = tpu.memref_slice %arg4[%add3A, %dma_wait3A_41] : memref<24576x128xf32, #tpu.memory_space<hbm>> -> memref<768x128xf32, #tpu.memory_space<hbm>>
      tpu.wait_dma2 semaphore(%run_scoped3A : memref<!tpu.dma_semaphore, #tpu.memory_space<semaphore_mem>>) src(%dma_wait3A_42 : memref<768x128xf32, #tpu.memory_space<hbm>>) dst(%dma_wait3A_40 : memref<768x128xf32, #tpu.memory_space<vmem_shared>>)
      tpu.yield
    }) : () -> ()
    "tpu.region"() ({
      %run_scoped3A = tpu.sem_alloc : memref<!tpu.dma_semaphore, #tpu.memory_space<semaphore_mem>>
      tpu.enqueue_dma source(%arg3 : memref<512xi32, #tpu.memory_space<hbm>>) target(%arg8 : memref<512xi32, #tpu.memory_space<vmem>>) target_semaphore(%run_scoped3A : memref<!tpu.dma_semaphore, #tpu.memory_space<semaphore_mem>>)
      tpu.wait_dma2 semaphore(%run_scoped3A : memref<!tpu.dma_semaphore, #tpu.memory_space<semaphore_mem>>) src(%arg3 : memref<512xi32, #tpu.memory_space<hbm>>) dst(%arg8 : memref<512xi32, #tpu.memory_space<vmem>>)
      tpu.yield
    }) : () -> ()
    %barrier3A = arith.constant 0 : index
    tpu.barrier barrier_id(%barrier3A)
    %scan3A = arith.constant 0 : i32
    %scan3A_5 = arith.constant 0 : i32
    %scan3A_6 = arith.constant 16 : i32
    %scan3A_7 = arith.addi %scan3A_5, %scan3A_6 : i32
    %scan3A_8 = arith.constant 1 : i32
    scf.for %scan3A_36 = %scan3A_5 to %scan3A_7 step %scan3A_8  : i32 {
      %mul3A_37 = arith.constant 64 : i32
      %mul3A_38 = arith.muli %arg1, %mul3A_37 : i32
      %mul3A_39 = arith.constant 4 : i32
      %mul3A_40 = arith.muli %scan3A_36, %mul3A_39 : i32
      %add3A_41 = arith.addi %mul3A_38, %mul3A_40 : i32
      %mul3A_42 = arith.constant 512 : i32
      %mul3A_43 = arith.muli %arg0, %mul3A_42 : i32
      "tpu.region"() ({
        %run_scoped3A = tpu.sem_alloc : memref<!tpu.dma_semaphore, #tpu.memory_space<semaphore_mem>>
        %dma_start3A_2803 = tpu.memref_slice %arg2[%add3A_41, %mul3A_43] : memref<1024x1024xi32, #tpu.memory_space<hbm>> -> memref<4x512xi32, #tpu.memory_space<hbm>>
        %dma_start3A_2804 = tpu.memref_slice %arg2[%add3A_41, %mul3A_43] : memref<1024x1024xi32, #tpu.memory_space<hbm>> -> memref<4x512xi32, #tpu.memory_space<hbm>>
        tpu.enqueue_dma source(%dma_start3A_2804 : memref<4x512xi32, #tpu.memory_space<hbm>>) target(%arg7 : memref<4x512xi32, #tpu.memory_space<vmem>>) target_semaphore(%run_scoped3A : memref<!tpu.dma_semaphore, #tpu.memory_space<semaphore_mem>>)
        %dma_wait3A_2805 = tpu.memref_slice %arg2[%add3A_41, %mul3A_43] : memref<1024x1024xi32, #tpu.memory_space<hbm>> -> memref<4x512xi32, #tpu.memory_space<hbm>>
        %dma_wait3A_2806 = tpu.memref_slice %arg2[%add3A_41, %mul3A_43] : memref<1024x1024xi32, #tpu.memory_space<hbm>> -> memref<4x512xi32, #tpu.memory_space<hbm>>
        tpu.wait_dma2 semaphore(%run_scoped3A : memref<!tpu.dma_semaphore, #tpu.memory_space<semaphore_mem>>) src(%dma_wait3A_2806 : memref<4x512xi32, #tpu.memory_space<hbm>>) dst(%arg7 : memref<4x512xi32, #tpu.memory_space<vmem>>)
        tpu.yield
      }) : () -> ()
      %gt3A = arith.constant 0 : i32
      %gt3A_44 = arith.cmpi sgt, %scan3A_36, %gt3A : i32
      %convert_element_type3A = arith.extui %gt3A_44 : i1 to i32
      %cond3A = arith.constant 0 : i32
      %cond3A_45 = arith.cmpi ne, %convert_element_type3A, %cond3A : i32
      scf.if %cond3A_45 {
        %dma_wait3A_2803 = arith.constant 0 : i32
        %dma_wait3A_2804 = arith.constant 0 : i32
        %dma_wait3A_2805 = arith.constant 0 : i32
        %dma_wait3A_2806 = tpu.memref_slice %arg5[%dma_wait3A_2803, %dma_wait3A_2804, %dma_wait3A_2805] : memref<16384x64x128xf32, #tpu.memory_space<hbm>> -> memref<1x64x128xf32, #tpu.memory_space<hbm>>
        %dma_wait3A_2807 = tpu.memref_squeeze %dma_wait3A_2806 : memref<1x64x128xf32, #tpu.memory_space<hbm>> -> memref<64x128xf32, #tpu.memory_space<hbm>>
        %dma_wait3A_2808 = arith.constant 0 : i32
        %dma_wait3A_2809 = arith.constant 0 : i32
        %dma_wait3A_2810 = tpu.memref_slice %arg5[%dma_wait3A_2803, %dma_wait3A_2808, %dma_wait3A_2809] : memref<16384x64x128xf32, #tpu.memory_space<hbm>> -> memref<1x64x128xf32, #tpu.memory_space<hbm>>
        %dma_wait3A_2811 = tpu.memref_squeeze %dma_wait3A_2810 : memref<1x64x128xf32, #tpu.memory_space<hbm>> -> memref<64x128xf32, #tpu.memory_space<hbm>>
        tpu.wait_dma2 semaphore(%arg14 : memref<!tpu.dma_semaphore, #tpu.memory_space<semaphore_mem>>) src(%arg10 : memref<64x128xf32, #tpu.memory_space<vmem>>) dst(%dma_wait3A_2811 : memref<64x128xf32, #tpu.memory_space<hbm>>)
        %dma_wait3A_2812 = arith.constant 0 : i32
        %dma_wait3A_2813 = arith.constant 0 : i32
        %dma_wait3A_2814 = arith.constant 0 : i32
        %dma_wait3A_2815 = tpu.memref_slice %arg5[%dma_wait3A_2812, %dma_wait3A_2813, %dma_wait3A_2814] : memref<16384x64x128xf32, #tpu.memory_space<hbm>> -> memref<1x64x128xf32, #tpu.memory_space<hbm>>
        %dma_wait3A_2816 = tpu.memref_squeeze %dma_wait3A_2815 : memref<1x64x128xf32, #tpu.memory_space<hbm>> -> memref<64x128xf32, #tpu.memory_space<hbm>>
        %dma_wait3A_2817 = arith.constant 0 : i32
        %dma_wait3A_2818 = arith.constant 0 : i32
        %dma_wait3A_2819 = tpu.memref_slice %arg5[%dma_wait3A_2812, %dma_wait3A_2817, %dma_wait3A_2818] : memref<16384x64x128xf32, #tpu.memory_space<hbm>> -> memref<1x64x128xf32, #tpu.memory_space<hbm>>
        %dma_wait3A_2820 = tpu.memref_squeeze %dma_wait3A_2819 : memref<1x64x128xf32, #tpu.memory_space<hbm>> -> memref<64x128xf32, #tpu.memory_space<hbm>>
        tpu.wait_dma2 semaphore(%arg14 : memref<!tpu.dma_semaphore, #tpu.memory_space<semaphore_mem>>) src(%arg11 : memref<64x128xf32, #tpu.memory_space<vmem>>) dst(%dma_wait3A_2820 : memref<64x128xf32, #tpu.memory_space<hbm>>)
        %dma_wait3A_2821 = arith.constant 0 : i32
        %dma_wait3A_2822 = arith.constant 0 : i32
        %dma_wait3A_2823 = arith.constant 0 : i32
        %dma_wait3A_2824 = tpu.memref_slice %arg5[%dma_wait3A_2821, %dma_wait3A_2822, %dma_wait3A_2823] : memref<16384x64x128xf32, #tpu.memory_space<hbm>> -> memref<1x64x128xf32, #tpu.memory_space<hbm>>
        %dma_wait3A_2825 = tpu.memref_squeeze %dma_wait3A_2824 : memref<1x64x128xf32, #tpu.memory_space<hbm>> -> memref<64x128xf32, #tpu.memory_space<hbm>>
        %dma_wait3A_2826 = arith.constant 0 : i32
        %dma_wait3A_2827 = arith.constant 0 : i32
        %dma_wait3A_2828 = tpu.memref_slice %arg5[%dma_wait3A_2821, %dma_wait3A_2826, %dma_wait3A_2827] : memref<16384x64x128xf32, #tpu.memory_space<hbm>> -> memref<1x64x128xf32, #tpu.memory_space<hbm>>
        %dma_wait3A_2829 = tpu.memref_squeeze %dma_wait3A_2828 : memref<1x64x128xf32, #tpu.memory_space<hbm>> -> memref<64x128xf32, #tpu.memory_space<hbm>>
        tpu.wait_dma2 semaphore(%arg14 : memref<!tpu.dma_semaphore, #tpu.memory_space<semaphore_mem>>) src(%arg12 : memref<64x128xf32, #tpu.memory_space<vmem>>) dst(%dma_wait3A_2829 : memref<64x128xf32, #tpu.memory_space<hbm>>)
      } else {
      }
      %get3A = arith.constant 0 : i32
      %get3A_46 = arith.index_cast %get3A : i32 to index
      %get3A_47 = arith.constant 0 : index
      %get3A_48 = tpu.vector_load %arg7[%get3A_46, %get3A_47] {strides = array<i32>} : memref<4x512xi32, #tpu.memory_space<vmem>>, vector<1x16xi32>,
      %get3A_49 = vector.shape_cast %get3A_48 : vector<1x16xi32> to vector<16xi32>
      %get3A_50 = arith.constant 0 : index
      %get3A_51 = tpu.vector_load %arg8[%get3A_50] {strides = array<i32>} : memref<512xi32, #tpu.memory_space<vmem>>, vector<16xi32>,
      %get3A_52 = vector.shape_cast %get3A_51 : vector<16xi32> to vector<16xi32>
      %add3A_53 = arith.addi %get3A_49, %get3A_52 : vector<16xi32>
      %swap3A = arith.constant 0 : index
      %swap3A_54 = tpu.vector_load %arg9[%swap3A] {strides = array<i32>} : memref<2048xi32, #tpu.memory_space<vmem>>, vector<16xi32>,
      %swap3A_55 = vector.shape_cast %swap3A_54 : vector<16xi32> to vector<16xi32>
      %swap3A_56 = vector.shape_cast %add3A_53 : vector<16xi32> to vector<16xi32>
      tpu.vector_store %arg9[%swap3A], %swap3A_56 {strides = array<i32>} : memref<2048xi32, #tpu.memory_space<vmem>>, vector<16xi32>,
      %get3A_57 = arith.constant 0 : i32
      %get3A_58 = arith.index_cast %get3A_57 : i32 to index
      %get3A_59 = arith.constant 16 : index
      %get3A_60 = tpu.vector_load %arg7[%get3A_58, %get3A_59] {strides = array<i32>} : memref<4x512xi32, #tpu.memory_space<vmem>>, vector<1x16xi32>,
      %get3A_61 = vector.shape_cast %get3A_60 : vector<1x16xi32> to vector<16xi32>
      %get3A_62 = arith.constant 16 : index
      %get3A_63 = tpu.vector_load %arg8[%get3A_62] {strides = array<i32>} : memref<512xi32, #tpu.memory_space<vmem>>, vector<16xi32>,
      %get3A_64 = vector.shape_cast %get3A_63 : vector<16xi32> to vector<16xi32>
      %add3A_65 = arith.addi %get3A_61, %get3A_64 : vector<16xi32>
      %swap3A_66 = arith.constant 16 : index
      %swap3A_67 = tpu.vector_load %arg9[%swap3A_66] {strides = array<i32>} : memref<2048xi32, #tpu.memory_space<vmem>>, vector<16xi32>,
      %swap3A_68 = vector.shape_cast %swap3A_67 : vector<16xi32> to vector<16xi32>
      %swap3A_69 = vector.shape_cast %add3A_65 : vector<16xi32> to vector<16xi32>
      tpu.vector_store %arg9[%swap3A_66], %swap3A_69 {strides = array<i32>} : memref<2048xi32, #tpu.memory_space<vmem>>, vector<16xi32>,
      %get3A_70 = arith.constant 0 : i32
      %get3A_71 = arith.index_cast %get3A_70 : i32 to index
      %get3A_72 = arith.constant 32 : index
      %get3A_73 = tpu.vector_load %arg7[%get3A_71, %get3A_72] {strides = array<i32>} : memref<4x512xi32, #tpu.memory_space<vmem>>, vector<1x16xi32>,
      %get3A_74 = vector.shape_cast %get3A_73 : vector<1x16xi32> to vector<16xi32>
      %get3A_75 = arith.constant 32 : index
      %get3A_76 = tpu.vector_load %arg8[%get3A_75] {strides = array<i32>} : memref<512xi32, #tpu.memory_space<vmem>>, vector<16xi32>,
      %get3A_77 = vector.shape_cast %get3A_76 : vector<16xi32> to vector<16xi32>
      %add3A_78 = arith.addi %get3A_74, %get3A_77 : vector<16xi32>
      %swap3A_79 = arith.constant 32 : index
      %swap3A_80 = tpu.vector_load %arg9[%swap3A_79] {strides = array<i32>} : memref<2048xi32, #tpu.memory_space<vmem>>, vector<16xi32>,
      %swap3A_81 = vector.shape_cast %swap3A_80 : vector<16xi32> to vector<16xi32>
      %swap3A_82 = vector.shape_cast %add3A_78 : vector<16xi32> to vector<16xi32>
      tpu.vector_store %arg9[%swap3A_79], %swap3A_82 {strides = array<i32>} : memref<2048xi32, #tpu.memory_space<vmem>>, vector<16xi32>,
      %get3A_83 = arith.constant 0 : i32
      %get3A_84 = arith.index_cast %get3A_83 : i32 to index
      %get3A_85 = arith.constant 48 : index
      %get3A_86 = tpu.vector_load %arg7[%get3A_84, %get3A_85] {strides = array<i32>} : memref<4x512xi32, #tpu.memory_space<vmem>>, vector<1x16xi32>,
      %get3A_87 = vector.shape_cast %get3A_86 : vector<1x16xi32> to vector<16xi32>
      %get3A_88 = arith.constant 48 : index
      %get3A_89 = tpu.vector_load %arg8[%get3A_88] {strides = array<i32>} : memref<512xi32, #tpu.memory_space<vmem>>, vector<16xi32>,
      %get3A_90 = vector.shape_cast %get3A_89 : vector<16xi32> to vector<16xi32>
      %add3A_91 = arith.addi %get3A_87, %get3A_90 : vector<16xi32>
      %swap3A_92 = arith.constant 48 : index
      %swap3A_93 = tpu.vector_load %arg9[%swap3A_92] {strides = array<i32>} : memref<2048xi32, #tpu.memory_space<vmem>>, vector<16xi32>,
      %swap3A_94 = vector.shape_cast %swap3A_93 : vector<16xi32> to vector<16xi32>
      %swap3A_95 = vector.shape_cast %add3A_91 : vector<16xi32> to vector<16xi32>
      tpu.vector_store %arg9[%swap3A_92], %swap3A_95 {strides = array<i32>} : memref<2048xi32, #tpu.memory_space<vmem>>, vector<16xi32>,
      %dma_start3A = arith.constant 0 : i32
      %dma_start3A_96 = tpu.memref_slice %arg9[%dma_start3A] : memref<2048xi32, #tpu.memory_space<vmem>> -> memref<64xi32, #tpu.memory_space<vmem>>
      %dma_start3A_97 = arith.constant 0 : i32
      %dma_start3A_98 = arith.constant 0 : i32
      %dma_start3A_99 = tpu.memref_slice %arg6[%dma_start3A_97, %dma_start3A_98] : memref<12288x128xf32, #tpu.memory_space<vmem_shared>> -> memref<12288x128xf32, #tpu.memory_space<vmem_shared>>
      tpu.enqueue_indirect_dma source(%dma_start3A_99 : memref<12288x128xf32, #tpu.memory_space<vmem_shared>>) target(%arg10 : memref<64x128xf32, #tpu.memory_space<vmem>>) offsets(%dma_start3A_96 : memref<64xi32, #tpu.memory_space<vmem>>) semaphore(%arg13 : memref<!tpu.dma_semaphore, #tpu.memory_space<semaphore_mem>>)
      %get3A_100 = arith.constant 0 : i32
      %get3A_101 = arith.index_cast %get3A_100 : i32 to index
      %get3A_102 = arith.constant 64 : index
      %get3A_103 = tpu.vector_load %arg7[%get3A_101, %get3A_102] {strides = array<i32>} : memref<4x512xi32, #tpu.memory_space<vmem>>, vector<1x16xi32>,
      %get3A_104 = vector.shape_cast %get3A_103 : vector<1x16xi32> to vector<16xi32>
      %get3A_105 = arith.constant 64 : index
      %get3A_106 = tpu.vector_load %arg8[%get3A_105] {strides = array<i32>} : memref<512xi32, #tpu.memory_space<vmem>>, vector<16xi32>,
      %get3A_107 = vector.shape_cast %get3A_106 : vector<16xi32> to vector<16xi32>
      %add3A_108 = arith.addi %get3A_104, %get3A_107 : vector<16xi32>
      %swap3A_109 = arith.constant 64 : index
      %swap3A_110 = tpu.vector_load %arg9[%swap3A_109] {strides = array<i32>} : memref<2048xi32, #tpu.memory_space<vmem>>, vector<16xi32>,
      %swap3A_111 = vector.shape_cast %swap3A_110 : vector<16xi32> to vector<16xi32>
      %swap3A_112 = vector.shape_cast %add3A_108 : vector<16xi32> to vector<16xi32>
      tpu.vector_store %arg9[%swap3A_109], %swap3A_112 {strides = array<i32>} : memref<2048xi32, #tpu.memory_space<vmem>>, vector<16xi32>,
      %get3A_113 = arith.constant 0 : i32
      %get3A_114 = arith.index_cast %get3A_113 : i32 to index
      %get3A_115 = arith.constant 80 : index
      %get3A_116 = tpu.vector_load %arg7[%get3A_114, %get3A_115] {strides = array<i32>} : memref<4x512xi32, #tpu.memory_space<vmem>>, vector<1x16xi32>,
      %get3A_117 = vector.shape_cast %get3A_116 : vector<1x16xi32> to vector<16xi32>
      %get3A_118 = arith.constant 80 : index
      %get3A_119 = tpu.vector_load %arg8[%get3A_118] {strides = array<i32>} : memref<512xi32, #tpu.memory_space<vmem>>, vector<16xi32>,
      %get3A_120 = vector.shape_cast %get3A_119 : vector<16xi32> to vector<16xi32>
      %add3A_121 = arith.addi %get3A_117, %get3A_120 : vector<16xi32>
      %swap3A_122 = arith.constant 80 : index
      %swap3A_123 = tpu.vector_load %arg9[%swap3A_122] {strides = array<i32>} : memref<2048xi32, #tpu.memory_space<vmem>>, vector<16xi32>,
      %swap3A_124 = vector.shape_cast %swap3A_123 : vector<16xi32> to vector<16xi32>
      %swap3A_125 = vector.shape_cast %add3A_121 : vector<16xi32> to vector<16xi32>
      tpu.vector_store %arg9[%swap3A_122], %swap3A_125 {strides = array<i32>} : memref<2048xi32, #tpu.memory_space<vmem>>, vector<16xi32>,
      %get3A_126 = arith.constant 0 : i32
      %get3A_127 = arith.index_cast %get3A_126 : i32 to index
      %get3A_128 = arith.constant 96 : index
      %get3A_129 = tpu.vector_load %arg7[%get3A_127, %get3A_128] {strides = array<i32>} : memref<4x512xi32, #tpu.memory_space<vmem>>, vector<1x16xi32>,
      %get3A_130 = vector.shape_cast %get3A_129 : vector<1x16xi32> to vector<16xi32>
      %get3A_131 = arith.constant 96 : index
      %get3A_132 = tpu.vector_load %arg8[%get3A_131] {strides = array<i32>} : memref<512xi32, #tpu.memory_space<vmem>>, vector<16xi32>,
      %get3A_133 = vector.shape_cast %get3A_132 : vector<16xi32> to vector<16xi32>
      %add3A_134 = arith.addi %get3A_130, %get3A_133 : vector<16xi32>
      %swap3A_135 = arith.constant 96 : index
      %swap3A_136 = tpu.vector_load %arg9[%swap3A_135] {strides = array<i32>} : memref<2048xi32, #tpu.memory_space<vmem>>, vector<16xi32>,
      %swap3A_137 = vector.shape_cast %swap3A_136 : vector<16xi32> to vector<16xi32>
      %swap3A_138 = vector.shape_cast %add3A_134 : vector<16xi32> to vector<16xi32>
      tpu.vector_store %arg9[%swap3A_135], %swap3A_138 {strides = array<i32>} : memref<2048xi32, #tpu.memory_space<vmem>>, vector<16xi32>,
      %get3A_139 = arith.constant 0 : i32
      %get3A_140 = arith.index_cast %get3A_139 : i32 to index
      %get3A_141 = arith.constant 112 : index
      %get3A_142 = tpu.vector_load %arg7[%get3A_140, %get3A_141] {strides = array<i32>} : memref<4x512xi32, #tpu.memory_space<vmem>>, vector<1x16xi32>,
      %get3A_143 = vector.shape_cast %get3A_142 : vector<1x16xi32> to vector<16xi32>
      %get3A_144 = arith.constant 112 : index
      %get3A_145 = tpu.vector_load %arg8[%get3A_144] {strides = array<i32>} : memref<512xi32, #tpu.memory_space<vmem>>, vector<16xi32>,
      %get3A_146 = vector.shape_cast %get3A_145 : vector<16xi32> to vector<16xi32>
      %add3A_147 = arith.addi %get3A_143, %get3A_146 : vector<16xi32>
      %swap3A_148 = arith.constant 112 : index
      %swap3A_149 = tpu.vector_load %arg9[%swap3A_148] {strides = array<i32>} : memref<2048xi32, #tpu.memory_space<vmem>>, vector<16xi32>,
      %swap3A_150 = vector.shape_cast %swap3A_149 : vector<16xi32> to vector<16xi32>
      %swap3A_151 = vector.shape_cast %add3A_147 : vector<16xi32> to vector<16xi32>
      tpu.vector_store %arg9[%swap3A_148], %swap3A_151 {strides = array<i32>} : memref<2048xi32, #tpu.memory_space<vmem>>, vector<16xi32>,
      %dma_start3A_152 = arith.constant 64 : i32
      %dma_start3A_153 = tpu.memref_slice %arg9[%dma_start3A_152] : memref<2048xi32, #tpu.memory_space<vmem>> -> memref<64xi32, #tpu.memory_space<vmem>>
      %dma_start3A_154 = arith.constant 0 : i32
      %dma_start3A_155 = arith.constant 0 : i32
      %dma_start3A_156 = tpu.memref_slice %arg6[%dma_start3A_154, %dma_start3A_155] : memref<12288x128xf32, #tpu.memory_space<vmem_shared>> -> memref<12288x128xf32, #tpu.memory_space<vmem_shared>>
      tpu.enqueue_indirect_dma source(%dma_start3A_156 : memref<12288x128xf32, #tpu.memory_space<vmem_shared>>) target(%arg11 : memref<64x128xf32, #tpu.memory_space<vmem>>) offsets(%dma_start3A_153 : memref<64xi32, #tpu.memory_space<vmem>>) semaphore(%arg13 : memref<!tpu.dma_semaphore, #tpu.memory_space<semaphore_mem>>)
      %dma_wait3A_157 = arith.constant 0 : i32
      %dma_wait3A_158 = tpu.memref_slice %arg9[%dma_wait3A_157] : memref<2048xi32, #tpu.memory_space<vmem>> -> memref<64xi32, #tpu.memory_space<vmem>>
      %dma_wait3A_159 = arith.constant 0 : i32
      %dma_wait3A_160 = arith.constant 0 : i32
      %dma_wait3A_161 = tpu.memref_slice %arg6[%dma_wait3A_159, %dma_wait3A_160] : memref<12288x128xf32, #tpu.memory_space<vmem_shared>> -> memref<12288x128xf32, #tpu.memory_space<vmem_shared>>
      tpu.wait_indirect_dma semaphore(%arg13 : memref<!tpu.dma_semaphore, #tpu.memory_space<semaphore_mem>>) src(%dma_wait3A_161 : memref<12288x128xf32, #tpu.memory_space<vmem_shared>>) dst(%arg10 : memref<64x128xf32, #tpu.memory_space<vmem>>)
      %add3A_162 = arith.constant 0 : i32
      %add3A_163 = arith.addi %add3A_41, %add3A_162 : i32
      %mul3A_164 = arith.constant 16 : i32
      %mul3A_165 = arith.muli %add3A_163, %mul3A_164 : i32
      %mul3A_166 = arith.constant 8 : i32
      %mul3A_167 = arith.muli %arg0, %mul3A_166 : i32
      %add3A_168 = arith.addi %mul3A_165, %mul3A_167 : i32
      %add3A_169 = arith.constant 0 : i32
      %add3A_170 = arith.addi %add3A_168, %add3A_169 : i32
      %dma_start3A_171 = arith.constant 0 : i32
      %dma_start3A_172 = arith.constant 0 : i32
      %dma_start3A_173 = tpu.memref_slice %arg5[%add3A_170, %dma_start3A_171, %dma_start3A_172] : memref<16384x64x128xf32, #tpu.memory_space<hbm>> -> memref<1x64x128xf32, #tpu.memory_space<hbm>>
      %dma_start3A_174 = tpu.memref_squeeze %dma_start3A_173 : memref<1x64x128xf32, #tpu.memory_space<hbm>> -> memref<64x128xf32, #tpu.memory_space<hbm>>
      %dma_start3A_175 = arith.constant 0 : i32
      %dma_start3A_176 = arith.constant 0 : i32
      %dma_start3A_177 = tpu.memref_slice %arg5[%add3A_170, %dma_start3A_175, %dma_start3A_176] : memref<16384x64x128xf32, #tpu.memory_space<hbm>> -> memref<1x64x128xf32, #tpu.memory_space<hbm>>
      %dma_start3A_178 = tpu.memref_squeeze %dma_start3A_177 : memref<1x64x128xf32, #tpu.memory_space<hbm>> -> memref<64x128xf32, #tpu.memory_space<hbm>>
      tpu.enqueue_dma source(%arg10 : memref<64x128xf32, #tpu.memory_space<vmem>>) target(%dma_start3A_178 : memref<64x128xf32, #tpu.memory_space<hbm>>) target_semaphore(%arg14 : memref<!tpu.dma_semaphore, #tpu.memory_space<semaphore_mem>>)
      %get3A_179 = arith.constant 0 : i32
      %get3A_180 = arith.index_cast %get3A_179 : i32 to index
      %get3A_181 = arith.constant 128 : index
      %get3A_182 = tpu.vector_load %arg7[%get3A_180, %get3A_181] {strides = array<i32>} : memref<4x512xi32, #tpu.memory_space<vmem>>, vector<1x16xi32>,
      %get3A_183 = vector.shape_cast %get3A_182 : vector<1x16xi32> to vector<16xi32>
      %get3A_184 = arith.constant 128 : index
      %get3A_185 = tpu.vector_load %arg8[%get3A_184] {strides = array<i32>} : memref<512xi32, #tpu.memory_space<vmem>>, vector<16xi32>,
      %get3A_186 = vector.shape_cast %get3A_185 : vector<16xi32> to vector<16xi32>
      %add3A_187 = arith.addi %get3A_183, %get3A_186 : vector<16xi32>
      %swap3A_188 = arith.constant 128 : index
      %swap3A_189 = tpu.vector_load %arg9[%swap3A_188] {strides = array<i32>} : memref<2048xi32, #tpu.memory_space<vmem>>, vector<16xi32>,
      %swap3A_190 = vector.shape_cast %swap3A_189 : vector<16xi32> to vector<16xi32>
      %swap3A_191 = vector.shape_cast %add3A_187 : vector<16xi32> to vector<16xi32>
      tpu.vector_store %arg9[%swap3A_188], %swap3A_191 {strides = array<i32>} : memref<2048xi32, #tpu.memory_space<vmem>>, vector<16xi32>,
      %get3A_192 = arith.constant 0 : i32
      %get3A_193 = arith.index_cast %get3A_192 : i32 to index
      %get3A_194 = arith.constant 144 : index
      %get3A_195 = tpu.vector_load %arg7[%get3A_193, %get3A_194] {strides = array<i32>} : memref<4x512xi32, #tpu.memory_space<vmem>>, vector<1x16xi32>,
      %get3A_196 = vector.shape_cast %get3A_195 : vector<1x16xi32> to vector<16xi32>
      %get3A_197 = arith.constant 144 : index
      %get3A_198 = tpu.vector_load %arg8[%get3A_197] {strides = array<i32>} : memref<512xi32, #tpu.memory_space<vmem>>, vector<16xi32>,
      %get3A_199 = vector.shape_cast %get3A_198 : vector<16xi32> to vector<16xi32>
      %add3A_200 = arith.addi %get3A_196, %get3A_199 : vector<16xi32>
      %swap3A_201 = arith.constant 144 : index
      %swap3A_202 = tpu.vector_load %arg9[%swap3A_201] {strides = array<i32>} : memref<2048xi32, #tpu.memory_space<vmem>>, vector<16xi32>,
      %swap3A_203 = vector.shape_cast %swap3A_202 : vector<16xi32> to vector<16xi32>
      %swap3A_204 = vector.shape_cast %add3A_200 : vector<16xi32> to vector<16xi32>
      tpu.vector_store %arg9[%swap3A_201], %swap3A_204 {strides = array<i32>} : memref<2048xi32, #tpu.memory_space<vmem>>, vector<16xi32>,
      %get3A_205 = arith.constant 0 : i32
      %get3A_206 = arith.index_cast %get3A_205 : i32 to index
      %get3A_207 = arith.constant 160 : index
      %get3A_208 = tpu.vector_load %arg7[%get3A_206, %get3A_207] {strides = array<i32>} : memref<4x512xi32, #tpu.memory_space<vmem>>, vector<1x16xi32>,
      %get3A_209 = vector.shape_cast %get3A_208 : vector<1x16xi32> to vector<16xi32>
      %get3A_210 = arith.constant 160 : index
      %get3A_211 = tpu.vector_load %arg8[%get3A_210] {strides = array<i32>} : memref<512xi32, #tpu.memory_space<vmem>>, vector<16xi32>,
      %get3A_212 = vector.shape_cast %get3A_211 : vector<16xi32> to vector<16xi32>
      %add3A_213 = arith.addi %get3A_209, %get3A_212 : vector<16xi32>
      %swap3A_214 = arith.constant 160 : index
      %swap3A_215 = tpu.vector_load %arg9[%swap3A_214] {strides = array<i32>} : memref<2048xi32, #tpu.memory_space<vmem>>, vector<16xi32>,
      %swap3A_216 = vector.shape_cast %swap3A_215 : vector<16xi32> to vector<16xi32>
      %swap3A_217 = vector.shape_cast %add3A_213 : vector<16xi32> to vector<16xi32>
      tpu.vector_store %arg9[%swap3A_214], %swap3A_217 {strides = array<i32>} : memref<2048xi32, #tpu.memory_space<vmem>>, vector<16xi32>,
      %get3A_218 = arith.constant 0 : i32
      %get3A_219 = arith.index_cast %get3A_218 : i32 to index
      %get3A_220 = arith.constant 176 : index
      %get3A_221 = tpu.vector_load %arg7[%get3A_219, %get3A_220] {strides = array<i32>} : memref<4x512xi32, #tpu.memory_space<vmem>>, vector<1x16xi32>,
      %get3A_222 = vector.shape_cast %get3A_221 : vector<1x16xi32> to vector<16xi32>
      %get3A_223 = arith.constant 176 : index
      %get3A_224 = tpu.vector_load %arg8[%get3A_223] {strides = array<i32>} : memref<512xi32, #tpu.memory_space<vmem>>, vector<16xi32>,
      %get3A_225 = vector.shape_cast %get3A_224 : vector<16xi32> to vector<16xi32>
      %add3A_226 = arith.addi %get3A_222, %get3A_225 : vector<16xi32>
      %swap3A_227 = arith.constant 176 : index
      %swap3A_228 = tpu.vector_load %arg9[%swap3A_227] {strides = array<i32>} : memref<2048xi32, #tpu.memory_space<vmem>>, vector<16xi32>,
      %swap3A_229 = vector.shape_cast %swap3A_228 : vector<16xi32> to vector<16xi32>
      %swap3A_230 = vector.shape_cast %add3A_226 : vector<16xi32> to vector<16xi32>
      tpu.vector_store %arg9[%swap3A_227], %swap3A_230 {strides = array<i32>} : memref<2048xi32, #tpu.memory_space<vmem>>, vector<16xi32>,
      %dma_start3A_231 = arith.constant 128 : i32
      %dma_start3A_232 = tpu.memref_slice %arg9[%dma_start3A_231] : memref<2048xi32, #tpu.memory_space<vmem>> -> memref<64xi32, #tpu.memory_space<vmem>>
      %dma_start3A_233 = arith.constant 0 : i32
      %dma_start3A_234 = arith.constant 0 : i32
      %dma_start3A_235 = tpu.memref_slice %arg6[%dma_start3A_233, %dma_start3A_234] : memref<12288x128xf32, #tpu.memory_space<vmem_shared>> -> memref<12288x128xf32, #tpu.memory_space<vmem_shared>>
      tpu.enqueue_indirect_dma source(%dma_start3A_235 : memref<12288x128xf32, #tpu.memory_space<vmem_shared>>) target(%arg12 : memref<64x128xf32, #tpu.memory_space<vmem>>) offsets(%dma_start3A_232 : memref<64xi32, #tpu.memory_space<vmem>>) semaphore(%arg13 : memref<!tpu.dma_semaphore, #tpu.memory_space<semaphore_mem>>)
      %dma_wait3A_236 = arith.constant 64 : i32
      %dma_wait3A_237 = tpu.memref_slice %arg9[%dma_wait3A_236] : memref<2048xi32, #tpu.memory_space<vmem>> -> memref<64xi32, #tpu.memory_space<vmem>>
      %dma_wait3A_238 = arith.constant 0 : i32
      %dma_wait3A_239 = arith.constant 0 : i32
      %dma_wait3A_240 = tpu.memref_slice %arg6[%dma_wait3A_238, %dma_wait3A_239] : memref<12288x128xf32, #tpu.memory_space<vmem_shared>> -> memref<12288x128xf32, #tpu.memory_space<vmem_shared>>
      tpu.wait_indirect_dma semaphore(%arg13 : memref<!tpu.dma_semaphore, #tpu.memory_space<semaphore_mem>>) src(%dma_wait3A_240 : memref<12288x128xf32, #tpu.memory_space<vmem_shared>>) dst(%arg11 : memref<64x128xf32, #tpu.memory_space<vmem>>)
      %add3A_241 = arith.constant 0 : i32
      %add3A_242 = arith.addi %add3A_41, %add3A_241 : i32
      %mul3A_243 = arith.constant 16 : i32
      %mul3A_244 = arith.muli %add3A_242, %mul3A_243 : i32
      %mul3A_245 = arith.constant 8 : i32
      %mul3A_246 = arith.muli %arg0, %mul3A_245 : i32
      %add3A_247 = arith.addi %mul3A_244, %mul3A_246 : i32
      %add3A_248 = arith.constant 1 : i32
      %add3A_249 = arith.addi %add3A_247, %add3A_248 : i32
      %dma_start3A_250 = arith.constant 0 : i32
      %dma_start3A_251 = arith.constant 0 : i32
      %dma_start3A_252 = tpu.memref_slice %arg5[%add3A_249, %dma_start3A_250, %dma_start3A_251] : memref<16384x64x128xf32, #tpu.memory_space<hbm>> -> memref<1x64x128xf32, #tpu.memory_space<hbm>>
      %dma_start3A_253 = tpu.memref_squeeze %dma_start3A_252 : memref<1x64x128xf32, #tpu.memory_space<hbm>> -> memref<64x128xf32, #tpu.memory_space<hbm>>
      %dma_start3A_254 = arith.constant 0 : i32
      %dma_start3A_255 = arith.constant 0 : i32
      %dma_start3A_256 = tpu.memref_slice %arg5[%add3A_249, %dma_start3A_254, %dma_start3A_255] : memref<16384x64x128xf32, #tpu.memory_space<hbm>> -> memref<1x64x128xf32, #tpu.memory_space<hbm>>
      %dma_start3A_257 = tpu.memref_squeeze %dma_start3A_256 : memref<1x64x128xf32, #tpu.memory_space<hbm>> -> memref<64x128xf32, #tpu.memory_space<hbm>>
      tpu.enqueue_dma source(%arg11 : memref<64x128xf32, #tpu.memory_space<vmem>>) target(%dma_start3A_257 : memref<64x128xf32, #tpu.memory_space<hbm>>) target_semaphore(%arg14 : memref<!tpu.dma_semaphore, #tpu.memory_space<semaphore_mem>>)
      %get3A_258 = arith.constant 0 : i32
      %get3A_259 = arith.index_cast %get3A_258 : i32 to index
      %get3A_260 = arith.constant 192 : index
      %get3A_261 = tpu.vector_load %arg7[%get3A_259, %get3A_260] {strides = array<i32>} : memref<4x512xi32, #tpu.memory_space<vmem>>, vector<1x16xi32>,
      %get3A_262 = vector.shape_cast %get3A_261 : vector<1x16xi32> to vector<16xi32>
      %get3A_263 = arith.constant 192 : index
      %get3A_264 = tpu.vector_load %arg8[%get3A_263] {strides = array<i32>} : memref<512xi32, #tpu.memory_space<vmem>>, vector<16xi32>,
      %get3A_265 = vector.shape_cast %get3A_264 : vector<16xi32> to vector<16xi32>
      %add3A_266 = arith.addi %get3A_262, %get3A_265 : vector<16xi32>
      %swap3A_267 = arith.constant 192 : index
      %swap3A_268 = tpu.vector_load %arg9[%swap3A_267] {strides = array<i32>} : memref<2048xi32, #tpu.memory_space<vmem>>, vector<16xi32>,
      %swap3A_269 = vector.shape_cast %swap3A_268 : vector<16xi32> to vector<16xi32>
      %swap3A_270 = vector.shape_cast %add3A_266 : vector<16xi32> to vector<16xi32>
      tpu.vector_store %arg9[%swap3A_267], %swap3A_270 {strides = array<i32>} : memref<2048xi32, #tpu.memory_space<vmem>>, vector<16xi32>,
      %get3A_271 = arith.constant 0 : i32
      %get3A_272 = arith.index_cast %get3A_271 : i32 to index
      %get3A_273 = arith.constant 208 : index
      %get3A_274 = tpu.vector_load %arg7[%get3A_272, %get3A_273] {strides = array<i32>} : memref<4x512xi32, #tpu.memory_space<vmem>>, vector<1x16xi32>,
      %get3A_275 = vector.shape_cast %get3A_274 : vector<1x16xi32> to vector<16xi32>
      %get3A_276 = arith.constant 208 : index
      %get3A_277 = tpu.vector_load %arg8[%get3A_276] {strides = array<i32>} : memref<512xi32, #tpu.memory_space<vmem>>, vector<16xi32>,
      %get3A_278 = vector.shape_cast %get3A_277 : vector<16xi32> to vector<16xi32>
      %add3A_279 = arith.addi %get3A_275, %get3A_278 : vector<16xi32>
      %swap3A_280 = arith.constant 208 : index
      %swap3A_281 = tpu.vector_load %arg9[%swap3A_280] {strides = array<i32>} : memref<2048xi32, #tpu.memory_space<vmem>>, vector<16xi32>,
      %swap3A_282 = vector.shape_cast %swap3A_281 : vector<16xi32> to vector<16xi32>
      %swap3A_283 = vector.shape_cast %add3A_279 : vector<16xi32> to vector<16xi32>
      tpu.vector_store %arg9[%swap3A_280], %swap3A_283 {strides = array<i32>} : memref<2048xi32, #tpu.memory_space<vmem>>, vector<16xi32>,
      %get3A_284 = arith.constant 0 : i32
      %get3A_285 = arith.index_cast %get3A_284 : i32 to index
      %get3A_286 = arith.constant 224 : index
      %get3A_287 = tpu.vector_load %arg7[%get3A_285, %get3A_286] {strides = array<i32>} : memref<4x512xi32, #tpu.memory_space<vmem>>, vector<1x16xi32>,
      %get3A_288 = vector.shape_cast %get3A_287 : vector<1x16xi32> to vector<16xi32>
      %get3A_289 = arith.constant 224 : index
      %get3A_290 = tpu.vector_load %arg8[%get3A_289] {strides = array<i32>} : memref<512xi32, #tpu.memory_space<vmem>>, vector<16xi32>,
      %get3A_291 = vector.shape_cast %get3A_290 : vector<16xi32> to vector<16xi32>
      %add3A_292 = arith.addi %get3A_288, %get3A_291 : vector<16xi32>
      %swap3A_293 = arith.constant 224 : index
      %swap3A_294 = tpu.vector_load %arg9[%swap3A_293] {strides = array<i32>} : memref<2048xi32, #tpu.memory_space<vmem>>, vector<16xi32>,
      %swap3A_295 = vector.shape_cast %swap3A_294 : vector<16xi32> to vector<16xi32>
      %swap3A_296 = vector.shape_cast %add3A_292 : vector<16xi32> to vector<16xi32>
      tpu.vector_store %arg9[%swap3A_293], %swap3A_296 {strides = array<i32>} : memref<2048xi32, #tpu.memory_space<vmem>>, vector<16xi32>,
      %get3A_297 = arith.constant 0 : i32
      %get3A_298 = arith.index_cast %get3A_297 : i32 to index
      %get3A_299 = arith.constant 240 : index
      %get3A_300 = tpu.vector_load %arg7[%get3A_298, %get3A_299] {strides = array<i32>} : memref<4x512xi32, #tpu.memory_space<vmem>>, vector<1x16xi32>,
      %get3A_301 = vector.shape_cast %get3A_300 : vector<1x16xi32> to vector<16xi32>
      %get3A_302 = arith.constant 240 : index
      %get3A_303 = tpu.vector_load %arg8[%get3A_302] {strides = array<i32>} : memref<512xi32, #tpu.memory_space<vmem>>, vector<16xi32>,
      %get3A_304 = vector.shape_cast %get3A_303 : vector<16xi32> to vector<16xi32>
      %add3A_305 = arith.addi %get3A_301, %get3A_304 : vector<16xi32>
      %swap3A_306 = arith.constant 240 : index
      %swap3A_307 = tpu.vector_load %arg9[%swap3A_306] {strides = array<i32>} : memref<2048xi32, #tpu.memory_space<vmem>>, vector<16xi32>,
      %swap3A_308 = vector.shape_cast %swap3A_307 : vector<16xi32> to vector<16xi32>
      %swap3A_309 = vector.shape_cast %add3A_305 : vector<16xi32> to vector<16xi32>
      tpu.vector_store %arg9[%swap3A_306], %swap3A_309 {strides = array<i32>} : memref<2048xi32, #tpu.memory_space<vmem>>, vector<16xi32>,
      %dma_wait3A_310 = arith.constant 0 : i32
      %dma_wait3A_311 = arith.constant 0 : i32
      %dma_wait3A_312 = tpu.memref_slice %arg5[%add3A_170, %dma_wait3A_310, %dma_wait3A_311] : memref<16384x64x128xf32, #tpu.memory_space<hbm>> -> memref<1x64x128xf32, #tpu.memory_space<hbm>>
      %dma_wait3A_313 = tpu.memref_squeeze %dma_wait3A_312 : memref<1x64x128xf32, #tpu.memory_space<hbm>> -> memref<64x128xf32, #tpu.memory_space<hbm>>
      %dma_wait3A_314 = arith.constant 0 : i32
      %dma_wait3A_315 = arith.constant 0 : i32
      %dma_wait3A_316 = tpu.memref_slice %arg5[%add3A_170, %dma_wait3A_314, %dma_wait3A_315] : memref<16384x64x128xf32, #tpu.memory_space<hbm>> -> memref<1x64x128xf32, #tpu.memory_space<hbm>>
      %dma_wait3A_317 = tpu.memref_squeeze %dma_wait3A_316 : memref<1x64x128xf32, #tpu.memory_space<hbm>> -> memref<64x128xf32, #tpu.memory_space<hbm>>
      tpu.wait_dma2 semaphore(%arg14 : memref<!tpu.dma_semaphore, #tpu.memory_space<semaphore_mem>>) src(%arg10 : memref<64x128xf32, #tpu.memory_space<vmem>>) dst(%dma_wait3A_317 : memref<64x128xf32, #tpu.memory_space<hbm>>)
      %dma_start3A_318 = arith.constant 192 : i32
      %dma_start3A_319 = tpu.memref_slice %arg9[%dma_start3A_318] : memref<2048xi32, #tpu.memory_space<vmem>> -> memref<64xi32, #tpu.memory_space<vmem>>
      %dma_start3A_320 = arith.constant 0 : i32
      %dma_start3A_321 = arith.constant 0 : i32
      %dma_start3A_322 = tpu.memref_slice %arg6[%dma_start3A_320, %dma_start3A_321] : memref<12288x128xf32, #tpu.memory_space<vmem_shared>> -> memref<12288x128xf32, #tpu.memory_space<vmem_shared>>
      tpu.enqueue_indirect_dma source(%dma_start3A_322 : memref<12288x128xf32, #tpu.memory_space<vmem_shared>>) target(%arg10 : memref<64x128xf32, #tpu.memory_space<vmem>>) offsets(%dma_start3A_319 : memref<64xi32, #tpu.memory_space<vmem>>) semaphore(%arg13 : memref<!tpu.dma_semaphore, #tpu.memory_space<semaphore_mem>>)
      %dma_wait3A_323 = arith.constant 128 : i32
      %dma_wait3A_324 = tpu.memref_slice %arg9[%dma_wait3A_323] : memref<2048xi32, #tpu.memory_space<vmem>> -> memref<64xi32, #tpu.memory_space<vmem>>
      %dma_wait3A_325 = arith.constant 0 : i32
      %dma_wait3A_326 = arith.constant 0 : i32
      %dma_wait3A_327 = tpu.memref_slice %arg6[%dma_wait3A_325, %dma_wait3A_326] : memref<12288x128xf32, #tpu.memory_space<vmem_shared>> -> memref<12288x128xf32, #tpu.memory_space<vmem_shared>>
      tpu.wait_indirect_dma semaphore(%arg13 : memref<!tpu.dma_semaphore, #tpu.memory_space<semaphore_mem>>) src(%dma_wait3A_327 : memref<12288x128xf32, #tpu.memory_space<vmem_shared>>) dst(%arg12 : memref<64x128xf32, #tpu.memory_space<vmem>>)
      %add3A_328 = arith.constant 0 : i32
      %add3A_329 = arith.addi %add3A_41, %add3A_328 : i32
      %mul3A_330 = arith.constant 16 : i32
      %mul3A_331 = arith.muli %add3A_329, %mul3A_330 : i32
      %mul3A_332 = arith.constant 8 : i32
      %mul3A_333 = arith.muli %arg0, %mul3A_332 : i32
      %add3A_334 = arith.addi %mul3A_331, %mul3A_333 : i32
      %add3A_335 = arith.constant 2 : i32
      %add3A_336 = arith.addi %add3A_334, %add3A_335 : i32
      %dma_start3A_337 = arith.constant 0 : i32
      %dma_start3A_338 = arith.constant 0 : i32
      %dma_start3A_339 = tpu.memref_slice %arg5[%add3A_336, %dma_start3A_337, %dma_start3A_338] : memref<16384x64x128xf32, #tpu.memory_space<hbm>> -> memref<1x64x128xf32, #tpu.memory_space<hbm>>
      %dma_start3A_340 = tpu.memref_squeeze %dma_start3A_339 : memref<1x64x128xf32, #tpu.memory_space<hbm>> -> memref<64x128xf32, #tpu.memory_space<hbm>>
      %dma_start3A_341 = arith.constant 0 : i32
      %dma_start3A_342 = arith.constant 0 : i32
      %dma_start3A_343 = tpu.memref_slice %arg5[%add3A_336, %dma_start3A_341, %dma_start3A_342] : memref<16384x64x128xf32, #tpu.memory_space<hbm>> -> memref<1x64x128xf32, #tpu.memory_space<hbm>>
      %dma_start3A_344 = tpu.memref_squeeze %dma_start3A_343 : memref<1x64x128xf32, #tpu.memory_space<hbm>> -> memref<64x128xf32, #tpu.memory_space<hbm>>
      tpu.enqueue_dma source(%arg12 : memref<64x128xf32, #tpu.memory_space<vmem>>) target(%dma_start3A_344 : memref<64x128xf32, #tpu.memory_space<hbm>>) target_semaphore(%arg14 : memref<!tpu.dma_semaphore, #tpu.memory_space<semaphore_mem>>)
      %get3A_345 = arith.constant 0 : i32
      %get3A_346 = arith.index_cast %get3A_345 : i32 to index
      %get3A_347 = arith.constant 256 : index
      %get3A_348 = tpu.vector_load %arg7[%get3A_346, %get3A_347] {strides = array<i32>} : memref<4x512xi32, #tpu.memory_space<vmem>>, vector<1x16xi32>,
      %get3A_349 = vector.shape_cast %get3A_348 : vector<1x16xi32> to vector<16xi32>
      %get3A_350 = arith.constant 256 : index
      %get3A_351 = tpu.vector_load %arg8[%get3A_350] {strides = array<i32>} : memref<512xi32, #tpu.memory_space<vmem>>, vector<16xi32>,
      %get3A_352 = vector.shape_cast %get3A_351 : vector<16xi32> to vector<16xi32>
      %add3A_353 = arith.addi %get3A_349, %get3A_352 : vector<16xi32>
      %swap3A_354 = arith.constant 256 : index
      %swap3A_355 = tpu.vector_load %arg9[%swap3A_354] {strides = array<i32>} : memref<2048xi32, #tpu.memory_space<vmem>>, vector<16xi32>,
      %swap3A_356 = vector.shape_cast %swap3A_355 : vector<16xi32> to vector<16xi32>
      %swap3A_357 = vector.shape_cast %add3A_353 : vector<16xi32> to vector<16xi32>
      tpu.vector_store %arg9[%swap3A_354], %swap3A_357 {strides = array<i32>} : memref<2048xi32, #tpu.memory_space<vmem>>, vector<16xi32>,
      %get3A_358 = arith.constant 0 : i32
      %get3A_359 = arith.index_cast %get3A_358 : i32 to index
      %get3A_360 = arith.constant 272 : index
      %get3A_361 = tpu.vector_load %arg7[%get3A_359, %get3A_360] {strides = array<i32>} : memref<4x512xi32, #tpu.memory_space<vmem>>, vector<1x16xi32>,
      %get3A_362 = vector.shape_cast %get3A_361 : vector<1x16xi32> to vector<16xi32>
      %get3A_363 = arith.constant 272 : index
      %get3A_364 = tpu.vector_load %arg8[%get3A_363] {strides = array<i32>} : memref<512xi32, #tpu.memory_space<vmem>>, vector<16xi32>,
      %get3A_365 = vector.shape_cast %get3A_364 : vector<16xi32> to vector<16xi32>
      %add3A_366 = arith.addi %get3A_362, %get3A_365 : vector<16xi32>
      %swap3A_367 = arith.constant 272 : index
      %swap3A_368 = tpu.vector_load %arg9[%swap3A_367] {strides = array<i32>} : memref<2048xi32, #tpu.memory_space<vmem>>, vector<16xi32>,
      %swap3A_369 = vector.shape_cast %swap3A_368 : vector<16xi32> to vector<16xi32>
      %swap3A_370 = vector.shape_cast %add3A_366 : vector<16xi32> to vector<16xi32>
      tpu.vector_store %arg9[%swap3A_367], %swap3A_370 {strides = array<i32>} : memref<2048xi32, #tpu.memory_space<vmem>>, vector<16xi32>,
      %get3A_371 = arith.constant 0 : i32
      %get3A_372 = arith.index_cast %get3A_371 : i32 to index
      %get3A_373 = arith.constant 288 : index
      %get3A_374 = tpu.vector_load %arg7[%get3A_372, %get3A_373] {strides = array<i32>} : memref<4x512xi32, #tpu.memory_space<vmem>>, vector<1x16xi32>,
      %get3A_375 = vector.shape_cast %get3A_374 : vector<1x16xi32> to vector<16xi32>
      %get3A_376 = arith.constant 288 : index
      %get3A_377 = tpu.vector_load %arg8[%get3A_376] {strides = array<i32>} : memref<512xi32, #tpu.memory_space<vmem>>, vector<16xi32>,
      %get3A_378 = vector.shape_cast %get3A_377 : vector<16xi32> to vector<16xi32>
      %add3A_379 = arith.addi %get3A_375, %get3A_378 : vector<16xi32>
      %swap3A_380 = arith.constant 288 : index
      %swap3A_381 = tpu.vector_load %arg9[%swap3A_380] {strides = array<i32>} : memref<2048xi32, #tpu.memory_space<vmem>>, vector<16xi32>,
      %swap3A_382 = vector.shape_cast %swap3A_381 : vector<16xi32> to vector<16xi32>
      %swap3A_383 = vector.shape_cast %add3A_379 : vector<16xi32> to vector<16xi32>
      tpu.vector_store %arg9[%swap3A_380], %swap3A_383 {strides = array<i32>} : memref<2048xi32, #tpu.memory_space<vmem>>, vector<16xi32>,
      %get3A_384 = arith.constant 0 : i32
      %get3A_385 = arith.index_cast %get3A_384 : i32 to index
      %get3A_386 = arith.constant 304 : index
      %get3A_387 = tpu.vector_load %arg7[%get3A_385, %get3A_386] {strides = array<i32>} : memref<4x512xi32, #tpu.memory_space<vmem>>, vector<1x16xi32>,
      %get3A_388 = vector.shape_cast %get3A_387 : vector<1x16xi32> to vector<16xi32>
      %get3A_389 = arith.constant 304 : index
      %get3A_390 = tpu.vector_load %arg8[%get3A_389] {strides = array<i32>} : memref<512xi32, #tpu.memory_space<vmem>>, vector<16xi32>,
      %get3A_391 = vector.shape_cast %get3A_390 : vector<16xi32> to vector<16xi32>
      %add3A_392 = arith.addi %get3A_388, %get3A_391 : vector<16xi32>
      %swap3A_393 = arith.constant 304 : index
      %swap3A_394 = tpu.vector_load %arg9[%swap3A_393] {strides = array<i32>} : memref<2048xi32, #tpu.memory_space<vmem>>, vector<16xi32>,
      %swap3A_395 = vector.shape_cast %swap3A_394 : vector<16xi32> to vector<16xi32>
      %swap3A_396 = vector.shape_cast %add3A_392 : vector<16xi32> to vector<16xi32>
      tpu.vector_store %arg9[%swap3A_393], %swap3A_396 {strides = array<i32>} : memref<2048xi32, #tpu.memory_space<vmem>>, vector<16xi32>,
      %dma_wait3A_397 = arith.constant 0 : i32
      %dma_wait3A_398 = arith.constant 0 : i32
      %dma_wait3A_399 = tpu.memref_slice %arg5[%add3A_249, %dma_wait3A_397, %dma_wait3A_398] : memref<16384x64x128xf32, #tpu.memory_space<hbm>> -> memref<1x64x128xf32, #tpu.memory_space<hbm>>
      %dma_wait3A_400 = tpu.memref_squeeze %dma_wait3A_399 : memref<1x64x128xf32, #tpu.memory_space<hbm>> -> memref<64x128xf32, #tpu.memory_space<hbm>>
      %dma_wait3A_401 = arith.constant 0 : i32
      %dma_wait3A_402 = arith.constant 0 : i32
      %dma_wait3A_403 = tpu.memref_slice %arg5[%add3A_249, %dma_wait3A_401, %dma_wait3A_402] : memref<16384x64x128xf32, #tpu.memory_space<hbm>> -> memref<1x64x128xf32, #tpu.memory_space<hbm>>
      %dma_wait3A_404 = tpu.memref_squeeze %dma_wait3A_403 : memref<1x64x128xf32, #tpu.memory_space<hbm>> -> memref<64x128xf32, #tpu.memory_space<hbm>>
      tpu.wait_dma2 semaphore(%arg14 : memref<!tpu.dma_semaphore, #tpu.memory_space<semaphore_mem>>) src(%arg11 : memref<64x128xf32, #tpu.memory_space<vmem>>) dst(%dma_wait3A_404 : memref<64x128xf32, #tpu.memory_space<hbm>>)
      %dma_start3A_405 = arith.constant 256 : i32
      %dma_start3A_406 = tpu.memref_slice %arg9[%dma_start3A_405] : memref<2048xi32, #tpu.memory_space<vmem>> -> memref<64xi32, #tpu.memory_space<vmem>>
      %dma_start3A_407 = arith.constant 0 : i32
      %dma_start3A_408 = arith.constant 0 : i32
      %dma_start3A_409 = tpu.memref_slice %arg6[%dma_start3A_407, %dma_start3A_408] : memref<12288x128xf32, #tpu.memory_space<vmem_shared>> -> memref<12288x128xf32, #tpu.memory_space<vmem_shared>>
      tpu.enqueue_indirect_dma source(%dma_start3A_409 : memref<12288x128xf32, #tpu.memory_space<vmem_shared>>) target(%arg11 : memref<64x128xf32, #tpu.memory_space<vmem>>) offsets(%dma_start3A_406 : memref<64xi32, #tpu.memory_space<vmem>>) semaphore(%arg13 : memref<!tpu.dma_semaphore, #tpu.memory_space<semaphore_mem>>)
      %dma_wait3A_410 = arith.constant 192 : i32
      %dma_wait3A_411 = tpu.memref_slice %arg9[%dma_wait3A_410] : memref<2048xi32, #tpu.memory_space<vmem>> -> memref<64xi32, #tpu.memory_space<vmem>>
      %dma_wait3A_412 = arith.constant 0 : i32
      %dma_wait3A_413 = arith.constant 0 : i32
      %dma_wait3A_414 = tpu.memref_slice %arg6[%dma_wait3A_412, %dma_wait3A_413] : memref<12288x128xf32, #tpu.memory_space<vmem_shared>> -> memref<12288x128xf32, #tpu.memory_space<vmem_shared>>
      tpu.wait_indirect_dma semaphore(%arg13 : memref<!tpu.dma_semaphore, #tpu.memory_space<semaphore_mem>>) src(%dma_wait3A_414 : memref<12288x128xf32, #tpu.memory_space<vmem_shared>>) dst(%arg10 : memref<64x128xf32, #tpu.memory_space<vmem>>)
      %add3A_415 = arith.constant 0 : i32
      %add3A_416 = arith.addi %add3A_41, %add3A_415 : i32
      %mul3A_417 = arith.constant 16 : i32
      %mul3A_418 = arith.muli %add3A_416, %mul3A_417 : i32
      %mul3A_419 = arith.constant 8 : i32
      %mul3A_420 = arith.muli %arg0, %mul3A_419 : i32
      %add3A_421 = arith.addi %mul3A_418, %mul3A_420 : i32
      %add3A_422 = arith.constant 3 : i32
      %add3A_423 = arith.addi %add3A_421, %add3A_422 : i32
      %dma_start3A_424 = arith.constant 0 : i32
      %dma_start3A_425 = arith.constant 0 : i32
      %dma_start3A_426 = tpu.memref_slice %arg5[%add3A_423, %dma_start3A_424, %dma_start3A_425] : memref<16384x64x128xf32, #tpu.memory_space<hbm>> -> memref<1x64x128xf32, #tpu.memory_space<hbm>>
      %dma_start3A_427 = tpu.memref_squeeze %dma_start3A_426 : memref<1x64x128xf32, #tpu.memory_space<hbm>> -> memref<64x128xf32, #tpu.memory_space<hbm>>
      %dma_start3A_428 = arith.constant 0 : i32
      %dma_start3A_429 = arith.constant 0 : i32
      %dma_start3A_430 = tpu.memref_slice %arg5[%add3A_423, %dma_start3A_428, %dma_start3A_429] : memref<16384x64x128xf32, #tpu.memory_space<hbm>> -> memref<1x64x128xf32, #tpu.memory_space<hbm>>
      %dma_start3A_431 = tpu.memref_squeeze %dma_start3A_430 : memref<1x64x128xf32, #tpu.memory_space<hbm>> -> memref<64x128xf32, #tpu.memory_space<hbm>>
      tpu.enqueue_dma source(%arg10 : memref<64x128xf32, #tpu.memory_space<vmem>>) target(%dma_start3A_431 : memref<64x128xf32, #tpu.memory_space<hbm>>) target_semaphore(%arg14 : memref<!tpu.dma_semaphore, #tpu.memory_space<semaphore_mem>>)
      %get3A_432 = arith.constant 0 : i32
      %get3A_433 = arith.index_cast %get3A_432 : i32 to index
      %get3A_434 = arith.constant 320 : index
      %get3A_435 = tpu.vector_load %arg7[%get3A_433, %get3A_434] {strides = array<i32>} : memref<4x512xi32, #tpu.memory_space<vmem>>, vector<1x16xi32>,
      %get3A_436 = vector.shape_cast %get3A_435 : vector<1x16xi32> to vector<16xi32>
      %get3A_437 = arith.constant 320 : index
      %get3A_438 = tpu.vector_load %arg8[%get3A_437] {strides = array<i32>} : memref<512xi32, #tpu.memory_space<vmem>>, vector<16xi32>,
      %get3A_439 = vector.shape_cast %get3A_438 : vector<16xi32> to vector<16xi32>
      %add3A_440 = arith.addi %get3A_436, %get3A_439 : vector<16xi32>
      %swap3A_441 = arith.constant 320 : index
      %swap3A_442 = tpu.vector_load %arg9[%swap3A_441] {strides = array<i32>} : memref<2048xi32, #tpu.memory_space<vmem>>, vector<16xi32>,
      %swap3A_443 = vector.shape_cast %swap3A_442 : vector<16xi32> to vector<16xi32>
      %swap3A_444 = vector.shape_cast %add3A_440 : vector<16xi32> to vector<16xi32>
      tpu.vector_store %arg9[%swap3A_441], %swap3A_444 {strides = array<i32>} : memref<2048xi32, #tpu.memory_space<vmem>>, vector<16xi32>,
      %get3A_445 = arith.constant 0 : i32
      %get3A_446 = arith.index_cast %get3A_445 : i32 to index
      %get3A_447 = arith.constant 336 : index
      %get3A_448 = tpu.vector_load %arg7[%get3A_446, %get3A_447] {strides = array<i32>} : memref<4x512xi32, #tpu.memory_space<vmem>>, vector<1x16xi32>,
      %get3A_449 = vector.shape_cast %get3A_448 : vector<1x16xi32> to vector<16xi32>
      %get3A_450 = arith.constant 336 : index
      %get3A_451 = tpu.vector_load %arg8[%get3A_450] {strides = array<i32>} : memref<512xi32, #tpu.memory_space<vmem>>, vector<16xi32>,
      %get3A_452 = vector.shape_cast %get3A_451 : vector<16xi32> to vector<16xi32>
      %add3A_453 = arith.addi %get3A_449, %get3A_452 : vector<16xi32>
      %swap3A_454 = arith.constant 336 : index
      %swap3A_455 = tpu.vector_load %arg9[%swap3A_454] {strides = array<i32>} : memref<2048xi32, #tpu.memory_space<vmem>>, vector<16xi32>,
      %swap3A_456 = vector.shape_cast %swap3A_455 : vector<16xi32> to vector<16xi32>
      %swap3A_457 = vector.shape_cast %add3A_453 : vector<16xi32> to vector<16xi32>
      tpu.vector_store %arg9[%swap3A_454], %swap3A_457 {strides = array<i32>} : memref<2048xi32, #tpu.memory_space<vmem>>, vector<16xi32>,
      %get3A_458 = arith.constant 0 : i32
      %get3A_459 = arith.index_cast %get3A_458 : i32 to index
      %get3A_460 = arith.constant 352 : index
      %get3A_461 = tpu.vector_load %arg7[%get3A_459, %get3A_460] {strides = array<i32>} : memref<4x512xi32, #tpu.memory_space<vmem>>, vector<1x16xi32>,
      %get3A_462 = vector.shape_cast %get3A_461 : vector<1x16xi32> to vector<16xi32>
      %get3A_463 = arith.constant 352 : index
      %get3A_464 = tpu.vector_load %arg8[%get3A_463] {strides = array<i32>} : memref<512xi32, #tpu.memory_space<vmem>>, vector<16xi32>,
      %get3A_465 = vector.shape_cast %get3A_464 : vector<16xi32> to vector<16xi32>
      %add3A_466 = arith.addi %get3A_462, %get3A_465 : vector<16xi32>
      %swap3A_467 = arith.constant 352 : index
      %swap3A_468 = tpu.vector_load %arg9[%swap3A_467] {strides = array<i32>} : memref<2048xi32, #tpu.memory_space<vmem>>, vector<16xi32>,
      %swap3A_469 = vector.shape_cast %swap3A_468 : vector<16xi32> to vector<16xi32>
      %swap3A_470 = vector.shape_cast %add3A_466 : vector<16xi32> to vector<16xi32>
      tpu.vector_store %arg9[%swap3A_467], %swap3A_470 {strides = array<i32>} : memref<2048xi32, #tpu.memory_space<vmem>>, vector<16xi32>,
      %get3A_471 = arith.constant 0 : i32
      %get3A_472 = arith.index_cast %get3A_471 : i32 to index
      %get3A_473 = arith.constant 368 : index
      %get3A_474 = tpu.vector_load %arg7[%get3A_472, %get3A_473] {strides = array<i32>} : memref<4x512xi32, #tpu.memory_space<vmem>>, vector<1x16xi32>,
      %get3A_475 = vector.shape_cast %get3A_474 : vector<1x16xi32> to vector<16xi32>
      %get3A_476 = arith.constant 368 : index
      %get3A_477 = tpu.vector_load %arg8[%get3A_476] {strides = array<i32>} : memref<512xi32, #tpu.memory_space<vmem>>, vector<16xi32>,
      %get3A_478 = vector.shape_cast %get3A_477 : vector<16xi32> to vector<16xi32>
      %add3A_479 = arith.addi %get3A_475, %get3A_478 : vector<16xi32>
      %swap3A_480 = arith.constant 368 : index
      %swap3A_481 = tpu.vector_load %arg9[%swap3A_480] {strides = array<i32>} : memref<2048xi32, #tpu.memory_space<vmem>>, vector<16xi32>,
      %swap3A_482 = vector.shape_cast %swap3A_481 : vector<16xi32> to vector<16xi32>
      %swap3A_483 = vector.shape_cast %add3A_479 : vector<16xi32> to vector<16xi32>
      tpu.vector_store %arg9[%swap3A_480], %swap3A_483 {strides = array<i32>} : memref<2048xi32, #tpu.memory_space<vmem>>, vector<16xi32>,
      %dma_wait3A_484 = arith.constant 0 : i32
      %dma_wait3A_485 = arith.constant 0 : i32
      %dma_wait3A_486 = tpu.memref_slice %arg5[%add3A_336, %dma_wait3A_484, %dma_wait3A_485] : memref<16384x64x128xf32, #tpu.memory_space<hbm>> -> memref<1x64x128xf32, #tpu.memory_space<hbm>>
      %dma_wait3A_487 = tpu.memref_squeeze %dma_wait3A_486 : memref<1x64x128xf32, #tpu.memory_space<hbm>> -> memref<64x128xf32, #tpu.memory_space<hbm>>
      %dma_wait3A_488 = arith.constant 0 : i32
      %dma_wait3A_489 = arith.constant 0 : i32
      %dma_wait3A_490 = tpu.memref_slice %arg5[%add3A_336, %dma_wait3A_488, %dma_wait3A_489] : memref<16384x64x128xf32, #tpu.memory_space<hbm>> -> memref<1x64x128xf32, #tpu.memory_space<hbm>>
      %dma_wait3A_491 = tpu.memref_squeeze %dma_wait3A_490 : memref<1x64x128xf32, #tpu.memory_space<hbm>> -> memref<64x128xf32, #tpu.memory_space<hbm>>
      tpu.wait_dma2 semaphore(%arg14 : memref<!tpu.dma_semaphore, #tpu.memory_space<semaphore_mem>>) src(%arg12 : memref<64x128xf32, #tpu.memory_space<vmem>>) dst(%dma_wait3A_491 : memref<64x128xf32, #tpu.memory_space<hbm>>)
      %dma_start3A_492 = arith.constant 320 : i32
      %dma_start3A_493 = tpu.memref_slice %arg9[%dma_start3A_492] : memref<2048xi32, #tpu.memory_space<vmem>> -> memref<64xi32, #tpu.memory_space<vmem>>
      %dma_start3A_494 = arith.constant 0 : i32
      %dma_start3A_495 = arith.constant 0 : i32
      %dma_start3A_496 = tpu.memref_slice %arg6[%dma_start3A_494, %dma_start3A_495] : memref<12288x128xf32, #tpu.memory_space<vmem_shared>> -> memref<12288x128xf32, #tpu.memory_space<vmem_shared>>
      tpu.enqueue_indirect_dma source(%dma_start3A_496 : memref<12288x128xf32, #tpu.memory_space<vmem_shared>>) target(%arg12 : memref<64x128xf32, #tpu.memory_space<vmem>>) offsets(%dma_start3A_493 : memref<64xi32, #tpu.memory_space<vmem>>) semaphore(%arg13 : memref<!tpu.dma_semaphore, #tpu.memory_space<semaphore_mem>>)
      %dma_wait3A_497 = arith.constant 256 : i32
      %dma_wait3A_498 = tpu.memref_slice %arg9[%dma_wait3A_497] : memref<2048xi32, #tpu.memory_space<vmem>> -> memref<64xi32, #tpu.memory_space<vmem>>
      %dma_wait3A_499 = arith.constant 0 : i32
      %dma_wait3A_500 = arith.constant 0 : i32
      %dma_wait3A_501 = tpu.memref_slice %arg6[%dma_wait3A_499, %dma_wait3A_500] : memref<12288x128xf32, #tpu.memory_space<vmem_shared>> -> memref<12288x128xf32, #tpu.memory_space<vmem_shared>>
      tpu.wait_indirect_dma semaphore(%arg13 : memref<!tpu.dma_semaphore, #tpu.memory_space<semaphore_mem>>) src(%dma_wait3A_501 : memref<12288x128xf32, #tpu.memory_space<vmem_shared>>) dst(%arg11 : memref<64x128xf32, #tpu.memory_space<vmem>>)
      %add3A_502 = arith.constant 0 : i32
      %add3A_503 = arith.addi %add3A_41, %add3A_502 : i32
      %mul3A_504 = arith.constant 16 : i32
      %mul3A_505 = arith.muli %add3A_503, %mul3A_504 : i32
      %mul3A_506 = arith.constant 8 : i32
      %mul3A_507 = arith.muli %arg0, %mul3A_506 : i32
      %add3A_508 = arith.addi %mul3A_505, %mul3A_507 : i32
      %add3A_509 = arith.constant 4 : i32
      %add3A_510 = arith.addi %add3A_508, %add3A_509 : i32
      %dma_start3A_511 = arith.constant 0 : i32
      %dma_start3A_512 = arith.constant 0 : i32
      %dma_start3A_513 = tpu.memref_slice %arg5[%add3A_510, %dma_start3A_511, %dma_start3A_512] : memref<16384x64x128xf32, #tpu.memory_space<hbm>> -> memref<1x64x128xf32, #tpu.memory_space<hbm>>
      %dma_start3A_514 = tpu.memref_squeeze %dma_start3A_513 : memref<1x64x128xf32, #tpu.memory_space<hbm>> -> memref<64x128xf32, #tpu.memory_space<hbm>>
      %dma_start3A_515 = arith.constant 0 : i32
      %dma_start3A_516 = arith.constant 0 : i32
      %dma_start3A_517 = tpu.memref_slice %arg5[%add3A_510, %dma_start3A_515, %dma_start3A_516] : memref<16384x64x128xf32, #tpu.memory_space<hbm>> -> memref<1x64x128xf32, #tpu.memory_space<hbm>>
      %dma_start3A_518 = tpu.memref_squeeze %dma_start3A_517 : memref<1x64x128xf32, #tpu.memory_space<hbm>> -> memref<64x128xf32, #tpu.memory_space<hbm>>
      tpu.enqueue_dma source(%arg11 : memref<64x128xf32, #tpu.memory_space<vmem>>) target(%dma_start3A_518 : memref<64x128xf32, #tpu.memory_space<hbm>>) target_semaphore(%arg14 : memref<!tpu.dma_semaphore, #tpu.memory_space<semaphore_mem>>)
      %get3A_519 = arith.constant 0 : i32
      %get3A_520 = arith.index_cast %get3A_519 : i32 to index
      %get3A_521 = arith.constant 384 : index
      %get3A_522 = tpu.vector_load %arg7[%get3A_520, %get3A_521] {strides = array<i32>} : memref<4x512xi32, #tpu.memory_space<vmem>>, vector<1x16xi32>,
      %get3A_523 = vector.shape_cast %get3A_522 : vector<1x16xi32> to vector<16xi32>
      %get3A_524 = arith.constant 384 : index
      %get3A_525 = tpu.vector_load %arg8[%get3A_524] {strides = array<i32>} : memref<512xi32, #tpu.memory_space<vmem>>, vector<16xi32>,
      %get3A_526 = vector.shape_cast %get3A_525 : vector<16xi32> to vector<16xi32>
      %add3A_527 = arith.addi %get3A_523, %get3A_526 : vector<16xi32>
      %swap3A_528 = arith.constant 384 : index
      %swap3A_529 = tpu.vector_load %arg9[%swap3A_528] {strides = array<i32>} : memref<2048xi32, #tpu.memory_space<vmem>>, vector<16xi32>,
      %swap3A_530 = vector.shape_cast %swap3A_529 : vector<16xi32> to vector<16xi32>
      %swap3A_531 = vector.shape_cast %add3A_527 : vector<16xi32> to vector<16xi32>
      tpu.vector_store %arg9[%swap3A_528], %swap3A_531 {strides = array<i32>} : memref<2048xi32, #tpu.memory_space<vmem>>, vector<16xi32>,
      %get3A_532 = arith.constant 0 : i32
      %get3A_533 = arith.index_cast %get3A_532 : i32 to index
      %get3A_534 = arith.constant 400 : index
      %get3A_535 = tpu.vector_load %arg7[%get3A_533, %get3A_534] {strides = array<i32>} : memref<4x512xi32, #tpu.memory_space<vmem>>, vector<1x16xi32>,
      %get3A_536 = vector.shape_cast %get3A_535 : vector<1x16xi32> to vector<16xi32>
      %get3A_537 = arith.constant 400 : index
      %get3A_538 = tpu.vector_load %arg8[%get3A_537] {strides = array<i32>} : memref<512xi32, #tpu.memory_space<vmem>>, vector<16xi32>,
      %get3A_539 = vector.shape_cast %get3A_538 : vector<16xi32> to vector<16xi32>
      %add3A_540 = arith.addi %get3A_536, %get3A_539 : vector<16xi32>
      %swap3A_541 = arith.constant 400 : index
      %swap3A_542 = tpu.vector_load %arg9[%swap3A_541] {strides = array<i32>} : memref<2048xi32, #tpu.memory_space<vmem>>, vector<16xi32>,
      %swap3A_543 = vector.shape_cast %swap3A_542 : vector<16xi32> to vector<16xi32>
      %swap3A_544 = vector.shape_cast %add3A_540 : vector<16xi32> to vector<16xi32>
      tpu.vector_store %arg9[%swap3A_541], %swap3A_544 {strides = array<i32>} : memref<2048xi32, #tpu.memory_space<vmem>>, vector<16xi32>,
      %get3A_545 = arith.constant 0 : i32
      %get3A_546 = arith.index_cast %get3A_545 : i32 to index
      %get3A_547 = arith.constant 416 : index
      %get3A_548 = tpu.vector_load %arg7[%get3A_546, %get3A_547] {strides = array<i32>} : memref<4x512xi32, #tpu.memory_space<vmem>>, vector<1x16xi32>,
      %get3A_549 = vector.shape_cast %get3A_548 : vector<1x16xi32> to vector<16xi32>
      %get3A_550 = arith.constant 416 : index
      %get3A_551 = tpu.vector_load %arg8[%get3A_550] {strides = array<i32>} : memref<512xi32, #tpu.memory_space<vmem>>, vector<16xi32>,
      %get3A_552 = vector.shape_cast %get3A_551 : vector<16xi32> to vector<16xi32>
      %add3A_553 = arith.addi %get3A_549, %get3A_552 : vector<16xi32>
      %swap3A_554 = arith.constant 416 : index
      %swap3A_555 = tpu.vector_load %arg9[%swap3A_554] {strides = array<i32>} : memref<2048xi32, #tpu.memory_space<vmem>>, vector<16xi32>,
      %swap3A_556 = vector.shape_cast %swap3A_555 : vector<16xi32> to vector<16xi32>
      %swap3A_557 = vector.shape_cast %add3A_553 : vector<16xi32> to vector<16xi32>
      tpu.vector_store %arg9[%swap3A_554], %swap3A_557 {strides = array<i32>} : memref<2048xi32, #tpu.memory_space<vmem>>, vector<16xi32>,
      %get3A_558 = arith.constant 0 : i32
      %get3A_559 = arith.index_cast %get3A_558 : i32 to index
      %get3A_560 = arith.constant 432 : index
      %get3A_561 = tpu.vector_load %arg7[%get3A_559, %get3A_560] {strides = array<i32>} : memref<4x512xi32, #tpu.memory_space<vmem>>, vector<1x16xi32>,
      %get3A_562 = vector.shape_cast %get3A_561 : vector<1x16xi32> to vector<16xi32>
      %get3A_563 = arith.constant 432 : index
      %get3A_564 = tpu.vector_load %arg8[%get3A_563] {strides = array<i32>} : memref<512xi32, #tpu.memory_space<vmem>>, vector<16xi32>,
      %get3A_565 = vector.shape_cast %get3A_564 : vector<16xi32> to vector<16xi32>
      %add3A_566 = arith.addi %get3A_562, %get3A_565 : vector<16xi32>
      %swap3A_567 = arith.constant 432 : index
      %swap3A_568 = tpu.vector_load %arg9[%swap3A_567] {strides = array<i32>} : memref<2048xi32, #tpu.memory_space<vmem>>, vector<16xi32>,
      %swap3A_569 = vector.shape_cast %swap3A_568 : vector<16xi32> to vector<16xi32>
      %swap3A_570 = vector.shape_cast %add3A_566 : vector<16xi32> to vector<16xi32>
      tpu.vector_store %arg9[%swap3A_567], %swap3A_570 {strides = array<i32>} : memref<2048xi32, #tpu.memory_space<vmem>>, vector<16xi32>,
      %dma_wait3A_571 = arith.constant 0 : i32
      %dma_wait3A_572 = arith.constant 0 : i32
      %dma_wait3A_573 = tpu.memref_slice %arg5[%add3A_423, %dma_wait3A_571, %dma_wait3A_572] : memref<16384x64x128xf32, #tpu.memory_space<hbm>> -> memref<1x64x128xf32, #tpu.memory_space<hbm>>
      %dma_wait3A_574 = tpu.memref_squeeze %dma_wait3A_573 : memref<1x64x128xf32, #tpu.memory_space<hbm>> -> memref<64x128xf32, #tpu.memory_space<hbm>>
      %dma_wait3A_575 = arith.constant 0 : i32
      %dma_wait3A_576 = arith.constant 0 : i32
      %dma_wait3A_577 = tpu.memref_slice %arg5[%add3A_423, %dma_wait3A_575, %dma_wait3A_576] : memref<16384x64x128xf32, #tpu.memory_space<hbm>> -> memref<1x64x128xf32, #tpu.memory_space<hbm>>
      %dma_wait3A_578 = tpu.memref_squeeze %dma_wait3A_577 : memref<1x64x128xf32, #tpu.memory_space<hbm>> -> memref<64x128xf32, #tpu.memory_space<hbm>>
      tpu.wait_dma2 semaphore(%arg14 : memref<!tpu.dma_semaphore, #tpu.memory_space<semaphore_mem>>) src(%arg10 : memref<64x128xf32, #tpu.memory_space<vmem>>) dst(%dma_wait3A_578 : memref<64x128xf32, #tpu.memory_space<hbm>>)
      %dma_start3A_579 = arith.constant 384 : i32
      %dma_start3A_580 = tpu.memref_slice %arg9[%dma_start3A_579] : memref<2048xi32, #tpu.memory_space<vmem>> -> memref<64xi32, #tpu.memory_space<vmem>>
      %dma_start3A_581 = arith.constant 0 : i32
      %dma_start3A_582 = arith.constant 0 : i32
      %dma_start3A_583 = tpu.memref_slice %arg6[%dma_start3A_581, %dma_start3A_582] : memref<12288x128xf32, #tpu.memory_space<vmem_shared>> -> memref<12288x128xf32, #tpu.memory_space<vmem_shared>>
      tpu.enqueue_indirect_dma source(%dma_start3A_583 : memref<12288x128xf32, #tpu.memory_space<vmem_shared>>) target(%arg10 : memref<64x128xf32, #tpu.memory_space<vmem>>) offsets(%dma_start3A_580 : memref<64xi32, #tpu.memory_space<vmem>>) semaphore(%arg13 : memref<!tpu.dma_semaphore, #tpu.memory_space<semaphore_mem>>)
      %dma_wait3A_584 = arith.constant 320 : i32
      %dma_wait3A_585 = tpu.memref_slice %arg9[%dma_wait3A_584] : memref<2048xi32, #tpu.memory_space<vmem>> -> memref<64xi32, #tpu.memory_space<vmem>>
      %dma_wait3A_586 = arith.constant 0 : i32
      %dma_wait3A_587 = arith.constant 0 : i32
      %dma_wait3A_588 = tpu.memref_slice %arg6[%dma_wait3A_586, %dma_wait3A_587] : memref<12288x128xf32, #tpu.memory_space<vmem_shared>> -> memref<12288x128xf32, #tpu.memory_space<vmem_shared>>
      tpu.wait_indirect_dma semaphore(%arg13 : memref<!tpu.dma_semaphore, #tpu.memory_space<semaphore_mem>>) src(%dma_wait3A_588 : memref<12288x128xf32, #tpu.memory_space<vmem_shared>>) dst(%arg12 : memref<64x128xf32, #tpu.memory_space<vmem>>)
      %add3A_589 = arith.constant 0 : i32
      %add3A_590 = arith.addi %add3A_41, %add3A_589 : i32
      %mul3A_591 = arith.constant 16 : i32
      %mul3A_592 = arith.muli %add3A_590, %mul3A_591 : i32
      %mul3A_593 = arith.constant 8 : i32
      %mul3A_594 = arith.muli %arg0, %mul3A_593 : i32
      %add3A_595 = arith.addi %mul3A_592, %mul3A_594 : i32
      %add3A_596 = arith.constant 5 : i32
      %add3A_597 = arith.addi %add3A_595, %add3A_596 : i32
      %dma_start3A_598 = arith.constant 0 : i32
      %dma_start3A_599 = arith.constant 0 : i32
      %dma_start3A_600 = tpu.memref_slice %arg5[%add3A_597, %dma_start3A_598, %dma_start3A_599] : memref<16384x64x128xf32, #tpu.memory_space<hbm>> -> memref<1x64x128xf32, #tpu.memory_space<hbm>>
      %dma_start3A_601 = tpu.memref_squeeze %dma_start3A_600 : memref<1x64x128xf32, #tpu.memory_space<hbm>> -> memref<64x128xf32, #tpu.memory_space<hbm>>
      %dma_start3A_602 = arith.constant 0 : i32
      %dma_start3A_603 = arith.constant 0 : i32
      %dma_start3A_604 = tpu.memref_slice %arg5[%add3A_597, %dma_start3A_602, %dma_start3A_603] : memref<16384x64x128xf32, #tpu.memory_space<hbm>> -> memref<1x64x128xf32, #tpu.memory_space<hbm>>
      %dma_start3A_605 = tpu.memref_squeeze %dma_start3A_604 : memref<1x64x128xf32, #tpu.memory_space<hbm>> -> memref<64x128xf32, #tpu.memory_space<hbm>>
      tpu.enqueue_dma source(%arg12 : memref<64x128xf32, #tpu.memory_space<vmem>>) target(%dma_start3A_605 : memref<64x128xf32, #tpu.memory_space<hbm>>) target_semaphore(%arg14 : memref<!tpu.dma_semaphore, #tpu.memory_space<semaphore_mem>>)
      %get3A_606 = arith.constant 0 : i32
      %get3A_607 = arith.index_cast %get3A_606 : i32 to index
      %get3A_608 = arith.constant 448 : index
      %get3A_609 = tpu.vector_load %arg7[%get3A_607, %get3A_608] {strides = array<i32>} : memref<4x512xi32, #tpu.memory_space<vmem>>, vector<1x16xi32>,
      %get3A_610 = vector.shape_cast %get3A_609 : vector<1x16xi32> to vector<16xi32>
      %get3A_611 = arith.constant 448 : index
      %get3A_612 = tpu.vector_load %arg8[%get3A_611] {strides = array<i32>} : memref<512xi32, #tpu.memory_space<vmem>>, vector<16xi32>,
      %get3A_613 = vector.shape_cast %get3A_612 : vector<16xi32> to vector<16xi32>
      %add3A_614 = arith.addi %get3A_610, %get3A_613 : vector<16xi32>
      %swap3A_615 = arith.constant 448 : index
      %swap3A_616 = tpu.vector_load %arg9[%swap3A_615] {strides = array<i32>} : memref<2048xi32, #tpu.memory_space<vmem>>, vector<16xi32>,
      %swap3A_617 = vector.shape_cast %swap3A_616 : vector<16xi32> to vector<16xi32>
      %swap3A_618 = vector.shape_cast %add3A_614 : vector<16xi32> to vector<16xi32>
      tpu.vector_store %arg9[%swap3A_615], %swap3A_618 {strides = array<i32>} : memref<2048xi32, #tpu.memory_space<vmem>>, vector<16xi32>,
      %get3A_619 = arith.constant 0 : i32
      %get3A_620 = arith.index_cast %get3A_619 : i32 to index
      %get3A_621 = arith.constant 464 : index
      %get3A_622 = tpu.vector_load %arg7[%get3A_620, %get3A_621] {strides = array<i32>} : memref<4x512xi32, #tpu.memory_space<vmem>>, vector<1x16xi32>,
      %get3A_623 = vector.shape_cast %get3A_622 : vector<1x16xi32> to vector<16xi32>
      %get3A_624 = arith.constant 464 : index
      %get3A_625 = tpu.vector_load %arg8[%get3A_624] {strides = array<i32>} : memref<512xi32, #tpu.memory_space<vmem>>, vector<16xi32>,
      %get3A_626 = vector.shape_cast %get3A_625 : vector<16xi32> to vector<16xi32>
      %add3A_627 = arith.addi %get3A_623, %get3A_626 : vector<16xi32>
      %swap3A_628 = arith.constant 464 : index
      %swap3A_629 = tpu.vector_load %arg9[%swap3A_628] {strides = array<i32>} : memref<2048xi32, #tpu.memory_space<vmem>>, vector<16xi32>,
      %swap3A_630 = vector.shape_cast %swap3A_629 : vector<16xi32> to vector<16xi32>
      %swap3A_631 = vector.shape_cast %add3A_627 : vector<16xi32> to vector<16xi32>
      tpu.vector_store %arg9[%swap3A_628], %swap3A_631 {strides = array<i32>} : memref<2048xi32, #tpu.memory_space<vmem>>, vector<16xi32>,
      %get3A_632 = arith.constant 0 : i32
      %get3A_633 = arith.index_cast %get3A_632 : i32 to index
      %get3A_634 = arith.constant 480 : index
      %get3A_635 = tpu.vector_load %arg7[%get3A_633, %get3A_634] {strides = array<i32>} : memref<4x512xi32, #tpu.memory_space<vmem>>, vector<1x16xi32>,
      %get3A_636 = vector.shape_cast %get3A_635 : vector<1x16xi32> to vector<16xi32>
      %get3A_637 = arith.constant 480 : index
      %get3A_638 = tpu.vector_load %arg8[%get3A_637] {strides = array<i32>} : memref<512xi32, #tpu.memory_space<vmem>>, vector<16xi32>,
      %get3A_639 = vector.shape_cast %get3A_638 : vector<16xi32> to vector<16xi32>
      %add3A_640 = arith.addi %get3A_636, %get3A_639 : vector<16xi32>
      %swap3A_641 = arith.constant 480 : index
      %swap3A_642 = tpu.vector_load %arg9[%swap3A_641] {strides = array<i32>} : memref<2048xi32, #tpu.memory_space<vmem>>, vector<16xi32>,
      %swap3A_643 = vector.shape_cast %swap3A_642 : vector<16xi32> to vector<16xi32>
      %swap3A_644 = vector.shape_cast %add3A_640 : vector<16xi32> to vector<16xi32>
      tpu.vector_store %arg9[%swap3A_641], %swap3A_644 {strides = array<i32>} : memref<2048xi32, #tpu.memory_space<vmem>>, vector<16xi32>,
      %get3A_645 = arith.constant 0 : i32
      %get3A_646 = arith.index_cast %get3A_645 : i32 to index
      %get3A_647 = arith.constant 496 : index
      %get3A_648 = tpu.vector_load %arg7[%get3A_646, %get3A_647] {strides = array<i32>} : memref<4x512xi32, #tpu.memory_space<vmem>>, vector<1x16xi32>,
      %get3A_649 = vector.shape_cast %get3A_648 : vector<1x16xi32> to vector<16xi32>
      %get3A_650 = arith.constant 496 : index
      %get3A_651 = tpu.vector_load %arg8[%get3A_650] {strides = array<i32>} : memref<512xi32, #tpu.memory_space<vmem>>, vector<16xi32>,
      %get3A_652 = vector.shape_cast %get3A_651 : vector<16xi32> to vector<16xi32>
      %add3A_653 = arith.addi %get3A_649, %get3A_652 : vector<16xi32>
      %swap3A_654 = arith.constant 496 : index
      %swap3A_655 = tpu.vector_load %arg9[%swap3A_654] {strides = array<i32>} : memref<2048xi32, #tpu.memory_space<vmem>>, vector<16xi32>,
      %swap3A_656 = vector.shape_cast %swap3A_655 : vector<16xi32> to vector<16xi32>
      %swap3A_657 = vector.shape_cast %add3A_653 : vector<16xi32> to vector<16xi32>
      tpu.vector_store %arg9[%swap3A_654], %swap3A_657 {strides = array<i32>} : memref<2048xi32, #tpu.memory_space<vmem>>, vector<16xi32>,
      %dma_wait3A_658 = arith.constant 0 : i32
      %dma_wait3A_659 = arith.constant 0 : i32
      %dma_wait3A_660 = tpu.memref_slice %arg5[%add3A_510, %dma_wait3A_658, %dma_wait3A_659] : memref<16384x64x128xf32, #tpu.memory_space<hbm>> -> memref<1x64x128xf32, #tpu.memory_space<hbm>>
      %dma_wait3A_661 = tpu.memref_squeeze %dma_wait3A_660 : memref<1x64x128xf32, #tpu.memory_space<hbm>> -> memref<64x128xf32, #tpu.memory_space<hbm>>
      %dma_wait3A_662 = arith.constant 0 : i32
      %dma_wait3A_663 = arith.constant 0 : i32
      %dma_wait3A_664 = tpu.memref_slice %arg5[%add3A_510, %dma_wait3A_662, %dma_wait3A_663] : memref<16384x64x128xf32, #tpu.memory_space<hbm>> -> memref<1x64x128xf32, #tpu.memory_space<hbm>>
      %dma_wait3A_665 = tpu.memref_squeeze %dma_wait3A_664 : memref<1x64x128xf32, #tpu.memory_space<hbm>> -> memref<64x128xf32, #tpu.memory_space<hbm>>
      tpu.wait_dma2 semaphore(%arg14 : memref<!tpu.dma_semaphore, #tpu.memory_space<semaphore_mem>>) src(%arg11 : memref<64x128xf32, #tpu.memory_space<vmem>>) dst(%dma_wait3A_665 : memref<64x128xf32, #tpu.memory_space<hbm>>)
      %dma_start3A_666 = arith.constant 448 : i32
      %dma_start3A_667 = tpu.memref_slice %arg9[%dma_start3A_666] : memref<2048xi32, #tpu.memory_space<vmem>> -> memref<64xi32, #tpu.memory_space<vmem>>
      %dma_start3A_668 = arith.constant 0 : i32
      %dma_start3A_669 = arith.constant 0 : i32
      %dma_start3A_670 = tpu.memref_slice %arg6[%dma_start3A_668, %dma_start3A_669] : memref<12288x128xf32, #tpu.memory_space<vmem_shared>> -> memref<12288x128xf32, #tpu.memory_space<vmem_shared>>
      tpu.enqueue_indirect_dma source(%dma_start3A_670 : memref<12288x128xf32, #tpu.memory_space<vmem_shared>>) target(%arg11 : memref<64x128xf32, #tpu.memory_space<vmem>>) offsets(%dma_start3A_667 : memref<64xi32, #tpu.memory_space<vmem>>) semaphore(%arg13 : memref<!tpu.dma_semaphore, #tpu.memory_space<semaphore_mem>>)
      %dma_wait3A_671 = arith.constant 384 : i32
      %dma_wait3A_672 = tpu.memref_slice %arg9[%dma_wait3A_671] : memref<2048xi32, #tpu.memory_space<vmem>> -> memref<64xi32, #tpu.memory_space<vmem>>
      %dma_wait3A_673 = arith.constant 0 : i32
      %dma_wait3A_674 = arith.constant 0 : i32
      %dma_wait3A_675 = tpu.memref_slice %arg6[%dma_wait3A_673, %dma_wait3A_674] : memref<12288x128xf32, #tpu.memory_space<vmem_shared>> -> memref<12288x128xf32, #tpu.memory_space<vmem_shared>>
      tpu.wait_indirect_dma semaphore(%arg13 : memref<!tpu.dma_semaphore, #tpu.memory_space<semaphore_mem>>) src(%dma_wait3A_675 : memref<12288x128xf32, #tpu.memory_space<vmem_shared>>) dst(%arg10 : memref<64x128xf32, #tpu.memory_space<vmem>>)
      %add3A_676 = arith.constant 0 : i32
      %add3A_677 = arith.addi %add3A_41, %add3A_676 : i32
      %mul3A_678 = arith.constant 16 : i32
      %mul3A_679 = arith.muli %add3A_677, %mul3A_678 : i32
      %mul3A_680 = arith.constant 8 : i32
      %mul3A_681 = arith.muli %arg0, %mul3A_680 : i32
      %add3A_682 = arith.addi %mul3A_679, %mul3A_681 : i32
      %add3A_683 = arith.constant 6 : i32
      %add3A_684 = arith.addi %add3A_682, %add3A_683 : i32
      %dma_start3A_685 = arith.constant 0 : i32
      %dma_start3A_686 = arith.constant 0 : i32
      %dma_start3A_687 = tpu.memref_slice %arg5[%add3A_684, %dma_start3A_685, %dma_start3A_686] : memref<16384x64x128xf32, #tpu.memory_space<hbm>> -> memref<1x64x128xf32, #tpu.memory_space<hbm>>
      %dma_start3A_688 = tpu.memref_squeeze %dma_start3A_687 : memref<1x64x128xf32, #tpu.memory_space<hbm>> -> memref<64x128xf32, #tpu.memory_space<hbm>>
      %dma_start3A_689 = arith.constant 0 : i32
      %dma_start3A_690 = arith.constant 0 : i32
      %dma_start3A_691 = tpu.memref_slice %arg5[%add3A_684, %dma_start3A_689, %dma_start3A_690] : memref<16384x64x128xf32, #tpu.memory_space<hbm>> -> memref<1x64x128xf32, #tpu.memory_space<hbm>>
      %dma_start3A_692 = tpu.memref_squeeze %dma_start3A_691 : memref<1x64x128xf32, #tpu.memory_space<hbm>> -> memref<64x128xf32, #tpu.memory_space<hbm>>
      tpu.enqueue_dma source(%arg10 : memref<64x128xf32, #tpu.memory_space<vmem>>) target(%dma_start3A_692 : memref<64x128xf32, #tpu.memory_space<hbm>>) target_semaphore(%arg14 : memref<!tpu.dma_semaphore, #tpu.memory_space<semaphore_mem>>)
      %get3A_693 = arith.constant 1 : i32
      %get3A_694 = arith.index_cast %get3A_693 : i32 to index
      %get3A_695 = arith.constant 0 : index
      %get3A_696 = tpu.vector_load %arg7[%get3A_694, %get3A_695] {strides = array<i32>} : memref<4x512xi32, #tpu.memory_space<vmem>>, vector<1x16xi32>,
      %get3A_697 = vector.shape_cast %get3A_696 : vector<1x16xi32> to vector<16xi32>
      %get3A_698 = arith.constant 0 : index
      %get3A_699 = tpu.vector_load %arg8[%get3A_698] {strides = array<i32>} : memref<512xi32, #tpu.memory_space<vmem>>, vector<16xi32>,
      %get3A_700 = vector.shape_cast %get3A_699 : vector<16xi32> to vector<16xi32>
      %add3A_701 = arith.addi %get3A_697, %get3A_700 : vector<16xi32>
      %swap3A_702 = arith.constant 512 : index
      %swap3A_703 = tpu.vector_load %arg9[%swap3A_702] {strides = array<i32>} : memref<2048xi32, #tpu.memory_space<vmem>>, vector<16xi32>,
      %swap3A_704 = vector.shape_cast %swap3A_703 : vector<16xi32> to vector<16xi32>
      %swap3A_705 = vector.shape_cast %add3A_701 : vector<16xi32> to vector<16xi32>
      tpu.vector_store %arg9[%swap3A_702], %swap3A_705 {strides = array<i32>} : memref<2048xi32, #tpu.memory_space<vmem>>, vector<16xi32>,
      %get3A_706 = arith.constant 1 : i32
      %get3A_707 = arith.index_cast %get3A_706 : i32 to index
      %get3A_708 = arith.constant 16 : index
      %get3A_709 = tpu.vector_load %arg7[%get3A_707, %get3A_708] {strides = array<i32>} : memref<4x512xi32, #tpu.memory_space<vmem>>, vector<1x16xi32>,
      %get3A_710 = vector.shape_cast %get3A_709 : vector<1x16xi32> to vector<16xi32>
      %get3A_711 = arith.constant 16 : index
      %get3A_712 = tpu.vector_load %arg8[%get3A_711] {strides = array<i32>} : memref<512xi32, #tpu.memory_space<vmem>>, vector<16xi32>,
      %get3A_713 = vector.shape_cast %get3A_712 : vector<16xi32> to vector<16xi32>
      %add3A_714 = arith.addi %get3A_710, %get3A_713 : vector<16xi32>
      %swap3A_715 = arith.constant 528 : index
      %swap3A_716 = tpu.vector_load %arg9[%swap3A_715] {strides = array<i32>} : memref<2048xi32, #tpu.memory_space<vmem>>, vector<16xi32>,
      %swap3A_717 = vector.shape_cast %swap3A_716 : vector<16xi32> to vector<16xi32>
      %swap3A_718 = vector.shape_cast %add3A_714 : vector<16xi32> to vector<16xi32>
      tpu.vector_store %arg9[%swap3A_715], %swap3A_718 {strides = array<i32>} : memref<2048xi32, #tpu.memory_space<vmem>>, vector<16xi32>,
      %get3A_719 = arith.constant 1 : i32
      %get3A_720 = arith.index_cast %get3A_719 : i32 to index
      %get3A_721 = arith.constant 32 : index
      %get3A_722 = tpu.vector_load %arg7[%get3A_720, %get3A_721] {strides = array<i32>} : memref<4x512xi32, #tpu.memory_space<vmem>>, vector<1x16xi32>,
      %get3A_723 = vector.shape_cast %get3A_722 : vector<1x16xi32> to vector<16xi32>
      %get3A_724 = arith.constant 32 : index
      %get3A_725 = tpu.vector_load %arg8[%get3A_724] {strides = array<i32>} : memref<512xi32, #tpu.memory_space<vmem>>, vector<16xi32>,
      %get3A_726 = vector.shape_cast %get3A_725 : vector<16xi32> to vector<16xi32>
      %add3A_727 = arith.addi %get3A_723, %get3A_726 : vector<16xi32>
      %swap3A_728 = arith.constant 544 : index
      %swap3A_729 = tpu.vector_load %arg9[%swap3A_728] {strides = array<i32>} : memref<2048xi32, #tpu.memory_space<vmem>>, vector<16xi32>,
      %swap3A_730 = vector.shape_cast %swap3A_729 : vector<16xi32> to vector<16xi32>
      %swap3A_731 = vector.shape_cast %add3A_727 : vector<16xi32> to vector<16xi32>
      tpu.vector_store %arg9[%swap3A_728], %swap3A_731 {strides = array<i32>} : memref<2048xi32, #tpu.memory_space<vmem>>, vector<16xi32>,
      %get3A_732 = arith.constant 1 : i32
      %get3A_733 = arith.index_cast %get3A_732 : i32 to index
      %get3A_734 = arith.constant 48 : index
      %get3A_735 = tpu.vector_load %arg7[%get3A_733, %get3A_734] {strides = array<i32>} : memref<4x512xi32, #tpu.memory_space<vmem>>, vector<1x16xi32>,
      %get3A_736 = vector.shape_cast %get3A_735 : vector<1x16xi32> to vector<16xi32>
      %get3A_737 = arith.constant 48 : index
      %get3A_738 = tpu.vector_load %arg8[%get3A_737] {strides = array<i32>} : memref<512xi32, #tpu.memory_space<vmem>>, vector<16xi32>,
      %get3A_739 = vector.shape_cast %get3A_738 : vector<16xi32> to vector<16xi32>
      %add3A_740 = arith.addi %get3A_736, %get3A_739 : vector<16xi32>
      %swap3A_741 = arith.constant 560 : index
      %swap3A_742 = tpu.vector_load %arg9[%swap3A_741] {strides = array<i32>} : memref<2048xi32, #tpu.memory_space<vmem>>, vector<16xi32>,
      %swap3A_743 = vector.shape_cast %swap3A_742 : vector<16xi32> to vector<16xi32>
      %swap3A_744 = vector.shape_cast %add3A_740 : vector<16xi32> to vector<16xi32>
      tpu.vector_store %arg9[%swap3A_741], %swap3A_744 {strides = array<i32>} : memref<2048xi32, #tpu.memory_space<vmem>>, vector<16xi32>,
      %dma_wait3A_745 = arith.constant 0 : i32
      %dma_wait3A_746 = arith.constant 0 : i32
      %dma_wait3A_747 = tpu.memref_slice %arg5[%add3A_597, %dma_wait3A_745, %dma_wait3A_746] : memref<16384x64x128xf32, #tpu.memory_space<hbm>> -> memref<1x64x128xf32, #tpu.memory_space<hbm>>
      %dma_wait3A_748 = tpu.memref_squeeze %dma_wait3A_747 : memref<1x64x128xf32, #tpu.memory_space<hbm>> -> memref<64x128xf32, #tpu.memory_space<hbm>>
      %dma_wait3A_749 = arith.constant 0 : i32
      %dma_wait3A_750 = arith.constant 0 : i32
      %dma_wait3A_751 = tpu.memref_slice %arg5[%add3A_597, %dma_wait3A_749, %dma_wait3A_750] : memref<16384x64x128xf32, #tpu.memory_space<hbm>> -> memref<1x64x128xf32, #tpu.memory_space<hbm>>
      %dma_wait3A_752 = tpu.memref_squeeze %dma_wait3A_751 : memref<1x64x128xf32, #tpu.memory_space<hbm>> -> memref<64x128xf32, #tpu.memory_space<hbm>>
      tpu.wait_dma2 semaphore(%arg14 : memref<!tpu.dma_semaphore, #tpu.memory_space<semaphore_mem>>) src(%arg12 : memref<64x128xf32, #tpu.memory_space<vmem>>) dst(%dma_wait3A_752 : memref<64x128xf32, #tpu.memory_space<hbm>>)
      %dma_start3A_753 = arith.constant 512 : i32
      %dma_start3A_754 = tpu.memref_slice %arg9[%dma_start3A_753] : memref<2048xi32, #tpu.memory_space<vmem>> -> memref<64xi32, #tpu.memory_space<vmem>>
      %dma_start3A_755 = arith.constant 0 : i32
      %dma_start3A_756 = arith.constant 0 : i32
      %dma_start3A_757 = tpu.memref_slice %arg6[%dma_start3A_755, %dma_start3A_756] : memref<12288x128xf32, #tpu.memory_space<vmem_shared>> -> memref<12288x128xf32, #tpu.memory_space<vmem_shared>>
      tpu.enqueue_indirect_dma source(%dma_start3A_757 : memref<12288x128xf32, #tpu.memory_space<vmem_shared>>) target(%arg12 : memref<64x128xf32, #tpu.memory_space<vmem>>) offsets(%dma_start3A_754 : memref<64xi32, #tpu.memory_space<vmem>>) semaphore(%arg13 : memref<!tpu.dma_semaphore, #tpu.memory_space<semaphore_mem>>)
      %dma_wait3A_758 = arith.constant 448 : i32
      %dma_wait3A_759 = tpu.memref_slice %arg9[%dma_wait3A_758] : memref<2048xi32, #tpu.memory_space<vmem>> -> memref<64xi32, #tpu.memory_space<vmem>>
      %dma_wait3A_760 = arith.constant 0 : i32
      %dma_wait3A_761 = arith.constant 0 : i32
      %dma_wait3A_762 = tpu.memref_slice %arg6[%dma_wait3A_760, %dma_wait3A_761] : memref<12288x128xf32, #tpu.memory_space<vmem_shared>> -> memref<12288x128xf32, #tpu.memory_space<vmem_shared>>
      tpu.wait_indirect_dma semaphore(%arg13 : memref<!tpu.dma_semaphore, #tpu.memory_space<semaphore_mem>>) src(%dma_wait3A_762 : memref<12288x128xf32, #tpu.memory_space<vmem_shared>>) dst(%arg11 : memref<64x128xf32, #tpu.memory_space<vmem>>)
      %add3A_763 = arith.constant 0 : i32
      %add3A_764 = arith.addi %add3A_41, %add3A_763 : i32
      %mul3A_765 = arith.constant 16 : i32
      %mul3A_766 = arith.muli %add3A_764, %mul3A_765 : i32
      %mul3A_767 = arith.constant 8 : i32
      %mul3A_768 = arith.muli %arg0, %mul3A_767 : i32
      %add3A_769 = arith.addi %mul3A_766, %mul3A_768 : i32
      %add3A_770 = arith.constant 7 : i32
      %add3A_771 = arith.addi %add3A_769, %add3A_770 : i32
      %dma_start3A_772 = arith.constant 0 : i32
      %dma_start3A_773 = arith.constant 0 : i32
      %dma_start3A_774 = tpu.memref_slice %arg5[%add3A_771, %dma_start3A_772, %dma_start3A_773] : memref<16384x64x128xf32, #tpu.memory_space<hbm>> -> memref<1x64x128xf32, #tpu.memory_space<hbm>>
      %dma_start3A_775 = tpu.memref_squeeze %dma_start3A_774 : memref<1x64x128xf32, #tpu.memory_space<hbm>> -> memref<64x128xf32, #tpu.memory_space<hbm>>
      %dma_start3A_776 = arith.constant 0 : i32
      %dma_start3A_777 = arith.constant 0 : i32
      %dma_start3A_778 = tpu.memref_slice %arg5[%add3A_771, %dma_start3A_776, %dma_start3A_777] : memref<16384x64x128xf32, #tpu.memory_space<hbm>> -> memref<1x64x128xf32, #tpu.memory_space<hbm>>
      %dma_start3A_779 = tpu.memref_squeeze %dma_start3A_778 : memref<1x64x128xf32, #tpu.memory_space<hbm>> -> memref<64x128xf32, #tpu.memory_space<hbm>>
      tpu.enqueue_dma source(%arg11 : memref<64x128xf32, #tpu.memory_space<vmem>>) target(%dma_start3A_779 : memref<64x128xf32, #tpu.memory_space<hbm>>) target_semaphore(%arg14 : memref<!tpu.dma_semaphore, #tpu.memory_space<semaphore_mem>>)
      %get3A_780 = arith.constant 1 : i32
      %get3A_781 = arith.index_cast %get3A_780 : i32 to index
      %get3A_782 = arith.constant 64 : index
      %get3A_783 = tpu.vector_load %arg7[%get3A_781, %get3A_782] {strides = array<i32>} : memref<4x512xi32, #tpu.memory_space<vmem>>, vector<1x16xi32>,
      %get3A_784 = vector.shape_cast %get3A_783 : vector<1x16xi32> to vector<16xi32>
      %get3A_785 = arith.constant 64 : index
      %get3A_786 = tpu.vector_load %arg8[%get3A_785] {strides = array<i32>} : memref<512xi32, #tpu.memory_space<vmem>>, vector<16xi32>,
      %get3A_787 = vector.shape_cast %get3A_786 : vector<16xi32> to vector<16xi32>
      %add3A_788 = arith.addi %get3A_784, %get3A_787 : vector<16xi32>
      %swap3A_789 = arith.constant 576 : index
      %swap3A_790 = tpu.vector_load %arg9[%swap3A_789] {strides = array<i32>} : memref<2048xi32, #tpu.memory_space<vmem>>, vector<16xi32>,
      %swap3A_791 = vector.shape_cast %swap3A_790 : vector<16xi32> to vector<16xi32>
      %swap3A_792 = vector.shape_cast %add3A_788 : vector<16xi32> to vector<16xi32>
      tpu.vector_store %arg9[%swap3A_789], %swap3A_792 {strides = array<i32>} : memref<2048xi32, #tpu.memory_space<vmem>>, vector<16xi32>,
      %get3A_793 = arith.constant 1 : i32
      %get3A_794 = arith.index_cast %get3A_793 : i32 to index
      %get3A_795 = arith.constant 80 : index
      %get3A_796 = tpu.vector_load %arg7[%get3A_794, %get3A_795] {strides = array<i32>} : memref<4x512xi32, #tpu.memory_space<vmem>>, vector<1x16xi32>,
      %get3A_797 = vector.shape_cast %get3A_796 : vector<1x16xi32> to vector<16xi32>
      %get3A_798 = arith.constant 80 : index
      %get3A_799 = tpu.vector_load %arg8[%get3A_798] {strides = array<i32>} : memref<512xi32, #tpu.memory_space<vmem>>, vector<16xi32>,
      %get3A_800 = vector.shape_cast %get3A_799 : vector<16xi32> to vector<16xi32>
      %add3A_801 = arith.addi %get3A_797, %get3A_800 : vector<16xi32>
      %swap3A_802 = arith.constant 592 : index
      %swap3A_803 = tpu.vector_load %arg9[%swap3A_802] {strides = array<i32>} : memref<2048xi32, #tpu.memory_space<vmem>>, vector<16xi32>,
      %swap3A_804 = vector.shape_cast %swap3A_803 : vector<16xi32> to vector<16xi32>
      %swap3A_805 = vector.shape_cast %add3A_801 : vector<16xi32> to vector<16xi32>
      tpu.vector_store %arg9[%swap3A_802], %swap3A_805 {strides = array<i32>} : memref<2048xi32, #tpu.memory_space<vmem>>, vector<16xi32>,
      %get3A_806 = arith.constant 1 : i32
      %get3A_807 = arith.index_cast %get3A_806 : i32 to index
      %get3A_808 = arith.constant 96 : index
      %get3A_809 = tpu.vector_load %arg7[%get3A_807, %get3A_808] {strides = array<i32>} : memref<4x512xi32, #tpu.memory_space<vmem>>, vector<1x16xi32>,
      %get3A_810 = vector.shape_cast %get3A_809 : vector<1x16xi32> to vector<16xi32>
      %get3A_811 = arith.constant 96 : index
      %get3A_812 = tpu.vector_load %arg8[%get3A_811] {strides = array<i32>} : memref<512xi32, #tpu.memory_space<vmem>>, vector<16xi32>,
      %get3A_813 = vector.shape_cast %get3A_812 : vector<16xi32> to vector<16xi32>
      %add3A_814 = arith.addi %get3A_810, %get3A_813 : vector<16xi32>
      %swap3A_815 = arith.constant 608 : index
      %swap3A_816 = tpu.vector_load %arg9[%swap3A_815] {strides = array<i32>} : memref<2048xi32, #tpu.memory_space<vmem>>, vector<16xi32>,
      %swap3A_817 = vector.shape_cast %swap3A_816 : vector<16xi32> to vector<16xi32>
      %swap3A_818 = vector.shape_cast %add3A_814 : vector<16xi32> to vector<16xi32>
      tpu.vector_store %arg9[%swap3A_815], %swap3A_818 {strides = array<i32>} : memref<2048xi32, #tpu.memory_space<vmem>>, vector<16xi32>,
      %get3A_819 = arith.constant 1 : i32
      %get3A_820 = arith.index_cast %get3A_819 : i32 to index
      %get3A_821 = arith.constant 112 : index
      %get3A_822 = tpu.vector_load %arg7[%get3A_820, %get3A_821] {strides = array<i32>} : memref<4x512xi32, #tpu.memory_space<vmem>>, vector<1x16xi32>,
      %get3A_823 = vector.shape_cast %get3A_822 : vector<1x16xi32> to vector<16xi32>
      %get3A_824 = arith.constant 112 : index
      %get3A_825 = tpu.vector_load %arg8[%get3A_824] {strides = array<i32>} : memref<512xi32, #tpu.memory_space<vmem>>, vector<16xi32>,
      %get3A_826 = vector.shape_cast %get3A_825 : vector<16xi32> to vector<16xi32>
      %add3A_827 = arith.addi %get3A_823, %get3A_826 : vector<16xi32>
      %swap3A_828 = arith.constant 624 : index
      %swap3A_829 = tpu.vector_load %arg9[%swap3A_828] {strides = array<i32>} : memref<2048xi32, #tpu.memory_space<vmem>>, vector<16xi32>,
      %swap3A_830 = vector.shape_cast %swap3A_829 : vector<16xi32> to vector<16xi32>
      %swap3A_831 = vector.shape_cast %add3A_827 : vector<16xi32> to vector<16xi32>
      tpu.vector_store %arg9[%swap3A_828], %swap3A_831 {strides = array<i32>} : memref<2048xi32, #tpu.memory_space<vmem>>, vector<16xi32>,
      %dma_wait3A_832 = arith.constant 0 : i32
      %dma_wait3A_833 = arith.constant 0 : i32
      %dma_wait3A_834 = tpu.memref_slice %arg5[%add3A_684, %dma_wait3A_832, %dma_wait3A_833] : memref<16384x64x128xf32, #tpu.memory_space<hbm>> -> memref<1x64x128xf32, #tpu.memory_space<hbm>>
      %dma_wait3A_835 = tpu.memref_squeeze %dma_wait3A_834 : memref<1x64x128xf32, #tpu.memory_space<hbm>> -> memref<64x128xf32, #tpu.memory_space<hbm>>
      %dma_wait3A_836 = arith.constant 0 : i32
      %dma_wait3A_837 = arith.constant 0 : i32
      %dma_wait3A_838 = tpu.memref_slice %arg5[%add3A_684, %dma_wait3A_836, %dma_wait3A_837] : memref<16384x64x128xf32, #tpu.memory_space<hbm>> -> memref<1x64x128xf32, #tpu.memory_space<hbm>>
      %dma_wait3A_839 = tpu.memref_squeeze %dma_wait3A_838 : memref<1x64x128xf32, #tpu.memory_space<hbm>> -> memref<64x128xf32, #tpu.memory_space<hbm>>
      tpu.wait_dma2 semaphore(%arg14 : memref<!tpu.dma_semaphore, #tpu.memory_space<semaphore_mem>>) src(%arg10 : memref<64x128xf32, #tpu.memory_space<vmem>>) dst(%dma_wait3A_839 : memref<64x128xf32, #tpu.memory_space<hbm>>)
      %dma_start3A_840 = arith.constant 576 : i32
      %dma_start3A_841 = tpu.memref_slice %arg9[%dma_start3A_840] : memref<2048xi32, #tpu.memory_space<vmem>> -> memref<64xi32, #tpu.memory_space<vmem>>
      %dma_start3A_842 = arith.constant 0 : i32
      %dma_start3A_843 = arith.constant 0 : i32
      %dma_start3A_844 = tpu.memref_slice %arg6[%dma_start3A_842, %dma_start3A_843] : memref<12288x128xf32, #tpu.memory_space<vmem_shared>> -> memref<12288x128xf32, #tpu.memory_space<vmem_shared>>
      tpu.enqueue_indirect_dma source(%dma_start3A_844 : memref<12288x128xf32, #tpu.memory_space<vmem_shared>>) target(%arg10 : memref<64x128xf32, #tpu.memory_space<vmem>>) offsets(%dma_start3A_841 : memref<64xi32, #tpu.memory_space<vmem>>) semaphore(%arg13 : memref<!tpu.dma_semaphore, #tpu.memory_space<semaphore_mem>>)
      %dma_wait3A_845 = arith.constant 512 : i32
      %dma_wait3A_846 = tpu.memref_slice %arg9[%dma_wait3A_845] : memref<2048xi32, #tpu.memory_space<vmem>> -> memref<64xi32, #tpu.memory_space<vmem>>
      %dma_wait3A_847 = arith.constant 0 : i32
      %dma_wait3A_848 = arith.constant 0 : i32
      %dma_wait3A_849 = tpu.memref_slice %arg6[%dma_wait3A_847, %dma_wait3A_848] : memref<12288x128xf32, #tpu.memory_space<vmem_shared>> -> memref<12288x128xf32, #tpu.memory_space<vmem_shared>>
      tpu.wait_indirect_dma semaphore(%arg13 : memref<!tpu.dma_semaphore, #tpu.memory_space<semaphore_mem>>) src(%dma_wait3A_849 : memref<12288x128xf32, #tpu.memory_space<vmem_shared>>) dst(%arg12 : memref<64x128xf32, #tpu.memory_space<vmem>>)
      %add3A_850 = arith.constant 1 : i32
      %add3A_851 = arith.addi %add3A_41, %add3A_850 : i32
      %mul3A_852 = arith.constant 16 : i32
      %mul3A_853 = arith.muli %add3A_851, %mul3A_852 : i32
      %mul3A_854 = arith.constant 8 : i32
      %mul3A_855 = arith.muli %arg0, %mul3A_854 : i32
      %add3A_856 = arith.addi %mul3A_853, %mul3A_855 : i32
      %add3A_857 = arith.constant 0 : i32
      %add3A_858 = arith.addi %add3A_856, %add3A_857 : i32
      %dma_start3A_859 = arith.constant 0 : i32
      %dma_start3A_860 = arith.constant 0 : i32
      %dma_start3A_861 = tpu.memref_slice %arg5[%add3A_858, %dma_start3A_859, %dma_start3A_860] : memref<16384x64x128xf32, #tpu.memory_space<hbm>> -> memref<1x64x128xf32, #tpu.memory_space<hbm>>
      %dma_start3A_862 = tpu.memref_squeeze %dma_start3A_861 : memref<1x64x128xf32, #tpu.memory_space<hbm>> -> memref<64x128xf32, #tpu.memory_space<hbm>>
      %dma_start3A_863 = arith.constant 0 : i32
      %dma_start3A_864 = arith.constant 0 : i32
      %dma_start3A_865 = tpu.memref_slice %arg5[%add3A_858, %dma_start3A_863, %dma_start3A_864] : memref<16384x64x128xf32, #tpu.memory_space<hbm>> -> memref<1x64x128xf32, #tpu.memory_space<hbm>>
      %dma_start3A_866 = tpu.memref_squeeze %dma_start3A_865 : memref<1x64x128xf32, #tpu.memory_space<hbm>> -> memref<64x128xf32, #tpu.memory_space<hbm>>
      tpu.enqueue_dma source(%arg12 : memref<64x128xf32, #tpu.memory_space<vmem>>) target(%dma_start3A_866 : memref<64x128xf32, #tpu.memory_space<hbm>>) target_semaphore(%arg14 : memref<!tpu.dma_semaphore, #tpu.memory_space<semaphore_mem>>)
      %get3A_867 = arith.constant 1 : i32
      %get3A_868 = arith.index_cast %get3A_867 : i32 to index
      %get3A_869 = arith.constant 128 : index
      %get3A_870 = tpu.vector_load %arg7[%get3A_868, %get3A_869] {strides = array<i32>} : memref<4x512xi32, #tpu.memory_space<vmem>>, vector<1x16xi32>,
      %get3A_871 = vector.shape_cast %get3A_870 : vector<1x16xi32> to vector<16xi32>
      %get3A_872 = arith.constant 128 : index
      %get3A_873 = tpu.vector_load %arg8[%get3A_872] {strides = array<i32>} : memref<512xi32, #tpu.memory_space<vmem>>, vector<16xi32>,
      %get3A_874 = vector.shape_cast %get3A_873 : vector<16xi32> to vector<16xi32>
      %add3A_875 = arith.addi %get3A_871, %get3A_874 : vector<16xi32>
      %swap3A_876 = arith.constant 640 : index
      %swap3A_877 = tpu.vector_load %arg9[%swap3A_876] {strides = array<i32>} : memref<2048xi32, #tpu.memory_space<vmem>>, vector<16xi32>,
      %swap3A_878 = vector.shape_cast %swap3A_877 : vector<16xi32> to vector<16xi32>
      %swap3A_879 = vector.shape_cast %add3A_875 : vector<16xi32> to vector<16xi32>
      tpu.vector_store %arg9[%swap3A_876], %swap3A_879 {strides = array<i32>} : memref<2048xi32, #tpu.memory_space<vmem>>, vector<16xi32>,
      %get3A_880 = arith.constant 1 : i32
      %get3A_881 = arith.index_cast %get3A_880 : i32 to index
      %get3A_882 = arith.constant 144 : index
      %get3A_883 = tpu.vector_load %arg7[%get3A_881, %get3A_882] {strides = array<i32>} : memref<4x512xi32, #tpu.memory_space<vmem>>, vector<1x16xi32>,
      %get3A_884 = vector.shape_cast %get3A_883 : vector<1x16xi32> to vector<16xi32>
      %get3A_885 = arith.constant 144 : index
      %get3A_886 = tpu.vector_load %arg8[%get3A_885] {strides = array<i32>} : memref<512xi32, #tpu.memory_space<vmem>>, vector<16xi32>,
      %get3A_887 = vector.shape_cast %get3A_886 : vector<16xi32> to vector<16xi32>
      %add3A_888 = arith.addi %get3A_884, %get3A_887 : vector<16xi32>
      %swap3A_889 = arith.constant 656 : index
      %swap3A_890 = tpu.vector_load %arg9[%swap3A_889] {strides = array<i32>} : memref<2048xi32, #tpu.memory_space<vmem>>, vector<16xi32>,
      %swap3A_891 = vector.shape_cast %swap3A_890 : vector<16xi32> to vector<16xi32>
      %swap3A_892 = vector.shape_cast %add3A_888 : vector<16xi32> to vector<16xi32>
      tpu.vector_store %arg9[%swap3A_889], %swap3A_892 {strides = array<i32>} : memref<2048xi32, #tpu.memory_space<vmem>>, vector<16xi32>,
      %get3A_893 = arith.constant 1 : i32
      %get3A_894 = arith.index_cast %get3A_893 : i32 to index
      %get3A_895 = arith.constant 160 : index
      %get3A_896 = tpu.vector_load %arg7[%get3A_894, %get3A_895] {strides = array<i32>} : memref<4x512xi32, #tpu.memory_space<vmem>>, vector<1x16xi32>,
      %get3A_897 = vector.shape_cast %get3A_896 : vector<1x16xi32> to vector<16xi32>
      %get3A_898 = arith.constant 160 : index
      %get3A_899 = tpu.vector_load %arg8[%get3A_898] {strides = array<i32>} : memref<512xi32, #tpu.memory_space<vmem>>, vector<16xi32>,
      %get3A_900 = vector.shape_cast %get3A_899 : vector<16xi32> to vector<16xi32>
      %add3A_901 = arith.addi %get3A_897, %get3A_900 : vector<16xi32>
      %swap3A_902 = arith.constant 672 : index
      %swap3A_903 = tpu.vector_load %arg9[%swap3A_902] {strides = array<i32>} : memref<2048xi32, #tpu.memory_space<vmem>>, vector<16xi32>,
      %swap3A_904 = vector.shape_cast %swap3A_903 : vector<16xi32> to vector<16xi32>
      %swap3A_905 = vector.shape_cast %add3A_901 : vector<16xi32> to vector<16xi32>
      tpu.vector_store %arg9[%swap3A_902], %swap3A_905 {strides = array<i32>} : memref<2048xi32, #tpu.memory_space<vmem>>, vector<16xi32>,
      %get3A_906 = arith.constant 1 : i32
      %get3A_907 = arith.index_cast %get3A_906 : i32 to index
      %get3A_908 = arith.constant 176 : index
      %get3A_909 = tpu.vector_load %arg7[%get3A_907, %get3A_908] {strides = array<i32>} : memref<4x512xi32, #tpu.memory_space<vmem>>, vector<1x16xi32>,
      %get3A_910 = vector.shape_cast %get3A_909 : vector<1x16xi32> to vector<16xi32>
      %get3A_911 = arith.constant 176 : index
      %get3A_912 = tpu.vector_load %arg8[%get3A_911] {strides = array<i32>} : memref<512xi32, #tpu.memory_space<vmem>>, vector<16xi32>,
      %get3A_913 = vector.shape_cast %get3A_912 : vector<16xi32> to vector<16xi32>
      %add3A_914 = arith.addi %get3A_910, %get3A_913 : vector<16xi32>
      %swap3A_915 = arith.constant 688 : index
      %swap3A_916 = tpu.vector_load %arg9[%swap3A_915] {strides = array<i32>} : memref<2048xi32, #tpu.memory_space<vmem>>, vector<16xi32>,
      %swap3A_917 = vector.shape_cast %swap3A_916 : vector<16xi32> to vector<16xi32>
      %swap3A_918 = vector.shape_cast %add3A_914 : vector<16xi32> to vector<16xi32>
      tpu.vector_store %arg9[%swap3A_915], %swap3A_918 {strides = array<i32>} : memref<2048xi32, #tpu.memory_space<vmem>>, vector<16xi32>,
      %dma_wait3A_919 = arith.constant 0 : i32
      %dma_wait3A_920 = arith.constant 0 : i32
      %dma_wait3A_921 = tpu.memref_slice %arg5[%add3A_771, %dma_wait3A_919, %dma_wait3A_920] : memref<16384x64x128xf32, #tpu.memory_space<hbm>> -> memref<1x64x128xf32, #tpu.memory_space<hbm>>
      %dma_wait3A_922 = tpu.memref_squeeze %dma_wait3A_921 : memref<1x64x128xf32, #tpu.memory_space<hbm>> -> memref<64x128xf32, #tpu.memory_space<hbm>>
      %dma_wait3A_923 = arith.constant 0 : i32
      %dma_wait3A_924 = arith.constant 0 : i32
      %dma_wait3A_925 = tpu.memref_slice %arg5[%add3A_771, %dma_wait3A_923, %dma_wait3A_924] : memref<16384x64x128xf32, #tpu.memory_space<hbm>> -> memref<1x64x128xf32, #tpu.memory_space<hbm>>
      %dma_wait3A_926 = tpu.memref_squeeze %dma_wait3A_925 : memref<1x64x128xf32, #tpu.memory_space<hbm>> -> memref<64x128xf32, #tpu.memory_space<hbm>>
      tpu.wait_dma2 semaphore(%arg14 : memref<!tpu.dma_semaphore, #tpu.memory_space<semaphore_mem>>) src(%arg11 : memref<64x128xf32, #tpu.memory_space<vmem>>) dst(%dma_wait3A_926 : memref<64x128xf32, #tpu.memory_space<hbm>>)
      %dma_start3A_927 = arith.constant 640 : i32
      %dma_start3A_928 = tpu.memref_slice %arg9[%dma_start3A_927] : memref<2048xi32, #tpu.memory_space<vmem>> -> memref<64xi32, #tpu.memory_space<vmem>>
      %dma_start3A_929 = arith.constant 0 : i32
      %dma_start3A_930 = arith.constant 0 : i32
      %dma_start3A_931 = tpu.memref_slice %arg6[%dma_start3A_929, %dma_start3A_930] : memref<12288x128xf32, #tpu.memory_space<vmem_shared>> -> memref<12288x128xf32, #tpu.memory_space<vmem_shared>>
      tpu.enqueue_indirect_dma source(%dma_start3A_931 : memref<12288x128xf32, #tpu.memory_space<vmem_shared>>) target(%arg11 : memref<64x128xf32, #tpu.memory_space<vmem>>) offsets(%dma_start3A_928 : memref<64xi32, #tpu.memory_space<vmem>>) semaphore(%arg13 : memref<!tpu.dma_semaphore, #tpu.memory_space<semaphore_mem>>)
      %dma_wait3A_932 = arith.constant 576 : i32
      %dma_wait3A_933 = tpu.memref_slice %arg9[%dma_wait3A_932] : memref<2048xi32, #tpu.memory_space<vmem>> -> memref<64xi32, #tpu.memory_space<vmem>>
      %dma_wait3A_934 = arith.constant 0 : i32
      %dma_wait3A_935 = arith.constant 0 : i32
      %dma_wait3A_936 = tpu.memref_slice %arg6[%dma_wait3A_934, %dma_wait3A_935] : memref<12288x128xf32, #tpu.memory_space<vmem_shared>> -> memref<12288x128xf32, #tpu.memory_space<vmem_shared>>
      tpu.wait_indirect_dma semaphore(%arg13 : memref<!tpu.dma_semaphore, #tpu.memory_space<semaphore_mem>>) src(%dma_wait3A_936 : memref<12288x128xf32, #tpu.memory_space<vmem_shared>>) dst(%arg10 : memref<64x128xf32, #tpu.memory_space<vmem>>)
      %add3A_937 = arith.constant 1 : i32
      %add3A_938 = arith.addi %add3A_41, %add3A_937 : i32
      %mul3A_939 = arith.constant 16 : i32
      %mul3A_940 = arith.muli %add3A_938, %mul3A_939 : i32
      %mul3A_941 = arith.constant 8 : i32
      %mul3A_942 = arith.muli %arg0, %mul3A_941 : i32
      %add3A_943 = arith.addi %mul3A_940, %mul3A_942 : i32
      %add3A_944 = arith.constant 1 : i32
      %add3A_945 = arith.addi %add3A_943, %add3A_944 : i32
      %dma_start3A_946 = arith.constant 0 : i32
      %dma_start3A_947 = arith.constant 0 : i32
      %dma_start3A_948 = tpu.memref_slice %arg5[%add3A_945, %dma_start3A_946, %dma_start3A_947] : memref<16384x64x128xf32, #tpu.memory_space<hbm>> -> memref<1x64x128xf32, #tpu.memory_space<hbm>>
      %dma_start3A_949 = tpu.memref_squeeze %dma_start3A_948 : memref<1x64x128xf32, #tpu.memory_space<hbm>> -> memref<64x128xf32, #tpu.memory_space<hbm>>
      %dma_start3A_950 = arith.constant 0 : i32
      %dma_start3A_951 = arith.constant 0 : i32
      %dma_start3A_952 = tpu.memref_slice %arg5[%add3A_945, %dma_start3A_950, %dma_start3A_951] : memref<16384x64x128xf32, #tpu.memory_space<hbm>> -> memref<1x64x128xf32, #tpu.memory_space<hbm>>
      %dma_start3A_953 = tpu.memref_squeeze %dma_start3A_952 : memref<1x64x128xf32, #tpu.memory_space<hbm>> -> memref<64x128xf32, #tpu.memory_space<hbm>>
      tpu.enqueue_dma source(%arg10 : memref<64x128xf32, #tpu.memory_space<vmem>>) target(%dma_start3A_953 : memref<64x128xf32, #tpu.memory_space<hbm>>) target_semaphore(%arg14 : memref<!tpu.dma_semaphore, #tpu.memory_space<semaphore_mem>>)
      %get3A_954 = arith.constant 1 : i32
      %get3A_955 = arith.index_cast %get3A_954 : i32 to index
      %get3A_956 = arith.constant 192 : index
      %get3A_957 = tpu.vector_load %arg7[%get3A_955, %get3A_956] {strides = array<i32>} : memref<4x512xi32, #tpu.memory_space<vmem>>, vector<1x16xi32>,
      %get3A_958 = vector.shape_cast %get3A_957 : vector<1x16xi32> to vector<16xi32>
      %get3A_959 = arith.constant 192 : index
      %get3A_960 = tpu.vector_load %arg8[%get3A_959] {strides = array<i32>} : memref<512xi32, #tpu.memory_space<vmem>>, vector<16xi32>,
      %get3A_961 = vector.shape_cast %get3A_960 : vector<16xi32> to vector<16xi32>
      %add3A_962 = arith.addi %get3A_958, %get3A_961 : vector<16xi32>
      %swap3A_963 = arith.constant 704 : index
      %swap3A_964 = tpu.vector_load %arg9[%swap3A_963] {strides = array<i32>} : memref<2048xi32, #tpu.memory_space<vmem>>, vector<16xi32>,
      %swap3A_965 = vector.shape_cast %swap3A_964 : vector<16xi32> to vector<16xi32>
      %swap3A_966 = vector.shape_cast %add3A_962 : vector<16xi32> to vector<16xi32>
      tpu.vector_store %arg9[%swap3A_963], %swap3A_966 {strides = array<i32>} : memref<2048xi32, #tpu.memory_space<vmem>>, vector<16xi32>,
      %get3A_967 = arith.constant 1 : i32
      %get3A_968 = arith.index_cast %get3A_967 : i32 to index
      %get3A_969 = arith.constant 208 : index
      %get3A_970 = tpu.vector_load %arg7[%get3A_968, %get3A_969] {strides = array<i32>} : memref<4x512xi32, #tpu.memory_space<vmem>>, vector<1x16xi32>,
      %get3A_971 = vector.shape_cast %get3A_970 : vector<1x16xi32> to vector<16xi32>
      %get3A_972 = arith.constant 208 : index
      %get3A_973 = tpu.vector_load %arg8[%get3A_972] {strides = array<i32>} : memref<512xi32, #tpu.memory_space<vmem>>, vector<16xi32>,
      %get3A_974 = vector.shape_cast %get3A_973 : vector<16xi32> to vector<16xi32>
      %add3A_975 = arith.addi %get3A_971, %get3A_974 : vector<16xi32>
      %swap3A_976 = arith.constant 720 : index
      %swap3A_977 = tpu.vector_load %arg9[%swap3A_976] {strides = array<i32>} : memref<2048xi32, #tpu.memory_space<vmem>>, vector<16xi32>,
      %swap3A_978 = vector.shape_cast %swap3A_977 : vector<16xi32> to vector<16xi32>
      %swap3A_979 = vector.shape_cast %add3A_975 : vector<16xi32> to vector<16xi32>
      tpu.vector_store %arg9[%swap3A_976], %swap3A_979 {strides = array<i32>} : memref<2048xi32, #tpu.memory_space<vmem>>, vector<16xi32>,
      %get3A_980 = arith.constant 1 : i32
      %get3A_981 = arith.index_cast %get3A_980 : i32 to index
      %get3A_982 = arith.constant 224 : index
      %get3A_983 = tpu.vector_load %arg7[%get3A_981, %get3A_982] {strides = array<i32>} : memref<4x512xi32, #tpu.memory_space<vmem>>, vector<1x16xi32>,
      %get3A_984 = vector.shape_cast %get3A_983 : vector<1x16xi32> to vector<16xi32>
      %get3A_985 = arith.constant 224 : index
      %get3A_986 = tpu.vector_load %arg8[%get3A_985] {strides = array<i32>} : memref<512xi32, #tpu.memory_space<vmem>>, vector<16xi32>,
      %get3A_987 = vector.shape_cast %get3A_986 : vector<16xi32> to vector<16xi32>
      %add3A_988 = arith.addi %get3A_984, %get3A_987 : vector<16xi32>
      %swap3A_989 = arith.constant 736 : index
      %swap3A_990 = tpu.vector_load %arg9[%swap3A_989] {strides = array<i32>} : memref<2048xi32, #tpu.memory_space<vmem>>, vector<16xi32>,
      %swap3A_991 = vector.shape_cast %swap3A_990 : vector<16xi32> to vector<16xi32>
      %swap3A_992 = vector.shape_cast %add3A_988 : vector<16xi32> to vector<16xi32>
      tpu.vector_store %arg9[%swap3A_989], %swap3A_992 {strides = array<i32>} : memref<2048xi32, #tpu.memory_space<vmem>>, vector<16xi32>,
      %get3A_993 = arith.constant 1 : i32
      %get3A_994 = arith.index_cast %get3A_993 : i32 to index
      %get3A_995 = arith.constant 240 : index
      %get3A_996 = tpu.vector_load %arg7[%get3A_994, %get3A_995] {strides = array<i32>} : memref<4x512xi32, #tpu.memory_space<vmem>>, vector<1x16xi32>,
      %get3A_997 = vector.shape_cast %get3A_996 : vector<1x16xi32> to vector<16xi32>
      %get3A_998 = arith.constant 240 : index
      %get3A_999 = tpu.vector_load %arg8[%get3A_998] {strides = array<i32>} : memref<512xi32, #tpu.memory_space<vmem>>, vector<16xi32>,
      %get3A_1000 = vector.shape_cast %get3A_999 : vector<16xi32> to vector<16xi32>
      %add3A_1001 = arith.addi %get3A_997, %get3A_1000 : vector<16xi32>
      %swap3A_1002 = arith.constant 752 : index
      %swap3A_1003 = tpu.vector_load %arg9[%swap3A_1002] {strides = array<i32>} : memref<2048xi32, #tpu.memory_space<vmem>>, vector<16xi32>,
      %swap3A_1004 = vector.shape_cast %swap3A_1003 : vector<16xi32> to vector<16xi32>
      %swap3A_1005 = vector.shape_cast %add3A_1001 : vector<16xi32> to vector<16xi32>
      tpu.vector_store %arg9[%swap3A_1002], %swap3A_1005 {strides = array<i32>} : memref<2048xi32, #tpu.memory_space<vmem>>, vector<16xi32>,
      %dma_wait3A_1006 = arith.constant 0 : i32
      %dma_wait3A_1007 = arith.constant 0 : i32
      %dma_wait3A_1008 = tpu.memref_slice %arg5[%add3A_858, %dma_wait3A_1006, %dma_wait3A_1007] : memref<16384x64x128xf32, #tpu.memory_space<hbm>> -> memref<1x64x128xf32, #tpu.memory_space<hbm>>
      %dma_wait3A_1009 = tpu.memref_squeeze %dma_wait3A_1008 : memref<1x64x128xf32, #tpu.memory_space<hbm>> -> memref<64x128xf32, #tpu.memory_space<hbm>>
      %dma_wait3A_1010 = arith.constant 0 : i32
      %dma_wait3A_1011 = arith.constant 0 : i32
      %dma_wait3A_1012 = tpu.memref_slice %arg5[%add3A_858, %dma_wait3A_1010, %dma_wait3A_1011] : memref<16384x64x128xf32, #tpu.memory_space<hbm>> -> memref<1x64x128xf32, #tpu.memory_space<hbm>>
      %dma_wait3A_1013 = tpu.memref_squeeze %dma_wait3A_1012 : memref<1x64x128xf32, #tpu.memory_space<hbm>> -> memref<64x128xf32, #tpu.memory_space<hbm>>
      tpu.wait_dma2 semaphore(%arg14 : memref<!tpu.dma_semaphore, #tpu.memory_space<semaphore_mem>>) src(%arg12 : memref<64x128xf32, #tpu.memory_space<vmem>>) dst(%dma_wait3A_1013 : memref<64x128xf32, #tpu.memory_space<hbm>>)
      %dma_start3A_1014 = arith.constant 704 : i32
      %dma_start3A_1015 = tpu.memref_slice %arg9[%dma_start3A_1014] : memref<2048xi32, #tpu.memory_space<vmem>> -> memref<64xi32, #tpu.memory_space<vmem>>
      %dma_start3A_1016 = arith.constant 0 : i32
      %dma_start3A_1017 = arith.constant 0 : i32
      %dma_start3A_1018 = tpu.memref_slice %arg6[%dma_start3A_1016, %dma_start3A_1017] : memref<12288x128xf32, #tpu.memory_space<vmem_shared>> -> memref<12288x128xf32, #tpu.memory_space<vmem_shared>>
      tpu.enqueue_indirect_dma source(%dma_start3A_1018 : memref<12288x128xf32, #tpu.memory_space<vmem_shared>>) target(%arg12 : memref<64x128xf32, #tpu.memory_space<vmem>>) offsets(%dma_start3A_1015 : memref<64xi32, #tpu.memory_space<vmem>>) semaphore(%arg13 : memref<!tpu.dma_semaphore, #tpu.memory_space<semaphore_mem>>)
      %dma_wait3A_1019 = arith.constant 640 : i32
      %dma_wait3A_1020 = tpu.memref_slice %arg9[%dma_wait3A_1019] : memref<2048xi32, #tpu.memory_space<vmem>> -> memref<64xi32, #tpu.memory_space<vmem>>
      %dma_wait3A_1021 = arith.constant 0 : i32
      %dma_wait3A_1022 = arith.constant 0 : i32
      %dma_wait3A_1023 = tpu.memref_slice %arg6[%dma_wait3A_1021, %dma_wait3A_1022] : memref<12288x128xf32, #tpu.memory_space<vmem_shared>> -> memref<12288x128xf32, #tpu.memory_space<vmem_shared>>
      tpu.wait_indirect_dma semaphore(%arg13 : memref<!tpu.dma_semaphore, #tpu.memory_space<semaphore_mem>>) src(%dma_wait3A_1023 : memref<12288x128xf32, #tpu.memory_space<vmem_shared>>) dst(%arg11 : memref<64x128xf32, #tpu.memory_space<vmem>>)
      %add3A_1024 = arith.constant 1 : i32
      %add3A_1025 = arith.addi %add3A_41, %add3A_1024 : i32
      %mul3A_1026 = arith.constant 16 : i32
      %mul3A_1027 = arith.muli %add3A_1025, %mul3A_1026 : i32
      %mul3A_1028 = arith.constant 8 : i32
      %mul3A_1029 = arith.muli %arg0, %mul3A_1028 : i32
      %add3A_1030 = arith.addi %mul3A_1027, %mul3A_1029 : i32
      %add3A_1031 = arith.constant 2 : i32
      %add3A_1032 = arith.addi %add3A_1030, %add3A_1031 : i32
      %dma_start3A_1033 = arith.constant 0 : i32
      %dma_start3A_1034 = arith.constant 0 : i32
      %dma_start3A_1035 = tpu.memref_slice %arg5[%add3A_1032, %dma_start3A_1033, %dma_start3A_1034] : memref<16384x64x128xf32, #tpu.memory_space<hbm>> -> memref<1x64x128xf32, #tpu.memory_space<hbm>>
      %dma_start3A_1036 = tpu.memref_squeeze %dma_start3A_1035 : memref<1x64x128xf32, #tpu.memory_space<hbm>> -> memref<64x128xf32, #tpu.memory_space<hbm>>
      %dma_start3A_1037 = arith.constant 0 : i32
      %dma_start3A_1038 = arith.constant 0 : i32
      %dma_start3A_1039 = tpu.memref_slice %arg5[%add3A_1032, %dma_start3A_1037, %dma_start3A_1038] : memref<16384x64x128xf32, #tpu.memory_space<hbm>> -> memref<1x64x128xf32, #tpu.memory_space<hbm>>
      %dma_start3A_1040 = tpu.memref_squeeze %dma_start3A_1039 : memref<1x64x128xf32, #tpu.memory_space<hbm>> -> memref<64x128xf32, #tpu.memory_space<hbm>>
      tpu.enqueue_dma source(%arg11 : memref<64x128xf32, #tpu.memory_space<vmem>>) target(%dma_start3A_1040 : memref<64x128xf32, #tpu.memory_space<hbm>>) target_semaphore(%arg14 : memref<!tpu.dma_semaphore, #tpu.memory_space<semaphore_mem>>)
      %get3A_1041 = arith.constant 1 : i32
      %get3A_1042 = arith.index_cast %get3A_1041 : i32 to index
      %get3A_1043 = arith.constant 256 : index
      %get3A_1044 = tpu.vector_load %arg7[%get3A_1042, %get3A_1043] {strides = array<i32>} : memref<4x512xi32, #tpu.memory_space<vmem>>, vector<1x16xi32>,
      %get3A_1045 = vector.shape_cast %get3A_1044 : vector<1x16xi32> to vector<16xi32>
      %get3A_1046 = arith.constant 256 : index
      %get3A_1047 = tpu.vector_load %arg8[%get3A_1046] {strides = array<i32>} : memref<512xi32, #tpu.memory_space<vmem>>, vector<16xi32>,
      %get3A_1048 = vector.shape_cast %get3A_1047 : vector<16xi32> to vector<16xi32>
      %add3A_1049 = arith.addi %get3A_1045, %get3A_1048 : vector<16xi32>
      %swap3A_1050 = arith.constant 768 : index
      %swap3A_1051 = tpu.vector_load %arg9[%swap3A_1050] {strides = array<i32>} : memref<2048xi32, #tpu.memory_space<vmem>>, vector<16xi32>,
      %swap3A_1052 = vector.shape_cast %swap3A_1051 : vector<16xi32> to vector<16xi32>
      %swap3A_1053 = vector.shape_cast %add3A_1049 : vector<16xi32> to vector<16xi32>
      tpu.vector_store %arg9[%swap3A_1050], %swap3A_1053 {strides = array<i32>} : memref<2048xi32, #tpu.memory_space<vmem>>, vector<16xi32>,
      %get3A_1054 = arith.constant 1 : i32
      %get3A_1055 = arith.index_cast %get3A_1054 : i32 to index
      %get3A_1056 = arith.constant 272 : index
      %get3A_1057 = tpu.vector_load %arg7[%get3A_1055, %get3A_1056] {strides = array<i32>} : memref<4x512xi32, #tpu.memory_space<vmem>>, vector<1x16xi32>,
      %get3A_1058 = vector.shape_cast %get3A_1057 : vector<1x16xi32> to vector<16xi32>
      %get3A_1059 = arith.constant 272 : index
      %get3A_1060 = tpu.vector_load %arg8[%get3A_1059] {strides = array<i32>} : memref<512xi32, #tpu.memory_space<vmem>>, vector<16xi32>,
      %get3A_1061 = vector.shape_cast %get3A_1060 : vector<16xi32> to vector<16xi32>
      %add3A_1062 = arith.addi %get3A_1058, %get3A_1061 : vector<16xi32>
      %swap3A_1063 = arith.constant 784 : index
      %swap3A_1064 = tpu.vector_load %arg9[%swap3A_1063] {strides = array<i32>} : memref<2048xi32, #tpu.memory_space<vmem>>, vector<16xi32>,
      %swap3A_1065 = vector.shape_cast %swap3A_1064 : vector<16xi32> to vector<16xi32>
      %swap3A_1066 = vector.shape_cast %add3A_1062 : vector<16xi32> to vector<16xi32>
      tpu.vector_store %arg9[%swap3A_1063], %swap3A_1066 {strides = array<i32>} : memref<2048xi32, #tpu.memory_space<vmem>>, vector<16xi32>,
      %get3A_1067 = arith.constant 1 : i32
      %get3A_1068 = arith.index_cast %get3A_1067 : i32 to index
      %get3A_1069 = arith.constant 288 : index
      %get3A_1070 = tpu.vector_load %arg7[%get3A_1068, %get3A_1069] {strides = array<i32>} : memref<4x512xi32, #tpu.memory_space<vmem>>, vector<1x16xi32>,
      %get3A_1071 = vector.shape_cast %get3A_1070 : vector<1x16xi32> to vector<16xi32>
      %get3A_1072 = arith.constant 288 : index
      %get3A_1073 = tpu.vector_load %arg8[%get3A_1072] {strides = array<i32>} : memref<512xi32, #tpu.memory_space<vmem>>, vector<16xi32>,
      %get3A_1074 = vector.shape_cast %get3A_1073 : vector<16xi32> to vector<16xi32>
      %add3A_1075 = arith.addi %get3A_1071, %get3A_1074 : vector<16xi32>
      %swap3A_1076 = arith.constant 800 : index
      %swap3A_1077 = tpu.vector_load %arg9[%swap3A_1076] {strides = array<i32>} : memref<2048xi32, #tpu.memory_space<vmem>>, vector<16xi32>,
      %swap3A_1078 = vector.shape_cast %swap3A_1077 : vector<16xi32> to vector<16xi32>
      %swap3A_1079 = vector.shape_cast %add3A_1075 : vector<16xi32> to vector<16xi32>
      tpu.vector_store %arg9[%swap3A_1076], %swap3A_1079 {strides = array<i32>} : memref<2048xi32, #tpu.memory_space<vmem>>, vector<16xi32>,
      %get3A_1080 = arith.constant 1 : i32
      %get3A_1081 = arith.index_cast %get3A_1080 : i32 to index
      %get3A_1082 = arith.constant 304 : index
      %get3A_1083 = tpu.vector_load %arg7[%get3A_1081, %get3A_1082] {strides = array<i32>} : memref<4x512xi32, #tpu.memory_space<vmem>>, vector<1x16xi32>,
      %get3A_1084 = vector.shape_cast %get3A_1083 : vector<1x16xi32> to vector<16xi32>
      %get3A_1085 = arith.constant 304 : index
      %get3A_1086 = tpu.vector_load %arg8[%get3A_1085] {strides = array<i32>} : memref<512xi32, #tpu.memory_space<vmem>>, vector<16xi32>,
      %get3A_1087 = vector.shape_cast %get3A_1086 : vector<16xi32> to vector<16xi32>
      %add3A_1088 = arith.addi %get3A_1084, %get3A_1087 : vector<16xi32>
      %swap3A_1089 = arith.constant 816 : index
      %swap3A_1090 = tpu.vector_load %arg9[%swap3A_1089] {strides = array<i32>} : memref<2048xi32, #tpu.memory_space<vmem>>, vector<16xi32>,
      %swap3A_1091 = vector.shape_cast %swap3A_1090 : vector<16xi32> to vector<16xi32>
      %swap3A_1092 = vector.shape_cast %add3A_1088 : vector<16xi32> to vector<16xi32>
      tpu.vector_store %arg9[%swap3A_1089], %swap3A_1092 {strides = array<i32>} : memref<2048xi32, #tpu.memory_space<vmem>>, vector<16xi32>,
      %dma_wait3A_1093 = arith.constant 0 : i32
      %dma_wait3A_1094 = arith.constant 0 : i32
      %dma_wait3A_1095 = tpu.memref_slice %arg5[%add3A_945, %dma_wait3A_1093, %dma_wait3A_1094] : memref<16384x64x128xf32, #tpu.memory_space<hbm>> -> memref<1x64x128xf32, #tpu.memory_space<hbm>>
      %dma_wait3A_1096 = tpu.memref_squeeze %dma_wait3A_1095 : memref<1x64x128xf32, #tpu.memory_space<hbm>> -> memref<64x128xf32, #tpu.memory_space<hbm>>
      %dma_wait3A_1097 = arith.constant 0 : i32
      %dma_wait3A_1098 = arith.constant 0 : i32
      %dma_wait3A_1099 = tpu.memref_slice %arg5[%add3A_945, %dma_wait3A_1097, %dma_wait3A_1098] : memref<16384x64x128xf32, #tpu.memory_space<hbm>> -> memref<1x64x128xf32, #tpu.memory_space<hbm>>
      %dma_wait3A_1100 = tpu.memref_squeeze %dma_wait3A_1099 : memref<1x64x128xf32, #tpu.memory_space<hbm>> -> memref<64x128xf32, #tpu.memory_space<hbm>>
      tpu.wait_dma2 semaphore(%arg14 : memref<!tpu.dma_semaphore, #tpu.memory_space<semaphore_mem>>) src(%arg10 : memref<64x128xf32, #tpu.memory_space<vmem>>) dst(%dma_wait3A_1100 : memref<64x128xf32, #tpu.memory_space<hbm>>)
      %dma_start3A_1101 = arith.constant 768 : i32
      %dma_start3A_1102 = tpu.memref_slice %arg9[%dma_start3A_1101] : memref<2048xi32, #tpu.memory_space<vmem>> -> memref<64xi32, #tpu.memory_space<vmem>>
      %dma_start3A_1103 = arith.constant 0 : i32
      %dma_start3A_1104 = arith.constant 0 : i32
      %dma_start3A_1105 = tpu.memref_slice %arg6[%dma_start3A_1103, %dma_start3A_1104] : memref<12288x128xf32, #tpu.memory_space<vmem_shared>> -> memref<12288x128xf32, #tpu.memory_space<vmem_shared>>
      tpu.enqueue_indirect_dma source(%dma_start3A_1105 : memref<12288x128xf32, #tpu.memory_space<vmem_shared>>) target(%arg10 : memref<64x128xf32, #tpu.memory_space<vmem>>) offsets(%dma_start3A_1102 : memref<64xi32, #tpu.memory_space<vmem>>) semaphore(%arg13 : memref<!tpu.dma_semaphore, #tpu.memory_space<semaphore_mem>>)
      %dma_wait3A_1106 = arith.constant 704 : i32
      %dma_wait3A_1107 = tpu.memref_slice %arg9[%dma_wait3A_1106] : memref<2048xi32, #tpu.memory_space<vmem>> -> memref<64xi32, #tpu.memory_space<vmem>>
      %dma_wait3A_1108 = arith.constant 0 : i32
      %dma_wait3A_1109 = arith.constant 0 : i32
      %dma_wait3A_1110 = tpu.memref_slice %arg6[%dma_wait3A_1108, %dma_wait3A_1109] : memref<12288x128xf32, #tpu.memory_space<vmem_shared>> -> memref<12288x128xf32, #tpu.memory_space<vmem_shared>>
      tpu.wait_indirect_dma semaphore(%arg13 : memref<!tpu.dma_semaphore, #tpu.memory_space<semaphore_mem>>) src(%dma_wait3A_1110 : memref<12288x128xf32, #tpu.memory_space<vmem_shared>>) dst(%arg12 : memref<64x128xf32, #tpu.memory_space<vmem>>)
      %add3A_1111 = arith.constant 1 : i32
      %add3A_1112 = arith.addi %add3A_41, %add3A_1111 : i32
      %mul3A_1113 = arith.constant 16 : i32
      %mul3A_1114 = arith.muli %add3A_1112, %mul3A_1113 : i32
      %mul3A_1115 = arith.constant 8 : i32
      %mul3A_1116 = arith.muli %arg0, %mul3A_1115 : i32
      %add3A_1117 = arith.addi %mul3A_1114, %mul3A_1116 : i32
      %add3A_1118 = arith.constant 3 : i32
      %add3A_1119 = arith.addi %add3A_1117, %add3A_1118 : i32
      %dma_start3A_1120 = arith.constant 0 : i32
      %dma_start3A_1121 = arith.constant 0 : i32
      %dma_start3A_1122 = tpu.memref_slice %arg5[%add3A_1119, %dma_start3A_1120, %dma_start3A_1121] : memref<16384x64x128xf32, #tpu.memory_space<hbm>> -> memref<1x64x128xf32, #tpu.memory_space<hbm>>
      %dma_start3A_1123 = tpu.memref_squeeze %dma_start3A_1122 : memref<1x64x128xf32, #tpu.memory_space<hbm>> -> memref<64x128xf32, #tpu.memory_space<hbm>>
      %dma_start3A_1124 = arith.constant 0 : i32
      %dma_start3A_1125 = arith.constant 0 : i32
      %dma_start3A_1126 = tpu.memref_slice %arg5[%add3A_1119, %dma_start3A_1124, %dma_start3A_1125] : memref<16384x64x128xf32, #tpu.memory_space<hbm>> -> memref<1x64x128xf32, #tpu.memory_space<hbm>>
      %dma_start3A_1127 = tpu.memref_squeeze %dma_start3A_1126 : memref<1x64x128xf32, #tpu.memory_space<hbm>> -> memref<64x128xf32, #tpu.memory_space<hbm>>
      tpu.enqueue_dma source(%arg12 : memref<64x128xf32, #tpu.memory_space<vmem>>) target(%dma_start3A_1127 : memref<64x128xf32, #tpu.memory_space<hbm>>) target_semaphore(%arg14 : memref<!tpu.dma_semaphore, #tpu.memory_space<semaphore_mem>>)
      %get3A_1128 = arith.constant 1 : i32
      %get3A_1129 = arith.index_cast %get3A_1128 : i32 to index
      %get3A_1130 = arith.constant 320 : index
      %get3A_1131 = tpu.vector_load %arg7[%get3A_1129, %get3A_1130] {strides = array<i32>} : memref<4x512xi32, #tpu.memory_space<vmem>>, vector<1x16xi32>,
      %get3A_1132 = vector.shape_cast %get3A_1131 : vector<1x16xi32> to vector<16xi32>
      %get3A_1133 = arith.constant 320 : index
      %get3A_1134 = tpu.vector_load %arg8[%get3A_1133] {strides = array<i32>} : memref<512xi32, #tpu.memory_space<vmem>>, vector<16xi32>,
      %get3A_1135 = vector.shape_cast %get3A_1134 : vector<16xi32> to vector<16xi32>
      %add3A_1136 = arith.addi %get3A_1132, %get3A_1135 : vector<16xi32>
      %swap3A_1137 = arith.constant 832 : index
      %swap3A_1138 = tpu.vector_load %arg9[%swap3A_1137] {strides = array<i32>} : memref<2048xi32, #tpu.memory_space<vmem>>, vector<16xi32>,
      %swap3A_1139 = vector.shape_cast %swap3A_1138 : vector<16xi32> to vector<16xi32>
      %swap3A_1140 = vector.shape_cast %add3A_1136 : vector<16xi32> to vector<16xi32>
      tpu.vector_store %arg9[%swap3A_1137], %swap3A_1140 {strides = array<i32>} : memref<2048xi32, #tpu.memory_space<vmem>>, vector<16xi32>,
      %get3A_1141 = arith.constant 1 : i32
      %get3A_1142 = arith.index_cast %get3A_1141 : i32 to index
      %get3A_1143 = arith.constant 336 : index
      %get3A_1144 = tpu.vector_load %arg7[%get3A_1142, %get3A_1143] {strides = array<i32>} : memref<4x512xi32, #tpu.memory_space<vmem>>, vector<1x16xi32>,
      %get3A_1145 = vector.shape_cast %get3A_1144 : vector<1x16xi32> to vector<16xi32>
      %get3A_1146 = arith.constant 336 : index
      %get3A_1147 = tpu.vector_load %arg8[%get3A_1146] {strides = array<i32>} : memref<512xi32, #tpu.memory_space<vmem>>, vector<16xi32>,
      %get3A_1148 = vector.shape_cast %get3A_1147 : vector<16xi32> to vector<16xi32>
      %add3A_1149 = arith.addi %get3A_1145, %get3A_1148 : vector<16xi32>
      %swap3A_1150 = arith.constant 848 : index
      %swap3A_1151 = tpu.vector_load %arg9[%swap3A_1150] {strides = array<i32>} : memref<2048xi32, #tpu.memory_space<vmem>>, vector<16xi32>,
      %swap3A_1152 = vector.shape_cast %swap3A_1151 : vector<16xi32> to vector<16xi32>
      %swap3A_1153 = vector.shape_cast %add3A_1149 : vector<16xi32> to vector<16xi32>
      tpu.vector_store %arg9[%swap3A_1150], %swap3A_1153 {strides = array<i32>} : memref<2048xi32, #tpu.memory_space<vmem>>, vector<16xi32>,
      %get3A_1154 = arith.constant 1 : i32
      %get3A_1155 = arith.index_cast %get3A_1154 : i32 to index
      %get3A_1156 = arith.constant 352 : index
      %get3A_1157 = tpu.vector_load %arg7[%get3A_1155, %get3A_1156] {strides = array<i32>} : memref<4x512xi32, #tpu.memory_space<vmem>>, vector<1x16xi32>,
      %get3A_1158 = vector.shape_cast %get3A_1157 : vector<1x16xi32> to vector<16xi32>
      %get3A_1159 = arith.constant 352 : index
      %get3A_1160 = tpu.vector_load %arg8[%get3A_1159] {strides = array<i32>} : memref<512xi32, #tpu.memory_space<vmem>>, vector<16xi32>,
      %get3A_1161 = vector.shape_cast %get3A_1160 : vector<16xi32> to vector<16xi32>
      %add3A_1162 = arith.addi %get3A_1158, %get3A_1161 : vector<16xi32>
      %swap3A_1163 = arith.constant 864 : index
      %swap3A_1164 = tpu.vector_load %arg9[%swap3A_1163] {strides = array<i32>} : memref<2048xi32, #tpu.memory_space<vmem>>, vector<16xi32>,
      %swap3A_1165 = vector.shape_cast %swap3A_1164 : vector<16xi32> to vector<16xi32>
      %swap3A_1166 = vector.shape_cast %add3A_1162 : vector<16xi32> to vector<16xi32>
      tpu.vector_store %arg9[%swap3A_1163], %swap3A_1166 {strides = array<i32>} : memref<2048xi32, #tpu.memory_space<vmem>>, vector<16xi32>,
      %get3A_1167 = arith.constant 1 : i32
      %get3A_1168 = arith.index_cast %get3A_1167 : i32 to index
      %get3A_1169 = arith.constant 368 : index
      %get3A_1170 = tpu.vector_load %arg7[%get3A_1168, %get3A_1169] {strides = array<i32>} : memref<4x512xi32, #tpu.memory_space<vmem>>, vector<1x16xi32>,
      %get3A_1171 = vector.shape_cast %get3A_1170 : vector<1x16xi32> to vector<16xi32>
      %get3A_1172 = arith.constant 368 : index
      %get3A_1173 = tpu.vector_load %arg8[%get3A_1172] {strides = array<i32>} : memref<512xi32, #tpu.memory_space<vmem>>, vector<16xi32>,
      %get3A_1174 = vector.shape_cast %get3A_1173 : vector<16xi32> to vector<16xi32>
      %add3A_1175 = arith.addi %get3A_1171, %get3A_1174 : vector<16xi32>
      %swap3A_1176 = arith.constant 880 : index
      %swap3A_1177 = tpu.vector_load %arg9[%swap3A_1176] {strides = array<i32>} : memref<2048xi32, #tpu.memory_space<vmem>>, vector<16xi32>,
      %swap3A_1178 = vector.shape_cast %swap3A_1177 : vector<16xi32> to vector<16xi32>
      %swap3A_1179 = vector.shape_cast %add3A_1175 : vector<16xi32> to vector<16xi32>
      tpu.vector_store %arg9[%swap3A_1176], %swap3A_1179 {strides = array<i32>} : memref<2048xi32, #tpu.memory_space<vmem>>, vector<16xi32>,
      %dma_wait3A_1180 = arith.constant 0 : i32
      %dma_wait3A_1181 = arith.constant 0 : i32
      %dma_wait3A_1182 = tpu.memref_slice %arg5[%add3A_1032, %dma_wait3A_1180, %dma_wait3A_1181] : memref<16384x64x128xf32, #tpu.memory_space<hbm>> -> memref<1x64x128xf32, #tpu.memory_space<hbm>>
      %dma_wait3A_1183 = tpu.memref_squeeze %dma_wait3A_1182 : memref<1x64x128xf32, #tpu.memory_space<hbm>> -> memref<64x128xf32, #tpu.memory_space<hbm>>
      %dma_wait3A_1184 = arith.constant 0 : i32
      %dma_wait3A_1185 = arith.constant 0 : i32
      %dma_wait3A_1186 = tpu.memref_slice %arg5[%add3A_1032, %dma_wait3A_1184, %dma_wait3A_1185] : memref<16384x64x128xf32, #tpu.memory_space<hbm>> -> memref<1x64x128xf32, #tpu.memory_space<hbm>>
      %dma_wait3A_1187 = tpu.memref_squeeze %dma_wait3A_1186 : memref<1x64x128xf32, #tpu.memory_space<hbm>> -> memref<64x128xf32, #tpu.memory_space<hbm>>
      tpu.wait_dma2 semaphore(%arg14 : memref<!tpu.dma_semaphore, #tpu.memory_space<semaphore_mem>>) src(%arg11 : memref<64x128xf32, #tpu.memory_space<vmem>>) dst(%dma_wait3A_1187 : memref<64x128xf32, #tpu.memory_space<hbm>>)
      %dma_start3A_1188 = arith.constant 832 : i32
      %dma_start3A_1189 = tpu.memref_slice %arg9[%dma_start3A_1188] : memref<2048xi32, #tpu.memory_space<vmem>> -> memref<64xi32, #tpu.memory_space<vmem>>
      %dma_start3A_1190 = arith.constant 0 : i32
      %dma_start3A_1191 = arith.constant 0 : i32
      %dma_start3A_1192 = tpu.memref_slice %arg6[%dma_start3A_1190, %dma_start3A_1191] : memref<12288x128xf32, #tpu.memory_space<vmem_shared>> -> memref<12288x128xf32, #tpu.memory_space<vmem_shared>>
      tpu.enqueue_indirect_dma source(%dma_start3A_1192 : memref<12288x128xf32, #tpu.memory_space<vmem_shared>>) target(%arg11 : memref<64x128xf32, #tpu.memory_space<vmem>>) offsets(%dma_start3A_1189 : memref<64xi32, #tpu.memory_space<vmem>>) semaphore(%arg13 : memref<!tpu.dma_semaphore, #tpu.memory_space<semaphore_mem>>)
      %dma_wait3A_1193 = arith.constant 768 : i32
      %dma_wait3A_1194 = tpu.memref_slice %arg9[%dma_wait3A_1193] : memref<2048xi32, #tpu.memory_space<vmem>> -> memref<64xi32, #tpu.memory_space<vmem>>
      %dma_wait3A_1195 = arith.constant 0 : i32
      %dma_wait3A_1196 = arith.constant 0 : i32
      %dma_wait3A_1197 = tpu.memref_slice %arg6[%dma_wait3A_1195, %dma_wait3A_1196] : memref<12288x128xf32, #tpu.memory_space<vmem_shared>> -> memref<12288x128xf32, #tpu.memory_space<vmem_shared>>
      tpu.wait_indirect_dma semaphore(%arg13 : memref<!tpu.dma_semaphore, #tpu.memory_space<semaphore_mem>>) src(%dma_wait3A_1197 : memref<12288x128xf32, #tpu.memory_space<vmem_shared>>) dst(%arg10 : memref<64x128xf32, #tpu.memory_space<vmem>>)
      %add3A_1198 = arith.constant 1 : i32
      %add3A_1199 = arith.addi %add3A_41, %add3A_1198 : i32
      %mul3A_1200 = arith.constant 16 : i32
      %mul3A_1201 = arith.muli %add3A_1199, %mul3A_1200 : i32
      %mul3A_1202 = arith.constant 8 : i32
      %mul3A_1203 = arith.muli %arg0, %mul3A_1202 : i32
      %add3A_1204 = arith.addi %mul3A_1201, %mul3A_1203 : i32
      %add3A_1205 = arith.constant 4 : i32
      %add3A_1206 = arith.addi %add3A_1204, %add3A_1205 : i32
      %dma_start3A_1207 = arith.constant 0 : i32
      %dma_start3A_1208 = arith.constant 0 : i32
      %dma_start3A_1209 = tpu.memref_slice %arg5[%add3A_1206, %dma_start3A_1207, %dma_start3A_1208] : memref<16384x64x128xf32, #tpu.memory_space<hbm>> -> memref<1x64x128xf32, #tpu.memory_space<hbm>>
      %dma_start3A_1210 = tpu.memref_squeeze %dma_start3A_1209 : memref<1x64x128xf32, #tpu.memory_space<hbm>> -> memref<64x128xf32, #tpu.memory_space<hbm>>
      %dma_start3A_1211 = arith.constant 0 : i32
      %dma_start3A_1212 = arith.constant 0 : i32
      %dma_start3A_1213 = tpu.memref_slice %arg5[%add3A_1206, %dma_start3A_1211, %dma_start3A_1212] : memref<16384x64x128xf32, #tpu.memory_space<hbm>> -> memref<1x64x128xf32, #tpu.memory_space<hbm>>
      %dma_start3A_1214 = tpu.memref_squeeze %dma_start3A_1213 : memref<1x64x128xf32, #tpu.memory_space<hbm>> -> memref<64x128xf32, #tpu.memory_space<hbm>>
      tpu.enqueue_dma source(%arg10 : memref<64x128xf32, #tpu.memory_space<vmem>>) target(%dma_start3A_1214 : memref<64x128xf32, #tpu.memory_space<hbm>>) target_semaphore(%arg14 : memref<!tpu.dma_semaphore, #tpu.memory_space<semaphore_mem>>)
      %get3A_1215 = arith.constant 1 : i32
      %get3A_1216 = arith.index_cast %get3A_1215 : i32 to index
      %get3A_1217 = arith.constant 384 : index
      %get3A_1218 = tpu.vector_load %arg7[%get3A_1216, %get3A_1217] {strides = array<i32>} : memref<4x512xi32, #tpu.memory_space<vmem>>, vector<1x16xi32>,
      %get3A_1219 = vector.shape_cast %get3A_1218 : vector<1x16xi32> to vector<16xi32>
      %get3A_1220 = arith.constant 384 : index
      %get3A_1221 = tpu.vector_load %arg8[%get3A_1220] {strides = array<i32>} : memref<512xi32, #tpu.memory_space<vmem>>, vector<16xi32>,
      %get3A_1222 = vector.shape_cast %get3A_1221 : vector<16xi32> to vector<16xi32>
      %add3A_1223 = arith.addi %get3A_1219, %get3A_1222 : vector<16xi32>
      %swap3A_1224 = arith.constant 896 : index
      %swap3A_1225 = tpu.vector_load %arg9[%swap3A_1224] {strides = array<i32>} : memref<2048xi32, #tpu.memory_space<vmem>>, vector<16xi32>,
      %swap3A_1226 = vector.shape_cast %swap3A_1225 : vector<16xi32> to vector<16xi32>
      %swap3A_1227 = vector.shape_cast %add3A_1223 : vector<16xi32> to vector<16xi32>
      tpu.vector_store %arg9[%swap3A_1224], %swap3A_1227 {strides = array<i32>} : memref<2048xi32, #tpu.memory_space<vmem>>, vector<16xi32>,
      %get3A_1228 = arith.constant 1 : i32
      %get3A_1229 = arith.index_cast %get3A_1228 : i32 to index
      %get3A_1230 = arith.constant 400 : index
      %get3A_1231 = tpu.vector_load %arg7[%get3A_1229, %get3A_1230] {strides = array<i32>} : memref<4x512xi32, #tpu.memory_space<vmem>>, vector<1x16xi32>,
      %get3A_1232 = vector.shape_cast %get3A_1231 : vector<1x16xi32> to vector<16xi32>
      %get3A_1233 = arith.constant 400 : index
      %get3A_1234 = tpu.vector_load %arg8[%get3A_1233] {strides = array<i32>} : memref<512xi32, #tpu.memory_space<vmem>>, vector<16xi32>,
      %get3A_1235 = vector.shape_cast %get3A_1234 : vector<16xi32> to vector<16xi32>
      %add3A_1236 = arith.addi %get3A_1232, %get3A_1235 : vector<16xi32>
      %swap3A_1237 = arith.constant 912 : index
      %swap3A_1238 = tpu.vector_load %arg9[%swap3A_1237] {strides = array<i32>} : memref<2048xi32, #tpu.memory_space<vmem>>, vector<16xi32>,
      %swap3A_1239 = vector.shape_cast %swap3A_1238 : vector<16xi32> to vector<16xi32>
      %swap3A_1240 = vector.shape_cast %add3A_1236 : vector<16xi32> to vector<16xi32>
      tpu.vector_store %arg9[%swap3A_1237], %swap3A_1240 {strides = array<i32>} : memref<2048xi32, #tpu.memory_space<vmem>>, vector<16xi32>,
      %get3A_1241 = arith.constant 1 : i32
      %get3A_1242 = arith.index_cast %get3A_1241 : i32 to index
      %get3A_1243 = arith.constant 416 : index
      %get3A_1244 = tpu.vector_load %arg7[%get3A_1242, %get3A_1243] {strides = array<i32>} : memref<4x512xi32, #tpu.memory_space<vmem>>, vector<1x16xi32>,
      %get3A_1245 = vector.shape_cast %get3A_1244 : vector<1x16xi32> to vector<16xi32>
      %get3A_1246 = arith.constant 416 : index
      %get3A_1247 = tpu.vector_load %arg8[%get3A_1246] {strides = array<i32>} : memref<512xi32, #tpu.memory_space<vmem>>, vector<16xi32>,
      %get3A_1248 = vector.shape_cast %get3A_1247 : vector<16xi32> to vector<16xi32>
      %add3A_1249 = arith.addi %get3A_1245, %get3A_1248 : vector<16xi32>
      %swap3A_1250 = arith.constant 928 : index
      %swap3A_1251 = tpu.vector_load %arg9[%swap3A_1250] {strides = array<i32>} : memref<2048xi32, #tpu.memory_space<vmem>>, vector<16xi32>,
      %swap3A_1252 = vector.shape_cast %swap3A_1251 : vector<16xi32> to vector<16xi32>
      %swap3A_1253 = vector.shape_cast %add3A_1249 : vector<16xi32> to vector<16xi32>
      tpu.vector_store %arg9[%swap3A_1250], %swap3A_1253 {strides = array<i32>} : memref<2048xi32, #tpu.memory_space<vmem>>, vector<16xi32>,
      %get3A_1254 = arith.constant 1 : i32
      %get3A_1255 = arith.index_cast %get3A_1254 : i32 to index
      %get3A_1256 = arith.constant 432 : index
      %get3A_1257 = tpu.vector_load %arg7[%get3A_1255, %get3A_1256] {strides = array<i32>} : memref<4x512xi32, #tpu.memory_space<vmem>>, vector<1x16xi32>,
      %get3A_1258 = vector.shape_cast %get3A_1257 : vector<1x16xi32> to vector<16xi32>
      %get3A_1259 = arith.constant 432 : index
      %get3A_1260 = tpu.vector_load %arg8[%get3A_1259] {strides = array<i32>} : memref<512xi32, #tpu.memory_space<vmem>>, vector<16xi32>,
      %get3A_1261 = vector.shape_cast %get3A_1260 : vector<16xi32> to vector<16xi32>
      %add3A_1262 = arith.addi %get3A_1258, %get3A_1261 : vector<16xi32>
      %swap3A_1263 = arith.constant 944 : index
      %swap3A_1264 = tpu.vector_load %arg9[%swap3A_1263] {strides = array<i32>} : memref<2048xi32, #tpu.memory_space<vmem>>, vector<16xi32>,
      %swap3A_1265 = vector.shape_cast %swap3A_1264 : vector<16xi32> to vector<16xi32>
      %swap3A_1266 = vector.shape_cast %add3A_1262 : vector<16xi32> to vector<16xi32>
      tpu.vector_store %arg9[%swap3A_1263], %swap3A_1266 {strides = array<i32>} : memref<2048xi32, #tpu.memory_space<vmem>>, vector<16xi32>,
      %dma_wait3A_1267 = arith.constant 0 : i32
      %dma_wait3A_1268 = arith.constant 0 : i32
      %dma_wait3A_1269 = tpu.memref_slice %arg5[%add3A_1119, %dma_wait3A_1267, %dma_wait3A_1268] : memref<16384x64x128xf32, #tpu.memory_space<hbm>> -> memref<1x64x128xf32, #tpu.memory_space<hbm>>
      %dma_wait3A_1270 = tpu.memref_squeeze %dma_wait3A_1269 : memref<1x64x128xf32, #tpu.memory_space<hbm>> -> memref<64x128xf32, #tpu.memory_space<hbm>>
      %dma_wait3A_1271 = arith.constant 0 : i32
      %dma_wait3A_1272 = arith.constant 0 : i32
      %dma_wait3A_1273 = tpu.memref_slice %arg5[%add3A_1119, %dma_wait3A_1271, %dma_wait3A_1272] : memref<16384x64x128xf32, #tpu.memory_space<hbm>> -> memref<1x64x128xf32, #tpu.memory_space<hbm>>
      %dma_wait3A_1274 = tpu.memref_squeeze %dma_wait3A_1273 : memref<1x64x128xf32, #tpu.memory_space<hbm>> -> memref<64x128xf32, #tpu.memory_space<hbm>>
      tpu.wait_dma2 semaphore(%arg14 : memref<!tpu.dma_semaphore, #tpu.memory_space<semaphore_mem>>) src(%arg12 : memref<64x128xf32, #tpu.memory_space<vmem>>) dst(%dma_wait3A_1274 : memref<64x128xf32, #tpu.memory_space<hbm>>)
      %dma_start3A_1275 = arith.constant 896 : i32
      %dma_start3A_1276 = tpu.memref_slice %arg9[%dma_start3A_1275] : memref<2048xi32, #tpu.memory_space<vmem>> -> memref<64xi32, #tpu.memory_space<vmem>>
      %dma_start3A_1277 = arith.constant 0 : i32
      %dma_start3A_1278 = arith.constant 0 : i32
      %dma_start3A_1279 = tpu.memref_slice %arg6[%dma_start3A_1277, %dma_start3A_1278] : memref<12288x128xf32, #tpu.memory_space<vmem_shared>> -> memref<12288x128xf32, #tpu.memory_space<vmem_shared>>
      tpu.enqueue_indirect_dma source(%dma_start3A_1279 : memref<12288x128xf32, #tpu.memory_space<vmem_shared>>) target(%arg12 : memref<64x128xf32, #tpu.memory_space<vmem>>) offsets(%dma_start3A_1276 : memref<64xi32, #tpu.memory_space<vmem>>) semaphore(%arg13 : memref<!tpu.dma_semaphore, #tpu.memory_space<semaphore_mem>>)
      %dma_wait3A_1280 = arith.constant 832 : i32
      %dma_wait3A_1281 = tpu.memref_slice %arg9[%dma_wait3A_1280] : memref<2048xi32, #tpu.memory_space<vmem>> -> memref<64xi32, #tpu.memory_space<vmem>>
      %dma_wait3A_1282 = arith.constant 0 : i32
      %dma_wait3A_1283 = arith.constant 0 : i32
      %dma_wait3A_1284 = tpu.memref_slice %arg6[%dma_wait3A_1282, %dma_wait3A_1283] : memref<12288x128xf32, #tpu.memory_space<vmem_shared>> -> memref<12288x128xf32, #tpu.memory_space<vmem_shared>>
      tpu.wait_indirect_dma semaphore(%arg13 : memref<!tpu.dma_semaphore, #tpu.memory_space<semaphore_mem>>) src(%dma_wait3A_1284 : memref<12288x128xf32, #tpu.memory_space<vmem_shared>>) dst(%arg11 : memref<64x128xf32, #tpu.memory_space<vmem>>)
      %add3A_1285 = arith.constant 1 : i32
      %add3A_1286 = arith.addi %add3A_41, %add3A_1285 : i32
      %mul3A_1287 = arith.constant 16 : i32
      %mul3A_1288 = arith.muli %add3A_1286, %mul3A_1287 : i32
      %mul3A_1289 = arith.constant 8 : i32
      %mul3A_1290 = arith.muli %arg0, %mul3A_1289 : i32
      %add3A_1291 = arith.addi %mul3A_1288, %mul3A_1290 : i32
      %add3A_1292 = arith.constant 5 : i32
      %add3A_1293 = arith.addi %add3A_1291, %add3A_1292 : i32
      %dma_start3A_1294 = arith.constant 0 : i32
      %dma_start3A_1295 = arith.constant 0 : i32
      %dma_start3A_1296 = tpu.memref_slice %arg5[%add3A_1293, %dma_start3A_1294, %dma_start3A_1295] : memref<16384x64x128xf32, #tpu.memory_space<hbm>> -> memref<1x64x128xf32, #tpu.memory_space<hbm>>
      %dma_start3A_1297 = tpu.memref_squeeze %dma_start3A_1296 : memref<1x64x128xf32, #tpu.memory_space<hbm>> -> memref<64x128xf32, #tpu.memory_space<hbm>>
      %dma_start3A_1298 = arith.constant 0 : i32
      %dma_start3A_1299 = arith.constant 0 : i32
      %dma_start3A_1300 = tpu.memref_slice %arg5[%add3A_1293, %dma_start3A_1298, %dma_start3A_1299] : memref<16384x64x128xf32, #tpu.memory_space<hbm>> -> memref<1x64x128xf32, #tpu.memory_space<hbm>>
      %dma_start3A_1301 = tpu.memref_squeeze %dma_start3A_1300 : memref<1x64x128xf32, #tpu.memory_space<hbm>> -> memref<64x128xf32, #tpu.memory_space<hbm>>
      tpu.enqueue_dma source(%arg11 : memref<64x128xf32, #tpu.memory_space<vmem>>) target(%dma_start3A_1301 : memref<64x128xf32, #tpu.memory_space<hbm>>) target_semaphore(%arg14 : memref<!tpu.dma_semaphore, #tpu.memory_space<semaphore_mem>>)
      %get3A_1302 = arith.constant 1 : i32
      %get3A_1303 = arith.index_cast %get3A_1302 : i32 to index
      %get3A_1304 = arith.constant 448 : index
      %get3A_1305 = tpu.vector_load %arg7[%get3A_1303, %get3A_1304] {strides = array<i32>} : memref<4x512xi32, #tpu.memory_space<vmem>>, vector<1x16xi32>,
      %get3A_1306 = vector.shape_cast %get3A_1305 : vector<1x16xi32> to vector<16xi32>
      %get3A_1307 = arith.constant 448 : index
      %get3A_1308 = tpu.vector_load %arg8[%get3A_1307] {strides = array<i32>} : memref<512xi32, #tpu.memory_space<vmem>>, vector<16xi32>,
      %get3A_1309 = vector.shape_cast %get3A_1308 : vector<16xi32> to vector<16xi32>
      %add3A_1310 = arith.addi %get3A_1306, %get3A_1309 : vector<16xi32>
      %swap3A_1311 = arith.constant 960 : index
      %swap3A_1312 = tpu.vector_load %arg9[%swap3A_1311] {strides = array<i32>} : memref<2048xi32, #tpu.memory_space<vmem>>, vector<16xi32>,
      %swap3A_1313 = vector.shape_cast %swap3A_1312 : vector<16xi32> to vector<16xi32>
      %swap3A_1314 = vector.shape_cast %add3A_1310 : vector<16xi32> to vector<16xi32>
      tpu.vector_store %arg9[%swap3A_1311], %swap3A_1314 {strides = array<i32>} : memref<2048xi32, #tpu.memory_space<vmem>>, vector<16xi32>,
      %get3A_1315 = arith.constant 1 : i32
      %get3A_1316 = arith.index_cast %get3A_1315 : i32 to index
      %get3A_1317 = arith.constant 464 : index
      %get3A_1318 = tpu.vector_load %arg7[%get3A_1316, %get3A_1317] {strides = array<i32>} : memref<4x512xi32, #tpu.memory_space<vmem>>, vector<1x16xi32>,
      %get3A_1319 = vector.shape_cast %get3A_1318 : vector<1x16xi32> to vector<16xi32>
      %get3A_1320 = arith.constant 464 : index
      %get3A_1321 = tpu.vector_load %arg8[%get3A_1320] {strides = array<i32>} : memref<512xi32, #tpu.memory_space<vmem>>, vector<16xi32>,
      %get3A_1322 = vector.shape_cast %get3A_1321 : vector<16xi32> to vector<16xi32>
      %add3A_1323 = arith.addi %get3A_1319, %get3A_1322 : vector<16xi32>
      %swap3A_1324 = arith.constant 976 : index
      %swap3A_1325 = tpu.vector_load %arg9[%swap3A_1324] {strides = array<i32>} : memref<2048xi32, #tpu.memory_space<vmem>>, vector<16xi32>,
      %swap3A_1326 = vector.shape_cast %swap3A_1325 : vector<16xi32> to vector<16xi32>
      %swap3A_1327 = vector.shape_cast %add3A_1323 : vector<16xi32> to vector<16xi32>
      tpu.vector_store %arg9[%swap3A_1324], %swap3A_1327 {strides = array<i32>} : memref<2048xi32, #tpu.memory_space<vmem>>, vector<16xi32>,
      %get3A_1328 = arith.constant 1 : i32
      %get3A_1329 = arith.index_cast %get3A_1328 : i32 to index
      %get3A_1330 = arith.constant 480 : index
      %get3A_1331 = tpu.vector_load %arg7[%get3A_1329, %get3A_1330] {strides = array<i32>} : memref<4x512xi32, #tpu.memory_space<vmem>>, vector<1x16xi32>,
      %get3A_1332 = vector.shape_cast %get3A_1331 : vector<1x16xi32> to vector<16xi32>
      %get3A_1333 = arith.constant 480 : index
      %get3A_1334 = tpu.vector_load %arg8[%get3A_1333] {strides = array<i32>} : memref<512xi32, #tpu.memory_space<vmem>>, vector<16xi32>,
      %get3A_1335 = vector.shape_cast %get3A_1334 : vector<16xi32> to vector<16xi32>
      %add3A_1336 = arith.addi %get3A_1332, %get3A_1335 : vector<16xi32>
      %swap3A_1337 = arith.constant 992 : index
      %swap3A_1338 = tpu.vector_load %arg9[%swap3A_1337] {strides = array<i32>} : memref<2048xi32, #tpu.memory_space<vmem>>, vector<16xi32>,
      %swap3A_1339 = vector.shape_cast %swap3A_1338 : vector<16xi32> to vector<16xi32>
      %swap3A_1340 = vector.shape_cast %add3A_1336 : vector<16xi32> to vector<16xi32>
      tpu.vector_store %arg9[%swap3A_1337], %swap3A_1340 {strides = array<i32>} : memref<2048xi32, #tpu.memory_space<vmem>>, vector<16xi32>,
      %get3A_1341 = arith.constant 1 : i32
      %get3A_1342 = arith.index_cast %get3A_1341 : i32 to index
      %get3A_1343 = arith.constant 496 : index
      %get3A_1344 = tpu.vector_load %arg7[%get3A_1342, %get3A_1343] {strides = array<i32>} : memref<4x512xi32, #tpu.memory_space<vmem>>, vector<1x16xi32>,
      %get3A_1345 = vector.shape_cast %get3A_1344 : vector<1x16xi32> to vector<16xi32>
      %get3A_1346 = arith.constant 496 : index
      %get3A_1347 = tpu.vector_load %arg8[%get3A_1346] {strides = array<i32>} : memref<512xi32, #tpu.memory_space<vmem>>, vector<16xi32>,
      %get3A_1348 = vector.shape_cast %get3A_1347 : vector<16xi32> to vector<16xi32>
      %add3A_1349 = arith.addi %get3A_1345, %get3A_1348 : vector<16xi32>
      %swap3A_1350 = arith.constant 1008 : index
      %swap3A_1351 = tpu.vector_load %arg9[%swap3A_1350] {strides = array<i32>} : memref<2048xi32, #tpu.memory_space<vmem>>, vector<16xi32>,
      %swap3A_1352 = vector.shape_cast %swap3A_1351 : vector<16xi32> to vector<16xi32>
      %swap3A_1353 = vector.shape_cast %add3A_1349 : vector<16xi32> to vector<16xi32>
      tpu.vector_store %arg9[%swap3A_1350], %swap3A_1353 {strides = array<i32>} : memref<2048xi32, #tpu.memory_space<vmem>>, vector<16xi32>,
      %dma_wait3A_1354 = arith.constant 0 : i32
      %dma_wait3A_1355 = arith.constant 0 : i32
      %dma_wait3A_1356 = tpu.memref_slice %arg5[%add3A_1206, %dma_wait3A_1354, %dma_wait3A_1355] : memref<16384x64x128xf32, #tpu.memory_space<hbm>> -> memref<1x64x128xf32, #tpu.memory_space<hbm>>
      %dma_wait3A_1357 = tpu.memref_squeeze %dma_wait3A_1356 : memref<1x64x128xf32, #tpu.memory_space<hbm>> -> memref<64x128xf32, #tpu.memory_space<hbm>>
      %dma_wait3A_1358 = arith.constant 0 : i32
      %dma_wait3A_1359 = arith.constant 0 : i32
      %dma_wait3A_1360 = tpu.memref_slice %arg5[%add3A_1206, %dma_wait3A_1358, %dma_wait3A_1359] : memref<16384x64x128xf32, #tpu.memory_space<hbm>> -> memref<1x64x128xf32, #tpu.memory_space<hbm>>
      %dma_wait3A_1361 = tpu.memref_squeeze %dma_wait3A_1360 : memref<1x64x128xf32, #tpu.memory_space<hbm>> -> memref<64x128xf32, #tpu.memory_space<hbm>>
      tpu.wait_dma2 semaphore(%arg14 : memref<!tpu.dma_semaphore, #tpu.memory_space<semaphore_mem>>) src(%arg10 : memref<64x128xf32, #tpu.memory_space<vmem>>) dst(%dma_wait3A_1361 : memref<64x128xf32, #tpu.memory_space<hbm>>)
      %dma_start3A_1362 = arith.constant 960 : i32
      %dma_start3A_1363 = tpu.memref_slice %arg9[%dma_start3A_1362] : memref<2048xi32, #tpu.memory_space<vmem>> -> memref<64xi32, #tpu.memory_space<vmem>>
      %dma_start3A_1364 = arith.constant 0 : i32
      %dma_start3A_1365 = arith.constant 0 : i32
      %dma_start3A_1366 = tpu.memref_slice %arg6[%dma_start3A_1364, %dma_start3A_1365] : memref<12288x128xf32, #tpu.memory_space<vmem_shared>> -> memref<12288x128xf32, #tpu.memory_space<vmem_shared>>
      tpu.enqueue_indirect_dma source(%dma_start3A_1366 : memref<12288x128xf32, #tpu.memory_space<vmem_shared>>) target(%arg10 : memref<64x128xf32, #tpu.memory_space<vmem>>) offsets(%dma_start3A_1363 : memref<64xi32, #tpu.memory_space<vmem>>) semaphore(%arg13 : memref<!tpu.dma_semaphore, #tpu.memory_space<semaphore_mem>>)
      %dma_wait3A_1367 = arith.constant 896 : i32
      %dma_wait3A_1368 = tpu.memref_slice %arg9[%dma_wait3A_1367] : memref<2048xi32, #tpu.memory_space<vmem>> -> memref<64xi32, #tpu.memory_space<vmem>>
      %dma_wait3A_1369 = arith.constant 0 : i32
      %dma_wait3A_1370 = arith.constant 0 : i32
      %dma_wait3A_1371 = tpu.memref_slice %arg6[%dma_wait3A_1369, %dma_wait3A_1370] : memref<12288x128xf32, #tpu.memory_space<vmem_shared>> -> memref<12288x128xf32, #tpu.memory_space<vmem_shared>>
      tpu.wait_indirect_dma semaphore(%arg13 : memref<!tpu.dma_semaphore, #tpu.memory_space<semaphore_mem>>) src(%dma_wait3A_1371 : memref<12288x128xf32, #tpu.memory_space<vmem_shared>>) dst(%arg12 : memref<64x128xf32, #tpu.memory_space<vmem>>)
      %add3A_1372 = arith.constant 1 : i32
      %add3A_1373 = arith.addi %add3A_41, %add3A_1372 : i32
      %mul3A_1374 = arith.constant 16 : i32
      %mul3A_1375 = arith.muli %add3A_1373, %mul3A_1374 : i32
      %mul3A_1376 = arith.constant 8 : i32
      %mul3A_1377 = arith.muli %arg0, %mul3A_1376 : i32
      %add3A_1378 = arith.addi %mul3A_1375, %mul3A_1377 : i32
      %add3A_1379 = arith.constant 6 : i32
      %add3A_1380 = arith.addi %add3A_1378, %add3A_1379 : i32
      %dma_start3A_1381 = arith.constant 0 : i32
      %dma_start3A_1382 = arith.constant 0 : i32
      %dma_start3A_1383 = tpu.memref_slice %arg5[%add3A_1380, %dma_start3A_1381, %dma_start3A_1382] : memref<16384x64x128xf32, #tpu.memory_space<hbm>> -> memref<1x64x128xf32, #tpu.memory_space<hbm>>
      %dma_start3A_1384 = tpu.memref_squeeze %dma_start3A_1383 : memref<1x64x128xf32, #tpu.memory_space<hbm>> -> memref<64x128xf32, #tpu.memory_space<hbm>>
      %dma_start3A_1385 = arith.constant 0 : i32
      %dma_start3A_1386 = arith.constant 0 : i32
      %dma_start3A_1387 = tpu.memref_slice %arg5[%add3A_1380, %dma_start3A_1385, %dma_start3A_1386] : memref<16384x64x128xf32, #tpu.memory_space<hbm>> -> memref<1x64x128xf32, #tpu.memory_space<hbm>>
      %dma_start3A_1388 = tpu.memref_squeeze %dma_start3A_1387 : memref<1x64x128xf32, #tpu.memory_space<hbm>> -> memref<64x128xf32, #tpu.memory_space<hbm>>
      tpu.enqueue_dma source(%arg12 : memref<64x128xf32, #tpu.memory_space<vmem>>) target(%dma_start3A_1388 : memref<64x128xf32, #tpu.memory_space<hbm>>) target_semaphore(%arg14 : memref<!tpu.dma_semaphore, #tpu.memory_space<semaphore_mem>>)
      %get3A_1389 = arith.constant 2 : i32
      %get3A_1390 = arith.index_cast %get3A_1389 : i32 to index
      %get3A_1391 = arith.constant 0 : index
      %get3A_1392 = tpu.vector_load %arg7[%get3A_1390, %get3A_1391] {strides = array<i32>} : memref<4x512xi32, #tpu.memory_space<vmem>>, vector<1x16xi32>,
      %get3A_1393 = vector.shape_cast %get3A_1392 : vector<1x16xi32> to vector<16xi32>
      %get3A_1394 = arith.constant 0 : index
      %get3A_1395 = tpu.vector_load %arg8[%get3A_1394] {strides = array<i32>} : memref<512xi32, #tpu.memory_space<vmem>>, vector<16xi32>,
      %get3A_1396 = vector.shape_cast %get3A_1395 : vector<16xi32> to vector<16xi32>
      %add3A_1397 = arith.addi %get3A_1393, %get3A_1396 : vector<16xi32>
      %swap3A_1398 = arith.constant 1024 : index
      %swap3A_1399 = tpu.vector_load %arg9[%swap3A_1398] {strides = array<i32>} : memref<2048xi32, #tpu.memory_space<vmem>>, vector<16xi32>,
      %swap3A_1400 = vector.shape_cast %swap3A_1399 : vector<16xi32> to vector<16xi32>
      %swap3A_1401 = vector.shape_cast %add3A_1397 : vector<16xi32> to vector<16xi32>
      tpu.vector_store %arg9[%swap3A_1398], %swap3A_1401 {strides = array<i32>} : memref<2048xi32, #tpu.memory_space<vmem>>, vector<16xi32>,
      %get3A_1402 = arith.constant 2 : i32
      %get3A_1403 = arith.index_cast %get3A_1402 : i32 to index
      %get3A_1404 = arith.constant 16 : index
      %get3A_1405 = tpu.vector_load %arg7[%get3A_1403, %get3A_1404] {strides = array<i32>} : memref<4x512xi32, #tpu.memory_space<vmem>>, vector<1x16xi32>,
      %get3A_1406 = vector.shape_cast %get3A_1405 : vector<1x16xi32> to vector<16xi32>
      %get3A_1407 = arith.constant 16 : index
      %get3A_1408 = tpu.vector_load %arg8[%get3A_1407] {strides = array<i32>} : memref<512xi32, #tpu.memory_space<vmem>>, vector<16xi32>,
      %get3A_1409 = vector.shape_cast %get3A_1408 : vector<16xi32> to vector<16xi32>
      %add3A_1410 = arith.addi %get3A_1406, %get3A_1409 : vector<16xi32>
      %swap3A_1411 = arith.constant 1040 : index
      %swap3A_1412 = tpu.vector_load %arg9[%swap3A_1411] {strides = array<i32>} : memref<2048xi32, #tpu.memory_space<vmem>>, vector<16xi32>,
      %swap3A_1413 = vector.shape_cast %swap3A_1412 : vector<16xi32> to vector<16xi32>
      %swap3A_1414 = vector.shape_cast %add3A_1410 : vector<16xi32> to vector<16xi32>
      tpu.vector_store %arg9[%swap3A_1411], %swap3A_1414 {strides = array<i32>} : memref<2048xi32, #tpu.memory_space<vmem>>, vector<16xi32>,
      %get3A_1415 = arith.constant 2 : i32
      %get3A_1416 = arith.index_cast %get3A_1415 : i32 to index
      %get3A_1417 = arith.constant 32 : index
      %get3A_1418 = tpu.vector_load %arg7[%get3A_1416, %get3A_1417] {strides = array<i32>} : memref<4x512xi32, #tpu.memory_space<vmem>>, vector<1x16xi32>,
      %get3A_1419 = vector.shape_cast %get3A_1418 : vector<1x16xi32> to vector<16xi32>
      %get3A_1420 = arith.constant 32 : index
      %get3A_1421 = tpu.vector_load %arg8[%get3A_1420] {strides = array<i32>} : memref<512xi32, #tpu.memory_space<vmem>>, vector<16xi32>,
      %get3A_1422 = vector.shape_cast %get3A_1421 : vector<16xi32> to vector<16xi32>
      %add3A_1423 = arith.addi %get3A_1419, %get3A_1422 : vector<16xi32>
      %swap3A_1424 = arith.constant 1056 : index
      %swap3A_1425 = tpu.vector_load %arg9[%swap3A_1424] {strides = array<i32>} : memref<2048xi32, #tpu.memory_space<vmem>>, vector<16xi32>,
      %swap3A_1426 = vector.shape_cast %swap3A_1425 : vector<16xi32> to vector<16xi32>
      %swap3A_1427 = vector.shape_cast %add3A_1423 : vector<16xi32> to vector<16xi32>
      tpu.vector_store %arg9[%swap3A_1424], %swap3A_1427 {strides = array<i32>} : memref<2048xi32, #tpu.memory_space<vmem>>, vector<16xi32>,
      %get3A_1428 = arith.constant 2 : i32
      %get3A_1429 = arith.index_cast %get3A_1428 : i32 to index
      %get3A_1430 = arith.constant 48 : index
      %get3A_1431 = tpu.vector_load %arg7[%get3A_1429, %get3A_1430] {strides = array<i32>} : memref<4x512xi32, #tpu.memory_space<vmem>>, vector<1x16xi32>,
      %get3A_1432 = vector.shape_cast %get3A_1431 : vector<1x16xi32> to vector<16xi32>
      %get3A_1433 = arith.constant 48 : index
      %get3A_1434 = tpu.vector_load %arg8[%get3A_1433] {strides = array<i32>} : memref<512xi32, #tpu.memory_space<vmem>>, vector<16xi32>,
      %get3A_1435 = vector.shape_cast %get3A_1434 : vector<16xi32> to vector<16xi32>
      %add3A_1436 = arith.addi %get3A_1432, %get3A_1435 : vector<16xi32>
      %swap3A_1437 = arith.constant 1072 : index
      %swap3A_1438 = tpu.vector_load %arg9[%swap3A_1437] {strides = array<i32>} : memref<2048xi32, #tpu.memory_space<vmem>>, vector<16xi32>,
      %swap3A_1439 = vector.shape_cast %swap3A_1438 : vector<16xi32> to vector<16xi32>
      %swap3A_1440 = vector.shape_cast %add3A_1436 : vector<16xi32> to vector<16xi32>
      tpu.vector_store %arg9[%swap3A_1437], %swap3A_1440 {strides = array<i32>} : memref<2048xi32, #tpu.memory_space<vmem>>, vector<16xi32>,
      %dma_wait3A_1441 = arith.constant 0 : i32
      %dma_wait3A_1442 = arith.constant 0 : i32
      %dma_wait3A_1443 = tpu.memref_slice %arg5[%add3A_1293, %dma_wait3A_1441, %dma_wait3A_1442] : memref<16384x64x128xf32, #tpu.memory_space<hbm>> -> memref<1x64x128xf32, #tpu.memory_space<hbm>>
      %dma_wait3A_1444 = tpu.memref_squeeze %dma_wait3A_1443 : memref<1x64x128xf32, #tpu.memory_space<hbm>> -> memref<64x128xf32, #tpu.memory_space<hbm>>
      %dma_wait3A_1445 = arith.constant 0 : i32
      %dma_wait3A_1446 = arith.constant 0 : i32
      %dma_wait3A_1447 = tpu.memref_slice %arg5[%add3A_1293, %dma_wait3A_1445, %dma_wait3A_1446] : memref<16384x64x128xf32, #tpu.memory_space<hbm>> -> memref<1x64x128xf32, #tpu.memory_space<hbm>>
      %dma_wait3A_1448 = tpu.memref_squeeze %dma_wait3A_1447 : memref<1x64x128xf32, #tpu.memory_space<hbm>> -> memref<64x128xf32, #tpu.memory_space<hbm>>
      tpu.wait_dma2 semaphore(%arg14 : memref<!tpu.dma_semaphore, #tpu.memory_space<semaphore_mem>>) src(%arg11 : memref<64x128xf32, #tpu.memory_space<vmem>>) dst(%dma_wait3A_1448 : memref<64x128xf32, #tpu.memory_space<hbm>>)
      %dma_start3A_1449 = arith.constant 1024 : i32
      %dma_start3A_1450 = tpu.memref_slice %arg9[%dma_start3A_1449] : memref<2048xi32, #tpu.memory_space<vmem>> -> memref<64xi32, #tpu.memory_space<vmem>>
      %dma_start3A_1451 = arith.constant 0 : i32
      %dma_start3A_1452 = arith.constant 0 : i32
      %dma_start3A_1453 = tpu.memref_slice %arg6[%dma_start3A_1451, %dma_start3A_1452] : memref<12288x128xf32, #tpu.memory_space<vmem_shared>> -> memref<12288x128xf32, #tpu.memory_space<vmem_shared>>
      tpu.enqueue_indirect_dma source(%dma_start3A_1453 : memref<12288x128xf32, #tpu.memory_space<vmem_shared>>) target(%arg11 : memref<64x128xf32, #tpu.memory_space<vmem>>) offsets(%dma_start3A_1450 : memref<64xi32, #tpu.memory_space<vmem>>) semaphore(%arg13 : memref<!tpu.dma_semaphore, #tpu.memory_space<semaphore_mem>>)
      %dma_wait3A_1454 = arith.constant 960 : i32
      %dma_wait3A_1455 = tpu.memref_slice %arg9[%dma_wait3A_1454] : memref<2048xi32, #tpu.memory_space<vmem>> -> memref<64xi32, #tpu.memory_space<vmem>>
      %dma_wait3A_1456 = arith.constant 0 : i32
      %dma_wait3A_1457 = arith.constant 0 : i32
      %dma_wait3A_1458 = tpu.memref_slice %arg6[%dma_wait3A_1456, %dma_wait3A_1457] : memref<12288x128xf32, #tpu.memory_space<vmem_shared>> -> memref<12288x128xf32, #tpu.memory_space<vmem_shared>>
      tpu.wait_indirect_dma semaphore(%arg13 : memref<!tpu.dma_semaphore, #tpu.memory_space<semaphore_mem>>) src(%dma_wait3A_1458 : memref<12288x128xf32, #tpu.memory_space<vmem_shared>>) dst(%arg10 : memref<64x128xf32, #tpu.memory_space<vmem>>)
      %add3A_1459 = arith.constant 1 : i32
      %add3A_1460 = arith.addi %add3A_41, %add3A_1459 : i32
      %mul3A_1461 = arith.constant 16 : i32
      %mul3A_1462 = arith.muli %add3A_1460, %mul3A_1461 : i32
      %mul3A_1463 = arith.constant 8 : i32
      %mul3A_1464 = arith.muli %arg0, %mul3A_1463 : i32
      %add3A_1465 = arith.addi %mul3A_1462, %mul3A_1464 : i32
      %add3A_1466 = arith.constant 7 : i32
      %add3A_1467 = arith.addi %add3A_1465, %add3A_1466 : i32
      %dma_start3A_1468 = arith.constant 0 : i32
      %dma_start3A_1469 = arith.constant 0 : i32
      %dma_start3A_1470 = tpu.memref_slice %arg5[%add3A_1467, %dma_start3A_1468, %dma_start3A_1469] : memref<16384x64x128xf32, #tpu.memory_space<hbm>> -> memref<1x64x128xf32, #tpu.memory_space<hbm>>
      %dma_start3A_1471 = tpu.memref_squeeze %dma_start3A_1470 : memref<1x64x128xf32, #tpu.memory_space<hbm>> -> memref<64x128xf32, #tpu.memory_space<hbm>>
      %dma_start3A_1472 = arith.constant 0 : i32
      %dma_start3A_1473 = arith.constant 0 : i32
      %dma_start3A_1474 = tpu.memref_slice %arg5[%add3A_1467, %dma_start3A_1472, %dma_start3A_1473] : memref<16384x64x128xf32, #tpu.memory_space<hbm>> -> memref<1x64x128xf32, #tpu.memory_space<hbm>>
      %dma_start3A_1475 = tpu.memref_squeeze %dma_start3A_1474 : memref<1x64x128xf32, #tpu.memory_space<hbm>> -> memref<64x128xf32, #tpu.memory_space<hbm>>
      tpu.enqueue_dma source(%arg10 : memref<64x128xf32, #tpu.memory_space<vmem>>) target(%dma_start3A_1475 : memref<64x128xf32, #tpu.memory_space<hbm>>) target_semaphore(%arg14 : memref<!tpu.dma_semaphore, #tpu.memory_space<semaphore_mem>>)
      %get3A_1476 = arith.constant 2 : i32
      %get3A_1477 = arith.index_cast %get3A_1476 : i32 to index
      %get3A_1478 = arith.constant 64 : index
      %get3A_1479 = tpu.vector_load %arg7[%get3A_1477, %get3A_1478] {strides = array<i32>} : memref<4x512xi32, #tpu.memory_space<vmem>>, vector<1x16xi32>,
      %get3A_1480 = vector.shape_cast %get3A_1479 : vector<1x16xi32> to vector<16xi32>
      %get3A_1481 = arith.constant 64 : index
      %get3A_1482 = tpu.vector_load %arg8[%get3A_1481] {strides = array<i32>} : memref<512xi32, #tpu.memory_space<vmem>>, vector<16xi32>,
      %get3A_1483 = vector.shape_cast %get3A_1482 : vector<16xi32> to vector<16xi32>
      %add3A_1484 = arith.addi %get3A_1480, %get3A_1483 : vector<16xi32>
      %swap3A_1485 = arith.constant 1088 : index
      %swap3A_1486 = tpu.vector_load %arg9[%swap3A_1485] {strides = array<i32>} : memref<2048xi32, #tpu.memory_space<vmem>>, vector<16xi32>,
      %swap3A_1487 = vector.shape_cast %swap3A_1486 : vector<16xi32> to vector<16xi32>
      %swap3A_1488 = vector.shape_cast %add3A_1484 : vector<16xi32> to vector<16xi32>
      tpu.vector_store %arg9[%swap3A_1485], %swap3A_1488 {strides = array<i32>} : memref<2048xi32, #tpu.memory_space<vmem>>, vector<16xi32>,
      %get3A_1489 = arith.constant 2 : i32
      %get3A_1490 = arith.index_cast %get3A_1489 : i32 to index
      %get3A_1491 = arith.constant 80 : index
      %get3A_1492 = tpu.vector_load %arg7[%get3A_1490, %get3A_1491] {strides = array<i32>} : memref<4x512xi32, #tpu.memory_space<vmem>>, vector<1x16xi32>,
      %get3A_1493 = vector.shape_cast %get3A_1492 : vector<1x16xi32> to vector<16xi32>
      %get3A_1494 = arith.constant 80 : index
      %get3A_1495 = tpu.vector_load %arg8[%get3A_1494] {strides = array<i32>} : memref<512xi32, #tpu.memory_space<vmem>>, vector<16xi32>,
      %get3A_1496 = vector.shape_cast %get3A_1495 : vector<16xi32> to vector<16xi32>
      %add3A_1497 = arith.addi %get3A_1493, %get3A_1496 : vector<16xi32>
      %swap3A_1498 = arith.constant 1104 : index
      %swap3A_1499 = tpu.vector_load %arg9[%swap3A_1498] {strides = array<i32>} : memref<2048xi32, #tpu.memory_space<vmem>>, vector<16xi32>,
      %swap3A_1500 = vector.shape_cast %swap3A_1499 : vector<16xi32> to vector<16xi32>
      %swap3A_1501 = vector.shape_cast %add3A_1497 : vector<16xi32> to vector<16xi32>
      tpu.vector_store %arg9[%swap3A_1498], %swap3A_1501 {strides = array<i32>} : memref<2048xi32, #tpu.memory_space<vmem>>, vector<16xi32>,
      %get3A_1502 = arith.constant 2 : i32
      %get3A_1503 = arith.index_cast %get3A_1502 : i32 to index
      %get3A_1504 = arith.constant 96 : index
      %get3A_1505 = tpu.vector_load %arg7[%get3A_1503, %get3A_1504] {strides = array<i32>} : memref<4x512xi32, #tpu.memory_space<vmem>>, vector<1x16xi32>,
      %get3A_1506 = vector.shape_cast %get3A_1505 : vector<1x16xi32> to vector<16xi32>
      %get3A_1507 = arith.constant 96 : index
      %get3A_1508 = tpu.vector_load %arg8[%get3A_1507] {strides = array<i32>} : memref<512xi32, #tpu.memory_space<vmem>>, vector<16xi32>,
      %get3A_1509 = vector.shape_cast %get3A_1508 : vector<16xi32> to vector<16xi32>
      %add3A_1510 = arith.addi %get3A_1506, %get3A_1509 : vector<16xi32>
      %swap3A_1511 = arith.constant 1120 : index
      %swap3A_1512 = tpu.vector_load %arg9[%swap3A_1511] {strides = array<i32>} : memref<2048xi32, #tpu.memory_space<vmem>>, vector<16xi32>,
      %swap3A_1513 = vector.shape_cast %swap3A_1512 : vector<16xi32> to vector<16xi32>
      %swap3A_1514 = vector.shape_cast %add3A_1510 : vector<16xi32> to vector<16xi32>
      tpu.vector_store %arg9[%swap3A_1511], %swap3A_1514 {strides = array<i32>} : memref<2048xi32, #tpu.memory_space<vmem>>, vector<16xi32>,
      %get3A_1515 = arith.constant 2 : i32
      %get3A_1516 = arith.index_cast %get3A_1515 : i32 to index
      %get3A_1517 = arith.constant 112 : index
      %get3A_1518 = tpu.vector_load %arg7[%get3A_1516, %get3A_1517] {strides = array<i32>} : memref<4x512xi32, #tpu.memory_space<vmem>>, vector<1x16xi32>,
      %get3A_1519 = vector.shape_cast %get3A_1518 : vector<1x16xi32> to vector<16xi32>
      %get3A_1520 = arith.constant 112 : index
      %get3A_1521 = tpu.vector_load %arg8[%get3A_1520] {strides = array<i32>} : memref<512xi32, #tpu.memory_space<vmem>>, vector<16xi32>,
      %get3A_1522 = vector.shape_cast %get3A_1521 : vector<16xi32> to vector<16xi32>
      %add3A_1523 = arith.addi %get3A_1519, %get3A_1522 : vector<16xi32>
      %swap3A_1524 = arith.constant 1136 : index
      %swap3A_1525 = tpu.vector_load %arg9[%swap3A_1524] {strides = array<i32>} : memref<2048xi32, #tpu.memory_space<vmem>>, vector<16xi32>,
      %swap3A_1526 = vector.shape_cast %swap3A_1525 : vector<16xi32> to vector<16xi32>
      %swap3A_1527 = vector.shape_cast %add3A_1523 : vector<16xi32> to vector<16xi32>
      tpu.vector_store %arg9[%swap3A_1524], %swap3A_1527 {strides = array<i32>} : memref<2048xi32, #tpu.memory_space<vmem>>, vector<16xi32>,
      %dma_wait3A_1528 = arith.constant 0 : i32
      %dma_wait3A_1529 = arith.constant 0 : i32
      %dma_wait3A_1530 = tpu.memref_slice %arg5[%add3A_1380, %dma_wait3A_1528, %dma_wait3A_1529] : memref<16384x64x128xf32, #tpu.memory_space<hbm>> -> memref<1x64x128xf32, #tpu.memory_space<hbm>>
      %dma_wait3A_1531 = tpu.memref_squeeze %dma_wait3A_1530 : memref<1x64x128xf32, #tpu.memory_space<hbm>> -> memref<64x128xf32, #tpu.memory_space<hbm>>
      %dma_wait3A_1532 = arith.constant 0 : i32
      %dma_wait3A_1533 = arith.constant 0 : i32
      %dma_wait3A_1534 = tpu.memref_slice %arg5[%add3A_1380, %dma_wait3A_1532, %dma_wait3A_1533] : memref<16384x64x128xf32, #tpu.memory_space<hbm>> -> memref<1x64x128xf32, #tpu.memory_space<hbm>>
      %dma_wait3A_1535 = tpu.memref_squeeze %dma_wait3A_1534 : memref<1x64x128xf32, #tpu.memory_space<hbm>> -> memref<64x128xf32, #tpu.memory_space<hbm>>
      tpu.wait_dma2 semaphore(%arg14 : memref<!tpu.dma_semaphore, #tpu.memory_space<semaphore_mem>>) src(%arg12 : memref<64x128xf32, #tpu.memory_space<vmem>>) dst(%dma_wait3A_1535 : memref<64x128xf32, #tpu.memory_space<hbm>>)
      %dma_start3A_1536 = arith.constant 1088 : i32
      %dma_start3A_1537 = tpu.memref_slice %arg9[%dma_start3A_1536] : memref<2048xi32, #tpu.memory_space<vmem>> -> memref<64xi32, #tpu.memory_space<vmem>>
      %dma_start3A_1538 = arith.constant 0 : i32
      %dma_start3A_1539 = arith.constant 0 : i32
      %dma_start3A_1540 = tpu.memref_slice %arg6[%dma_start3A_1538, %dma_start3A_1539] : memref<12288x128xf32, #tpu.memory_space<vmem_shared>> -> memref<12288x128xf32, #tpu.memory_space<vmem_shared>>
      tpu.enqueue_indirect_dma source(%dma_start3A_1540 : memref<12288x128xf32, #tpu.memory_space<vmem_shared>>) target(%arg12 : memref<64x128xf32, #tpu.memory_space<vmem>>) offsets(%dma_start3A_1537 : memref<64xi32, #tpu.memory_space<vmem>>) semaphore(%arg13 : memref<!tpu.dma_semaphore, #tpu.memory_space<semaphore_mem>>)
      %dma_wait3A_1541 = arith.constant 1024 : i32
      %dma_wait3A_1542 = tpu.memref_slice %arg9[%dma_wait3A_1541] : memref<2048xi32, #tpu.memory_space<vmem>> -> memref<64xi32, #tpu.memory_space<vmem>>
      %dma_wait3A_1543 = arith.constant 0 : i32
      %dma_wait3A_1544 = arith.constant 0 : i32
      %dma_wait3A_1545 = tpu.memref_slice %arg6[%dma_wait3A_1543, %dma_wait3A_1544] : memref<12288x128xf32, #tpu.memory_space<vmem_shared>> -> memref<12288x128xf32, #tpu.memory_space<vmem_shared>>
      tpu.wait_indirect_dma semaphore(%arg13 : memref<!tpu.dma_semaphore, #tpu.memory_space<semaphore_mem>>) src(%dma_wait3A_1545 : memref<12288x128xf32, #tpu.memory_space<vmem_shared>>) dst(%arg11 : memref<64x128xf32, #tpu.memory_space<vmem>>)
      %add3A_1546 = arith.constant 2 : i32
      %add3A_1547 = arith.addi %add3A_41, %add3A_1546 : i32
      %mul3A_1548 = arith.constant 16 : i32
      %mul3A_1549 = arith.muli %add3A_1547, %mul3A_1548 : i32
      %mul3A_1550 = arith.constant 8 : i32
      %mul3A_1551 = arith.muli %arg0, %mul3A_1550 : i32
      %add3A_1552 = arith.addi %mul3A_1549, %mul3A_1551 : i32
      %add3A_1553 = arith.constant 0 : i32
      %add3A_1554 = arith.addi %add3A_1552, %add3A_1553 : i32
      %dma_start3A_1555 = arith.constant 0 : i32
      %dma_start3A_1556 = arith.constant 0 : i32
      %dma_start3A_1557 = tpu.memref_slice %arg5[%add3A_1554, %dma_start3A_1555, %dma_start3A_1556] : memref<16384x64x128xf32, #tpu.memory_space<hbm>> -> memref<1x64x128xf32, #tpu.memory_space<hbm>>
      %dma_start3A_1558 = tpu.memref_squeeze %dma_start3A_1557 : memref<1x64x128xf32, #tpu.memory_space<hbm>> -> memref<64x128xf32, #tpu.memory_space<hbm>>
      %dma_start3A_1559 = arith.constant 0 : i32
      %dma_start3A_1560 = arith.constant 0 : i32
      %dma_start3A_1561 = tpu.memref_slice %arg5[%add3A_1554, %dma_start3A_1559, %dma_start3A_1560] : memref<16384x64x128xf32, #tpu.memory_space<hbm>> -> memref<1x64x128xf32, #tpu.memory_space<hbm>>
      %dma_start3A_1562 = tpu.memref_squeeze %dma_start3A_1561 : memref<1x64x128xf32, #tpu.memory_space<hbm>> -> memref<64x128xf32, #tpu.memory_space<hbm>>
      tpu.enqueue_dma source(%arg11 : memref<64x128xf32, #tpu.memory_space<vmem>>) target(%dma_start3A_1562 : memref<64x128xf32, #tpu.memory_space<hbm>>) target_semaphore(%arg14 : memref<!tpu.dma_semaphore, #tpu.memory_space<semaphore_mem>>)
      %get3A_1563 = arith.constant 2 : i32
      %get3A_1564 = arith.index_cast %get3A_1563 : i32 to index
      %get3A_1565 = arith.constant 128 : index
      %get3A_1566 = tpu.vector_load %arg7[%get3A_1564, %get3A_1565] {strides = array<i32>} : memref<4x512xi32, #tpu.memory_space<vmem>>, vector<1x16xi32>,
      %get3A_1567 = vector.shape_cast %get3A_1566 : vector<1x16xi32> to vector<16xi32>
      %get3A_1568 = arith.constant 128 : index
      %get3A_1569 = tpu.vector_load %arg8[%get3A_1568] {strides = array<i32>} : memref<512xi32, #tpu.memory_space<vmem>>, vector<16xi32>,
      %get3A_1570 = vector.shape_cast %get3A_1569 : vector<16xi32> to vector<16xi32>
      %add3A_1571 = arith.addi %get3A_1567, %get3A_1570 : vector<16xi32>
      %swap3A_1572 = arith.constant 1152 : index
      %swap3A_1573 = tpu.vector_load %arg9[%swap3A_1572] {strides = array<i32>} : memref<2048xi32, #tpu.memory_space<vmem>>, vector<16xi32>,
      %swap3A_1574 = vector.shape_cast %swap3A_1573 : vector<16xi32> to vector<16xi32>
      %swap3A_1575 = vector.shape_cast %add3A_1571 : vector<16xi32> to vector<16xi32>
      tpu.vector_store %arg9[%swap3A_1572], %swap3A_1575 {strides = array<i32>} : memref<2048xi32, #tpu.memory_space<vmem>>, vector<16xi32>,
      %get3A_1576 = arith.constant 2 : i32
      %get3A_1577 = arith.index_cast %get3A_1576 : i32 to index
      %get3A_1578 = arith.constant 144 : index
      %get3A_1579 = tpu.vector_load %arg7[%get3A_1577, %get3A_1578] {strides = array<i32>} : memref<4x512xi32, #tpu.memory_space<vmem>>, vector<1x16xi32>,
      %get3A_1580 = vector.shape_cast %get3A_1579 : vector<1x16xi32> to vector<16xi32>
      %get3A_1581 = arith.constant 144 : index
      %get3A_1582 = tpu.vector_load %arg8[%get3A_1581] {strides = array<i32>} : memref<512xi32, #tpu.memory_space<vmem>>, vector<16xi32>,
      %get3A_1583 = vector.shape_cast %get3A_1582 : vector<16xi32> to vector<16xi32>
      %add3A_1584 = arith.addi %get3A_1580, %get3A_1583 : vector<16xi32>
      %swap3A_1585 = arith.constant 1168 : index
      %swap3A_1586 = tpu.vector_load %arg9[%swap3A_1585] {strides = array<i32>} : memref<2048xi32, #tpu.memory_space<vmem>>, vector<16xi32>,
      %swap3A_1587 = vector.shape_cast %swap3A_1586 : vector<16xi32> to vector<16xi32>
      %swap3A_1588 = vector.shape_cast %add3A_1584 : vector<16xi32> to vector<16xi32>
      tpu.vector_store %arg9[%swap3A_1585], %swap3A_1588 {strides = array<i32>} : memref<2048xi32, #tpu.memory_space<vmem>>, vector<16xi32>,
      %get3A_1589 = arith.constant 2 : i32
      %get3A_1590 = arith.index_cast %get3A_1589 : i32 to index
      %get3A_1591 = arith.constant 160 : index
      %get3A_1592 = tpu.vector_load %arg7[%get3A_1590, %get3A_1591] {strides = array<i32>} : memref<4x512xi32, #tpu.memory_space<vmem>>, vector<1x16xi32>,
      %get3A_1593 = vector.shape_cast %get3A_1592 : vector<1x16xi32> to vector<16xi32>
      %get3A_1594 = arith.constant 160 : index
      %get3A_1595 = tpu.vector_load %arg8[%get3A_1594] {strides = array<i32>} : memref<512xi32, #tpu.memory_space<vmem>>, vector<16xi32>,
      %get3A_1596 = vector.shape_cast %get3A_1595 : vector<16xi32> to vector<16xi32>
      %add3A_1597 = arith.addi %get3A_1593, %get3A_1596 : vector<16xi32>
      %swap3A_1598 = arith.constant 1184 : index
      %swap3A_1599 = tpu.vector_load %arg9[%swap3A_1598] {strides = array<i32>} : memref<2048xi32, #tpu.memory_space<vmem>>, vector<16xi32>,
      %swap3A_1600 = vector.shape_cast %swap3A_1599 : vector<16xi32> to vector<16xi32>
      %swap3A_1601 = vector.shape_cast %add3A_1597 : vector<16xi32> to vector<16xi32>
      tpu.vector_store %arg9[%swap3A_1598], %swap3A_1601 {strides = array<i32>} : memref<2048xi32, #tpu.memory_space<vmem>>, vector<16xi32>,
      %get3A_1602 = arith.constant 2 : i32
      %get3A_1603 = arith.index_cast %get3A_1602 : i32 to index
      %get3A_1604 = arith.constant 176 : index
      %get3A_1605 = tpu.vector_load %arg7[%get3A_1603, %get3A_1604] {strides = array<i32>} : memref<4x512xi32, #tpu.memory_space<vmem>>, vector<1x16xi32>,
      %get3A_1606 = vector.shape_cast %get3A_1605 : vector<1x16xi32> to vector<16xi32>
      %get3A_1607 = arith.constant 176 : index
      %get3A_1608 = tpu.vector_load %arg8[%get3A_1607] {strides = array<i32>} : memref<512xi32, #tpu.memory_space<vmem>>, vector<16xi32>,
      %get3A_1609 = vector.shape_cast %get3A_1608 : vector<16xi32> to vector<16xi32>
      %add3A_1610 = arith.addi %get3A_1606, %get3A_1609 : vector<16xi32>
      %swap3A_1611 = arith.constant 1200 : index
      %swap3A_1612 = tpu.vector_load %arg9[%swap3A_1611] {strides = array<i32>} : memref<2048xi32, #tpu.memory_space<vmem>>, vector<16xi32>,
      %swap3A_1613 = vector.shape_cast %swap3A_1612 : vector<16xi32> to vector<16xi32>
      %swap3A_1614 = vector.shape_cast %add3A_1610 : vector<16xi32> to vector<16xi32>
      tpu.vector_store %arg9[%swap3A_1611], %swap3A_1614 {strides = array<i32>} : memref<2048xi32, #tpu.memory_space<vmem>>, vector<16xi32>,
      %dma_wait3A_1615 = arith.constant 0 : i32
      %dma_wait3A_1616 = arith.constant 0 : i32
      %dma_wait3A_1617 = tpu.memref_slice %arg5[%add3A_1467, %dma_wait3A_1615, %dma_wait3A_1616] : memref<16384x64x128xf32, #tpu.memory_space<hbm>> -> memref<1x64x128xf32, #tpu.memory_space<hbm>>
      %dma_wait3A_1618 = tpu.memref_squeeze %dma_wait3A_1617 : memref<1x64x128xf32, #tpu.memory_space<hbm>> -> memref<64x128xf32, #tpu.memory_space<hbm>>
      %dma_wait3A_1619 = arith.constant 0 : i32
      %dma_wait3A_1620 = arith.constant 0 : i32
      %dma_wait3A_1621 = tpu.memref_slice %arg5[%add3A_1467, %dma_wait3A_1619, %dma_wait3A_1620] : memref<16384x64x128xf32, #tpu.memory_space<hbm>> -> memref<1x64x128xf32, #tpu.memory_space<hbm>>
      %dma_wait3A_1622 = tpu.memref_squeeze %dma_wait3A_1621 : memref<1x64x128xf32, #tpu.memory_space<hbm>> -> memref<64x128xf32, #tpu.memory_space<hbm>>
      tpu.wait_dma2 semaphore(%arg14 : memref<!tpu.dma_semaphore, #tpu.memory_space<semaphore_mem>>) src(%arg10 : memref<64x128xf32, #tpu.memory_space<vmem>>) dst(%dma_wait3A_1622 : memref<64x128xf32, #tpu.memory_space<hbm>>)
      %dma_start3A_1623 = arith.constant 1152 : i32
      %dma_start3A_1624 = tpu.memref_slice %arg9[%dma_start3A_1623] : memref<2048xi32, #tpu.memory_space<vmem>> -> memref<64xi32, #tpu.memory_space<vmem>>
      %dma_start3A_1625 = arith.constant 0 : i32
      %dma_start3A_1626 = arith.constant 0 : i32
      %dma_start3A_1627 = tpu.memref_slice %arg6[%dma_start3A_1625, %dma_start3A_1626] : memref<12288x128xf32, #tpu.memory_space<vmem_shared>> -> memref<12288x128xf32, #tpu.memory_space<vmem_shared>>
      tpu.enqueue_indirect_dma source(%dma_start3A_1627 : memref<12288x128xf32, #tpu.memory_space<vmem_shared>>) target(%arg10 : memref<64x128xf32, #tpu.memory_space<vmem>>) offsets(%dma_start3A_1624 : memref<64xi32, #tpu.memory_space<vmem>>) semaphore(%arg13 : memref<!tpu.dma_semaphore, #tpu.memory_space<semaphore_mem>>)
      %dma_wait3A_1628 = arith.constant 1088 : i32
      %dma_wait3A_1629 = tpu.memref_slice %arg9[%dma_wait3A_1628] : memref<2048xi32, #tpu.memory_space<vmem>> -> memref<64xi32, #tpu.memory_space<vmem>>
      %dma_wait3A_1630 = arith.constant 0 : i32
      %dma_wait3A_1631 = arith.constant 0 : i32
      %dma_wait3A_1632 = tpu.memref_slice %arg6[%dma_wait3A_1630, %dma_wait3A_1631] : memref<12288x128xf32, #tpu.memory_space<vmem_shared>> -> memref<12288x128xf32, #tpu.memory_space<vmem_shared>>
      tpu.wait_indirect_dma semaphore(%arg13 : memref<!tpu.dma_semaphore, #tpu.memory_space<semaphore_mem>>) src(%dma_wait3A_1632 : memref<12288x128xf32, #tpu.memory_space<vmem_shared>>) dst(%arg12 : memref<64x128xf32, #tpu.memory_space<vmem>>)
      %add3A_1633 = arith.constant 2 : i32
      %add3A_1634 = arith.addi %add3A_41, %add3A_1633 : i32
      %mul3A_1635 = arith.constant 16 : i32
      %mul3A_1636 = arith.muli %add3A_1634, %mul3A_1635 : i32
      %mul3A_1637 = arith.constant 8 : i32
      %mul3A_1638 = arith.muli %arg0, %mul3A_1637 : i32
      %add3A_1639 = arith.addi %mul3A_1636, %mul3A_1638 : i32
      %add3A_1640 = arith.constant 1 : i32
      %add3A_1641 = arith.addi %add3A_1639, %add3A_1640 : i32
      %dma_start3A_1642 = arith.constant 0 : i32
      %dma_start3A_1643 = arith.constant 0 : i32
      %dma_start3A_1644 = tpu.memref_slice %arg5[%add3A_1641, %dma_start3A_1642, %dma_start3A_1643] : memref<16384x64x128xf32, #tpu.memory_space<hbm>> -> memref<1x64x128xf32, #tpu.memory_space<hbm>>
      %dma_start3A_1645 = tpu.memref_squeeze %dma_start3A_1644 : memref<1x64x128xf32, #tpu.memory_space<hbm>> -> memref<64x128xf32, #tpu.memory_space<hbm>>
      %dma_start3A_1646 = arith.constant 0 : i32
      %dma_start3A_1647 = arith.constant 0 : i32
      %dma_start3A_1648 = tpu.memref_slice %arg5[%add3A_1641, %dma_start3A_1646, %dma_start3A_1647] : memref<16384x64x128xf32, #tpu.memory_space<hbm>> -> memref<1x64x128xf32, #tpu.memory_space<hbm>>
      %dma_start3A_1649 = tpu.memref_squeeze %dma_start3A_1648 : memref<1x64x128xf32, #tpu.memory_space<hbm>> -> memref<64x128xf32, #tpu.memory_space<hbm>>
      tpu.enqueue_dma source(%arg12 : memref<64x128xf32, #tpu.memory_space<vmem>>) target(%dma_start3A_1649 : memref<64x128xf32, #tpu.memory_space<hbm>>) target_semaphore(%arg14 : memref<!tpu.dma_semaphore, #tpu.memory_space<semaphore_mem>>)
      %get3A_1650 = arith.constant 2 : i32
      %get3A_1651 = arith.index_cast %get3A_1650 : i32 to index
      %get3A_1652 = arith.constant 192 : index
      %get3A_1653 = tpu.vector_load %arg7[%get3A_1651, %get3A_1652] {strides = array<i32>} : memref<4x512xi32, #tpu.memory_space<vmem>>, vector<1x16xi32>,
      %get3A_1654 = vector.shape_cast %get3A_1653 : vector<1x16xi32> to vector<16xi32>
      %get3A_1655 = arith.constant 192 : index
      %get3A_1656 = tpu.vector_load %arg8[%get3A_1655] {strides = array<i32>} : memref<512xi32, #tpu.memory_space<vmem>>, vector<16xi32>,
      %get3A_1657 = vector.shape_cast %get3A_1656 : vector<16xi32> to vector<16xi32>
      %add3A_1658 = arith.addi %get3A_1654, %get3A_1657 : vector<16xi32>
      %swap3A_1659 = arith.constant 1216 : index
      %swap3A_1660 = tpu.vector_load %arg9[%swap3A_1659] {strides = array<i32>} : memref<2048xi32, #tpu.memory_space<vmem>>, vector<16xi32>,
      %swap3A_1661 = vector.shape_cast %swap3A_1660 : vector<16xi32> to vector<16xi32>
      %swap3A_1662 = vector.shape_cast %add3A_1658 : vector<16xi32> to vector<16xi32>
      tpu.vector_store %arg9[%swap3A_1659], %swap3A_1662 {strides = array<i32>} : memref<2048xi32, #tpu.memory_space<vmem>>, vector<16xi32>,
      %get3A_1663 = arith.constant 2 : i32
      %get3A_1664 = arith.index_cast %get3A_1663 : i32 to index
      %get3A_1665 = arith.constant 208 : index
      %get3A_1666 = tpu.vector_load %arg7[%get3A_1664, %get3A_1665] {strides = array<i32>} : memref<4x512xi32, #tpu.memory_space<vmem>>, vector<1x16xi32>,
      %get3A_1667 = vector.shape_cast %get3A_1666 : vector<1x16xi32> to vector<16xi32>
      %get3A_1668 = arith.constant 208 : index
      %get3A_1669 = tpu.vector_load %arg8[%get3A_1668] {strides = array<i32>} : memref<512xi32, #tpu.memory_space<vmem>>, vector<16xi32>,
      %get3A_1670 = vector.shape_cast %get3A_1669 : vector<16xi32> to vector<16xi32>
      %add3A_1671 = arith.addi %get3A_1667, %get3A_1670 : vector<16xi32>
      %swap3A_1672 = arith.constant 1232 : index
      %swap3A_1673 = tpu.vector_load %arg9[%swap3A_1672] {strides = array<i32>} : memref<2048xi32, #tpu.memory_space<vmem>>, vector<16xi32>,
      %swap3A_1674 = vector.shape_cast %swap3A_1673 : vector<16xi32> to vector<16xi32>
      %swap3A_1675 = vector.shape_cast %add3A_1671 : vector<16xi32> to vector<16xi32>
      tpu.vector_store %arg9[%swap3A_1672], %swap3A_1675 {strides = array<i32>} : memref<2048xi32, #tpu.memory_space<vmem>>, vector<16xi32>,
      %get3A_1676 = arith.constant 2 : i32
      %get3A_1677 = arith.index_cast %get3A_1676 : i32 to index
      %get3A_1678 = arith.constant 224 : index
      %get3A_1679 = tpu.vector_load %arg7[%get3A_1677, %get3A_1678] {strides = array<i32>} : memref<4x512xi32, #tpu.memory_space<vmem>>, vector<1x16xi32>,
      %get3A_1680 = vector.shape_cast %get3A_1679 : vector<1x16xi32> to vector<16xi32>
      %get3A_1681 = arith.constant 224 : index
      %get3A_1682 = tpu.vector_load %arg8[%get3A_1681] {strides = array<i32>} : memref<512xi32, #tpu.memory_space<vmem>>, vector<16xi32>,
      %get3A_1683 = vector.shape_cast %get3A_1682 : vector<16xi32> to vector<16xi32>
      %add3A_1684 = arith.addi %get3A_1680, %get3A_1683 : vector<16xi32>
      %swap3A_1685 = arith.constant 1248 : index
      %swap3A_1686 = tpu.vector_load %arg9[%swap3A_1685] {strides = array<i32>} : memref<2048xi32, #tpu.memory_space<vmem>>, vector<16xi32>,
      %swap3A_1687 = vector.shape_cast %swap3A_1686 : vector<16xi32> to vector<16xi32>
      %swap3A_1688 = vector.shape_cast %add3A_1684 : vector<16xi32> to vector<16xi32>
      tpu.vector_store %arg9[%swap3A_1685], %swap3A_1688 {strides = array<i32>} : memref<2048xi32, #tpu.memory_space<vmem>>, vector<16xi32>,
      %get3A_1689 = arith.constant 2 : i32
      %get3A_1690 = arith.index_cast %get3A_1689 : i32 to index
      %get3A_1691 = arith.constant 240 : index
      %get3A_1692 = tpu.vector_load %arg7[%get3A_1690, %get3A_1691] {strides = array<i32>} : memref<4x512xi32, #tpu.memory_space<vmem>>, vector<1x16xi32>,
      %get3A_1693 = vector.shape_cast %get3A_1692 : vector<1x16xi32> to vector<16xi32>
      %get3A_1694 = arith.constant 240 : index
      %get3A_1695 = tpu.vector_load %arg8[%get3A_1694] {strides = array<i32>} : memref<512xi32, #tpu.memory_space<vmem>>, vector<16xi32>,
      %get3A_1696 = vector.shape_cast %get3A_1695 : vector<16xi32> to vector<16xi32>
      %add3A_1697 = arith.addi %get3A_1693, %get3A_1696 : vector<16xi32>
      %swap3A_1698 = arith.constant 1264 : index
      %swap3A_1699 = tpu.vector_load %arg9[%swap3A_1698] {strides = array<i32>} : memref<2048xi32, #tpu.memory_space<vmem>>, vector<16xi32>,
      %swap3A_1700 = vector.shape_cast %swap3A_1699 : vector<16xi32> to vector<16xi32>
      %swap3A_1701 = vector.shape_cast %add3A_1697 : vector<16xi32> to vector<16xi32>
      tpu.vector_store %arg9[%swap3A_1698], %swap3A_1701 {strides = array<i32>} : memref<2048xi32, #tpu.memory_space<vmem>>, vector<16xi32>,
      %dma_wait3A_1702 = arith.constant 0 : i32
      %dma_wait3A_1703 = arith.constant 0 : i32
      %dma_wait3A_1704 = tpu.memref_slice %arg5[%add3A_1554, %dma_wait3A_1702, %dma_wait3A_1703] : memref<16384x64x128xf32, #tpu.memory_space<hbm>> -> memref<1x64x128xf32, #tpu.memory_space<hbm>>
      %dma_wait3A_1705 = tpu.memref_squeeze %dma_wait3A_1704 : memref<1x64x128xf32, #tpu.memory_space<hbm>> -> memref<64x128xf32, #tpu.memory_space<hbm>>
      %dma_wait3A_1706 = arith.constant 0 : i32
      %dma_wait3A_1707 = arith.constant 0 : i32
      %dma_wait3A_1708 = tpu.memref_slice %arg5[%add3A_1554, %dma_wait3A_1706, %dma_wait3A_1707] : memref<16384x64x128xf32, #tpu.memory_space<hbm>> -> memref<1x64x128xf32, #tpu.memory_space<hbm>>
      %dma_wait3A_1709 = tpu.memref_squeeze %dma_wait3A_1708 : memref<1x64x128xf32, #tpu.memory_space<hbm>> -> memref<64x128xf32, #tpu.memory_space<hbm>>
      tpu.wait_dma2 semaphore(%arg14 : memref<!tpu.dma_semaphore, #tpu.memory_space<semaphore_mem>>) src(%arg11 : memref<64x128xf32, #tpu.memory_space<vmem>>) dst(%dma_wait3A_1709 : memref<64x128xf32, #tpu.memory_space<hbm>>)
      %dma_start3A_1710 = arith.constant 1216 : i32
      %dma_start3A_1711 = tpu.memref_slice %arg9[%dma_start3A_1710] : memref<2048xi32, #tpu.memory_space<vmem>> -> memref<64xi32, #tpu.memory_space<vmem>>
      %dma_start3A_1712 = arith.constant 0 : i32
      %dma_start3A_1713 = arith.constant 0 : i32
      %dma_start3A_1714 = tpu.memref_slice %arg6[%dma_start3A_1712, %dma_start3A_1713] : memref<12288x128xf32, #tpu.memory_space<vmem_shared>> -> memref<12288x128xf32, #tpu.memory_space<vmem_shared>>
      tpu.enqueue_indirect_dma source(%dma_start3A_1714 : memref<12288x128xf32, #tpu.memory_space<vmem_shared>>) target(%arg11 : memref<64x128xf32, #tpu.memory_space<vmem>>) offsets(%dma_start3A_1711 : memref<64xi32, #tpu.memory_space<vmem>>) semaphore(%arg13 : memref<!tpu.dma_semaphore, #tpu.memory_space<semaphore_mem>>)
      %dma_wait3A_1715 = arith.constant 1152 : i32
      %dma_wait3A_1716 = tpu.memref_slice %arg9[%dma_wait3A_1715] : memref<2048xi32, #tpu.memory_space<vmem>> -> memref<64xi32, #tpu.memory_space<vmem>>
      %dma_wait3A_1717 = arith.constant 0 : i32
      %dma_wait3A_1718 = arith.constant 0 : i32
      %dma_wait3A_1719 = tpu.memref_slice %arg6[%dma_wait3A_1717, %dma_wait3A_1718] : memref<12288x128xf32, #tpu.memory_space<vmem_shared>> -> memref<12288x128xf32, #tpu.memory_space<vmem_shared>>
      tpu.wait_indirect_dma semaphore(%arg13 : memref<!tpu.dma_semaphore, #tpu.memory_space<semaphore_mem>>) src(%dma_wait3A_1719 : memref<12288x128xf32, #tpu.memory_space<vmem_shared>>) dst(%arg10 : memref<64x128xf32, #tpu.memory_space<vmem>>)
      %add3A_1720 = arith.constant 2 : i32
      %add3A_1721 = arith.addi %add3A_41, %add3A_1720 : i32
      %mul3A_1722 = arith.constant 16 : i32
      %mul3A_1723 = arith.muli %add3A_1721, %mul3A_1722 : i32
      %mul3A_1724 = arith.constant 8 : i32
      %mul3A_1725 = arith.muli %arg0, %mul3A_1724 : i32
      %add3A_1726 = arith.addi %mul3A_1723, %mul3A_1725 : i32
      %add3A_1727 = arith.constant 2 : i32
      %add3A_1728 = arith.addi %add3A_1726, %add3A_1727 : i32
      %dma_start3A_1729 = arith.constant 0 : i32
      %dma_start3A_1730 = arith.constant 0 : i32
      %dma_start3A_1731 = tpu.memref_slice %arg5[%add3A_1728, %dma_start3A_1729, %dma_start3A_1730] : memref<16384x64x128xf32, #tpu.memory_space<hbm>> -> memref<1x64x128xf32, #tpu.memory_space<hbm>>
      %dma_start3A_1732 = tpu.memref_squeeze %dma_start3A_1731 : memref<1x64x128xf32, #tpu.memory_space<hbm>> -> memref<64x128xf32, #tpu.memory_space<hbm>>
      %dma_start3A_1733 = arith.constant 0 : i32
      %dma_start3A_1734 = arith.constant 0 : i32
      %dma_start3A_1735 = tpu.memref_slice %arg5[%add3A_1728, %dma_start3A_1733, %dma_start3A_1734] : memref<16384x64x128xf32, #tpu.memory_space<hbm>> -> memref<1x64x128xf32, #tpu.memory_space<hbm>>
      %dma_start3A_1736 = tpu.memref_squeeze %dma_start3A_1735 : memref<1x64x128xf32, #tpu.memory_space<hbm>> -> memref<64x128xf32, #tpu.memory_space<hbm>>
      tpu.enqueue_dma source(%arg10 : memref<64x128xf32, #tpu.memory_space<vmem>>) target(%dma_start3A_1736 : memref<64x128xf32, #tpu.memory_space<hbm>>) target_semaphore(%arg14 : memref<!tpu.dma_semaphore, #tpu.memory_space<semaphore_mem>>)
      %get3A_1737 = arith.constant 2 : i32
      %get3A_1738 = arith.index_cast %get3A_1737 : i32 to index
      %get3A_1739 = arith.constant 256 : index
      %get3A_1740 = tpu.vector_load %arg7[%get3A_1738, %get3A_1739] {strides = array<i32>} : memref<4x512xi32, #tpu.memory_space<vmem>>, vector<1x16xi32>,
      %get3A_1741 = vector.shape_cast %get3A_1740 : vector<1x16xi32> to vector<16xi32>
      %get3A_1742 = arith.constant 256 : index
      %get3A_1743 = tpu.vector_load %arg8[%get3A_1742] {strides = array<i32>} : memref<512xi32, #tpu.memory_space<vmem>>, vector<16xi32>,
      %get3A_1744 = vector.shape_cast %get3A_1743 : vector<16xi32> to vector<16xi32>
      %add3A_1745 = arith.addi %get3A_1741, %get3A_1744 : vector<16xi32>
      %swap3A_1746 = arith.constant 1280 : index
      %swap3A_1747 = tpu.vector_load %arg9[%swap3A_1746] {strides = array<i32>} : memref<2048xi32, #tpu.memory_space<vmem>>, vector<16xi32>,
      %swap3A_1748 = vector.shape_cast %swap3A_1747 : vector<16xi32> to vector<16xi32>
      %swap3A_1749 = vector.shape_cast %add3A_1745 : vector<16xi32> to vector<16xi32>
      tpu.vector_store %arg9[%swap3A_1746], %swap3A_1749 {strides = array<i32>} : memref<2048xi32, #tpu.memory_space<vmem>>, vector<16xi32>,
      %get3A_1750 = arith.constant 2 : i32
      %get3A_1751 = arith.index_cast %get3A_1750 : i32 to index
      %get3A_1752 = arith.constant 272 : index
      %get3A_1753 = tpu.vector_load %arg7[%get3A_1751, %get3A_1752] {strides = array<i32>} : memref<4x512xi32, #tpu.memory_space<vmem>>, vector<1x16xi32>,
      %get3A_1754 = vector.shape_cast %get3A_1753 : vector<1x16xi32> to vector<16xi32>
      %get3A_1755 = arith.constant 272 : index
      %get3A_1756 = tpu.vector_load %arg8[%get3A_1755] {strides = array<i32>} : memref<512xi32, #tpu.memory_space<vmem>>, vector<16xi32>,
      %get3A_1757 = vector.shape_cast %get3A_1756 : vector<16xi32> to vector<16xi32>
      %add3A_1758 = arith.addi %get3A_1754, %get3A_1757 : vector<16xi32>
      %swap3A_1759 = arith.constant 1296 : index
      %swap3A_1760 = tpu.vector_load %arg9[%swap3A_1759] {strides = array<i32>} : memref<2048xi32, #tpu.memory_space<vmem>>, vector<16xi32>,
      %swap3A_1761 = vector.shape_cast %swap3A_1760 : vector<16xi32> to vector<16xi32>
      %swap3A_1762 = vector.shape_cast %add3A_1758 : vector<16xi32> to vector<16xi32>
      tpu.vector_store %arg9[%swap3A_1759], %swap3A_1762 {strides = array<i32>} : memref<2048xi32, #tpu.memory_space<vmem>>, vector<16xi32>,
      %get3A_1763 = arith.constant 2 : i32
      %get3A_1764 = arith.index_cast %get3A_1763 : i32 to index
      %get3A_1765 = arith.constant 288 : index
      %get3A_1766 = tpu.vector_load %arg7[%get3A_1764, %get3A_1765] {strides = array<i32>} : memref<4x512xi32, #tpu.memory_space<vmem>>, vector<1x16xi32>,
      %get3A_1767 = vector.shape_cast %get3A_1766 : vector<1x16xi32> to vector<16xi32>
      %get3A_1768 = arith.constant 288 : index
      %get3A_1769 = tpu.vector_load %arg8[%get3A_1768] {strides = array<i32>} : memref<512xi32, #tpu.memory_space<vmem>>, vector<16xi32>,
      %get3A_1770 = vector.shape_cast %get3A_1769 : vector<16xi32> to vector<16xi32>
      %add3A_1771 = arith.addi %get3A_1767, %get3A_1770 : vector<16xi32>
      %swap3A_1772 = arith.constant 1312 : index
      %swap3A_1773 = tpu.vector_load %arg9[%swap3A_1772] {strides = array<i32>} : memref<2048xi32, #tpu.memory_space<vmem>>, vector<16xi32>,
      %swap3A_1774 = vector.shape_cast %swap3A_1773 : vector<16xi32> to vector<16xi32>
      %swap3A_1775 = vector.shape_cast %add3A_1771 : vector<16xi32> to vector<16xi32>
      tpu.vector_store %arg9[%swap3A_1772], %swap3A_1775 {strides = array<i32>} : memref<2048xi32, #tpu.memory_space<vmem>>, vector<16xi32>,
      %get3A_1776 = arith.constant 2 : i32
      %get3A_1777 = arith.index_cast %get3A_1776 : i32 to index
      %get3A_1778 = arith.constant 304 : index
      %get3A_1779 = tpu.vector_load %arg7[%get3A_1777, %get3A_1778] {strides = array<i32>} : memref<4x512xi32, #tpu.memory_space<vmem>>, vector<1x16xi32>,
      %get3A_1780 = vector.shape_cast %get3A_1779 : vector<1x16xi32> to vector<16xi32>
      %get3A_1781 = arith.constant 304 : index
      %get3A_1782 = tpu.vector_load %arg8[%get3A_1781] {strides = array<i32>} : memref<512xi32, #tpu.memory_space<vmem>>, vector<16xi32>,
      %get3A_1783 = vector.shape_cast %get3A_1782 : vector<16xi32> to vector<16xi32>
      %add3A_1784 = arith.addi %get3A_1780, %get3A_1783 : vector<16xi32>
      %swap3A_1785 = arith.constant 1328 : index
      %swap3A_1786 = tpu.vector_load %arg9[%swap3A_1785] {strides = array<i32>} : memref<2048xi32, #tpu.memory_space<vmem>>, vector<16xi32>,
      %swap3A_1787 = vector.shape_cast %swap3A_1786 : vector<16xi32> to vector<16xi32>
      %swap3A_1788 = vector.shape_cast %add3A_1784 : vector<16xi32> to vector<16xi32>
      tpu.vector_store %arg9[%swap3A_1785], %swap3A_1788 {strides = array<i32>} : memref<2048xi32, #tpu.memory_space<vmem>>, vector<16xi32>,
      %dma_wait3A_1789 = arith.constant 0 : i32
      %dma_wait3A_1790 = arith.constant 0 : i32
      %dma_wait3A_1791 = tpu.memref_slice %arg5[%add3A_1641, %dma_wait3A_1789, %dma_wait3A_1790] : memref<16384x64x128xf32, #tpu.memory_space<hbm>> -> memref<1x64x128xf32, #tpu.memory_space<hbm>>
      %dma_wait3A_1792 = tpu.memref_squeeze %dma_wait3A_1791 : memref<1x64x128xf32, #tpu.memory_space<hbm>> -> memref<64x128xf32, #tpu.memory_space<hbm>>
      %dma_wait3A_1793 = arith.constant 0 : i32
      %dma_wait3A_1794 = arith.constant 0 : i32
      %dma_wait3A_1795 = tpu.memref_slice %arg5[%add3A_1641, %dma_wait3A_1793, %dma_wait3A_1794] : memref<16384x64x128xf32, #tpu.memory_space<hbm>> -> memref<1x64x128xf32, #tpu.memory_space<hbm>>
      %dma_wait3A_1796 = tpu.memref_squeeze %dma_wait3A_1795 : memref<1x64x128xf32, #tpu.memory_space<hbm>> -> memref<64x128xf32, #tpu.memory_space<hbm>>
      tpu.wait_dma2 semaphore(%arg14 : memref<!tpu.dma_semaphore, #tpu.memory_space<semaphore_mem>>) src(%arg12 : memref<64x128xf32, #tpu.memory_space<vmem>>) dst(%dma_wait3A_1796 : memref<64x128xf32, #tpu.memory_space<hbm>>)
      %dma_start3A_1797 = arith.constant 1280 : i32
      %dma_start3A_1798 = tpu.memref_slice %arg9[%dma_start3A_1797] : memref<2048xi32, #tpu.memory_space<vmem>> -> memref<64xi32, #tpu.memory_space<vmem>>
      %dma_start3A_1799 = arith.constant 0 : i32
      %dma_start3A_1800 = arith.constant 0 : i32
      %dma_start3A_1801 = tpu.memref_slice %arg6[%dma_start3A_1799, %dma_start3A_1800] : memref<12288x128xf32, #tpu.memory_space<vmem_shared>> -> memref<12288x128xf32, #tpu.memory_space<vmem_shared>>
      tpu.enqueue_indirect_dma source(%dma_start3A_1801 : memref<12288x128xf32, #tpu.memory_space<vmem_shared>>) target(%arg12 : memref<64x128xf32, #tpu.memory_space<vmem>>) offsets(%dma_start3A_1798 : memref<64xi32, #tpu.memory_space<vmem>>) semaphore(%arg13 : memref<!tpu.dma_semaphore, #tpu.memory_space<semaphore_mem>>)
      %dma_wait3A_1802 = arith.constant 1216 : i32
      %dma_wait3A_1803 = tpu.memref_slice %arg9[%dma_wait3A_1802] : memref<2048xi32, #tpu.memory_space<vmem>> -> memref<64xi32, #tpu.memory_space<vmem>>
      %dma_wait3A_1804 = arith.constant 0 : i32
      %dma_wait3A_1805 = arith.constant 0 : i32
      %dma_wait3A_1806 = tpu.memref_slice %arg6[%dma_wait3A_1804, %dma_wait3A_1805] : memref<12288x128xf32, #tpu.memory_space<vmem_shared>> -> memref<12288x128xf32, #tpu.memory_space<vmem_shared>>
      tpu.wait_indirect_dma semaphore(%arg13 : memref<!tpu.dma_semaphore, #tpu.memory_space<semaphore_mem>>) src(%dma_wait3A_1806 : memref<12288x128xf32, #tpu.memory_space<vmem_shared>>) dst(%arg11 : memref<64x128xf32, #tpu.memory_space<vmem>>)
      %add3A_1807 = arith.constant 2 : i32
      %add3A_1808 = arith.addi %add3A_41, %add3A_1807 : i32
      %mul3A_1809 = arith.constant 16 : i32
      %mul3A_1810 = arith.muli %add3A_1808, %mul3A_1809 : i32
      %mul3A_1811 = arith.constant 8 : i32
      %mul3A_1812 = arith.muli %arg0, %mul3A_1811 : i32
      %add3A_1813 = arith.addi %mul3A_1810, %mul3A_1812 : i32
      %add3A_1814 = arith.constant 3 : i32
      %add3A_1815 = arith.addi %add3A_1813, %add3A_1814 : i32
      %dma_start3A_1816 = arith.constant 0 : i32
      %dma_start3A_1817 = arith.constant 0 : i32
      %dma_start3A_1818 = tpu.memref_slice %arg5[%add3A_1815, %dma_start3A_1816, %dma_start3A_1817] : memref<16384x64x128xf32, #tpu.memory_space<hbm>> -> memref<1x64x128xf32, #tpu.memory_space<hbm>>
      %dma_start3A_1819 = tpu.memref_squeeze %dma_start3A_1818 : memref<1x64x128xf32, #tpu.memory_space<hbm>> -> memref<64x128xf32, #tpu.memory_space<hbm>>
      %dma_start3A_1820 = arith.constant 0 : i32
      %dma_start3A_1821 = arith.constant 0 : i32
      %dma_start3A_1822 = tpu.memref_slice %arg5[%add3A_1815, %dma_start3A_1820, %dma_start3A_1821] : memref<16384x64x128xf32, #tpu.memory_space<hbm>> -> memref<1x64x128xf32, #tpu.memory_space<hbm>>
      %dma_start3A_1823 = tpu.memref_squeeze %dma_start3A_1822 : memref<1x64x128xf32, #tpu.memory_space<hbm>> -> memref<64x128xf32, #tpu.memory_space<hbm>>
      tpu.enqueue_dma source(%arg11 : memref<64x128xf32, #tpu.memory_space<vmem>>) target(%dma_start3A_1823 : memref<64x128xf32, #tpu.memory_space<hbm>>) target_semaphore(%arg14 : memref<!tpu.dma_semaphore, #tpu.memory_space<semaphore_mem>>)
      %get3A_1824 = arith.constant 2 : i32
      %get3A_1825 = arith.index_cast %get3A_1824 : i32 to index
      %get3A_1826 = arith.constant 320 : index
      %get3A_1827 = tpu.vector_load %arg7[%get3A_1825, %get3A_1826] {strides = array<i32>} : memref<4x512xi32, #tpu.memory_space<vmem>>, vector<1x16xi32>,
      %get3A_1828 = vector.shape_cast %get3A_1827 : vector<1x16xi32> to vector<16xi32>
      %get3A_1829 = arith.constant 320 : index
      %get3A_1830 = tpu.vector_load %arg8[%get3A_1829] {strides = array<i32>} : memref<512xi32, #tpu.memory_space<vmem>>, vector<16xi32>,
      %get3A_1831 = vector.shape_cast %get3A_1830 : vector<16xi32> to vector<16xi32>
      %add3A_1832 = arith.addi %get3A_1828, %get3A_1831 : vector<16xi32>
      %swap3A_1833 = arith.constant 1344 : index
      %swap3A_1834 = tpu.vector_load %arg9[%swap3A_1833] {strides = array<i32>} : memref<2048xi32, #tpu.memory_space<vmem>>, vector<16xi32>,
      %swap3A_1835 = vector.shape_cast %swap3A_1834 : vector<16xi32> to vector<16xi32>
      %swap3A_1836 = vector.shape_cast %add3A_1832 : vector<16xi32> to vector<16xi32>
      tpu.vector_store %arg9[%swap3A_1833], %swap3A_1836 {strides = array<i32>} : memref<2048xi32, #tpu.memory_space<vmem>>, vector<16xi32>,
      %get3A_1837 = arith.constant 2 : i32
      %get3A_1838 = arith.index_cast %get3A_1837 : i32 to index
      %get3A_1839 = arith.constant 336 : index
      %get3A_1840 = tpu.vector_load %arg7[%get3A_1838, %get3A_1839] {strides = array<i32>} : memref<4x512xi32, #tpu.memory_space<vmem>>, vector<1x16xi32>,
      %get3A_1841 = vector.shape_cast %get3A_1840 : vector<1x16xi32> to vector<16xi32>
      %get3A_1842 = arith.constant 336 : index
      %get3A_1843 = tpu.vector_load %arg8[%get3A_1842] {strides = array<i32>} : memref<512xi32, #tpu.memory_space<vmem>>, vector<16xi32>,
      %get3A_1844 = vector.shape_cast %get3A_1843 : vector<16xi32> to vector<16xi32>
      %add3A_1845 = arith.addi %get3A_1841, %get3A_1844 : vector<16xi32>
      %swap3A_1846 = arith.constant 1360 : index
      %swap3A_1847 = tpu.vector_load %arg9[%swap3A_1846] {strides = array<i32>} : memref<2048xi32, #tpu.memory_space<vmem>>, vector<16xi32>,
      %swap3A_1848 = vector.shape_cast %swap3A_1847 : vector<16xi32> to vector<16xi32>
      %swap3A_1849 = vector.shape_cast %add3A_1845 : vector<16xi32> to vector<16xi32>
      tpu.vector_store %arg9[%swap3A_1846], %swap3A_1849 {strides = array<i32>} : memref<2048xi32, #tpu.memory_space<vmem>>, vector<16xi32>,
      %get3A_1850 = arith.constant 2 : i32
      %get3A_1851 = arith.index_cast %get3A_1850 : i32 to index
      %get3A_1852 = arith.constant 352 : index
      %get3A_1853 = tpu.vector_load %arg7[%get3A_1851, %get3A_1852] {strides = array<i32>} : memref<4x512xi32, #tpu.memory_space<vmem>>, vector<1x16xi32>,
      %get3A_1854 = vector.shape_cast %get3A_1853 : vector<1x16xi32> to vector<16xi32>
      %get3A_1855 = arith.constant 352 : index
      %get3A_1856 = tpu.vector_load %arg8[%get3A_1855] {strides = array<i32>} : memref<512xi32, #tpu.memory_space<vmem>>, vector<16xi32>,
      %get3A_1857 = vector.shape_cast %get3A_1856 : vector<16xi32> to vector<16xi32>
      %add3A_1858 = arith.addi %get3A_1854, %get3A_1857 : vector<16xi32>
      %swap3A_1859 = arith.constant 1376 : index
      %swap3A_1860 = tpu.vector_load %arg9[%swap3A_1859] {strides = array<i32>} : memref<2048xi32, #tpu.memory_space<vmem>>, vector<16xi32>,
      %swap3A_1861 = vector.shape_cast %swap3A_1860 : vector<16xi32> to vector<16xi32>
      %swap3A_1862 = vector.shape_cast %add3A_1858 : vector<16xi32> to vector<16xi32>
      tpu.vector_store %arg9[%swap3A_1859], %swap3A_1862 {strides = array<i32>} : memref<2048xi32, #tpu.memory_space<vmem>>, vector<16xi32>,
      %get3A_1863 = arith.constant 2 : i32
      %get3A_1864 = arith.index_cast %get3A_1863 : i32 to index
      %get3A_1865 = arith.constant 368 : index
      %get3A_1866 = tpu.vector_load %arg7[%get3A_1864, %get3A_1865] {strides = array<i32>} : memref<4x512xi32, #tpu.memory_space<vmem>>, vector<1x16xi32>,
      %get3A_1867 = vector.shape_cast %get3A_1866 : vector<1x16xi32> to vector<16xi32>
      %get3A_1868 = arith.constant 368 : index
      %get3A_1869 = tpu.vector_load %arg8[%get3A_1868] {strides = array<i32>} : memref<512xi32, #tpu.memory_space<vmem>>, vector<16xi32>,
      %get3A_1870 = vector.shape_cast %get3A_1869 : vector<16xi32> to vector<16xi32>
      %add3A_1871 = arith.addi %get3A_1867, %get3A_1870 : vector<16xi32>
      %swap3A_1872 = arith.constant 1392 : index
      %swap3A_1873 = tpu.vector_load %arg9[%swap3A_1872] {strides = array<i32>} : memref<2048xi32, #tpu.memory_space<vmem>>, vector<16xi32>,
      %swap3A_1874 = vector.shape_cast %swap3A_1873 : vector<16xi32> to vector<16xi32>
      %swap3A_1875 = vector.shape_cast %add3A_1871 : vector<16xi32> to vector<16xi32>
      tpu.vector_store %arg9[%swap3A_1872], %swap3A_1875 {strides = array<i32>} : memref<2048xi32, #tpu.memory_space<vmem>>, vector<16xi32>,
      %dma_wait3A_1876 = arith.constant 0 : i32
      %dma_wait3A_1877 = arith.constant 0 : i32
      %dma_wait3A_1878 = tpu.memref_slice %arg5[%add3A_1728, %dma_wait3A_1876, %dma_wait3A_1877] : memref<16384x64x128xf32, #tpu.memory_space<hbm>> -> memref<1x64x128xf32, #tpu.memory_space<hbm>>
      %dma_wait3A_1879 = tpu.memref_squeeze %dma_wait3A_1878 : memref<1x64x128xf32, #tpu.memory_space<hbm>> -> memref<64x128xf32, #tpu.memory_space<hbm>>
      %dma_wait3A_1880 = arith.constant 0 : i32
      %dma_wait3A_1881 = arith.constant 0 : i32
      %dma_wait3A_1882 = tpu.memref_slice %arg5[%add3A_1728, %dma_wait3A_1880, %dma_wait3A_1881] : memref<16384x64x128xf32, #tpu.memory_space<hbm>> -> memref<1x64x128xf32, #tpu.memory_space<hbm>>
      %dma_wait3A_1883 = tpu.memref_squeeze %dma_wait3A_1882 : memref<1x64x128xf32, #tpu.memory_space<hbm>> -> memref<64x128xf32, #tpu.memory_space<hbm>>
      tpu.wait_dma2 semaphore(%arg14 : memref<!tpu.dma_semaphore, #tpu.memory_space<semaphore_mem>>) src(%arg10 : memref<64x128xf32, #tpu.memory_space<vmem>>) dst(%dma_wait3A_1883 : memref<64x128xf32, #tpu.memory_space<hbm>>)
      %dma_start3A_1884 = arith.constant 1344 : i32
      %dma_start3A_1885 = tpu.memref_slice %arg9[%dma_start3A_1884] : memref<2048xi32, #tpu.memory_space<vmem>> -> memref<64xi32, #tpu.memory_space<vmem>>
      %dma_start3A_1886 = arith.constant 0 : i32
      %dma_start3A_1887 = arith.constant 0 : i32
      %dma_start3A_1888 = tpu.memref_slice %arg6[%dma_start3A_1886, %dma_start3A_1887] : memref<12288x128xf32, #tpu.memory_space<vmem_shared>> -> memref<12288x128xf32, #tpu.memory_space<vmem_shared>>
      tpu.enqueue_indirect_dma source(%dma_start3A_1888 : memref<12288x128xf32, #tpu.memory_space<vmem_shared>>) target(%arg10 : memref<64x128xf32, #tpu.memory_space<vmem>>) offsets(%dma_start3A_1885 : memref<64xi32, #tpu.memory_space<vmem>>) semaphore(%arg13 : memref<!tpu.dma_semaphore, #tpu.memory_space<semaphore_mem>>)
      %dma_wait3A_1889 = arith.constant 1280 : i32
      %dma_wait3A_1890 = tpu.memref_slice %arg9[%dma_wait3A_1889] : memref<2048xi32, #tpu.memory_space<vmem>> -> memref<64xi32, #tpu.memory_space<vmem>>
      %dma_wait3A_1891 = arith.constant 0 : i32
      %dma_wait3A_1892 = arith.constant 0 : i32
      %dma_wait3A_1893 = tpu.memref_slice %arg6[%dma_wait3A_1891, %dma_wait3A_1892] : memref<12288x128xf32, #tpu.memory_space<vmem_shared>> -> memref<12288x128xf32, #tpu.memory_space<vmem_shared>>
      tpu.wait_indirect_dma semaphore(%arg13 : memref<!tpu.dma_semaphore, #tpu.memory_space<semaphore_mem>>) src(%dma_wait3A_1893 : memref<12288x128xf32, #tpu.memory_space<vmem_shared>>) dst(%arg12 : memref<64x128xf32, #tpu.memory_space<vmem>>)
      %add3A_1894 = arith.constant 2 : i32
      %add3A_1895 = arith.addi %add3A_41, %add3A_1894 : i32
      %mul3A_1896 = arith.constant 16 : i32
      %mul3A_1897 = arith.muli %add3A_1895, %mul3A_1896 : i32
      %mul3A_1898 = arith.constant 8 : i32
      %mul3A_1899 = arith.muli %arg0, %mul3A_1898 : i32
      %add3A_1900 = arith.addi %mul3A_1897, %mul3A_1899 : i32
      %add3A_1901 = arith.constant 4 : i32
      %add3A_1902 = arith.addi %add3A_1900, %add3A_1901 : i32
      %dma_start3A_1903 = arith.constant 0 : i32
      %dma_start3A_1904 = arith.constant 0 : i32
      %dma_start3A_1905 = tpu.memref_slice %arg5[%add3A_1902, %dma_start3A_1903, %dma_start3A_1904] : memref<16384x64x128xf32, #tpu.memory_space<hbm>> -> memref<1x64x128xf32, #tpu.memory_space<hbm>>
      %dma_start3A_1906 = tpu.memref_squeeze %dma_start3A_1905 : memref<1x64x128xf32, #tpu.memory_space<hbm>> -> memref<64x128xf32, #tpu.memory_space<hbm>>
      %dma_start3A_1907 = arith.constant 0 : i32
      %dma_start3A_1908 = arith.constant 0 : i32
      %dma_start3A_1909 = tpu.memref_slice %arg5[%add3A_1902, %dma_start3A_1907, %dma_start3A_1908] : memref<16384x64x128xf32, #tpu.memory_space<hbm>> -> memref<1x64x128xf32, #tpu.memory_space<hbm>>
      %dma_start3A_1910 = tpu.memref_squeeze %dma_start3A_1909 : memref<1x64x128xf32, #tpu.memory_space<hbm>> -> memref<64x128xf32, #tpu.memory_space<hbm>>
      tpu.enqueue_dma source(%arg12 : memref<64x128xf32, #tpu.memory_space<vmem>>) target(%dma_start3A_1910 : memref<64x128xf32, #tpu.memory_space<hbm>>) target_semaphore(%arg14 : memref<!tpu.dma_semaphore, #tpu.memory_space<semaphore_mem>>)
      %get3A_1911 = arith.constant 2 : i32
      %get3A_1912 = arith.index_cast %get3A_1911 : i32 to index
      %get3A_1913 = arith.constant 384 : index
      %get3A_1914 = tpu.vector_load %arg7[%get3A_1912, %get3A_1913] {strides = array<i32>} : memref<4x512xi32, #tpu.memory_space<vmem>>, vector<1x16xi32>,
      %get3A_1915 = vector.shape_cast %get3A_1914 : vector<1x16xi32> to vector<16xi32>
      %get3A_1916 = arith.constant 384 : index
      %get3A_1917 = tpu.vector_load %arg8[%get3A_1916] {strides = array<i32>} : memref<512xi32, #tpu.memory_space<vmem>>, vector<16xi32>,
      %get3A_1918 = vector.shape_cast %get3A_1917 : vector<16xi32> to vector<16xi32>
      %add3A_1919 = arith.addi %get3A_1915, %get3A_1918 : vector<16xi32>
      %swap3A_1920 = arith.constant 1408 : index
      %swap3A_1921 = tpu.vector_load %arg9[%swap3A_1920] {strides = array<i32>} : memref<2048xi32, #tpu.memory_space<vmem>>, vector<16xi32>,
      %swap3A_1922 = vector.shape_cast %swap3A_1921 : vector<16xi32> to vector<16xi32>
      %swap3A_1923 = vector.shape_cast %add3A_1919 : vector<16xi32> to vector<16xi32>
      tpu.vector_store %arg9[%swap3A_1920], %swap3A_1923 {strides = array<i32>} : memref<2048xi32, #tpu.memory_space<vmem>>, vector<16xi32>,
      %get3A_1924 = arith.constant 2 : i32
      %get3A_1925 = arith.index_cast %get3A_1924 : i32 to index
      %get3A_1926 = arith.constant 400 : index
      %get3A_1927 = tpu.vector_load %arg7[%get3A_1925, %get3A_1926] {strides = array<i32>} : memref<4x512xi32, #tpu.memory_space<vmem>>, vector<1x16xi32>,
      %get3A_1928 = vector.shape_cast %get3A_1927 : vector<1x16xi32> to vector<16xi32>
      %get3A_1929 = arith.constant 400 : index
      %get3A_1930 = tpu.vector_load %arg8[%get3A_1929] {strides = array<i32>} : memref<512xi32, #tpu.memory_space<vmem>>, vector<16xi32>,
      %get3A_1931 = vector.shape_cast %get3A_1930 : vector<16xi32> to vector<16xi32>
      %add3A_1932 = arith.addi %get3A_1928, %get3A_1931 : vector<16xi32>
      %swap3A_1933 = arith.constant 1424 : index
      %swap3A_1934 = tpu.vector_load %arg9[%swap3A_1933] {strides = array<i32>} : memref<2048xi32, #tpu.memory_space<vmem>>, vector<16xi32>,
      %swap3A_1935 = vector.shape_cast %swap3A_1934 : vector<16xi32> to vector<16xi32>
      %swap3A_1936 = vector.shape_cast %add3A_1932 : vector<16xi32> to vector<16xi32>
      tpu.vector_store %arg9[%swap3A_1933], %swap3A_1936 {strides = array<i32>} : memref<2048xi32, #tpu.memory_space<vmem>>, vector<16xi32>,
      %get3A_1937 = arith.constant 2 : i32
      %get3A_1938 = arith.index_cast %get3A_1937 : i32 to index
      %get3A_1939 = arith.constant 416 : index
      %get3A_1940 = tpu.vector_load %arg7[%get3A_1938, %get3A_1939] {strides = array<i32>} : memref<4x512xi32, #tpu.memory_space<vmem>>, vector<1x16xi32>,
      %get3A_1941 = vector.shape_cast %get3A_1940 : vector<1x16xi32> to vector<16xi32>
      %get3A_1942 = arith.constant 416 : index
      %get3A_1943 = tpu.vector_load %arg8[%get3A_1942] {strides = array<i32>} : memref<512xi32, #tpu.memory_space<vmem>>, vector<16xi32>,
      %get3A_1944 = vector.shape_cast %get3A_1943 : vector<16xi32> to vector<16xi32>
      %add3A_1945 = arith.addi %get3A_1941, %get3A_1944 : vector<16xi32>
      %swap3A_1946 = arith.constant 1440 : index
      %swap3A_1947 = tpu.vector_load %arg9[%swap3A_1946] {strides = array<i32>} : memref<2048xi32, #tpu.memory_space<vmem>>, vector<16xi32>,
      %swap3A_1948 = vector.shape_cast %swap3A_1947 : vector<16xi32> to vector<16xi32>
      %swap3A_1949 = vector.shape_cast %add3A_1945 : vector<16xi32> to vector<16xi32>
      tpu.vector_store %arg9[%swap3A_1946], %swap3A_1949 {strides = array<i32>} : memref<2048xi32, #tpu.memory_space<vmem>>, vector<16xi32>,
      %get3A_1950 = arith.constant 2 : i32
      %get3A_1951 = arith.index_cast %get3A_1950 : i32 to index
      %get3A_1952 = arith.constant 432 : index
      %get3A_1953 = tpu.vector_load %arg7[%get3A_1951, %get3A_1952] {strides = array<i32>} : memref<4x512xi32, #tpu.memory_space<vmem>>, vector<1x16xi32>,
      %get3A_1954 = vector.shape_cast %get3A_1953 : vector<1x16xi32> to vector<16xi32>
      %get3A_1955 = arith.constant 432 : index
      %get3A_1956 = tpu.vector_load %arg8[%get3A_1955] {strides = array<i32>} : memref<512xi32, #tpu.memory_space<vmem>>, vector<16xi32>,
      %get3A_1957 = vector.shape_cast %get3A_1956 : vector<16xi32> to vector<16xi32>
      %add3A_1958 = arith.addi %get3A_1954, %get3A_1957 : vector<16xi32>
      %swap3A_1959 = arith.constant 1456 : index
      %swap3A_1960 = tpu.vector_load %arg9[%swap3A_1959] {strides = array<i32>} : memref<2048xi32, #tpu.memory_space<vmem>>, vector<16xi32>,
      %swap3A_1961 = vector.shape_cast %swap3A_1960 : vector<16xi32> to vector<16xi32>
      %swap3A_1962 = vector.shape_cast %add3A_1958 : vector<16xi32> to vector<16xi32>
      tpu.vector_store %arg9[%swap3A_1959], %swap3A_1962 {strides = array<i32>} : memref<2048xi32, #tpu.memory_space<vmem>>, vector<16xi32>,
      %dma_wait3A_1963 = arith.constant 0 : i32
      %dma_wait3A_1964 = arith.constant 0 : i32
      %dma_wait3A_1965 = tpu.memref_slice %arg5[%add3A_1815, %dma_wait3A_1963, %dma_wait3A_1964] : memref<16384x64x128xf32, #tpu.memory_space<hbm>> -> memref<1x64x128xf32, #tpu.memory_space<hbm>>
      %dma_wait3A_1966 = tpu.memref_squeeze %dma_wait3A_1965 : memref<1x64x128xf32, #tpu.memory_space<hbm>> -> memref<64x128xf32, #tpu.memory_space<hbm>>
      %dma_wait3A_1967 = arith.constant 0 : i32
      %dma_wait3A_1968 = arith.constant 0 : i32
      %dma_wait3A_1969 = tpu.memref_slice %arg5[%add3A_1815, %dma_wait3A_1967, %dma_wait3A_1968] : memref<16384x64x128xf32, #tpu.memory_space<hbm>> -> memref<1x64x128xf32, #tpu.memory_space<hbm>>
      %dma_wait3A_1970 = tpu.memref_squeeze %dma_wait3A_1969 : memref<1x64x128xf32, #tpu.memory_space<hbm>> -> memref<64x128xf32, #tpu.memory_space<hbm>>
      tpu.wait_dma2 semaphore(%arg14 : memref<!tpu.dma_semaphore, #tpu.memory_space<semaphore_mem>>) src(%arg11 : memref<64x128xf32, #tpu.memory_space<vmem>>) dst(%dma_wait3A_1970 : memref<64x128xf32, #tpu.memory_space<hbm>>)
      %dma_start3A_1971 = arith.constant 1408 : i32
      %dma_start3A_1972 = tpu.memref_slice %arg9[%dma_start3A_1971] : memref<2048xi32, #tpu.memory_space<vmem>> -> memref<64xi32, #tpu.memory_space<vmem>>
      %dma_start3A_1973 = arith.constant 0 : i32
      %dma_start3A_1974 = arith.constant 0 : i32
      %dma_start3A_1975 = tpu.memref_slice %arg6[%dma_start3A_1973, %dma_start3A_1974] : memref<12288x128xf32, #tpu.memory_space<vmem_shared>> -> memref<12288x128xf32, #tpu.memory_space<vmem_shared>>
      tpu.enqueue_indirect_dma source(%dma_start3A_1975 : memref<12288x128xf32, #tpu.memory_space<vmem_shared>>) target(%arg11 : memref<64x128xf32, #tpu.memory_space<vmem>>) offsets(%dma_start3A_1972 : memref<64xi32, #tpu.memory_space<vmem>>) semaphore(%arg13 : memref<!tpu.dma_semaphore, #tpu.memory_space<semaphore_mem>>)
      %dma_wait3A_1976 = arith.constant 1344 : i32
      %dma_wait3A_1977 = tpu.memref_slice %arg9[%dma_wait3A_1976] : memref<2048xi32, #tpu.memory_space<vmem>> -> memref<64xi32, #tpu.memory_space<vmem>>
      %dma_wait3A_1978 = arith.constant 0 : i32
      %dma_wait3A_1979 = arith.constant 0 : i32
      %dma_wait3A_1980 = tpu.memref_slice %arg6[%dma_wait3A_1978, %dma_wait3A_1979] : memref<12288x128xf32, #tpu.memory_space<vmem_shared>> -> memref<12288x128xf32, #tpu.memory_space<vmem_shared>>
      tpu.wait_indirect_dma semaphore(%arg13 : memref<!tpu.dma_semaphore, #tpu.memory_space<semaphore_mem>>) src(%dma_wait3A_1980 : memref<12288x128xf32, #tpu.memory_space<vmem_shared>>) dst(%arg10 : memref<64x128xf32, #tpu.memory_space<vmem>>)
      %add3A_1981 = arith.constant 2 : i32
      %add3A_1982 = arith.addi %add3A_41, %add3A_1981 : i32
      %mul3A_1983 = arith.constant 16 : i32
      %mul3A_1984 = arith.muli %add3A_1982, %mul3A_1983 : i32
      %mul3A_1985 = arith.constant 8 : i32
      %mul3A_1986 = arith.muli %arg0, %mul3A_1985 : i32
      %add3A_1987 = arith.addi %mul3A_1984, %mul3A_1986 : i32
      %add3A_1988 = arith.constant 5 : i32
      %add3A_1989 = arith.addi %add3A_1987, %add3A_1988 : i32
      %dma_start3A_1990 = arith.constant 0 : i32
      %dma_start3A_1991 = arith.constant 0 : i32
      %dma_start3A_1992 = tpu.memref_slice %arg5[%add3A_1989, %dma_start3A_1990, %dma_start3A_1991] : memref<16384x64x128xf32, #tpu.memory_space<hbm>> -> memref<1x64x128xf32, #tpu.memory_space<hbm>>
      %dma_start3A_1993 = tpu.memref_squeeze %dma_start3A_1992 : memref<1x64x128xf32, #tpu.memory_space<hbm>> -> memref<64x128xf32, #tpu.memory_space<hbm>>
      %dma_start3A_1994 = arith.constant 0 : i32
      %dma_start3A_1995 = arith.constant 0 : i32
      %dma_start3A_1996 = tpu.memref_slice %arg5[%add3A_1989, %dma_start3A_1994, %dma_start3A_1995] : memref<16384x64x128xf32, #tpu.memory_space<hbm>> -> memref<1x64x128xf32, #tpu.memory_space<hbm>>
      %dma_start3A_1997 = tpu.memref_squeeze %dma_start3A_1996 : memref<1x64x128xf32, #tpu.memory_space<hbm>> -> memref<64x128xf32, #tpu.memory_space<hbm>>
      tpu.enqueue_dma source(%arg10 : memref<64x128xf32, #tpu.memory_space<vmem>>) target(%dma_start3A_1997 : memref<64x128xf32, #tpu.memory_space<hbm>>) target_semaphore(%arg14 : memref<!tpu.dma_semaphore, #tpu.memory_space<semaphore_mem>>)
      %get3A_1998 = arith.constant 2 : i32
      %get3A_1999 = arith.index_cast %get3A_1998 : i32 to index
      %get3A_2000 = arith.constant 448 : index
      %get3A_2001 = tpu.vector_load %arg7[%get3A_1999, %get3A_2000] {strides = array<i32>} : memref<4x512xi32, #tpu.memory_space<vmem>>, vector<1x16xi32>,
      %get3A_2002 = vector.shape_cast %get3A_2001 : vector<1x16xi32> to vector<16xi32>
      %get3A_2003 = arith.constant 448 : index
      %get3A_2004 = tpu.vector_load %arg8[%get3A_2003] {strides = array<i32>} : memref<512xi32, #tpu.memory_space<vmem>>, vector<16xi32>,
      %get3A_2005 = vector.shape_cast %get3A_2004 : vector<16xi32> to vector<16xi32>
      %add3A_2006 = arith.addi %get3A_2002, %get3A_2005 : vector<16xi32>
      %swap3A_2007 = arith.constant 1472 : index
      %swap3A_2008 = tpu.vector_load %arg9[%swap3A_2007] {strides = array<i32>} : memref<2048xi32, #tpu.memory_space<vmem>>, vector<16xi32>,
      %swap3A_2009 = vector.shape_cast %swap3A_2008 : vector<16xi32> to vector<16xi32>
      %swap3A_2010 = vector.shape_cast %add3A_2006 : vector<16xi32> to vector<16xi32>
      tpu.vector_store %arg9[%swap3A_2007], %swap3A_2010 {strides = array<i32>} : memref<2048xi32, #tpu.memory_space<vmem>>, vector<16xi32>,
      %get3A_2011 = arith.constant 2 : i32
      %get3A_2012 = arith.index_cast %get3A_2011 : i32 to index
      %get3A_2013 = arith.constant 464 : index
      %get3A_2014 = tpu.vector_load %arg7[%get3A_2012, %get3A_2013] {strides = array<i32>} : memref<4x512xi32, #tpu.memory_space<vmem>>, vector<1x16xi32>,
      %get3A_2015 = vector.shape_cast %get3A_2014 : vector<1x16xi32> to vector<16xi32>
      %get3A_2016 = arith.constant 464 : index
      %get3A_2017 = tpu.vector_load %arg8[%get3A_2016] {strides = array<i32>} : memref<512xi32, #tpu.memory_space<vmem>>, vector<16xi32>,
      %get3A_2018 = vector.shape_cast %get3A_2017 : vector<16xi32> to vector<16xi32>
      %add3A_2019 = arith.addi %get3A_2015, %get3A_2018 : vector<16xi32>
      %swap3A_2020 = arith.constant 1488 : index
      %swap3A_2021 = tpu.vector_load %arg9[%swap3A_2020] {strides = array<i32>} : memref<2048xi32, #tpu.memory_space<vmem>>, vector<16xi32>,
      %swap3A_2022 = vector.shape_cast %swap3A_2021 : vector<16xi32> to vector<16xi32>
      %swap3A_2023 = vector.shape_cast %add3A_2019 : vector<16xi32> to vector<16xi32>
      tpu.vector_store %arg9[%swap3A_2020], %swap3A_2023 {strides = array<i32>} : memref<2048xi32, #tpu.memory_space<vmem>>, vector<16xi32>,
      %get3A_2024 = arith.constant 2 : i32
      %get3A_2025 = arith.index_cast %get3A_2024 : i32 to index
      %get3A_2026 = arith.constant 480 : index
      %get3A_2027 = tpu.vector_load %arg7[%get3A_2025, %get3A_2026] {strides = array<i32>} : memref<4x512xi32, #tpu.memory_space<vmem>>, vector<1x16xi32>,
      %get3A_2028 = vector.shape_cast %get3A_2027 : vector<1x16xi32> to vector<16xi32>
      %get3A_2029 = arith.constant 480 : index
      %get3A_2030 = tpu.vector_load %arg8[%get3A_2029] {strides = array<i32>} : memref<512xi32, #tpu.memory_space<vmem>>, vector<16xi32>,
      %get3A_2031 = vector.shape_cast %get3A_2030 : vector<16xi32> to vector<16xi32>
      %add3A_2032 = arith.addi %get3A_2028, %get3A_2031 : vector<16xi32>
      %swap3A_2033 = arith.constant 1504 : index
      %swap3A_2034 = tpu.vector_load %arg9[%swap3A_2033] {strides = array<i32>} : memref<2048xi32, #tpu.memory_space<vmem>>, vector<16xi32>,
      %swap3A_2035 = vector.shape_cast %swap3A_2034 : vector<16xi32> to vector<16xi32>
      %swap3A_2036 = vector.shape_cast %add3A_2032 : vector<16xi32> to vector<16xi32>
      tpu.vector_store %arg9[%swap3A_2033], %swap3A_2036 {strides = array<i32>} : memref<2048xi32, #tpu.memory_space<vmem>>, vector<16xi32>,
      %get3A_2037 = arith.constant 2 : i32
      %get3A_2038 = arith.index_cast %get3A_2037 : i32 to index
      %get3A_2039 = arith.constant 496 : index
      %get3A_2040 = tpu.vector_load %arg7[%get3A_2038, %get3A_2039] {strides = array<i32>} : memref<4x512xi32, #tpu.memory_space<vmem>>, vector<1x16xi32>,
      %get3A_2041 = vector.shape_cast %get3A_2040 : vector<1x16xi32> to vector<16xi32>
      %get3A_2042 = arith.constant 496 : index
      %get3A_2043 = tpu.vector_load %arg8[%get3A_2042] {strides = array<i32>} : memref<512xi32, #tpu.memory_space<vmem>>, vector<16xi32>,
      %get3A_2044 = vector.shape_cast %get3A_2043 : vector<16xi32> to vector<16xi32>
      %add3A_2045 = arith.addi %get3A_2041, %get3A_2044 : vector<16xi32>
      %swap3A_2046 = arith.constant 1520 : index
      %swap3A_2047 = tpu.vector_load %arg9[%swap3A_2046] {strides = array<i32>} : memref<2048xi32, #tpu.memory_space<vmem>>, vector<16xi32>,
      %swap3A_2048 = vector.shape_cast %swap3A_2047 : vector<16xi32> to vector<16xi32>
      %swap3A_2049 = vector.shape_cast %add3A_2045 : vector<16xi32> to vector<16xi32>
      tpu.vector_store %arg9[%swap3A_2046], %swap3A_2049 {strides = array<i32>} : memref<2048xi32, #tpu.memory_space<vmem>>, vector<16xi32>,
      %dma_wait3A_2050 = arith.constant 0 : i32
      %dma_wait3A_2051 = arith.constant 0 : i32
      %dma_wait3A_2052 = tpu.memref_slice %arg5[%add3A_1902, %dma_wait3A_2050, %dma_wait3A_2051] : memref<16384x64x128xf32, #tpu.memory_space<hbm>> -> memref<1x64x128xf32, #tpu.memory_space<hbm>>
      %dma_wait3A_2053 = tpu.memref_squeeze %dma_wait3A_2052 : memref<1x64x128xf32, #tpu.memory_space<hbm>> -> memref<64x128xf32, #tpu.memory_space<hbm>>
      %dma_wait3A_2054 = arith.constant 0 : i32
      %dma_wait3A_2055 = arith.constant 0 : i32
      %dma_wait3A_2056 = tpu.memref_slice %arg5[%add3A_1902, %dma_wait3A_2054, %dma_wait3A_2055] : memref<16384x64x128xf32, #tpu.memory_space<hbm>> -> memref<1x64x128xf32, #tpu.memory_space<hbm>>
      %dma_wait3A_2057 = tpu.memref_squeeze %dma_wait3A_2056 : memref<1x64x128xf32, #tpu.memory_space<hbm>> -> memref<64x128xf32, #tpu.memory_space<hbm>>
      tpu.wait_dma2 semaphore(%arg14 : memref<!tpu.dma_semaphore, #tpu.memory_space<semaphore_mem>>) src(%arg12 : memref<64x128xf32, #tpu.memory_space<vmem>>) dst(%dma_wait3A_2057 : memref<64x128xf32, #tpu.memory_space<hbm>>)
      %dma_start3A_2058 = arith.constant 1472 : i32
      %dma_start3A_2059 = tpu.memref_slice %arg9[%dma_start3A_2058] : memref<2048xi32, #tpu.memory_space<vmem>> -> memref<64xi32, #tpu.memory_space<vmem>>
      %dma_start3A_2060 = arith.constant 0 : i32
      %dma_start3A_2061 = arith.constant 0 : i32
      %dma_start3A_2062 = tpu.memref_slice %arg6[%dma_start3A_2060, %dma_start3A_2061] : memref<12288x128xf32, #tpu.memory_space<vmem_shared>> -> memref<12288x128xf32, #tpu.memory_space<vmem_shared>>
      tpu.enqueue_indirect_dma source(%dma_start3A_2062 : memref<12288x128xf32, #tpu.memory_space<vmem_shared>>) target(%arg12 : memref<64x128xf32, #tpu.memory_space<vmem>>) offsets(%dma_start3A_2059 : memref<64xi32, #tpu.memory_space<vmem>>) semaphore(%arg13 : memref<!tpu.dma_semaphore, #tpu.memory_space<semaphore_mem>>)
      %dma_wait3A_2063 = arith.constant 1408 : i32
      %dma_wait3A_2064 = tpu.memref_slice %arg9[%dma_wait3A_2063] : memref<2048xi32, #tpu.memory_space<vmem>> -> memref<64xi32, #tpu.memory_space<vmem>>
      %dma_wait3A_2065 = arith.constant 0 : i32
      %dma_wait3A_2066 = arith.constant 0 : i32
      %dma_wait3A_2067 = tpu.memref_slice %arg6[%dma_wait3A_2065, %dma_wait3A_2066] : memref<12288x128xf32, #tpu.memory_space<vmem_shared>> -> memref<12288x128xf32, #tpu.memory_space<vmem_shared>>
      tpu.wait_indirect_dma semaphore(%arg13 : memref<!tpu.dma_semaphore, #tpu.memory_space<semaphore_mem>>) src(%dma_wait3A_2067 : memref<12288x128xf32, #tpu.memory_space<vmem_shared>>) dst(%arg11 : memref<64x128xf32, #tpu.memory_space<vmem>>)
      %add3A_2068 = arith.constant 2 : i32
      %add3A_2069 = arith.addi %add3A_41, %add3A_2068 : i32
      %mul3A_2070 = arith.constant 16 : i32
      %mul3A_2071 = arith.muli %add3A_2069, %mul3A_2070 : i32
      %mul3A_2072 = arith.constant 8 : i32
      %mul3A_2073 = arith.muli %arg0, %mul3A_2072 : i32
      %add3A_2074 = arith.addi %mul3A_2071, %mul3A_2073 : i32
      %add3A_2075 = arith.constant 6 : i32
      %add3A_2076 = arith.addi %add3A_2074, %add3A_2075 : i32
      %dma_start3A_2077 = arith.constant 0 : i32
      %dma_start3A_2078 = arith.constant 0 : i32
      %dma_start3A_2079 = tpu.memref_slice %arg5[%add3A_2076, %dma_start3A_2077, %dma_start3A_2078] : memref<16384x64x128xf32, #tpu.memory_space<hbm>> -> memref<1x64x128xf32, #tpu.memory_space<hbm>>
      %dma_start3A_2080 = tpu.memref_squeeze %dma_start3A_2079 : memref<1x64x128xf32, #tpu.memory_space<hbm>> -> memref<64x128xf32, #tpu.memory_space<hbm>>
      %dma_start3A_2081 = arith.constant 0 : i32
      %dma_start3A_2082 = arith.constant 0 : i32
      %dma_start3A_2083 = tpu.memref_slice %arg5[%add3A_2076, %dma_start3A_2081, %dma_start3A_2082] : memref<16384x64x128xf32, #tpu.memory_space<hbm>> -> memref<1x64x128xf32, #tpu.memory_space<hbm>>
      %dma_start3A_2084 = tpu.memref_squeeze %dma_start3A_2083 : memref<1x64x128xf32, #tpu.memory_space<hbm>> -> memref<64x128xf32, #tpu.memory_space<hbm>>
      tpu.enqueue_dma source(%arg11 : memref<64x128xf32, #tpu.memory_space<vmem>>) target(%dma_start3A_2084 : memref<64x128xf32, #tpu.memory_space<hbm>>) target_semaphore(%arg14 : memref<!tpu.dma_semaphore, #tpu.memory_space<semaphore_mem>>)
      %get3A_2085 = arith.constant 3 : i32
      %get3A_2086 = arith.index_cast %get3A_2085 : i32 to index
      %get3A_2087 = arith.constant 0 : index
      %get3A_2088 = tpu.vector_load %arg7[%get3A_2086, %get3A_2087] {strides = array<i32>} : memref<4x512xi32, #tpu.memory_space<vmem>>, vector<1x16xi32>,
      %get3A_2089 = vector.shape_cast %get3A_2088 : vector<1x16xi32> to vector<16xi32>
      %get3A_2090 = arith.constant 0 : index
      %get3A_2091 = tpu.vector_load %arg8[%get3A_2090] {strides = array<i32>} : memref<512xi32, #tpu.memory_space<vmem>>, vector<16xi32>,
      %get3A_2092 = vector.shape_cast %get3A_2091 : vector<16xi32> to vector<16xi32>
      %add3A_2093 = arith.addi %get3A_2089, %get3A_2092 : vector<16xi32>
      %swap3A_2094 = arith.constant 1536 : index
      %swap3A_2095 = tpu.vector_load %arg9[%swap3A_2094] {strides = array<i32>} : memref<2048xi32, #tpu.memory_space<vmem>>, vector<16xi32>,
      %swap3A_2096 = vector.shape_cast %swap3A_2095 : vector<16xi32> to vector<16xi32>
      %swap3A_2097 = vector.shape_cast %add3A_2093 : vector<16xi32> to vector<16xi32>
      tpu.vector_store %arg9[%swap3A_2094], %swap3A_2097 {strides = array<i32>} : memref<2048xi32, #tpu.memory_space<vmem>>, vector<16xi32>,
      %get3A_2098 = arith.constant 3 : i32
      %get3A_2099 = arith.index_cast %get3A_2098 : i32 to index
      %get3A_2100 = arith.constant 16 : index
      %get3A_2101 = tpu.vector_load %arg7[%get3A_2099, %get3A_2100] {strides = array<i32>} : memref<4x512xi32, #tpu.memory_space<vmem>>, vector<1x16xi32>,
      %get3A_2102 = vector.shape_cast %get3A_2101 : vector<1x16xi32> to vector<16xi32>
      %get3A_2103 = arith.constant 16 : index
      %get3A_2104 = tpu.vector_load %arg8[%get3A_2103] {strides = array<i32>} : memref<512xi32, #tpu.memory_space<vmem>>, vector<16xi32>,
      %get3A_2105 = vector.shape_cast %get3A_2104 : vector<16xi32> to vector<16xi32>
      %add3A_2106 = arith.addi %get3A_2102, %get3A_2105 : vector<16xi32>
      %swap3A_2107 = arith.constant 1552 : index
      %swap3A_2108 = tpu.vector_load %arg9[%swap3A_2107] {strides = array<i32>} : memref<2048xi32, #tpu.memory_space<vmem>>, vector<16xi32>,
      %swap3A_2109 = vector.shape_cast %swap3A_2108 : vector<16xi32> to vector<16xi32>
      %swap3A_2110 = vector.shape_cast %add3A_2106 : vector<16xi32> to vector<16xi32>
      tpu.vector_store %arg9[%swap3A_2107], %swap3A_2110 {strides = array<i32>} : memref<2048xi32, #tpu.memory_space<vmem>>, vector<16xi32>,
      %get3A_2111 = arith.constant 3 : i32
      %get3A_2112 = arith.index_cast %get3A_2111 : i32 to index
      %get3A_2113 = arith.constant 32 : index
      %get3A_2114 = tpu.vector_load %arg7[%get3A_2112, %get3A_2113] {strides = array<i32>} : memref<4x512xi32, #tpu.memory_space<vmem>>, vector<1x16xi32>,
      %get3A_2115 = vector.shape_cast %get3A_2114 : vector<1x16xi32> to vector<16xi32>
      %get3A_2116 = arith.constant 32 : index
      %get3A_2117 = tpu.vector_load %arg8[%get3A_2116] {strides = array<i32>} : memref<512xi32, #tpu.memory_space<vmem>>, vector<16xi32>,
      %get3A_2118 = vector.shape_cast %get3A_2117 : vector<16xi32> to vector<16xi32>
      %add3A_2119 = arith.addi %get3A_2115, %get3A_2118 : vector<16xi32>
      %swap3A_2120 = arith.constant 1568 : index
      %swap3A_2121 = tpu.vector_load %arg9[%swap3A_2120] {strides = array<i32>} : memref<2048xi32, #tpu.memory_space<vmem>>, vector<16xi32>,
      %swap3A_2122 = vector.shape_cast %swap3A_2121 : vector<16xi32> to vector<16xi32>
      %swap3A_2123 = vector.shape_cast %add3A_2119 : vector<16xi32> to vector<16xi32>
      tpu.vector_store %arg9[%swap3A_2120], %swap3A_2123 {strides = array<i32>} : memref<2048xi32, #tpu.memory_space<vmem>>, vector<16xi32>,
      %get3A_2124 = arith.constant 3 : i32
      %get3A_2125 = arith.index_cast %get3A_2124 : i32 to index
      %get3A_2126 = arith.constant 48 : index
      %get3A_2127 = tpu.vector_load %arg7[%get3A_2125, %get3A_2126] {strides = array<i32>} : memref<4x512xi32, #tpu.memory_space<vmem>>, vector<1x16xi32>,
      %get3A_2128 = vector.shape_cast %get3A_2127 : vector<1x16xi32> to vector<16xi32>
      %get3A_2129 = arith.constant 48 : index
      %get3A_2130 = tpu.vector_load %arg8[%get3A_2129] {strides = array<i32>} : memref<512xi32, #tpu.memory_space<vmem>>, vector<16xi32>,
      %get3A_2131 = vector.shape_cast %get3A_2130 : vector<16xi32> to vector<16xi32>
      %add3A_2132 = arith.addi %get3A_2128, %get3A_2131 : vector<16xi32>
      %swap3A_2133 = arith.constant 1584 : index
      %swap3A_2134 = tpu.vector_load %arg9[%swap3A_2133] {strides = array<i32>} : memref<2048xi32, #tpu.memory_space<vmem>>, vector<16xi32>,
      %swap3A_2135 = vector.shape_cast %swap3A_2134 : vector<16xi32> to vector<16xi32>
      %swap3A_2136 = vector.shape_cast %add3A_2132 : vector<16xi32> to vector<16xi32>
      tpu.vector_store %arg9[%swap3A_2133], %swap3A_2136 {strides = array<i32>} : memref<2048xi32, #tpu.memory_space<vmem>>, vector<16xi32>,
      %dma_wait3A_2137 = arith.constant 0 : i32
      %dma_wait3A_2138 = arith.constant 0 : i32
      %dma_wait3A_2139 = tpu.memref_slice %arg5[%add3A_1989, %dma_wait3A_2137, %dma_wait3A_2138] : memref<16384x64x128xf32, #tpu.memory_space<hbm>> -> memref<1x64x128xf32, #tpu.memory_space<hbm>>
      %dma_wait3A_2140 = tpu.memref_squeeze %dma_wait3A_2139 : memref<1x64x128xf32, #tpu.memory_space<hbm>> -> memref<64x128xf32, #tpu.memory_space<hbm>>
      %dma_wait3A_2141 = arith.constant 0 : i32
      %dma_wait3A_2142 = arith.constant 0 : i32
      %dma_wait3A_2143 = tpu.memref_slice %arg5[%add3A_1989, %dma_wait3A_2141, %dma_wait3A_2142] : memref<16384x64x128xf32, #tpu.memory_space<hbm>> -> memref<1x64x128xf32, #tpu.memory_space<hbm>>
      %dma_wait3A_2144 = tpu.memref_squeeze %dma_wait3A_2143 : memref<1x64x128xf32, #tpu.memory_space<hbm>> -> memref<64x128xf32, #tpu.memory_space<hbm>>
      tpu.wait_dma2 semaphore(%arg14 : memref<!tpu.dma_semaphore, #tpu.memory_space<semaphore_mem>>) src(%arg10 : memref<64x128xf32, #tpu.memory_space<vmem>>) dst(%dma_wait3A_2144 : memref<64x128xf32, #tpu.memory_space<hbm>>)
      %dma_start3A_2145 = arith.constant 1536 : i32
      %dma_start3A_2146 = tpu.memref_slice %arg9[%dma_start3A_2145] : memref<2048xi32, #tpu.memory_space<vmem>> -> memref<64xi32, #tpu.memory_space<vmem>>
      %dma_start3A_2147 = arith.constant 0 : i32
      %dma_start3A_2148 = arith.constant 0 : i32
      %dma_start3A_2149 = tpu.memref_slice %arg6[%dma_start3A_2147, %dma_start3A_2148] : memref<12288x128xf32, #tpu.memory_space<vmem_shared>> -> memref<12288x128xf32, #tpu.memory_space<vmem_shared>>
      tpu.enqueue_indirect_dma source(%dma_start3A_2149 : memref<12288x128xf32, #tpu.memory_space<vmem_shared>>) target(%arg10 : memref<64x128xf32, #tpu.memory_space<vmem>>) offsets(%dma_start3A_2146 : memref<64xi32, #tpu.memory_space<vmem>>) semaphore(%arg13 : memref<!tpu.dma_semaphore, #tpu.memory_space<semaphore_mem>>)
      %dma_wait3A_2150 = arith.constant 1472 : i32
      %dma_wait3A_2151 = tpu.memref_slice %arg9[%dma_wait3A_2150] : memref<2048xi32, #tpu.memory_space<vmem>> -> memref<64xi32, #tpu.memory_space<vmem>>
      %dma_wait3A_2152 = arith.constant 0 : i32
      %dma_wait3A_2153 = arith.constant 0 : i32
      %dma_wait3A_2154 = tpu.memref_slice %arg6[%dma_wait3A_2152, %dma_wait3A_2153] : memref<12288x128xf32, #tpu.memory_space<vmem_shared>> -> memref<12288x128xf32, #tpu.memory_space<vmem_shared>>
      tpu.wait_indirect_dma semaphore(%arg13 : memref<!tpu.dma_semaphore, #tpu.memory_space<semaphore_mem>>) src(%dma_wait3A_2154 : memref<12288x128xf32, #tpu.memory_space<vmem_shared>>) dst(%arg12 : memref<64x128xf32, #tpu.memory_space<vmem>>)
      %add3A_2155 = arith.constant 2 : i32
      %add3A_2156 = arith.addi %add3A_41, %add3A_2155 : i32
      %mul3A_2157 = arith.constant 16 : i32
      %mul3A_2158 = arith.muli %add3A_2156, %mul3A_2157 : i32
      %mul3A_2159 = arith.constant 8 : i32
      %mul3A_2160 = arith.muli %arg0, %mul3A_2159 : i32
      %add3A_2161 = arith.addi %mul3A_2158, %mul3A_2160 : i32
      %add3A_2162 = arith.constant 7 : i32
      %add3A_2163 = arith.addi %add3A_2161, %add3A_2162 : i32
      %dma_start3A_2164 = arith.constant 0 : i32
      %dma_start3A_2165 = arith.constant 0 : i32
      %dma_start3A_2166 = tpu.memref_slice %arg5[%add3A_2163, %dma_start3A_2164, %dma_start3A_2165] : memref<16384x64x128xf32, #tpu.memory_space<hbm>> -> memref<1x64x128xf32, #tpu.memory_space<hbm>>
      %dma_start3A_2167 = tpu.memref_squeeze %dma_start3A_2166 : memref<1x64x128xf32, #tpu.memory_space<hbm>> -> memref<64x128xf32, #tpu.memory_space<hbm>>
      %dma_start3A_2168 = arith.constant 0 : i32
      %dma_start3A_2169 = arith.constant 0 : i32
      %dma_start3A_2170 = tpu.memref_slice %arg5[%add3A_2163, %dma_start3A_2168, %dma_start3A_2169] : memref<16384x64x128xf32, #tpu.memory_space<hbm>> -> memref<1x64x128xf32, #tpu.memory_space<hbm>>
      %dma_start3A_2171 = tpu.memref_squeeze %dma_start3A_2170 : memref<1x64x128xf32, #tpu.memory_space<hbm>> -> memref<64x128xf32, #tpu.memory_space<hbm>>
      tpu.enqueue_dma source(%arg12 : memref<64x128xf32, #tpu.memory_space<vmem>>) target(%dma_start3A_2171 : memref<64x128xf32, #tpu.memory_space<hbm>>) target_semaphore(%arg14 : memref<!tpu.dma_semaphore, #tpu.memory_space<semaphore_mem>>)
      %get3A_2172 = arith.constant 3 : i32
      %get3A_2173 = arith.index_cast %get3A_2172 : i32 to index
      %get3A_2174 = arith.constant 64 : index
      %get3A_2175 = tpu.vector_load %arg7[%get3A_2173, %get3A_2174] {strides = array<i32>} : memref<4x512xi32, #tpu.memory_space<vmem>>, vector<1x16xi32>,
      %get3A_2176 = vector.shape_cast %get3A_2175 : vector<1x16xi32> to vector<16xi32>
      %get3A_2177 = arith.constant 64 : index
      %get3A_2178 = tpu.vector_load %arg8[%get3A_2177] {strides = array<i32>} : memref<512xi32, #tpu.memory_space<vmem>>, vector<16xi32>,
      %get3A_2179 = vector.shape_cast %get3A_2178 : vector<16xi32> to vector<16xi32>
      %add3A_2180 = arith.addi %get3A_2176, %get3A_2179 : vector<16xi32>
      %swap3A_2181 = arith.constant 1600 : index
      %swap3A_2182 = tpu.vector_load %arg9[%swap3A_2181] {strides = array<i32>} : memref<2048xi32, #tpu.memory_space<vmem>>, vector<16xi32>,
      %swap3A_2183 = vector.shape_cast %swap3A_2182 : vector<16xi32> to vector<16xi32>
      %swap3A_2184 = vector.shape_cast %add3A_2180 : vector<16xi32> to vector<16xi32>
      tpu.vector_store %arg9[%swap3A_2181], %swap3A_2184 {strides = array<i32>} : memref<2048xi32, #tpu.memory_space<vmem>>, vector<16xi32>,
      %get3A_2185 = arith.constant 3 : i32
      %get3A_2186 = arith.index_cast %get3A_2185 : i32 to index
      %get3A_2187 = arith.constant 80 : index
      %get3A_2188 = tpu.vector_load %arg7[%get3A_2186, %get3A_2187] {strides = array<i32>} : memref<4x512xi32, #tpu.memory_space<vmem>>, vector<1x16xi32>,
      %get3A_2189 = vector.shape_cast %get3A_2188 : vector<1x16xi32> to vector<16xi32>
      %get3A_2190 = arith.constant 80 : index
      %get3A_2191 = tpu.vector_load %arg8[%get3A_2190] {strides = array<i32>} : memref<512xi32, #tpu.memory_space<vmem>>, vector<16xi32>,
      %get3A_2192 = vector.shape_cast %get3A_2191 : vector<16xi32> to vector<16xi32>
      %add3A_2193 = arith.addi %get3A_2189, %get3A_2192 : vector<16xi32>
      %swap3A_2194 = arith.constant 1616 : index
      %swap3A_2195 = tpu.vector_load %arg9[%swap3A_2194] {strides = array<i32>} : memref<2048xi32, #tpu.memory_space<vmem>>, vector<16xi32>,
      %swap3A_2196 = vector.shape_cast %swap3A_2195 : vector<16xi32> to vector<16xi32>
      %swap3A_2197 = vector.shape_cast %add3A_2193 : vector<16xi32> to vector<16xi32>
      tpu.vector_store %arg9[%swap3A_2194], %swap3A_2197 {strides = array<i32>} : memref<2048xi32, #tpu.memory_space<vmem>>, vector<16xi32>,
      %get3A_2198 = arith.constant 3 : i32
      %get3A_2199 = arith.index_cast %get3A_2198 : i32 to index
      %get3A_2200 = arith.constant 96 : index
      %get3A_2201 = tpu.vector_load %arg7[%get3A_2199, %get3A_2200] {strides = array<i32>} : memref<4x512xi32, #tpu.memory_space<vmem>>, vector<1x16xi32>,
      %get3A_2202 = vector.shape_cast %get3A_2201 : vector<1x16xi32> to vector<16xi32>
      %get3A_2203 = arith.constant 96 : index
      %get3A_2204 = tpu.vector_load %arg8[%get3A_2203] {strides = array<i32>} : memref<512xi32, #tpu.memory_space<vmem>>, vector<16xi32>,
      %get3A_2205 = vector.shape_cast %get3A_2204 : vector<16xi32> to vector<16xi32>
      %add3A_2206 = arith.addi %get3A_2202, %get3A_2205 : vector<16xi32>
      %swap3A_2207 = arith.constant 1632 : index
      %swap3A_2208 = tpu.vector_load %arg9[%swap3A_2207] {strides = array<i32>} : memref<2048xi32, #tpu.memory_space<vmem>>, vector<16xi32>,
      %swap3A_2209 = vector.shape_cast %swap3A_2208 : vector<16xi32> to vector<16xi32>
      %swap3A_2210 = vector.shape_cast %add3A_2206 : vector<16xi32> to vector<16xi32>
      tpu.vector_store %arg9[%swap3A_2207], %swap3A_2210 {strides = array<i32>} : memref<2048xi32, #tpu.memory_space<vmem>>, vector<16xi32>,
      %get3A_2211 = arith.constant 3 : i32
      %get3A_2212 = arith.index_cast %get3A_2211 : i32 to index
      %get3A_2213 = arith.constant 112 : index
      %get3A_2214 = tpu.vector_load %arg7[%get3A_2212, %get3A_2213] {strides = array<i32>} : memref<4x512xi32, #tpu.memory_space<vmem>>, vector<1x16xi32>,
      %get3A_2215 = vector.shape_cast %get3A_2214 : vector<1x16xi32> to vector<16xi32>
      %get3A_2216 = arith.constant 112 : index
      %get3A_2217 = tpu.vector_load %arg8[%get3A_2216] {strides = array<i32>} : memref<512xi32, #tpu.memory_space<vmem>>, vector<16xi32>,
      %get3A_2218 = vector.shape_cast %get3A_2217 : vector<16xi32> to vector<16xi32>
      %add3A_2219 = arith.addi %get3A_2215, %get3A_2218 : vector<16xi32>
      %swap3A_2220 = arith.constant 1648 : index
      %swap3A_2221 = tpu.vector_load %arg9[%swap3A_2220] {strides = array<i32>} : memref<2048xi32, #tpu.memory_space<vmem>>, vector<16xi32>,
      %swap3A_2222 = vector.shape_cast %swap3A_2221 : vector<16xi32> to vector<16xi32>
      %swap3A_2223 = vector.shape_cast %add3A_2219 : vector<16xi32> to vector<16xi32>
      tpu.vector_store %arg9[%swap3A_2220], %swap3A_2223 {strides = array<i32>} : memref<2048xi32, #tpu.memory_space<vmem>>, vector<16xi32>,
      %dma_wait3A_2224 = arith.constant 0 : i32
      %dma_wait3A_2225 = arith.constant 0 : i32
      %dma_wait3A_2226 = tpu.memref_slice %arg5[%add3A_2076, %dma_wait3A_2224, %dma_wait3A_2225] : memref<16384x64x128xf32, #tpu.memory_space<hbm>> -> memref<1x64x128xf32, #tpu.memory_space<hbm>>
      %dma_wait3A_2227 = tpu.memref_squeeze %dma_wait3A_2226 : memref<1x64x128xf32, #tpu.memory_space<hbm>> -> memref<64x128xf32, #tpu.memory_space<hbm>>
      %dma_wait3A_2228 = arith.constant 0 : i32
      %dma_wait3A_2229 = arith.constant 0 : i32
      %dma_wait3A_2230 = tpu.memref_slice %arg5[%add3A_2076, %dma_wait3A_2228, %dma_wait3A_2229] : memref<16384x64x128xf32, #tpu.memory_space<hbm>> -> memref<1x64x128xf32, #tpu.memory_space<hbm>>
      %dma_wait3A_2231 = tpu.memref_squeeze %dma_wait3A_2230 : memref<1x64x128xf32, #tpu.memory_space<hbm>> -> memref<64x128xf32, #tpu.memory_space<hbm>>
      tpu.wait_dma2 semaphore(%arg14 : memref<!tpu.dma_semaphore, #tpu.memory_space<semaphore_mem>>) src(%arg11 : memref<64x128xf32, #tpu.memory_space<vmem>>) dst(%dma_wait3A_2231 : memref<64x128xf32, #tpu.memory_space<hbm>>)
      %dma_start3A_2232 = arith.constant 1600 : i32
      %dma_start3A_2233 = tpu.memref_slice %arg9[%dma_start3A_2232] : memref<2048xi32, #tpu.memory_space<vmem>> -> memref<64xi32, #tpu.memory_space<vmem>>
      %dma_start3A_2234 = arith.constant 0 : i32
      %dma_start3A_2235 = arith.constant 0 : i32
      %dma_start3A_2236 = tpu.memref_slice %arg6[%dma_start3A_2234, %dma_start3A_2235] : memref<12288x128xf32, #tpu.memory_space<vmem_shared>> -> memref<12288x128xf32, #tpu.memory_space<vmem_shared>>
      tpu.enqueue_indirect_dma source(%dma_start3A_2236 : memref<12288x128xf32, #tpu.memory_space<vmem_shared>>) target(%arg11 : memref<64x128xf32, #tpu.memory_space<vmem>>) offsets(%dma_start3A_2233 : memref<64xi32, #tpu.memory_space<vmem>>) semaphore(%arg13 : memref<!tpu.dma_semaphore, #tpu.memory_space<semaphore_mem>>)
      %dma_wait3A_2237 = arith.constant 1536 : i32
      %dma_wait3A_2238 = tpu.memref_slice %arg9[%dma_wait3A_2237] : memref<2048xi32, #tpu.memory_space<vmem>> -> memref<64xi32, #tpu.memory_space<vmem>>
      %dma_wait3A_2239 = arith.constant 0 : i32
      %dma_wait3A_2240 = arith.constant 0 : i32
      %dma_wait3A_2241 = tpu.memref_slice %arg6[%dma_wait3A_2239, %dma_wait3A_2240] : memref<12288x128xf32, #tpu.memory_space<vmem_shared>> -> memref<12288x128xf32, #tpu.memory_space<vmem_shared>>
      tpu.wait_indirect_dma semaphore(%arg13 : memref<!tpu.dma_semaphore, #tpu.memory_space<semaphore_mem>>) src(%dma_wait3A_2241 : memref<12288x128xf32, #tpu.memory_space<vmem_shared>>) dst(%arg10 : memref<64x128xf32, #tpu.memory_space<vmem>>)
      %add3A_2242 = arith.constant 3 : i32
      %add3A_2243 = arith.addi %add3A_41, %add3A_2242 : i32
      %mul3A_2244 = arith.constant 16 : i32
      %mul3A_2245 = arith.muli %add3A_2243, %mul3A_2244 : i32
      %mul3A_2246 = arith.constant 8 : i32
      %mul3A_2247 = arith.muli %arg0, %mul3A_2246 : i32
      %add3A_2248 = arith.addi %mul3A_2245, %mul3A_2247 : i32
      %add3A_2249 = arith.constant 0 : i32
      %add3A_2250 = arith.addi %add3A_2248, %add3A_2249 : i32
      %dma_start3A_2251 = arith.constant 0 : i32
      %dma_start3A_2252 = arith.constant 0 : i32
      %dma_start3A_2253 = tpu.memref_slice %arg5[%add3A_2250, %dma_start3A_2251, %dma_start3A_2252] : memref<16384x64x128xf32, #tpu.memory_space<hbm>> -> memref<1x64x128xf32, #tpu.memory_space<hbm>>
      %dma_start3A_2254 = tpu.memref_squeeze %dma_start3A_2253 : memref<1x64x128xf32, #tpu.memory_space<hbm>> -> memref<64x128xf32, #tpu.memory_space<hbm>>
      %dma_start3A_2255 = arith.constant 0 : i32
      %dma_start3A_2256 = arith.constant 0 : i32
      %dma_start3A_2257 = tpu.memref_slice %arg5[%add3A_2250, %dma_start3A_2255, %dma_start3A_2256] : memref<16384x64x128xf32, #tpu.memory_space<hbm>> -> memref<1x64x128xf32, #tpu.memory_space<hbm>>
      %dma_start3A_2258 = tpu.memref_squeeze %dma_start3A_2257 : memref<1x64x128xf32, #tpu.memory_space<hbm>> -> memref<64x128xf32, #tpu.memory_space<hbm>>
      tpu.enqueue_dma source(%arg10 : memref<64x128xf32, #tpu.memory_space<vmem>>) target(%dma_start3A_2258 : memref<64x128xf32, #tpu.memory_space<hbm>>) target_semaphore(%arg14 : memref<!tpu.dma_semaphore, #tpu.memory_space<semaphore_mem>>)
      %get3A_2259 = arith.constant 3 : i32
      %get3A_2260 = arith.index_cast %get3A_2259 : i32 to index
      %get3A_2261 = arith.constant 128 : index
      %get3A_2262 = tpu.vector_load %arg7[%get3A_2260, %get3A_2261] {strides = array<i32>} : memref<4x512xi32, #tpu.memory_space<vmem>>, vector<1x16xi32>,
      %get3A_2263 = vector.shape_cast %get3A_2262 : vector<1x16xi32> to vector<16xi32>
      %get3A_2264 = arith.constant 128 : index
      %get3A_2265 = tpu.vector_load %arg8[%get3A_2264] {strides = array<i32>} : memref<512xi32, #tpu.memory_space<vmem>>, vector<16xi32>,
      %get3A_2266 = vector.shape_cast %get3A_2265 : vector<16xi32> to vector<16xi32>
      %add3A_2267 = arith.addi %get3A_2263, %get3A_2266 : vector<16xi32>
      %swap3A_2268 = arith.constant 1664 : index
      %swap3A_2269 = tpu.vector_load %arg9[%swap3A_2268] {strides = array<i32>} : memref<2048xi32, #tpu.memory_space<vmem>>, vector<16xi32>,
      %swap3A_2270 = vector.shape_cast %swap3A_2269 : vector<16xi32> to vector<16xi32>
      %swap3A_2271 = vector.shape_cast %add3A_2267 : vector<16xi32> to vector<16xi32>
      tpu.vector_store %arg9[%swap3A_2268], %swap3A_2271 {strides = array<i32>} : memref<2048xi32, #tpu.memory_space<vmem>>, vector<16xi32>,
      %get3A_2272 = arith.constant 3 : i32
      %get3A_2273 = arith.index_cast %get3A_2272 : i32 to index
      %get3A_2274 = arith.constant 144 : index
      %get3A_2275 = tpu.vector_load %arg7[%get3A_2273, %get3A_2274] {strides = array<i32>} : memref<4x512xi32, #tpu.memory_space<vmem>>, vector<1x16xi32>,
      %get3A_2276 = vector.shape_cast %get3A_2275 : vector<1x16xi32> to vector<16xi32>
      %get3A_2277 = arith.constant 144 : index
      %get3A_2278 = tpu.vector_load %arg8[%get3A_2277] {strides = array<i32>} : memref<512xi32, #tpu.memory_space<vmem>>, vector<16xi32>,
      %get3A_2279 = vector.shape_cast %get3A_2278 : vector<16xi32> to vector<16xi32>
      %add3A_2280 = arith.addi %get3A_2276, %get3A_2279 : vector<16xi32>
      %swap3A_2281 = arith.constant 1680 : index
      %swap3A_2282 = tpu.vector_load %arg9[%swap3A_2281] {strides = array<i32>} : memref<2048xi32, #tpu.memory_space<vmem>>, vector<16xi32>,
      %swap3A_2283 = vector.shape_cast %swap3A_2282 : vector<16xi32> to vector<16xi32>
      %swap3A_2284 = vector.shape_cast %add3A_2280 : vector<16xi32> to vector<16xi32>
      tpu.vector_store %arg9[%swap3A_2281], %swap3A_2284 {strides = array<i32>} : memref<2048xi32, #tpu.memory_space<vmem>>, vector<16xi32>,
      %get3A_2285 = arith.constant 3 : i32
      %get3A_2286 = arith.index_cast %get3A_2285 : i32 to index
      %get3A_2287 = arith.constant 160 : index
      %get3A_2288 = tpu.vector_load %arg7[%get3A_2286, %get3A_2287] {strides = array<i32>} : memref<4x512xi32, #tpu.memory_space<vmem>>, vector<1x16xi32>,
      %get3A_2289 = vector.shape_cast %get3A_2288 : vector<1x16xi32> to vector<16xi32>
      %get3A_2290 = arith.constant 160 : index
      %get3A_2291 = tpu.vector_load %arg8[%get3A_2290] {strides = array<i32>} : memref<512xi32, #tpu.memory_space<vmem>>, vector<16xi32>,
      %get3A_2292 = vector.shape_cast %get3A_2291 : vector<16xi32> to vector<16xi32>
      %add3A_2293 = arith.addi %get3A_2289, %get3A_2292 : vector<16xi32>
      %swap3A_2294 = arith.constant 1696 : index
      %swap3A_2295 = tpu.vector_load %arg9[%swap3A_2294] {strides = array<i32>} : memref<2048xi32, #tpu.memory_space<vmem>>, vector<16xi32>,
      %swap3A_2296 = vector.shape_cast %swap3A_2295 : vector<16xi32> to vector<16xi32>
      %swap3A_2297 = vector.shape_cast %add3A_2293 : vector<16xi32> to vector<16xi32>
      tpu.vector_store %arg9[%swap3A_2294], %swap3A_2297 {strides = array<i32>} : memref<2048xi32, #tpu.memory_space<vmem>>, vector<16xi32>,
      %get3A_2298 = arith.constant 3 : i32
      %get3A_2299 = arith.index_cast %get3A_2298 : i32 to index
      %get3A_2300 = arith.constant 176 : index
      %get3A_2301 = tpu.vector_load %arg7[%get3A_2299, %get3A_2300] {strides = array<i32>} : memref<4x512xi32, #tpu.memory_space<vmem>>, vector<1x16xi32>,
      %get3A_2302 = vector.shape_cast %get3A_2301 : vector<1x16xi32> to vector<16xi32>
      %get3A_2303 = arith.constant 176 : index
      %get3A_2304 = tpu.vector_load %arg8[%get3A_2303] {strides = array<i32>} : memref<512xi32, #tpu.memory_space<vmem>>, vector<16xi32>,
      %get3A_2305 = vector.shape_cast %get3A_2304 : vector<16xi32> to vector<16xi32>
      %add3A_2306 = arith.addi %get3A_2302, %get3A_2305 : vector<16xi32>
      %swap3A_2307 = arith.constant 1712 : index
      %swap3A_2308 = tpu.vector_load %arg9[%swap3A_2307] {strides = array<i32>} : memref<2048xi32, #tpu.memory_space<vmem>>, vector<16xi32>,
      %swap3A_2309 = vector.shape_cast %swap3A_2308 : vector<16xi32> to vector<16xi32>
      %swap3A_2310 = vector.shape_cast %add3A_2306 : vector<16xi32> to vector<16xi32>
      tpu.vector_store %arg9[%swap3A_2307], %swap3A_2310 {strides = array<i32>} : memref<2048xi32, #tpu.memory_space<vmem>>, vector<16xi32>,
      %dma_wait3A_2311 = arith.constant 0 : i32
      %dma_wait3A_2312 = arith.constant 0 : i32
      %dma_wait3A_2313 = tpu.memref_slice %arg5[%add3A_2163, %dma_wait3A_2311, %dma_wait3A_2312] : memref<16384x64x128xf32, #tpu.memory_space<hbm>> -> memref<1x64x128xf32, #tpu.memory_space<hbm>>
      %dma_wait3A_2314 = tpu.memref_squeeze %dma_wait3A_2313 : memref<1x64x128xf32, #tpu.memory_space<hbm>> -> memref<64x128xf32, #tpu.memory_space<hbm>>
      %dma_wait3A_2315 = arith.constant 0 : i32
      %dma_wait3A_2316 = arith.constant 0 : i32
      %dma_wait3A_2317 = tpu.memref_slice %arg5[%add3A_2163, %dma_wait3A_2315, %dma_wait3A_2316] : memref<16384x64x128xf32, #tpu.memory_space<hbm>> -> memref<1x64x128xf32, #tpu.memory_space<hbm>>
      %dma_wait3A_2318 = tpu.memref_squeeze %dma_wait3A_2317 : memref<1x64x128xf32, #tpu.memory_space<hbm>> -> memref<64x128xf32, #tpu.memory_space<hbm>>
      tpu.wait_dma2 semaphore(%arg14 : memref<!tpu.dma_semaphore, #tpu.memory_space<semaphore_mem>>) src(%arg12 : memref<64x128xf32, #tpu.memory_space<vmem>>) dst(%dma_wait3A_2318 : memref<64x128xf32, #tpu.memory_space<hbm>>)
      %dma_start3A_2319 = arith.constant 1664 : i32
      %dma_start3A_2320 = tpu.memref_slice %arg9[%dma_start3A_2319] : memref<2048xi32, #tpu.memory_space<vmem>> -> memref<64xi32, #tpu.memory_space<vmem>>
      %dma_start3A_2321 = arith.constant 0 : i32
      %dma_start3A_2322 = arith.constant 0 : i32
      %dma_start3A_2323 = tpu.memref_slice %arg6[%dma_start3A_2321, %dma_start3A_2322] : memref<12288x128xf32, #tpu.memory_space<vmem_shared>> -> memref<12288x128xf32, #tpu.memory_space<vmem_shared>>
      tpu.enqueue_indirect_dma source(%dma_start3A_2323 : memref<12288x128xf32, #tpu.memory_space<vmem_shared>>) target(%arg12 : memref<64x128xf32, #tpu.memory_space<vmem>>) offsets(%dma_start3A_2320 : memref<64xi32, #tpu.memory_space<vmem>>) semaphore(%arg13 : memref<!tpu.dma_semaphore, #tpu.memory_space<semaphore_mem>>)
      %dma_wait3A_2324 = arith.constant 1600 : i32
      %dma_wait3A_2325 = tpu.memref_slice %arg9[%dma_wait3A_2324] : memref<2048xi32, #tpu.memory_space<vmem>> -> memref<64xi32, #tpu.memory_space<vmem>>
      %dma_wait3A_2326 = arith.constant 0 : i32
      %dma_wait3A_2327 = arith.constant 0 : i32
      %dma_wait3A_2328 = tpu.memref_slice %arg6[%dma_wait3A_2326, %dma_wait3A_2327] : memref<12288x128xf32, #tpu.memory_space<vmem_shared>> -> memref<12288x128xf32, #tpu.memory_space<vmem_shared>>
      tpu.wait_indirect_dma semaphore(%arg13 : memref<!tpu.dma_semaphore, #tpu.memory_space<semaphore_mem>>) src(%dma_wait3A_2328 : memref<12288x128xf32, #tpu.memory_space<vmem_shared>>) dst(%arg11 : memref<64x128xf32, #tpu.memory_space<vmem>>)
      %add3A_2329 = arith.constant 3 : i32
      %add3A_2330 = arith.addi %add3A_41, %add3A_2329 : i32
      %mul3A_2331 = arith.constant 16 : i32
      %mul3A_2332 = arith.muli %add3A_2330, %mul3A_2331 : i32
      %mul3A_2333 = arith.constant 8 : i32
      %mul3A_2334 = arith.muli %arg0, %mul3A_2333 : i32
      %add3A_2335 = arith.addi %mul3A_2332, %mul3A_2334 : i32
      %add3A_2336 = arith.constant 1 : i32
      %add3A_2337 = arith.addi %add3A_2335, %add3A_2336 : i32
      %dma_start3A_2338 = arith.constant 0 : i32
      %dma_start3A_2339 = arith.constant 0 : i32
      %dma_start3A_2340 = tpu.memref_slice %arg5[%add3A_2337, %dma_start3A_2338, %dma_start3A_2339] : memref<16384x64x128xf32, #tpu.memory_space<hbm>> -> memref<1x64x128xf32, #tpu.memory_space<hbm>>
      %dma_start3A_2341 = tpu.memref_squeeze %dma_start3A_2340 : memref<1x64x128xf32, #tpu.memory_space<hbm>> -> memref<64x128xf32, #tpu.memory_space<hbm>>
      %dma_start3A_2342 = arith.constant 0 : i32
      %dma_start3A_2343 = arith.constant 0 : i32
      %dma_start3A_2344 = tpu.memref_slice %arg5[%add3A_2337, %dma_start3A_2342, %dma_start3A_2343] : memref<16384x64x128xf32, #tpu.memory_space<hbm>> -> memref<1x64x128xf32, #tpu.memory_space<hbm>>
      %dma_start3A_2345 = tpu.memref_squeeze %dma_start3A_2344 : memref<1x64x128xf32, #tpu.memory_space<hbm>> -> memref<64x128xf32, #tpu.memory_space<hbm>>
      tpu.enqueue_dma source(%arg11 : memref<64x128xf32, #tpu.memory_space<vmem>>) target(%dma_start3A_2345 : memref<64x128xf32, #tpu.memory_space<hbm>>) target_semaphore(%arg14 : memref<!tpu.dma_semaphore, #tpu.memory_space<semaphore_mem>>)
      %get3A_2346 = arith.constant 3 : i32
      %get3A_2347 = arith.index_cast %get3A_2346 : i32 to index
      %get3A_2348 = arith.constant 192 : index
      %get3A_2349 = tpu.vector_load %arg7[%get3A_2347, %get3A_2348] {strides = array<i32>} : memref<4x512xi32, #tpu.memory_space<vmem>>, vector<1x16xi32>,
      %get3A_2350 = vector.shape_cast %get3A_2349 : vector<1x16xi32> to vector<16xi32>
      %get3A_2351 = arith.constant 192 : index
      %get3A_2352 = tpu.vector_load %arg8[%get3A_2351] {strides = array<i32>} : memref<512xi32, #tpu.memory_space<vmem>>, vector<16xi32>,
      %get3A_2353 = vector.shape_cast %get3A_2352 : vector<16xi32> to vector<16xi32>
      %add3A_2354 = arith.addi %get3A_2350, %get3A_2353 : vector<16xi32>
      %swap3A_2355 = arith.constant 1728 : index
      %swap3A_2356 = tpu.vector_load %arg9[%swap3A_2355] {strides = array<i32>} : memref<2048xi32, #tpu.memory_space<vmem>>, vector<16xi32>,
      %swap3A_2357 = vector.shape_cast %swap3A_2356 : vector<16xi32> to vector<16xi32>
      %swap3A_2358 = vector.shape_cast %add3A_2354 : vector<16xi32> to vector<16xi32>
      tpu.vector_store %arg9[%swap3A_2355], %swap3A_2358 {strides = array<i32>} : memref<2048xi32, #tpu.memory_space<vmem>>, vector<16xi32>,
      %get3A_2359 = arith.constant 3 : i32
      %get3A_2360 = arith.index_cast %get3A_2359 : i32 to index
      %get3A_2361 = arith.constant 208 : index
      %get3A_2362 = tpu.vector_load %arg7[%get3A_2360, %get3A_2361] {strides = array<i32>} : memref<4x512xi32, #tpu.memory_space<vmem>>, vector<1x16xi32>,
      %get3A_2363 = vector.shape_cast %get3A_2362 : vector<1x16xi32> to vector<16xi32>
      %get3A_2364 = arith.constant 208 : index
      %get3A_2365 = tpu.vector_load %arg8[%get3A_2364] {strides = array<i32>} : memref<512xi32, #tpu.memory_space<vmem>>, vector<16xi32>,
      %get3A_2366 = vector.shape_cast %get3A_2365 : vector<16xi32> to vector<16xi32>
      %add3A_2367 = arith.addi %get3A_2363, %get3A_2366 : vector<16xi32>
      %swap3A_2368 = arith.constant 1744 : index
      %swap3A_2369 = tpu.vector_load %arg9[%swap3A_2368] {strides = array<i32>} : memref<2048xi32, #tpu.memory_space<vmem>>, vector<16xi32>,
      %swap3A_2370 = vector.shape_cast %swap3A_2369 : vector<16xi32> to vector<16xi32>
      %swap3A_2371 = vector.shape_cast %add3A_2367 : vector<16xi32> to vector<16xi32>
      tpu.vector_store %arg9[%swap3A_2368], %swap3A_2371 {strides = array<i32>} : memref<2048xi32, #tpu.memory_space<vmem>>, vector<16xi32>,
      %get3A_2372 = arith.constant 3 : i32
      %get3A_2373 = arith.index_cast %get3A_2372 : i32 to index
      %get3A_2374 = arith.constant 224 : index
      %get3A_2375 = tpu.vector_load %arg7[%get3A_2373, %get3A_2374] {strides = array<i32>} : memref<4x512xi32, #tpu.memory_space<vmem>>, vector<1x16xi32>,
      %get3A_2376 = vector.shape_cast %get3A_2375 : vector<1x16xi32> to vector<16xi32>
      %get3A_2377 = arith.constant 224 : index
      %get3A_2378 = tpu.vector_load %arg8[%get3A_2377] {strides = array<i32>} : memref<512xi32, #tpu.memory_space<vmem>>, vector<16xi32>,
      %get3A_2379 = vector.shape_cast %get3A_2378 : vector<16xi32> to vector<16xi32>
      %add3A_2380 = arith.addi %get3A_2376, %get3A_2379 : vector<16xi32>
      %swap3A_2381 = arith.constant 1760 : index
      %swap3A_2382 = tpu.vector_load %arg9[%swap3A_2381] {strides = array<i32>} : memref<2048xi32, #tpu.memory_space<vmem>>, vector<16xi32>,
      %swap3A_2383 = vector.shape_cast %swap3A_2382 : vector<16xi32> to vector<16xi32>
      %swap3A_2384 = vector.shape_cast %add3A_2380 : vector<16xi32> to vector<16xi32>
      tpu.vector_store %arg9[%swap3A_2381], %swap3A_2384 {strides = array<i32>} : memref<2048xi32, #tpu.memory_space<vmem>>, vector<16xi32>,
      %get3A_2385 = arith.constant 3 : i32
      %get3A_2386 = arith.index_cast %get3A_2385 : i32 to index
      %get3A_2387 = arith.constant 240 : index
      %get3A_2388 = tpu.vector_load %arg7[%get3A_2386, %get3A_2387] {strides = array<i32>} : memref<4x512xi32, #tpu.memory_space<vmem>>, vector<1x16xi32>,
      %get3A_2389 = vector.shape_cast %get3A_2388 : vector<1x16xi32> to vector<16xi32>
      %get3A_2390 = arith.constant 240 : index
      %get3A_2391 = tpu.vector_load %arg8[%get3A_2390] {strides = array<i32>} : memref<512xi32, #tpu.memory_space<vmem>>, vector<16xi32>,
      %get3A_2392 = vector.shape_cast %get3A_2391 : vector<16xi32> to vector<16xi32>
      %add3A_2393 = arith.addi %get3A_2389, %get3A_2392 : vector<16xi32>
      %swap3A_2394 = arith.constant 1776 : index
      %swap3A_2395 = tpu.vector_load %arg9[%swap3A_2394] {strides = array<i32>} : memref<2048xi32, #tpu.memory_space<vmem>>, vector<16xi32>,
      %swap3A_2396 = vector.shape_cast %swap3A_2395 : vector<16xi32> to vector<16xi32>
      %swap3A_2397 = vector.shape_cast %add3A_2393 : vector<16xi32> to vector<16xi32>
      tpu.vector_store %arg9[%swap3A_2394], %swap3A_2397 {strides = array<i32>} : memref<2048xi32, #tpu.memory_space<vmem>>, vector<16xi32>,
      %dma_wait3A_2398 = arith.constant 0 : i32
      %dma_wait3A_2399 = arith.constant 0 : i32
      %dma_wait3A_2400 = tpu.memref_slice %arg5[%add3A_2250, %dma_wait3A_2398, %dma_wait3A_2399] : memref<16384x64x128xf32, #tpu.memory_space<hbm>> -> memref<1x64x128xf32, #tpu.memory_space<hbm>>
      %dma_wait3A_2401 = tpu.memref_squeeze %dma_wait3A_2400 : memref<1x64x128xf32, #tpu.memory_space<hbm>> -> memref<64x128xf32, #tpu.memory_space<hbm>>
      %dma_wait3A_2402 = arith.constant 0 : i32
      %dma_wait3A_2403 = arith.constant 0 : i32
      %dma_wait3A_2404 = tpu.memref_slice %arg5[%add3A_2250, %dma_wait3A_2402, %dma_wait3A_2403] : memref<16384x64x128xf32, #tpu.memory_space<hbm>> -> memref<1x64x128xf32, #tpu.memory_space<hbm>>
      %dma_wait3A_2405 = tpu.memref_squeeze %dma_wait3A_2404 : memref<1x64x128xf32, #tpu.memory_space<hbm>> -> memref<64x128xf32, #tpu.memory_space<hbm>>
      tpu.wait_dma2 semaphore(%arg14 : memref<!tpu.dma_semaphore, #tpu.memory_space<semaphore_mem>>) src(%arg10 : memref<64x128xf32, #tpu.memory_space<vmem>>) dst(%dma_wait3A_2405 : memref<64x128xf32, #tpu.memory_space<hbm>>)
      %dma_start3A_2406 = arith.constant 1728 : i32
      %dma_start3A_2407 = tpu.memref_slice %arg9[%dma_start3A_2406] : memref<2048xi32, #tpu.memory_space<vmem>> -> memref<64xi32, #tpu.memory_space<vmem>>
      %dma_start3A_2408 = arith.constant 0 : i32
      %dma_start3A_2409 = arith.constant 0 : i32
      %dma_start3A_2410 = tpu.memref_slice %arg6[%dma_start3A_2408, %dma_start3A_2409] : memref<12288x128xf32, #tpu.memory_space<vmem_shared>> -> memref<12288x128xf32, #tpu.memory_space<vmem_shared>>
      tpu.enqueue_indirect_dma source(%dma_start3A_2410 : memref<12288x128xf32, #tpu.memory_space<vmem_shared>>) target(%arg10 : memref<64x128xf32, #tpu.memory_space<vmem>>) offsets(%dma_start3A_2407 : memref<64xi32, #tpu.memory_space<vmem>>) semaphore(%arg13 : memref<!tpu.dma_semaphore, #tpu.memory_space<semaphore_mem>>)
      %dma_wait3A_2411 = arith.constant 1664 : i32
      %dma_wait3A_2412 = tpu.memref_slice %arg9[%dma_wait3A_2411] : memref<2048xi32, #tpu.memory_space<vmem>> -> memref<64xi32, #tpu.memory_space<vmem>>
      %dma_wait3A_2413 = arith.constant 0 : i32
      %dma_wait3A_2414 = arith.constant 0 : i32
      %dma_wait3A_2415 = tpu.memref_slice %arg6[%dma_wait3A_2413, %dma_wait3A_2414] : memref<12288x128xf32, #tpu.memory_space<vmem_shared>> -> memref<12288x128xf32, #tpu.memory_space<vmem_shared>>
      tpu.wait_indirect_dma semaphore(%arg13 : memref<!tpu.dma_semaphore, #tpu.memory_space<semaphore_mem>>) src(%dma_wait3A_2415 : memref<12288x128xf32, #tpu.memory_space<vmem_shared>>) dst(%arg12 : memref<64x128xf32, #tpu.memory_space<vmem>>)
      %add3A_2416 = arith.constant 3 : i32
      %add3A_2417 = arith.addi %add3A_41, %add3A_2416 : i32
      %mul3A_2418 = arith.constant 16 : i32
      %mul3A_2419 = arith.muli %add3A_2417, %mul3A_2418 : i32
      %mul3A_2420 = arith.constant 8 : i32
      %mul3A_2421 = arith.muli %arg0, %mul3A_2420 : i32
      %add3A_2422 = arith.addi %mul3A_2419, %mul3A_2421 : i32
      %add3A_2423 = arith.constant 2 : i32
      %add3A_2424 = arith.addi %add3A_2422, %add3A_2423 : i32
      %dma_start3A_2425 = arith.constant 0 : i32
      %dma_start3A_2426 = arith.constant 0 : i32
      %dma_start3A_2427 = tpu.memref_slice %arg5[%add3A_2424, %dma_start3A_2425, %dma_start3A_2426] : memref<16384x64x128xf32, #tpu.memory_space<hbm>> -> memref<1x64x128xf32, #tpu.memory_space<hbm>>
      %dma_start3A_2428 = tpu.memref_squeeze %dma_start3A_2427 : memref<1x64x128xf32, #tpu.memory_space<hbm>> -> memref<64x128xf32, #tpu.memory_space<hbm>>
      %dma_start3A_2429 = arith.constant 0 : i32
      %dma_start3A_2430 = arith.constant 0 : i32
      %dma_start3A_2431 = tpu.memref_slice %arg5[%add3A_2424, %dma_start3A_2429, %dma_start3A_2430] : memref<16384x64x128xf32, #tpu.memory_space<hbm>> -> memref<1x64x128xf32, #tpu.memory_space<hbm>>
      %dma_start3A_2432 = tpu.memref_squeeze %dma_start3A_2431 : memref<1x64x128xf32, #tpu.memory_space<hbm>> -> memref<64x128xf32, #tpu.memory_space<hbm>>
      tpu.enqueue_dma source(%arg12 : memref<64x128xf32, #tpu.memory_space<vmem>>) target(%dma_start3A_2432 : memref<64x128xf32, #tpu.memory_space<hbm>>) target_semaphore(%arg14 : memref<!tpu.dma_semaphore, #tpu.memory_space<semaphore_mem>>)
      %get3A_2433 = arith.constant 3 : i32
      %get3A_2434 = arith.index_cast %get3A_2433 : i32 to index
      %get3A_2435 = arith.constant 256 : index
      %get3A_2436 = tpu.vector_load %arg7[%get3A_2434, %get3A_2435] {strides = array<i32>} : memref<4x512xi32, #tpu.memory_space<vmem>>, vector<1x16xi32>,
      %get3A_2437 = vector.shape_cast %get3A_2436 : vector<1x16xi32> to vector<16xi32>
      %get3A_2438 = arith.constant 256 : index
      %get3A_2439 = tpu.vector_load %arg8[%get3A_2438] {strides = array<i32>} : memref<512xi32, #tpu.memory_space<vmem>>, vector<16xi32>,
      %get3A_2440 = vector.shape_cast %get3A_2439 : vector<16xi32> to vector<16xi32>
      %add3A_2441 = arith.addi %get3A_2437, %get3A_2440 : vector<16xi32>
      %swap3A_2442 = arith.constant 1792 : index
      %swap3A_2443 = tpu.vector_load %arg9[%swap3A_2442] {strides = array<i32>} : memref<2048xi32, #tpu.memory_space<vmem>>, vector<16xi32>,
      %swap3A_2444 = vector.shape_cast %swap3A_2443 : vector<16xi32> to vector<16xi32>
      %swap3A_2445 = vector.shape_cast %add3A_2441 : vector<16xi32> to vector<16xi32>
      tpu.vector_store %arg9[%swap3A_2442], %swap3A_2445 {strides = array<i32>} : memref<2048xi32, #tpu.memory_space<vmem>>, vector<16xi32>,
      %get3A_2446 = arith.constant 3 : i32
      %get3A_2447 = arith.index_cast %get3A_2446 : i32 to index
      %get3A_2448 = arith.constant 272 : index
      %get3A_2449 = tpu.vector_load %arg7[%get3A_2447, %get3A_2448] {strides = array<i32>} : memref<4x512xi32, #tpu.memory_space<vmem>>, vector<1x16xi32>,
      %get3A_2450 = vector.shape_cast %get3A_2449 : vector<1x16xi32> to vector<16xi32>
      %get3A_2451 = arith.constant 272 : index
      %get3A_2452 = tpu.vector_load %arg8[%get3A_2451] {strides = array<i32>} : memref<512xi32, #tpu.memory_space<vmem>>, vector<16xi32>,
      %get3A_2453 = vector.shape_cast %get3A_2452 : vector<16xi32> to vector<16xi32>
      %add3A_2454 = arith.addi %get3A_2450, %get3A_2453 : vector<16xi32>
      %swap3A_2455 = arith.constant 1808 : index
      %swap3A_2456 = tpu.vector_load %arg9[%swap3A_2455] {strides = array<i32>} : memref<2048xi32, #tpu.memory_space<vmem>>, vector<16xi32>,
      %swap3A_2457 = vector.shape_cast %swap3A_2456 : vector<16xi32> to vector<16xi32>
      %swap3A_2458 = vector.shape_cast %add3A_2454 : vector<16xi32> to vector<16xi32>
      tpu.vector_store %arg9[%swap3A_2455], %swap3A_2458 {strides = array<i32>} : memref<2048xi32, #tpu.memory_space<vmem>>, vector<16xi32>,
      %get3A_2459 = arith.constant 3 : i32
      %get3A_2460 = arith.index_cast %get3A_2459 : i32 to index
      %get3A_2461 = arith.constant 288 : index
      %get3A_2462 = tpu.vector_load %arg7[%get3A_2460, %get3A_2461] {strides = array<i32>} : memref<4x512xi32, #tpu.memory_space<vmem>>, vector<1x16xi32>,
      %get3A_2463 = vector.shape_cast %get3A_2462 : vector<1x16xi32> to vector<16xi32>
      %get3A_2464 = arith.constant 288 : index
      %get3A_2465 = tpu.vector_load %arg8[%get3A_2464] {strides = array<i32>} : memref<512xi32, #tpu.memory_space<vmem>>, vector<16xi32>,
      %get3A_2466 = vector.shape_cast %get3A_2465 : vector<16xi32> to vector<16xi32>
      %add3A_2467 = arith.addi %get3A_2463, %get3A_2466 : vector<16xi32>
      %swap3A_2468 = arith.constant 1824 : index
      %swap3A_2469 = tpu.vector_load %arg9[%swap3A_2468] {strides = array<i32>} : memref<2048xi32, #tpu.memory_space<vmem>>, vector<16xi32>,
      %swap3A_2470 = vector.shape_cast %swap3A_2469 : vector<16xi32> to vector<16xi32>
      %swap3A_2471 = vector.shape_cast %add3A_2467 : vector<16xi32> to vector<16xi32>
      tpu.vector_store %arg9[%swap3A_2468], %swap3A_2471 {strides = array<i32>} : memref<2048xi32, #tpu.memory_space<vmem>>, vector<16xi32>,
      %get3A_2472 = arith.constant 3 : i32
      %get3A_2473 = arith.index_cast %get3A_2472 : i32 to index
      %get3A_2474 = arith.constant 304 : index
      %get3A_2475 = tpu.vector_load %arg7[%get3A_2473, %get3A_2474] {strides = array<i32>} : memref<4x512xi32, #tpu.memory_space<vmem>>, vector<1x16xi32>,
      %get3A_2476 = vector.shape_cast %get3A_2475 : vector<1x16xi32> to vector<16xi32>
      %get3A_2477 = arith.constant 304 : index
      %get3A_2478 = tpu.vector_load %arg8[%get3A_2477] {strides = array<i32>} : memref<512xi32, #tpu.memory_space<vmem>>, vector<16xi32>,
      %get3A_2479 = vector.shape_cast %get3A_2478 : vector<16xi32> to vector<16xi32>
      %add3A_2480 = arith.addi %get3A_2476, %get3A_2479 : vector<16xi32>
      %swap3A_2481 = arith.constant 1840 : index
      %swap3A_2482 = tpu.vector_load %arg9[%swap3A_2481] {strides = array<i32>} : memref<2048xi32, #tpu.memory_space<vmem>>, vector<16xi32>,
      %swap3A_2483 = vector.shape_cast %swap3A_2482 : vector<16xi32> to vector<16xi32>
      %swap3A_2484 = vector.shape_cast %add3A_2480 : vector<16xi32> to vector<16xi32>
      tpu.vector_store %arg9[%swap3A_2481], %swap3A_2484 {strides = array<i32>} : memref<2048xi32, #tpu.memory_space<vmem>>, vector<16xi32>,
      %dma_wait3A_2485 = arith.constant 0 : i32
      %dma_wait3A_2486 = arith.constant 0 : i32
      %dma_wait3A_2487 = tpu.memref_slice %arg5[%add3A_2337, %dma_wait3A_2485, %dma_wait3A_2486] : memref<16384x64x128xf32, #tpu.memory_space<hbm>> -> memref<1x64x128xf32, #tpu.memory_space<hbm>>
      %dma_wait3A_2488 = tpu.memref_squeeze %dma_wait3A_2487 : memref<1x64x128xf32, #tpu.memory_space<hbm>> -> memref<64x128xf32, #tpu.memory_space<hbm>>
      %dma_wait3A_2489 = arith.constant 0 : i32
      %dma_wait3A_2490 = arith.constant 0 : i32
      %dma_wait3A_2491 = tpu.memref_slice %arg5[%add3A_2337, %dma_wait3A_2489, %dma_wait3A_2490] : memref<16384x64x128xf32, #tpu.memory_space<hbm>> -> memref<1x64x128xf32, #tpu.memory_space<hbm>>
      %dma_wait3A_2492 = tpu.memref_squeeze %dma_wait3A_2491 : memref<1x64x128xf32, #tpu.memory_space<hbm>> -> memref<64x128xf32, #tpu.memory_space<hbm>>
      tpu.wait_dma2 semaphore(%arg14 : memref<!tpu.dma_semaphore, #tpu.memory_space<semaphore_mem>>) src(%arg11 : memref<64x128xf32, #tpu.memory_space<vmem>>) dst(%dma_wait3A_2492 : memref<64x128xf32, #tpu.memory_space<hbm>>)
      %dma_start3A_2493 = arith.constant 1792 : i32
      %dma_start3A_2494 = tpu.memref_slice %arg9[%dma_start3A_2493] : memref<2048xi32, #tpu.memory_space<vmem>> -> memref<64xi32, #tpu.memory_space<vmem>>
      %dma_start3A_2495 = arith.constant 0 : i32
      %dma_start3A_2496 = arith.constant 0 : i32
      %dma_start3A_2497 = tpu.memref_slice %arg6[%dma_start3A_2495, %dma_start3A_2496] : memref<12288x128xf32, #tpu.memory_space<vmem_shared>> -> memref<12288x128xf32, #tpu.memory_space<vmem_shared>>
      tpu.enqueue_indirect_dma source(%dma_start3A_2497 : memref<12288x128xf32, #tpu.memory_space<vmem_shared>>) target(%arg11 : memref<64x128xf32, #tpu.memory_space<vmem>>) offsets(%dma_start3A_2494 : memref<64xi32, #tpu.memory_space<vmem>>) semaphore(%arg13 : memref<!tpu.dma_semaphore, #tpu.memory_space<semaphore_mem>>)
      %dma_wait3A_2498 = arith.constant 1728 : i32
      %dma_wait3A_2499 = tpu.memref_slice %arg9[%dma_wait3A_2498] : memref<2048xi32, #tpu.memory_space<vmem>> -> memref<64xi32, #tpu.memory_space<vmem>>
      %dma_wait3A_2500 = arith.constant 0 : i32
      %dma_wait3A_2501 = arith.constant 0 : i32
      %dma_wait3A_2502 = tpu.memref_slice %arg6[%dma_wait3A_2500, %dma_wait3A_2501] : memref<12288x128xf32, #tpu.memory_space<vmem_shared>> -> memref<12288x128xf32, #tpu.memory_space<vmem_shared>>
      tpu.wait_indirect_dma semaphore(%arg13 : memref<!tpu.dma_semaphore, #tpu.memory_space<semaphore_mem>>) src(%dma_wait3A_2502 : memref<12288x128xf32, #tpu.memory_space<vmem_shared>>) dst(%arg10 : memref<64x128xf32, #tpu.memory_space<vmem>>)
      %add3A_2503 = arith.constant 3 : i32
      %add3A_2504 = arith.addi %add3A_41, %add3A_2503 : i32
      %mul3A_2505 = arith.constant 16 : i32
      %mul3A_2506 = arith.muli %add3A_2504, %mul3A_2505 : i32
      %mul3A_2507 = arith.constant 8 : i32
      %mul3A_2508 = arith.muli %arg0, %mul3A_2507 : i32
      %add3A_2509 = arith.addi %mul3A_2506, %mul3A_2508 : i32
      %add3A_2510 = arith.constant 3 : i32
      %add3A_2511 = arith.addi %add3A_2509, %add3A_2510 : i32
      %dma_start3A_2512 = arith.constant 0 : i32
      %dma_start3A_2513 = arith.constant 0 : i32
      %dma_start3A_2514 = tpu.memref_slice %arg5[%add3A_2511, %dma_start3A_2512, %dma_start3A_2513] : memref<16384x64x128xf32, #tpu.memory_space<hbm>> -> memref<1x64x128xf32, #tpu.memory_space<hbm>>
      %dma_start3A_2515 = tpu.memref_squeeze %dma_start3A_2514 : memref<1x64x128xf32, #tpu.memory_space<hbm>> -> memref<64x128xf32, #tpu.memory_space<hbm>>
      %dma_start3A_2516 = arith.constant 0 : i32
      %dma_start3A_2517 = arith.constant 0 : i32
      %dma_start3A_2518 = tpu.memref_slice %arg5[%add3A_2511, %dma_start3A_2516, %dma_start3A_2517] : memref<16384x64x128xf32, #tpu.memory_space<hbm>> -> memref<1x64x128xf32, #tpu.memory_space<hbm>>
      %dma_start3A_2519 = tpu.memref_squeeze %dma_start3A_2518 : memref<1x64x128xf32, #tpu.memory_space<hbm>> -> memref<64x128xf32, #tpu.memory_space<hbm>>
      tpu.enqueue_dma source(%arg10 : memref<64x128xf32, #tpu.memory_space<vmem>>) target(%dma_start3A_2519 : memref<64x128xf32, #tpu.memory_space<hbm>>) target_semaphore(%arg14 : memref<!tpu.dma_semaphore, #tpu.memory_space<semaphore_mem>>)
      %get3A_2520 = arith.constant 3 : i32
      %get3A_2521 = arith.index_cast %get3A_2520 : i32 to index
      %get3A_2522 = arith.constant 320 : index
      %get3A_2523 = tpu.vector_load %arg7[%get3A_2521, %get3A_2522] {strides = array<i32>} : memref<4x512xi32, #tpu.memory_space<vmem>>, vector<1x16xi32>,
      %get3A_2524 = vector.shape_cast %get3A_2523 : vector<1x16xi32> to vector<16xi32>
      %get3A_2525 = arith.constant 320 : index
      %get3A_2526 = tpu.vector_load %arg8[%get3A_2525] {strides = array<i32>} : memref<512xi32, #tpu.memory_space<vmem>>, vector<16xi32>,
      %get3A_2527 = vector.shape_cast %get3A_2526 : vector<16xi32> to vector<16xi32>
      %add3A_2528 = arith.addi %get3A_2524, %get3A_2527 : vector<16xi32>
      %swap3A_2529 = arith.constant 1856 : index
      %swap3A_2530 = tpu.vector_load %arg9[%swap3A_2529] {strides = array<i32>} : memref<2048xi32, #tpu.memory_space<vmem>>, vector<16xi32>,
      %swap3A_2531 = vector.shape_cast %swap3A_2530 : vector<16xi32> to vector<16xi32>
      %swap3A_2532 = vector.shape_cast %add3A_2528 : vector<16xi32> to vector<16xi32>
      tpu.vector_store %arg9[%swap3A_2529], %swap3A_2532 {strides = array<i32>} : memref<2048xi32, #tpu.memory_space<vmem>>, vector<16xi32>,
      %get3A_2533 = arith.constant 3 : i32
      %get3A_2534 = arith.index_cast %get3A_2533 : i32 to index
      %get3A_2535 = arith.constant 336 : index
      %get3A_2536 = tpu.vector_load %arg7[%get3A_2534, %get3A_2535] {strides = array<i32>} : memref<4x512xi32, #tpu.memory_space<vmem>>, vector<1x16xi32>,
      %get3A_2537 = vector.shape_cast %get3A_2536 : vector<1x16xi32> to vector<16xi32>
      %get3A_2538 = arith.constant 336 : index
      %get3A_2539 = tpu.vector_load %arg8[%get3A_2538] {strides = array<i32>} : memref<512xi32, #tpu.memory_space<vmem>>, vector<16xi32>,
      %get3A_2540 = vector.shape_cast %get3A_2539 : vector<16xi32> to vector<16xi32>
      %add3A_2541 = arith.addi %get3A_2537, %get3A_2540 : vector<16xi32>
      %swap3A_2542 = arith.constant 1872 : index
      %swap3A_2543 = tpu.vector_load %arg9[%swap3A_2542] {strides = array<i32>} : memref<2048xi32, #tpu.memory_space<vmem>>, vector<16xi32>,
      %swap3A_2544 = vector.shape_cast %swap3A_2543 : vector<16xi32> to vector<16xi32>
      %swap3A_2545 = vector.shape_cast %add3A_2541 : vector<16xi32> to vector<16xi32>
      tpu.vector_store %arg9[%swap3A_2542], %swap3A_2545 {strides = array<i32>} : memref<2048xi32, #tpu.memory_space<vmem>>, vector<16xi32>,
      %get3A_2546 = arith.constant 3 : i32
      %get3A_2547 = arith.index_cast %get3A_2546 : i32 to index
      %get3A_2548 = arith.constant 352 : index
      %get3A_2549 = tpu.vector_load %arg7[%get3A_2547, %get3A_2548] {strides = array<i32>} : memref<4x512xi32, #tpu.memory_space<vmem>>, vector<1x16xi32>,
      %get3A_2550 = vector.shape_cast %get3A_2549 : vector<1x16xi32> to vector<16xi32>
      %get3A_2551 = arith.constant 352 : index
      %get3A_2552 = tpu.vector_load %arg8[%get3A_2551] {strides = array<i32>} : memref<512xi32, #tpu.memory_space<vmem>>, vector<16xi32>,
      %get3A_2553 = vector.shape_cast %get3A_2552 : vector<16xi32> to vector<16xi32>
      %add3A_2554 = arith.addi %get3A_2550, %get3A_2553 : vector<16xi32>
      %swap3A_2555 = arith.constant 1888 : index
      %swap3A_2556 = tpu.vector_load %arg9[%swap3A_2555] {strides = array<i32>} : memref<2048xi32, #tpu.memory_space<vmem>>, vector<16xi32>,
      %swap3A_2557 = vector.shape_cast %swap3A_2556 : vector<16xi32> to vector<16xi32>
      %swap3A_2558 = vector.shape_cast %add3A_2554 : vector<16xi32> to vector<16xi32>
      tpu.vector_store %arg9[%swap3A_2555], %swap3A_2558 {strides = array<i32>} : memref<2048xi32, #tpu.memory_space<vmem>>, vector<16xi32>,
      %get3A_2559 = arith.constant 3 : i32
      %get3A_2560 = arith.index_cast %get3A_2559 : i32 to index
      %get3A_2561 = arith.constant 368 : index
      %get3A_2562 = tpu.vector_load %arg7[%get3A_2560, %get3A_2561] {strides = array<i32>} : memref<4x512xi32, #tpu.memory_space<vmem>>, vector<1x16xi32>,
      %get3A_2563 = vector.shape_cast %get3A_2562 : vector<1x16xi32> to vector<16xi32>
      %get3A_2564 = arith.constant 368 : index
      %get3A_2565 = tpu.vector_load %arg8[%get3A_2564] {strides = array<i32>} : memref<512xi32, #tpu.memory_space<vmem>>, vector<16xi32>,
      %get3A_2566 = vector.shape_cast %get3A_2565 : vector<16xi32> to vector<16xi32>
      %add3A_2567 = arith.addi %get3A_2563, %get3A_2566 : vector<16xi32>
      %swap3A_2568 = arith.constant 1904 : index
      %swap3A_2569 = tpu.vector_load %arg9[%swap3A_2568] {strides = array<i32>} : memref<2048xi32, #tpu.memory_space<vmem>>, vector<16xi32>,
      %swap3A_2570 = vector.shape_cast %swap3A_2569 : vector<16xi32> to vector<16xi32>
      %swap3A_2571 = vector.shape_cast %add3A_2567 : vector<16xi32> to vector<16xi32>
      tpu.vector_store %arg9[%swap3A_2568], %swap3A_2571 {strides = array<i32>} : memref<2048xi32, #tpu.memory_space<vmem>>, vector<16xi32>,
      %dma_wait3A_2572 = arith.constant 0 : i32
      %dma_wait3A_2573 = arith.constant 0 : i32
      %dma_wait3A_2574 = tpu.memref_slice %arg5[%add3A_2424, %dma_wait3A_2572, %dma_wait3A_2573] : memref<16384x64x128xf32, #tpu.memory_space<hbm>> -> memref<1x64x128xf32, #tpu.memory_space<hbm>>
      %dma_wait3A_2575 = tpu.memref_squeeze %dma_wait3A_2574 : memref<1x64x128xf32, #tpu.memory_space<hbm>> -> memref<64x128xf32, #tpu.memory_space<hbm>>
      %dma_wait3A_2576 = arith.constant 0 : i32
      %dma_wait3A_2577 = arith.constant 0 : i32
      %dma_wait3A_2578 = tpu.memref_slice %arg5[%add3A_2424, %dma_wait3A_2576, %dma_wait3A_2577] : memref<16384x64x128xf32, #tpu.memory_space<hbm>> -> memref<1x64x128xf32, #tpu.memory_space<hbm>>
      %dma_wait3A_2579 = tpu.memref_squeeze %dma_wait3A_2578 : memref<1x64x128xf32, #tpu.memory_space<hbm>> -> memref<64x128xf32, #tpu.memory_space<hbm>>
      tpu.wait_dma2 semaphore(%arg14 : memref<!tpu.dma_semaphore, #tpu.memory_space<semaphore_mem>>) src(%arg12 : memref<64x128xf32, #tpu.memory_space<vmem>>) dst(%dma_wait3A_2579 : memref<64x128xf32, #tpu.memory_space<hbm>>)
      %dma_start3A_2580 = arith.constant 1856 : i32
      %dma_start3A_2581 = tpu.memref_slice %arg9[%dma_start3A_2580] : memref<2048xi32, #tpu.memory_space<vmem>> -> memref<64xi32, #tpu.memory_space<vmem>>
      %dma_start3A_2582 = arith.constant 0 : i32
      %dma_start3A_2583 = arith.constant 0 : i32
      %dma_start3A_2584 = tpu.memref_slice %arg6[%dma_start3A_2582, %dma_start3A_2583] : memref<12288x128xf32, #tpu.memory_space<vmem_shared>> -> memref<12288x128xf32, #tpu.memory_space<vmem_shared>>
      tpu.enqueue_indirect_dma source(%dma_start3A_2584 : memref<12288x128xf32, #tpu.memory_space<vmem_shared>>) target(%arg12 : memref<64x128xf32, #tpu.memory_space<vmem>>) offsets(%dma_start3A_2581 : memref<64xi32, #tpu.memory_space<vmem>>) semaphore(%arg13 : memref<!tpu.dma_semaphore, #tpu.memory_space<semaphore_mem>>)
      %dma_wait3A_2585 = arith.constant 1792 : i32
      %dma_wait3A_2586 = tpu.memref_slice %arg9[%dma_wait3A_2585] : memref<2048xi32, #tpu.memory_space<vmem>> -> memref<64xi32, #tpu.memory_space<vmem>>
      %dma_wait3A_2587 = arith.constant 0 : i32
      %dma_wait3A_2588 = arith.constant 0 : i32
      %dma_wait3A_2589 = tpu.memref_slice %arg6[%dma_wait3A_2587, %dma_wait3A_2588] : memref<12288x128xf32, #tpu.memory_space<vmem_shared>> -> memref<12288x128xf32, #tpu.memory_space<vmem_shared>>
      tpu.wait_indirect_dma semaphore(%arg13 : memref<!tpu.dma_semaphore, #tpu.memory_space<semaphore_mem>>) src(%dma_wait3A_2589 : memref<12288x128xf32, #tpu.memory_space<vmem_shared>>) dst(%arg11 : memref<64x128xf32, #tpu.memory_space<vmem>>)
      %add3A_2590 = arith.constant 3 : i32
      %add3A_2591 = arith.addi %add3A_41, %add3A_2590 : i32
      %mul3A_2592 = arith.constant 16 : i32
      %mul3A_2593 = arith.muli %add3A_2591, %mul3A_2592 : i32
      %mul3A_2594 = arith.constant 8 : i32
      %mul3A_2595 = arith.muli %arg0, %mul3A_2594 : i32
      %add3A_2596 = arith.addi %mul3A_2593, %mul3A_2595 : i32
      %add3A_2597 = arith.constant 4 : i32
      %add3A_2598 = arith.addi %add3A_2596, %add3A_2597 : i32
      %dma_start3A_2599 = arith.constant 0 : i32
      %dma_start3A_2600 = arith.constant 0 : i32
      %dma_start3A_2601 = tpu.memref_slice %arg5[%add3A_2598, %dma_start3A_2599, %dma_start3A_2600] : memref<16384x64x128xf32, #tpu.memory_space<hbm>> -> memref<1x64x128xf32, #tpu.memory_space<hbm>>
      %dma_start3A_2602 = tpu.memref_squeeze %dma_start3A_2601 : memref<1x64x128xf32, #tpu.memory_space<hbm>> -> memref<64x128xf32, #tpu.memory_space<hbm>>
      %dma_start3A_2603 = arith.constant 0 : i32
      %dma_start3A_2604 = arith.constant 0 : i32
      %dma_start3A_2605 = tpu.memref_slice %arg5[%add3A_2598, %dma_start3A_2603, %dma_start3A_2604] : memref<16384x64x128xf32, #tpu.memory_space<hbm>> -> memref<1x64x128xf32, #tpu.memory_space<hbm>>
      %dma_start3A_2606 = tpu.memref_squeeze %dma_start3A_2605 : memref<1x64x128xf32, #tpu.memory_space<hbm>> -> memref<64x128xf32, #tpu.memory_space<hbm>>
      tpu.enqueue_dma source(%arg11 : memref<64x128xf32, #tpu.memory_space<vmem>>) target(%dma_start3A_2606 : memref<64x128xf32, #tpu.memory_space<hbm>>) target_semaphore(%arg14 : memref<!tpu.dma_semaphore, #tpu.memory_space<semaphore_mem>>)
      %get3A_2607 = arith.constant 3 : i32
      %get3A_2608 = arith.index_cast %get3A_2607 : i32 to index
      %get3A_2609 = arith.constant 384 : index
      %get3A_2610 = tpu.vector_load %arg7[%get3A_2608, %get3A_2609] {strides = array<i32>} : memref<4x512xi32, #tpu.memory_space<vmem>>, vector<1x16xi32>,
      %get3A_2611 = vector.shape_cast %get3A_2610 : vector<1x16xi32> to vector<16xi32>
      %get3A_2612 = arith.constant 384 : index
      %get3A_2613 = tpu.vector_load %arg8[%get3A_2612] {strides = array<i32>} : memref<512xi32, #tpu.memory_space<vmem>>, vector<16xi32>,
      %get3A_2614 = vector.shape_cast %get3A_2613 : vector<16xi32> to vector<16xi32>
      %add3A_2615 = arith.addi %get3A_2611, %get3A_2614 : vector<16xi32>
      %swap3A_2616 = arith.constant 1920 : index
      %swap3A_2617 = tpu.vector_load %arg9[%swap3A_2616] {strides = array<i32>} : memref<2048xi32, #tpu.memory_space<vmem>>, vector<16xi32>,
      %swap3A_2618 = vector.shape_cast %swap3A_2617 : vector<16xi32> to vector<16xi32>
      %swap3A_2619 = vector.shape_cast %add3A_2615 : vector<16xi32> to vector<16xi32>
      tpu.vector_store %arg9[%swap3A_2616], %swap3A_2619 {strides = array<i32>} : memref<2048xi32, #tpu.memory_space<vmem>>, vector<16xi32>,
      %get3A_2620 = arith.constant 3 : i32
      %get3A_2621 = arith.index_cast %get3A_2620 : i32 to index
      %get3A_2622 = arith.constant 400 : index
      %get3A_2623 = tpu.vector_load %arg7[%get3A_2621, %get3A_2622] {strides = array<i32>} : memref<4x512xi32, #tpu.memory_space<vmem>>, vector<1x16xi32>,
      %get3A_2624 = vector.shape_cast %get3A_2623 : vector<1x16xi32> to vector<16xi32>
      %get3A_2625 = arith.constant 400 : index
      %get3A_2626 = tpu.vector_load %arg8[%get3A_2625] {strides = array<i32>} : memref<512xi32, #tpu.memory_space<vmem>>, vector<16xi32>,
      %get3A_2627 = vector.shape_cast %get3A_2626 : vector<16xi32> to vector<16xi32>
      %add3A_2628 = arith.addi %get3A_2624, %get3A_2627 : vector<16xi32>
      %swap3A_2629 = arith.constant 1936 : index
      %swap3A_2630 = tpu.vector_load %arg9[%swap3A_2629] {strides = array<i32>} : memref<2048xi32, #tpu.memory_space<vmem>>, vector<16xi32>,
      %swap3A_2631 = vector.shape_cast %swap3A_2630 : vector<16xi32> to vector<16xi32>
      %swap3A_2632 = vector.shape_cast %add3A_2628 : vector<16xi32> to vector<16xi32>
      tpu.vector_store %arg9[%swap3A_2629], %swap3A_2632 {strides = array<i32>} : memref<2048xi32, #tpu.memory_space<vmem>>, vector<16xi32>,
      %get3A_2633 = arith.constant 3 : i32
      %get3A_2634 = arith.index_cast %get3A_2633 : i32 to index
      %get3A_2635 = arith.constant 416 : index
      %get3A_2636 = tpu.vector_load %arg7[%get3A_2634, %get3A_2635] {strides = array<i32>} : memref<4x512xi32, #tpu.memory_space<vmem>>, vector<1x16xi32>,
      %get3A_2637 = vector.shape_cast %get3A_2636 : vector<1x16xi32> to vector<16xi32>
      %get3A_2638 = arith.constant 416 : index
      %get3A_2639 = tpu.vector_load %arg8[%get3A_2638] {strides = array<i32>} : memref<512xi32, #tpu.memory_space<vmem>>, vector<16xi32>,
      %get3A_2640 = vector.shape_cast %get3A_2639 : vector<16xi32> to vector<16xi32>
      %add3A_2641 = arith.addi %get3A_2637, %get3A_2640 : vector<16xi32>
      %swap3A_2642 = arith.constant 1952 : index
      %swap3A_2643 = tpu.vector_load %arg9[%swap3A_2642] {strides = array<i32>} : memref<2048xi32, #tpu.memory_space<vmem>>, vector<16xi32>,
      %swap3A_2644 = vector.shape_cast %swap3A_2643 : vector<16xi32> to vector<16xi32>
      %swap3A_2645 = vector.shape_cast %add3A_2641 : vector<16xi32> to vector<16xi32>
      tpu.vector_store %arg9[%swap3A_2642], %swap3A_2645 {strides = array<i32>} : memref<2048xi32, #tpu.memory_space<vmem>>, vector<16xi32>,
      %get3A_2646 = arith.constant 3 : i32
      %get3A_2647 = arith.index_cast %get3A_2646 : i32 to index
      %get3A_2648 = arith.constant 432 : index
      %get3A_2649 = tpu.vector_load %arg7[%get3A_2647, %get3A_2648] {strides = array<i32>} : memref<4x512xi32, #tpu.memory_space<vmem>>, vector<1x16xi32>,
      %get3A_2650 = vector.shape_cast %get3A_2649 : vector<1x16xi32> to vector<16xi32>
      %get3A_2651 = arith.constant 432 : index
      %get3A_2652 = tpu.vector_load %arg8[%get3A_2651] {strides = array<i32>} : memref<512xi32, #tpu.memory_space<vmem>>, vector<16xi32>,
      %get3A_2653 = vector.shape_cast %get3A_2652 : vector<16xi32> to vector<16xi32>
      %add3A_2654 = arith.addi %get3A_2650, %get3A_2653 : vector<16xi32>
      %swap3A_2655 = arith.constant 1968 : index
      %swap3A_2656 = tpu.vector_load %arg9[%swap3A_2655] {strides = array<i32>} : memref<2048xi32, #tpu.memory_space<vmem>>, vector<16xi32>,
      %swap3A_2657 = vector.shape_cast %swap3A_2656 : vector<16xi32> to vector<16xi32>
      %swap3A_2658 = vector.shape_cast %add3A_2654 : vector<16xi32> to vector<16xi32>
      tpu.vector_store %arg9[%swap3A_2655], %swap3A_2658 {strides = array<i32>} : memref<2048xi32, #tpu.memory_space<vmem>>, vector<16xi32>,
      %dma_wait3A_2659 = arith.constant 0 : i32
      %dma_wait3A_2660 = arith.constant 0 : i32
      %dma_wait3A_2661 = tpu.memref_slice %arg5[%add3A_2511, %dma_wait3A_2659, %dma_wait3A_2660] : memref<16384x64x128xf32, #tpu.memory_space<hbm>> -> memref<1x64x128xf32, #tpu.memory_space<hbm>>
      %dma_wait3A_2662 = tpu.memref_squeeze %dma_wait3A_2661 : memref<1x64x128xf32, #tpu.memory_space<hbm>> -> memref<64x128xf32, #tpu.memory_space<hbm>>
      %dma_wait3A_2663 = arith.constant 0 : i32
      %dma_wait3A_2664 = arith.constant 0 : i32
      %dma_wait3A_2665 = tpu.memref_slice %arg5[%add3A_2511, %dma_wait3A_2663, %dma_wait3A_2664] : memref<16384x64x128xf32, #tpu.memory_space<hbm>> -> memref<1x64x128xf32, #tpu.memory_space<hbm>>
      %dma_wait3A_2666 = tpu.memref_squeeze %dma_wait3A_2665 : memref<1x64x128xf32, #tpu.memory_space<hbm>> -> memref<64x128xf32, #tpu.memory_space<hbm>>
      tpu.wait_dma2 semaphore(%arg14 : memref<!tpu.dma_semaphore, #tpu.memory_space<semaphore_mem>>) src(%arg10 : memref<64x128xf32, #tpu.memory_space<vmem>>) dst(%dma_wait3A_2666 : memref<64x128xf32, #tpu.memory_space<hbm>>)
      %dma_start3A_2667 = arith.constant 1920 : i32
      %dma_start3A_2668 = tpu.memref_slice %arg9[%dma_start3A_2667] : memref<2048xi32, #tpu.memory_space<vmem>> -> memref<64xi32, #tpu.memory_space<vmem>>
      %dma_start3A_2669 = arith.constant 0 : i32
      %dma_start3A_2670 = arith.constant 0 : i32
      %dma_start3A_2671 = tpu.memref_slice %arg6[%dma_start3A_2669, %dma_start3A_2670] : memref<12288x128xf32, #tpu.memory_space<vmem_shared>> -> memref<12288x128xf32, #tpu.memory_space<vmem_shared>>
      tpu.enqueue_indirect_dma source(%dma_start3A_2671 : memref<12288x128xf32, #tpu.memory_space<vmem_shared>>) target(%arg10 : memref<64x128xf32, #tpu.memory_space<vmem>>) offsets(%dma_start3A_2668 : memref<64xi32, #tpu.memory_space<vmem>>) semaphore(%arg13 : memref<!tpu.dma_semaphore, #tpu.memory_space<semaphore_mem>>)
      %dma_wait3A_2672 = arith.constant 1856 : i32
      %dma_wait3A_2673 = tpu.memref_slice %arg9[%dma_wait3A_2672] : memref<2048xi32, #tpu.memory_space<vmem>> -> memref<64xi32, #tpu.memory_space<vmem>>
      %dma_wait3A_2674 = arith.constant 0 : i32
      %dma_wait3A_2675 = arith.constant 0 : i32
      %dma_wait3A_2676 = tpu.memref_slice %arg6[%dma_wait3A_2674, %dma_wait3A_2675] : memref<12288x128xf32, #tpu.memory_space<vmem_shared>> -> memref<12288x128xf32, #tpu.memory_space<vmem_shared>>
      tpu.wait_indirect_dma semaphore(%arg13 : memref<!tpu.dma_semaphore, #tpu.memory_space<semaphore_mem>>) src(%dma_wait3A_2676 : memref<12288x128xf32, #tpu.memory_space<vmem_shared>>) dst(%arg12 : memref<64x128xf32, #tpu.memory_space<vmem>>)
      %add3A_2677 = arith.constant 3 : i32
      %add3A_2678 = arith.addi %add3A_41, %add3A_2677 : i32
      %mul3A_2679 = arith.constant 16 : i32
      %mul3A_2680 = arith.muli %add3A_2678, %mul3A_2679 : i32
      %mul3A_2681 = arith.constant 8 : i32
      %mul3A_2682 = arith.muli %arg0, %mul3A_2681 : i32
      %add3A_2683 = arith.addi %mul3A_2680, %mul3A_2682 : i32
      %add3A_2684 = arith.constant 5 : i32
      %add3A_2685 = arith.addi %add3A_2683, %add3A_2684 : i32
      %dma_start3A_2686 = arith.constant 0 : i32
      %dma_start3A_2687 = arith.constant 0 : i32
      %dma_start3A_2688 = tpu.memref_slice %arg5[%add3A_2685, %dma_start3A_2686, %dma_start3A_2687] : memref<16384x64x128xf32, #tpu.memory_space<hbm>> -> memref<1x64x128xf32, #tpu.memory_space<hbm>>
      %dma_start3A_2689 = tpu.memref_squeeze %dma_start3A_2688 : memref<1x64x128xf32, #tpu.memory_space<hbm>> -> memref<64x128xf32, #tpu.memory_space<hbm>>
      %dma_start3A_2690 = arith.constant 0 : i32
      %dma_start3A_2691 = arith.constant 0 : i32
      %dma_start3A_2692 = tpu.memref_slice %arg5[%add3A_2685, %dma_start3A_2690, %dma_start3A_2691] : memref<16384x64x128xf32, #tpu.memory_space<hbm>> -> memref<1x64x128xf32, #tpu.memory_space<hbm>>
      %dma_start3A_2693 = tpu.memref_squeeze %dma_start3A_2692 : memref<1x64x128xf32, #tpu.memory_space<hbm>> -> memref<64x128xf32, #tpu.memory_space<hbm>>
      tpu.enqueue_dma source(%arg12 : memref<64x128xf32, #tpu.memory_space<vmem>>) target(%dma_start3A_2693 : memref<64x128xf32, #tpu.memory_space<hbm>>) target_semaphore(%arg14 : memref<!tpu.dma_semaphore, #tpu.memory_space<semaphore_mem>>)
      %get3A_2694 = arith.constant 3 : i32
      %get3A_2695 = arith.index_cast %get3A_2694 : i32 to index
      %get3A_2696 = arith.constant 448 : index
      %get3A_2697 = tpu.vector_load %arg7[%get3A_2695, %get3A_2696] {strides = array<i32>} : memref<4x512xi32, #tpu.memory_space<vmem>>, vector<1x16xi32>,
      %get3A_2698 = vector.shape_cast %get3A_2697 : vector<1x16xi32> to vector<16xi32>
      %get3A_2699 = arith.constant 448 : index
      %get3A_2700 = tpu.vector_load %arg8[%get3A_2699] {strides = array<i32>} : memref<512xi32, #tpu.memory_space<vmem>>, vector<16xi32>,
      %get3A_2701 = vector.shape_cast %get3A_2700 : vector<16xi32> to vector<16xi32>
      %add3A_2702 = arith.addi %get3A_2698, %get3A_2701 : vector<16xi32>
      %swap3A_2703 = arith.constant 1984 : index
      %swap3A_2704 = tpu.vector_load %arg9[%swap3A_2703] {strides = array<i32>} : memref<2048xi32, #tpu.memory_space<vmem>>, vector<16xi32>,
      %swap3A_2705 = vector.shape_cast %swap3A_2704 : vector<16xi32> to vector<16xi32>
      %swap3A_2706 = vector.shape_cast %add3A_2702 : vector<16xi32> to vector<16xi32>
      tpu.vector_store %arg9[%swap3A_2703], %swap3A_2706 {strides = array<i32>} : memref<2048xi32, #tpu.memory_space<vmem>>, vector<16xi32>,
      %get3A_2707 = arith.constant 3 : i32
      %get3A_2708 = arith.index_cast %get3A_2707 : i32 to index
      %get3A_2709 = arith.constant 464 : index
      %get3A_2710 = tpu.vector_load %arg7[%get3A_2708, %get3A_2709] {strides = array<i32>} : memref<4x512xi32, #tpu.memory_space<vmem>>, vector<1x16xi32>,
      %get3A_2711 = vector.shape_cast %get3A_2710 : vector<1x16xi32> to vector<16xi32>
      %get3A_2712 = arith.constant 464 : index
      %get3A_2713 = tpu.vector_load %arg8[%get3A_2712] {strides = array<i32>} : memref<512xi32, #tpu.memory_space<vmem>>, vector<16xi32>,
      %get3A_2714 = vector.shape_cast %get3A_2713 : vector<16xi32> to vector<16xi32>
      %add3A_2715 = arith.addi %get3A_2711, %get3A_2714 : vector<16xi32>
      %swap3A_2716 = arith.constant 2000 : index
      %swap3A_2717 = tpu.vector_load %arg9[%swap3A_2716] {strides = array<i32>} : memref<2048xi32, #tpu.memory_space<vmem>>, vector<16xi32>,
      %swap3A_2718 = vector.shape_cast %swap3A_2717 : vector<16xi32> to vector<16xi32>
      %swap3A_2719 = vector.shape_cast %add3A_2715 : vector<16xi32> to vector<16xi32>
      tpu.vector_store %arg9[%swap3A_2716], %swap3A_2719 {strides = array<i32>} : memref<2048xi32, #tpu.memory_space<vmem>>, vector<16xi32>,
      %get3A_2720 = arith.constant 3 : i32
      %get3A_2721 = arith.index_cast %get3A_2720 : i32 to index
      %get3A_2722 = arith.constant 480 : index
      %get3A_2723 = tpu.vector_load %arg7[%get3A_2721, %get3A_2722] {strides = array<i32>} : memref<4x512xi32, #tpu.memory_space<vmem>>, vector<1x16xi32>,
      %get3A_2724 = vector.shape_cast %get3A_2723 : vector<1x16xi32> to vector<16xi32>
      %get3A_2725 = arith.constant 480 : index
      %get3A_2726 = tpu.vector_load %arg8[%get3A_2725] {strides = array<i32>} : memref<512xi32, #tpu.memory_space<vmem>>, vector<16xi32>,
      %get3A_2727 = vector.shape_cast %get3A_2726 : vector<16xi32> to vector<16xi32>
      %add3A_2728 = arith.addi %get3A_2724, %get3A_2727 : vector<16xi32>
      %swap3A_2729 = arith.constant 2016 : index
      %swap3A_2730 = tpu.vector_load %arg9[%swap3A_2729] {strides = array<i32>} : memref<2048xi32, #tpu.memory_space<vmem>>, vector<16xi32>,
      %swap3A_2731 = vector.shape_cast %swap3A_2730 : vector<16xi32> to vector<16xi32>
      %swap3A_2732 = vector.shape_cast %add3A_2728 : vector<16xi32> to vector<16xi32>
      tpu.vector_store %arg9[%swap3A_2729], %swap3A_2732 {strides = array<i32>} : memref<2048xi32, #tpu.memory_space<vmem>>, vector<16xi32>,
      %get3A_2733 = arith.constant 3 : i32
      %get3A_2734 = arith.index_cast %get3A_2733 : i32 to index
      %get3A_2735 = arith.constant 496 : index
      %get3A_2736 = tpu.vector_load %arg7[%get3A_2734, %get3A_2735] {strides = array<i32>} : memref<4x512xi32, #tpu.memory_space<vmem>>, vector<1x16xi32>,
      %get3A_2737 = vector.shape_cast %get3A_2736 : vector<1x16xi32> to vector<16xi32>
      %get3A_2738 = arith.constant 496 : index
      %get3A_2739 = tpu.vector_load %arg8[%get3A_2738] {strides = array<i32>} : memref<512xi32, #tpu.memory_space<vmem>>, vector<16xi32>,
      %get3A_2740 = vector.shape_cast %get3A_2739 : vector<16xi32> to vector<16xi32>
      %add3A_2741 = arith.addi %get3A_2737, %get3A_2740 : vector<16xi32>
      %swap3A_2742 = arith.constant 2032 : index
      %swap3A_2743 = tpu.vector_load %arg9[%swap3A_2742] {strides = array<i32>} : memref<2048xi32, #tpu.memory_space<vmem>>, vector<16xi32>,
      %swap3A_2744 = vector.shape_cast %swap3A_2743 : vector<16xi32> to vector<16xi32>
      %swap3A_2745 = vector.shape_cast %add3A_2741 : vector<16xi32> to vector<16xi32>
      tpu.vector_store %arg9[%swap3A_2742], %swap3A_2745 {strides = array<i32>} : memref<2048xi32, #tpu.memory_space<vmem>>, vector<16xi32>,
      %dma_wait3A_2746 = arith.constant 0 : i32
      %dma_wait3A_2747 = arith.constant 0 : i32
      %dma_wait3A_2748 = tpu.memref_slice %arg5[%add3A_2598, %dma_wait3A_2746, %dma_wait3A_2747] : memref<16384x64x128xf32, #tpu.memory_space<hbm>> -> memref<1x64x128xf32, #tpu.memory_space<hbm>>
      %dma_wait3A_2749 = tpu.memref_squeeze %dma_wait3A_2748 : memref<1x64x128xf32, #tpu.memory_space<hbm>> -> memref<64x128xf32, #tpu.memory_space<hbm>>
      %dma_wait3A_2750 = arith.constant 0 : i32
      %dma_wait3A_2751 = arith.constant 0 : i32
      %dma_wait3A_2752 = tpu.memref_slice %arg5[%add3A_2598, %dma_wait3A_2750, %dma_wait3A_2751] : memref<16384x64x128xf32, #tpu.memory_space<hbm>> -> memref<1x64x128xf32, #tpu.memory_space<hbm>>
      %dma_wait3A_2753 = tpu.memref_squeeze %dma_wait3A_2752 : memref<1x64x128xf32, #tpu.memory_space<hbm>> -> memref<64x128xf32, #tpu.memory_space<hbm>>
      tpu.wait_dma2 semaphore(%arg14 : memref<!tpu.dma_semaphore, #tpu.memory_space<semaphore_mem>>) src(%arg11 : memref<64x128xf32, #tpu.memory_space<vmem>>) dst(%dma_wait3A_2753 : memref<64x128xf32, #tpu.memory_space<hbm>>)
      %dma_start3A_2754 = arith.constant 1984 : i32
      %dma_start3A_2755 = tpu.memref_slice %arg9[%dma_start3A_2754] : memref<2048xi32, #tpu.memory_space<vmem>> -> memref<64xi32, #tpu.memory_space<vmem>>
      %dma_start3A_2756 = arith.constant 0 : i32
      %dma_start3A_2757 = arith.constant 0 : i32
      %dma_start3A_2758 = tpu.memref_slice %arg6[%dma_start3A_2756, %dma_start3A_2757] : memref<12288x128xf32, #tpu.memory_space<vmem_shared>> -> memref<12288x128xf32, #tpu.memory_space<vmem_shared>>
      tpu.enqueue_indirect_dma source(%dma_start3A_2758 : memref<12288x128xf32, #tpu.memory_space<vmem_shared>>) target(%arg11 : memref<64x128xf32, #tpu.memory_space<vmem>>) offsets(%dma_start3A_2755 : memref<64xi32, #tpu.memory_space<vmem>>) semaphore(%arg13 : memref<!tpu.dma_semaphore, #tpu.memory_space<semaphore_mem>>)
      %dma_wait3A_2759 = arith.constant 1920 : i32
      %dma_wait3A_2760 = tpu.memref_slice %arg9[%dma_wait3A_2759] : memref<2048xi32, #tpu.memory_space<vmem>> -> memref<64xi32, #tpu.memory_space<vmem>>
      %dma_wait3A_2761 = arith.constant 0 : i32
      %dma_wait3A_2762 = arith.constant 0 : i32
      %dma_wait3A_2763 = tpu.memref_slice %arg6[%dma_wait3A_2761, %dma_wait3A_2762] : memref<12288x128xf32, #tpu.memory_space<vmem_shared>> -> memref<12288x128xf32, #tpu.memory_space<vmem_shared>>
      tpu.wait_indirect_dma semaphore(%arg13 : memref<!tpu.dma_semaphore, #tpu.memory_space<semaphore_mem>>) src(%dma_wait3A_2763 : memref<12288x128xf32, #tpu.memory_space<vmem_shared>>) dst(%arg10 : memref<64x128xf32, #tpu.memory_space<vmem>>)
      %add3A_2764 = arith.constant 3 : i32
      %add3A_2765 = arith.addi %add3A_41, %add3A_2764 : i32
      %mul3A_2766 = arith.constant 16 : i32
      %mul3A_2767 = arith.muli %add3A_2765, %mul3A_2766 : i32
      %mul3A_2768 = arith.constant 8 : i32
      %mul3A_2769 = arith.muli %arg0, %mul3A_2768 : i32
      %add3A_2770 = arith.addi %mul3A_2767, %mul3A_2769 : i32
      %add3A_2771 = arith.constant 6 : i32
      %add3A_2772 = arith.addi %add3A_2770, %add3A_2771 : i32
      %dma_start3A_2773 = arith.constant 0 : i32
      %dma_start3A_2774 = arith.constant 0 : i32
      %dma_start3A_2775 = tpu.memref_slice %arg5[%add3A_2772, %dma_start3A_2773, %dma_start3A_2774] : memref<16384x64x128xf32, #tpu.memory_space<hbm>> -> memref<1x64x128xf32, #tpu.memory_space<hbm>>
      %dma_start3A_2776 = tpu.memref_squeeze %dma_start3A_2775 : memref<1x64x128xf32, #tpu.memory_space<hbm>> -> memref<64x128xf32, #tpu.memory_space<hbm>>
      %dma_start3A_2777 = arith.constant 0 : i32
      %dma_start3A_2778 = arith.constant 0 : i32
      %dma_start3A_2779 = tpu.memref_slice %arg5[%add3A_2772, %dma_start3A_2777, %dma_start3A_2778] : memref<16384x64x128xf32, #tpu.memory_space<hbm>> -> memref<1x64x128xf32, #tpu.memory_space<hbm>>
      %dma_start3A_2780 = tpu.memref_squeeze %dma_start3A_2779 : memref<1x64x128xf32, #tpu.memory_space<hbm>> -> memref<64x128xf32, #tpu.memory_space<hbm>>
      tpu.enqueue_dma source(%arg10 : memref<64x128xf32, #tpu.memory_space<vmem>>) target(%dma_start3A_2780 : memref<64x128xf32, #tpu.memory_space<hbm>>) target_semaphore(%arg14 : memref<!tpu.dma_semaphore, #tpu.memory_space<semaphore_mem>>)
      %dma_wait3A_2781 = arith.constant 1984 : i32
      %dma_wait3A_2782 = tpu.memref_slice %arg9[%dma_wait3A_2781] : memref<2048xi32, #tpu.memory_space<vmem>> -> memref<64xi32, #tpu.memory_space<vmem>>
      %dma_wait3A_2783 = arith.constant 0 : i32
      %dma_wait3A_2784 = arith.constant 0 : i32
      %dma_wait3A_2785 = tpu.memref_slice %arg6[%dma_wait3A_2783, %dma_wait3A_2784] : memref<12288x128xf32, #tpu.memory_space<vmem_shared>> -> memref<12288x128xf32, #tpu.memory_space<vmem_shared>>
      tpu.wait_indirect_dma semaphore(%arg13 : memref<!tpu.dma_semaphore, #tpu.memory_space<semaphore_mem>>) src(%dma_wait3A_2785 : memref<12288x128xf32, #tpu.memory_space<vmem_shared>>) dst(%arg11 : memref<64x128xf32, #tpu.memory_space<vmem>>)
      %add3A_2786 = arith.constant 3 : i32
      %add3A_2787 = arith.addi %add3A_41, %add3A_2786 : i32
      %mul3A_2788 = arith.constant 16 : i32
      %mul3A_2789 = arith.muli %add3A_2787, %mul3A_2788 : i32
      %mul3A_2790 = arith.constant 8 : i32
      %mul3A_2791 = arith.muli %arg0, %mul3A_2790 : i32
      %add3A_2792 = arith.addi %mul3A_2789, %mul3A_2791 : i32
      %add3A_2793 = arith.constant 7 : i32
      %add3A_2794 = arith.addi %add3A_2792, %add3A_2793 : i32
      %dma_start3A_2795 = arith.constant 0 : i32
      %dma_start3A_2796 = arith.constant 0 : i32
      %dma_start3A_2797 = tpu.memref_slice %arg5[%add3A_2794, %dma_start3A_2795, %dma_start3A_2796] : memref<16384x64x128xf32, #tpu.memory_space<hbm>> -> memref<1x64x128xf32, #tpu.memory_space<hbm>>
      %dma_start3A_2798 = tpu.memref_squeeze %dma_start3A_2797 : memref<1x64x128xf32, #tpu.memory_space<hbm>> -> memref<64x128xf32, #tpu.memory_space<hbm>>
      %dma_start3A_2799 = arith.constant 0 : i32
      %dma_start3A_2800 = arith.constant 0 : i32
      %dma_start3A_2801 = tpu.memref_slice %arg5[%add3A_2794, %dma_start3A_2799, %dma_start3A_2800] : memref<16384x64x128xf32, #tpu.memory_space<hbm>> -> memref<1x64x128xf32, #tpu.memory_space<hbm>>
      %dma_start3A_2802 = tpu.memref_squeeze %dma_start3A_2801 : memref<1x64x128xf32, #tpu.memory_space<hbm>> -> memref<64x128xf32, #tpu.memory_space<hbm>>
      tpu.enqueue_dma source(%arg11 : memref<64x128xf32, #tpu.memory_space<vmem>>) target(%dma_start3A_2802 : memref<64x128xf32, #tpu.memory_space<hbm>>) target_semaphore(%arg14 : memref<!tpu.dma_semaphore, #tpu.memory_space<semaphore_mem>>)
    }
    %scan3A_9 = arith.constant 16 : i32
    %dma_wait3A = arith.constant 0 : i32
    %dma_wait3A_10 = arith.constant 0 : i32
    %dma_wait3A_11 = arith.constant 0 : i32
    %dma_wait3A_12 = tpu.memref_slice %arg5[%dma_wait3A, %dma_wait3A_10, %dma_wait3A_11] : memref<16384x64x128xf32, #tpu.memory_space<hbm>> -> memref<1x64x128xf32, #tpu.memory_space<hbm>>
    %dma_wait3A_13 = tpu.memref_squeeze %dma_wait3A_12 : memref<1x64x128xf32, #tpu.memory_space<hbm>> -> memref<64x128xf32, #tpu.memory_space<hbm>>
    %dma_wait3A_14 = arith.constant 0 : i32
    %dma_wait3A_15 = arith.constant 0 : i32
    %dma_wait3A_16 = tpu.memref_slice %arg5[%dma_wait3A, %dma_wait3A_14, %dma_wait3A_15] : memref<16384x64x128xf32, #tpu.memory_space<hbm>> -> memref<1x64x128xf32, #tpu.memory_space<hbm>>
    %dma_wait3A_17 = tpu.memref_squeeze %dma_wait3A_16 : memref<1x64x128xf32, #tpu.memory_space<hbm>> -> memref<64x128xf32, #tpu.memory_space<hbm>>
    tpu.wait_dma2 semaphore(%arg14 : memref<!tpu.dma_semaphore, #tpu.memory_space<semaphore_mem>>) src(%arg10 : memref<64x128xf32, #tpu.memory_space<vmem>>) dst(%dma_wait3A_17 : memref<64x128xf32, #tpu.memory_space<hbm>>)
    %dma_wait3A_18 = arith.constant 0 : i32
    %dma_wait3A_19 = arith.constant 0 : i32
    %dma_wait3A_20 = arith.constant 0 : i32
    %dma_wait3A_21 = tpu.memref_slice %arg5[%dma_wait3A_18, %dma_wait3A_19, %dma_wait3A_20] : memref<16384x64x128xf32, #tpu.memory_space<hbm>> -> memref<1x64x128xf32, #tpu.memory_space<hbm>>
    %dma_wait3A_22 = tpu.memref_squeeze %dma_wait3A_21 : memref<1x64x128xf32, #tpu.memory_space<hbm>> -> memref<64x128xf32, #tpu.memory_space<hbm>>
    %dma_wait3A_23 = arith.constant 0 : i32
    %dma_wait3A_24 = arith.constant 0 : i32
    %dma_wait3A_25 = tpu.memref_slice %arg5[%dma_wait3A_18, %dma_wait3A_23, %dma_wait3A_24] : memref<16384x64x128xf32, #tpu.memory_space<hbm>> -> memref<1x64x128xf32, #tpu.memory_space<hbm>>
    %dma_wait3A_26 = tpu.memref_squeeze %dma_wait3A_25 : memref<1x64x128xf32, #tpu.memory_space<hbm>> -> memref<64x128xf32, #tpu.memory_space<hbm>>
    tpu.wait_dma2 semaphore(%arg14 : memref<!tpu.dma_semaphore, #tpu.memory_space<semaphore_mem>>) src(%arg11 : memref<64x128xf32, #tpu.memory_space<vmem>>) dst(%dma_wait3A_26 : memref<64x128xf32, #tpu.memory_space<hbm>>)
    %dma_wait3A_27 = arith.constant 0 : i32
    %dma_wait3A_28 = arith.constant 0 : i32
    %dma_wait3A_29 = arith.constant 0 : i32
    %dma_wait3A_30 = tpu.memref_slice %arg5[%dma_wait3A_27, %dma_wait3A_28, %dma_wait3A_29] : memref<16384x64x128xf32, #tpu.memory_space<hbm>> -> memref<1x64x128xf32, #tpu.memory_space<hbm>>
    %dma_wait3A_31 = tpu.memref_squeeze %dma_wait3A_30 : memref<1x64x128xf32, #tpu.memory_space<hbm>> -> memref<64x128xf32, #tpu.memory_space<hbm>>
    %dma_wait3A_32 = arith.constant 0 : i32
    %dma_wait3A_33 = arith.constant 0 : i32
    %dma_wait3A_34 = tpu.memref_slice %arg5[%dma_wait3A_27, %dma_wait3A_32, %dma_wait3A_33] : memref<16384x64x128xf32, #tpu.memory_space<hbm>> -> memref<1x64x128xf32, #tpu.memory_space<hbm>>
    %dma_wait3A_35 = tpu.memref_squeeze %dma_wait3A_34 : memref<1x64x128xf32, #tpu.memory_space<hbm>> -> memref<64x128xf32, #tpu.memory_space<hbm>>
    tpu.wait_dma2 semaphore(%arg14 : memref<!tpu.dma_semaphore, #tpu.memory_space<semaphore_mem>>) src(%arg12 : memref<64x128xf32, #tpu.memory_space<vmem>>) dst(%dma_wait3A_35 : memref<64x128xf32, #tpu.memory_space<hbm>>)
    return
  }
}

module attributes {stable_mosaic.version = 14 : i64} {
  func.func @_precompute_body(%arg0: i32, %arg1: memref<256x128xf32, #tpu.memory_space<vmem>>, %arg2: memref<21x128xf32, #tpu.memory_space<vmem>>, %arg3: memref<1x128xf32, #tpu.memory_space<vmem>>, %arg4: memref<1x128xf32, #tpu.memory_space<vmem>>, %arg5: memref<256x24x128xf32, #tpu.memory_space<vmem>>) attributes {dimension_semantics = [#tpu.dimension_semantics<arbitrary>], iteration_bounds = array<i64: 4>, scalar_prefetch = 0 : i64, scratch_operands = 0 : i64, tpu.core_type = #tpu.core_type<tc>, window_params = [{transform_indices = @transform_0, window_bounds = array<i64: 256, 128>}, {pipeline_mode = #tpu.pipeline_mode<synchronous>, transform_indices = @transform_1, window_bounds = array<i64: 21, 128>}, {pipeline_mode = #tpu.pipeline_mode<synchronous>, transform_indices = @transform_2, window_bounds = array<i64: 1, 128>}, {pipeline_mode = #tpu.pipeline_mode<synchronous>, transform_indices = @transform_3, window_bounds = array<i64: 1, 128>}, {transform_indices = @transform_4, window_bounds = array<i64: 256, 24, 128>}]} {
    %get3A = arith.constant 0 : index
    %get3A_0 = arith.constant 0 : index
    %get3A_1 = vector.load %arg1[%get3A, %get3A_0] : memref<256x128xf32, #tpu.memory_space<vmem>>, vector<256x128xf32>
    %get3A_2 = arith.constant 0 : index
    %get3A_3 = arith.constant 0 : index
    %get3A_4 = vector.load %arg2[%get3A_2, %get3A_3] : memref<21x128xf32, #tpu.memory_space<vmem>>, vector<21x128xf32>
    %get3A_5 = arith.constant 0 : index
    %get3A_6 = arith.constant 0 : index
    %get3A_7 = vector.load %arg3[%get3A_5, %get3A_6] : memref<1x128xf32, #tpu.memory_space<vmem>>, vector<1x128xf32>
    %get3A_8 = arith.constant 0 : index
    %get3A_9 = arith.constant 0 : index
    %get3A_10 = vector.load %arg4[%get3A_8, %get3A_9] : memref<1x128xf32, #tpu.memory_space<vmem>>, vector<1x128xf32>
    %reduce_sum3A = arith.constant dense<0.000000e+00> : vector<256xf32>
    %reduce_sum3A_11 = vector.multi_reduction <add>, %get3A_1, %reduce_sum3A [1] : vector<256x128xf32> to vector<256xf32>
    %broadcast_in_dim3A = vector.shape_cast %reduce_sum3A_11 : vector<256xf32> to vector<256x1xf32>
    %div3A = arith.constant 1.280000e+02 : f32
    %div3A_12 = vector.broadcast %div3A : f32 to vector<256x1xf32>
    %div3A_13 = arith.divf %broadcast_in_dim3A, %div3A_12 : vector<256x1xf32>
    %sub3A = vector.broadcast %div3A_13 : vector<256x1xf32> to vector<256x128xf32>
    %sub3A_14 = arith.subf %get3A_1, %sub3A : vector<256x128xf32>
    %reduce_sum3A_15 = arith.constant dense<0.000000e+00> : vector<21xf32>
    %reduce_sum3A_16 = vector.multi_reduction <add>, %get3A_4, %reduce_sum3A_15 [1] : vector<21x128xf32> to vector<21xf32>
    %broadcast_in_dim3A_17 = vector.shape_cast %reduce_sum3A_16 : vector<21xf32> to vector<21x1xf32>
    %div3A_18 = arith.constant 1.280000e+02 : f32
    %div3A_19 = vector.broadcast %div3A_18 : f32 to vector<21x1xf32>
    %div3A_20 = arith.divf %broadcast_in_dim3A_17, %div3A_19 : vector<21x1xf32>
    %sub3A_21 = vector.broadcast %div3A_20 : vector<21x1xf32> to vector<21x128xf32>
    %sub3A_22 = arith.subf %get3A_4, %sub3A_21 : vector<21x128xf32>
    %mul3A = arith.mulf %sub3A_14, %sub3A_14 : vector<256x128xf32>
    %reduce_sum3A_23 = arith.constant dense<0.000000e+00> : vector<256xf32>
    %reduce_sum3A_24 = vector.multi_reduction <add>, %mul3A, %reduce_sum3A_23 [1] : vector<256x128xf32> to vector<256xf32>
    %broadcast_in_dim3A_25 = vector.shape_cast %reduce_sum3A_24 : vector<256xf32> to vector<256x1xf32>
    %div3A_26 = arith.constant 1.280000e+02 : f32
    %div3A_27 = vector.broadcast %div3A_26 : f32 to vector<256x1xf32>
    %div3A_28 = arith.divf %broadcast_in_dim3A_25, %div3A_27 : vector<256x1xf32>
    %mul3A_29 = arith.mulf %sub3A_22, %sub3A_22 : vector<21x128xf32>
    %reduce_sum3A_30 = arith.constant dense<0.000000e+00> : vector<21xf32>
    %reduce_sum3A_31 = vector.multi_reduction <add>, %mul3A_29, %reduce_sum3A_30 [1] : vector<21x128xf32> to vector<21xf32>
    %broadcast_in_dim3A_32 = vector.shape_cast %reduce_sum3A_31 : vector<21xf32> to vector<21x1xf32>
    %div3A_33 = arith.constant 1.280000e+02 : f32
    %div3A_34 = vector.broadcast %div3A_33 : f32 to vector<21x1xf32>
    %div3A_35 = arith.divf %broadcast_in_dim3A_32, %div3A_34 : vector<21x1xf32>
    %dot_general3A = arith.constant dense<0.000000e+00> : vector<256x21xf32>
    %dot_general3A_36 = tpu.matmul %sub3A_14, %sub3A_22, %dot_general3A {dimension_numbers = #tpu.dot_dimension_numbers<[1], [1], [0], [0], [0, 0, 1, 0], [], []>, transpose_lhs_hint = false} : vector<256x128xf32>, vector<21x128xf32>, vector<256x21xf32> -> vector<256x21xf32>
    %reshape3A = vector.shape_cast %div3A_35 : vector<21x1xf32> to vector<1x21xf32>
    %add3A = vector.broadcast %div3A_28 : vector<256x1xf32> to vector<256x21xf32>
    %add3A_37 = vector.broadcast %reshape3A : vector<1x21xf32> to vector<256x21xf32>
    %add3A_38 = arith.addf %add3A, %add3A_37 : vector<256x21xf32>
    %mul3A_39 = arith.constant 1.562500e-02 : f32
    %mul3A_40 = vector.broadcast %mul3A_39 : f32 to vector<256x21xf32>
    %mul3A_41 = arith.mulf %mul3A_40, %dot_general3A_36 : vector<256x21xf32>
    %add3A_42 = arith.addf %add3A_38, %mul3A_41 : vector<256x21xf32>
    %add3A_43 = arith.constant 9.99999974E-6 : f32
    %add3A_44 = vector.broadcast %add3A_43 : f32 to vector<256x21xf32>
    %add3A_45 = arith.addf %add3A_42, %add3A_44 : vector<256x21xf32>
    %sqrt3A = math.sqrt %add3A_45 : vector<256x21xf32>
    %div3A_46 = arith.constant 1.000000e+00 : f32
    %div3A_47 = vector.broadcast %div3A_46 : f32 to vector<256x21xf32>
    %div3A_48 = arith.divf %div3A_47, %sqrt3A : vector<256x21xf32>
    %slice3A = vector.extract_strided_slice %sub3A_22 {offsets = [0, 0], sizes = [1, 128], strides = [1, 1]} : vector<21x128xf32> to vector<1x128xf32>
    %add3A_49 = vector.broadcast %slice3A : vector<1x128xf32> to vector<256x128xf32>
    %add3A_50 = arith.addf %sub3A_14, %add3A_49 : vector<256x128xf32>
    %slice3A_51 = vector.extract_strided_slice %div3A_48 {offsets = [0, 0], sizes = [256, 1], strides = [1, 1]} : vector<256x21xf32> to vector<256x1xf32>
    %mul3A_52 = vector.broadcast %slice3A_51 : vector<256x1xf32> to vector<256x128xf32>
    %mul3A_53 = arith.mulf %add3A_50, %mul3A_52 : vector<256x128xf32>
    %mul3A_54 = vector.broadcast %get3A_7 : vector<1x128xf32> to vector<256x128xf32>
    %mul3A_55 = arith.mulf %mul3A_53, %mul3A_54 : vector<256x128xf32>
    %add3A_56 = vector.broadcast %get3A_10 : vector<1x128xf32> to vector<256x128xf32>
    %add3A_57 = arith.addf %mul3A_55, %add3A_56 : vector<256x128xf32>
    %swap3A = arith.constant 0 : index
    %swap3A_58 = arith.constant 0 : index
    %swap3A_59 = arith.constant 0 : index
    %swap3A_60 = vector.load %arg5[%swap3A, %swap3A_58, %swap3A_59] : memref<256x24x128xf32, #tpu.memory_space<vmem>>, vector<256x1x128xf32>
    %swap3A_61 = vector.shape_cast %swap3A_60 : vector<256x1x128xf32> to vector<256x128xf32>
    %swap3A_62 = vector.shape_cast %add3A_57 : vector<256x128xf32> to vector<256x1x128xf32>
    tpu.vector_store %arg5[%swap3A, %swap3A_58, %swap3A_59], %swap3A_62 {strides = array<i32>} : memref<256x24x128xf32, #tpu.memory_space<vmem>>, vector<256x1x128xf32>,
    %slice3A_63 = vector.extract_strided_slice %sub3A_22 {offsets = [1, 0], sizes = [1, 128], strides = [1, 1]} : vector<21x128xf32> to vector<1x128xf32>
    %add3A_64 = vector.broadcast %slice3A_63 : vector<1x128xf32> to vector<256x128xf32>
    %add3A_65 = arith.addf %sub3A_14, %add3A_64 : vector<256x128xf32>
    %slice3A_66 = vector.extract_strided_slice %div3A_48 {offsets = [0, 1], sizes = [256, 1], strides = [1, 1]} : vector<256x21xf32> to vector<256x1xf32>
    %mul3A_67 = vector.broadcast %slice3A_66 : vector<256x1xf32> to vector<256x128xf32>
    %mul3A_68 = arith.mulf %add3A_65, %mul3A_67 : vector<256x128xf32>
    %mul3A_69 = vector.broadcast %get3A_7 : vector<1x128xf32> to vector<256x128xf32>
    %mul3A_70 = arith.mulf %mul3A_68, %mul3A_69 : vector<256x128xf32>
    %add3A_71 = vector.broadcast %get3A_10 : vector<1x128xf32> to vector<256x128xf32>
    %add3A_72 = arith.addf %mul3A_70, %add3A_71 : vector<256x128xf32>
    %swap3A_73 = arith.constant 0 : index
    %swap3A_74 = arith.constant 1 : index
    %swap3A_75 = arith.constant 0 : index
    %swap3A_76 = vector.load %arg5[%swap3A_73, %swap3A_74, %swap3A_75] : memref<256x24x128xf32, #tpu.memory_space<vmem>>, vector<256x1x128xf32>
    %swap3A_77 = vector.shape_cast %swap3A_76 : vector<256x1x128xf32> to vector<256x128xf32>
    %swap3A_78 = vector.shape_cast %add3A_72 : vector<256x128xf32> to vector<256x1x128xf32>
    tpu.vector_store %arg5[%swap3A_73, %swap3A_74, %swap3A_75], %swap3A_78 {strides = array<i32>} : memref<256x24x128xf32, #tpu.memory_space<vmem>>, vector<256x1x128xf32>,
    %slice3A_79 = vector.extract_strided_slice %sub3A_22 {offsets = [2, 0], sizes = [1, 128], strides = [1, 1]} : vector<21x128xf32> to vector<1x128xf32>
    %add3A_80 = vector.broadcast %slice3A_79 : vector<1x128xf32> to vector<256x128xf32>
    %add3A_81 = arith.addf %sub3A_14, %add3A_80 : vector<256x128xf32>
    %slice3A_82 = vector.extract_strided_slice %div3A_48 {offsets = [0, 2], sizes = [256, 1], strides = [1, 1]} : vector<256x21xf32> to vector<256x1xf32>
    %mul3A_83 = vector.broadcast %slice3A_82 : vector<256x1xf32> to vector<256x128xf32>
    %mul3A_84 = arith.mulf %add3A_81, %mul3A_83 : vector<256x128xf32>
    %mul3A_85 = vector.broadcast %get3A_7 : vector<1x128xf32> to vector<256x128xf32>
    %mul3A_86 = arith.mulf %mul3A_84, %mul3A_85 : vector<256x128xf32>
    %add3A_87 = vector.broadcast %get3A_10 : vector<1x128xf32> to vector<256x128xf32>
    %add3A_88 = arith.addf %mul3A_86, %add3A_87 : vector<256x128xf32>
    %swap3A_89 = arith.constant 0 : index
    %swap3A_90 = arith.constant 2 : index
    %swap3A_91 = arith.constant 0 : index
    %swap3A_92 = vector.load %arg5[%swap3A_89, %swap3A_90, %swap3A_91] : memref<256x24x128xf32, #tpu.memory_space<vmem>>, vector<256x1x128xf32>
    %swap3A_93 = vector.shape_cast %swap3A_92 : vector<256x1x128xf32> to vector<256x128xf32>
    %swap3A_94 = vector.shape_cast %add3A_88 : vector<256x128xf32> to vector<256x1x128xf32>
    tpu.vector_store %arg5[%swap3A_89, %swap3A_90, %swap3A_91], %swap3A_94 {strides = array<i32>} : memref<256x24x128xf32, #tpu.memory_space<vmem>>, vector<256x1x128xf32>,
    %slice3A_95 = vector.extract_strided_slice %sub3A_22 {offsets = [3, 0], sizes = [1, 128], strides = [1, 1]} : vector<21x128xf32> to vector<1x128xf32>
    %add3A_96 = vector.broadcast %slice3A_95 : vector<1x128xf32> to vector<256x128xf32>
    %add3A_97 = arith.addf %sub3A_14, %add3A_96 : vector<256x128xf32>
    %slice3A_98 = vector.extract_strided_slice %div3A_48 {offsets = [0, 3], sizes = [256, 1], strides = [1, 1]} : vector<256x21xf32> to vector<256x1xf32>
    %mul3A_99 = vector.broadcast %slice3A_98 : vector<256x1xf32> to vector<256x128xf32>
    %mul3A_100 = arith.mulf %add3A_97, %mul3A_99 : vector<256x128xf32>
    %mul3A_101 = vector.broadcast %get3A_7 : vector<1x128xf32> to vector<256x128xf32>
    %mul3A_102 = arith.mulf %mul3A_100, %mul3A_101 : vector<256x128xf32>
    %add3A_103 = vector.broadcast %get3A_10 : vector<1x128xf32> to vector<256x128xf32>
    %add3A_104 = arith.addf %mul3A_102, %add3A_103 : vector<256x128xf32>
    %swap3A_105 = arith.constant 0 : index
    %swap3A_106 = arith.constant 3 : index
    %swap3A_107 = arith.constant 0 : index
    %swap3A_108 = vector.load %arg5[%swap3A_105, %swap3A_106, %swap3A_107] : memref<256x24x128xf32, #tpu.memory_space<vmem>>, vector<256x1x128xf32>
    %swap3A_109 = vector.shape_cast %swap3A_108 : vector<256x1x128xf32> to vector<256x128xf32>
    %swap3A_110 = vector.shape_cast %add3A_104 : vector<256x128xf32> to vector<256x1x128xf32>
    tpu.vector_store %arg5[%swap3A_105, %swap3A_106, %swap3A_107], %swap3A_110 {strides = array<i32>} : memref<256x24x128xf32, #tpu.memory_space<vmem>>, vector<256x1x128xf32>,
    %slice3A_111 = vector.extract_strided_slice %sub3A_22 {offsets = [4, 0], sizes = [1, 128], strides = [1, 1]} : vector<21x128xf32> to vector<1x128xf32>
    %add3A_112 = vector.broadcast %slice3A_111 : vector<1x128xf32> to vector<256x128xf32>
    %add3A_113 = arith.addf %sub3A_14, %add3A_112 : vector<256x128xf32>
    %slice3A_114 = vector.extract_strided_slice %div3A_48 {offsets = [0, 4], sizes = [256, 1], strides = [1, 1]} : vector<256x21xf32> to vector<256x1xf32>
    %mul3A_115 = vector.broadcast %slice3A_114 : vector<256x1xf32> to vector<256x128xf32>
    %mul3A_116 = arith.mulf %add3A_113, %mul3A_115 : vector<256x128xf32>
    %mul3A_117 = vector.broadcast %get3A_7 : vector<1x128xf32> to vector<256x128xf32>
    %mul3A_118 = arith.mulf %mul3A_116, %mul3A_117 : vector<256x128xf32>
    %add3A_119 = vector.broadcast %get3A_10 : vector<1x128xf32> to vector<256x128xf32>
    %add3A_120 = arith.addf %mul3A_118, %add3A_119 : vector<256x128xf32>
    %swap3A_121 = arith.constant 0 : index
    %swap3A_122 = arith.constant 4 : index
    %swap3A_123 = arith.constant 0 : index
    %swap3A_124 = vector.load %arg5[%swap3A_121, %swap3A_122, %swap3A_123] : memref<256x24x128xf32, #tpu.memory_space<vmem>>, vector<256x1x128xf32>
    %swap3A_125 = vector.shape_cast %swap3A_124 : vector<256x1x128xf32> to vector<256x128xf32>
    %swap3A_126 = vector.shape_cast %add3A_120 : vector<256x128xf32> to vector<256x1x128xf32>
    tpu.vector_store %arg5[%swap3A_121, %swap3A_122, %swap3A_123], %swap3A_126 {strides = array<i32>} : memref<256x24x128xf32, #tpu.memory_space<vmem>>, vector<256x1x128xf32>,
    %slice3A_127 = vector.extract_strided_slice %sub3A_22 {offsets = [5, 0], sizes = [1, 128], strides = [1, 1]} : vector<21x128xf32> to vector<1x128xf32>
    %add3A_128 = vector.broadcast %slice3A_127 : vector<1x128xf32> to vector<256x128xf32>
    %add3A_129 = arith.addf %sub3A_14, %add3A_128 : vector<256x128xf32>
    %slice3A_130 = vector.extract_strided_slice %div3A_48 {offsets = [0, 5], sizes = [256, 1], strides = [1, 1]} : vector<256x21xf32> to vector<256x1xf32>
    %mul3A_131 = vector.broadcast %slice3A_130 : vector<256x1xf32> to vector<256x128xf32>
    %mul3A_132 = arith.mulf %add3A_129, %mul3A_131 : vector<256x128xf32>
    %mul3A_133 = vector.broadcast %get3A_7 : vector<1x128xf32> to vector<256x128xf32>
    %mul3A_134 = arith.mulf %mul3A_132, %mul3A_133 : vector<256x128xf32>
    %add3A_135 = vector.broadcast %get3A_10 : vector<1x128xf32> to vector<256x128xf32>
    %add3A_136 = arith.addf %mul3A_134, %add3A_135 : vector<256x128xf32>
    %swap3A_137 = arith.constant 0 : index
    %swap3A_138 = arith.constant 5 : index
    %swap3A_139 = arith.constant 0 : index
    %swap3A_140 = vector.load %arg5[%swap3A_137, %swap3A_138, %swap3A_139] : memref<256x24x128xf32, #tpu.memory_space<vmem>>, vector<256x1x128xf32>
    %swap3A_141 = vector.shape_cast %swap3A_140 : vector<256x1x128xf32> to vector<256x128xf32>
    %swap3A_142 = vector.shape_cast %add3A_136 : vector<256x128xf32> to vector<256x1x128xf32>
    tpu.vector_store %arg5[%swap3A_137, %swap3A_138, %swap3A_139], %swap3A_142 {strides = array<i32>} : memref<256x24x128xf32, #tpu.memory_space<vmem>>, vector<256x1x128xf32>,
    %slice3A_143 = vector.extract_strided_slice %sub3A_22 {offsets = [6, 0], sizes = [1, 128], strides = [1, 1]} : vector<21x128xf32> to vector<1x128xf32>
    %add3A_144 = vector.broadcast %slice3A_143 : vector<1x128xf32> to vector<256x128xf32>
    %add3A_145 = arith.addf %sub3A_14, %add3A_144 : vector<256x128xf32>
    %slice3A_146 = vector.extract_strided_slice %div3A_48 {offsets = [0, 6], sizes = [256, 1], strides = [1, 1]} : vector<256x21xf32> to vector<256x1xf32>
    %mul3A_147 = vector.broadcast %slice3A_146 : vector<256x1xf32> to vector<256x128xf32>
    %mul3A_148 = arith.mulf %add3A_145, %mul3A_147 : vector<256x128xf32>
    %mul3A_149 = vector.broadcast %get3A_7 : vector<1x128xf32> to vector<256x128xf32>
    %mul3A_150 = arith.mulf %mul3A_148, %mul3A_149 : vector<256x128xf32>
    %add3A_151 = vector.broadcast %get3A_10 : vector<1x128xf32> to vector<256x128xf32>
    %add3A_152 = arith.addf %mul3A_150, %add3A_151 : vector<256x128xf32>
    %swap3A_153 = arith.constant 0 : index
    %swap3A_154 = arith.constant 6 : index
    %swap3A_155 = arith.constant 0 : index
    %swap3A_156 = vector.load %arg5[%swap3A_153, %swap3A_154, %swap3A_155] : memref<256x24x128xf32, #tpu.memory_space<vmem>>, vector<256x1x128xf32>
    %swap3A_157 = vector.shape_cast %swap3A_156 : vector<256x1x128xf32> to vector<256x128xf32>
    %swap3A_158 = vector.shape_cast %add3A_152 : vector<256x128xf32> to vector<256x1x128xf32>
    tpu.vector_store %arg5[%swap3A_153, %swap3A_154, %swap3A_155], %swap3A_158 {strides = array<i32>} : memref<256x24x128xf32, #tpu.memory_space<vmem>>, vector<256x1x128xf32>,
    %slice3A_159 = vector.extract_strided_slice %sub3A_22 {offsets = [7, 0], sizes = [1, 128], strides = [1, 1]} : vector<21x128xf32> to vector<1x128xf32>
    %add3A_160 = vector.broadcast %slice3A_159 : vector<1x128xf32> to vector<256x128xf32>
    %add3A_161 = arith.addf %sub3A_14, %add3A_160 : vector<256x128xf32>
    %slice3A_162 = vector.extract_strided_slice %div3A_48 {offsets = [0, 7], sizes = [256, 1], strides = [1, 1]} : vector<256x21xf32> to vector<256x1xf32>
    %mul3A_163 = vector.broadcast %slice3A_162 : vector<256x1xf32> to vector<256x128xf32>
    %mul3A_164 = arith.mulf %add3A_161, %mul3A_163 : vector<256x128xf32>
    %mul3A_165 = vector.broadcast %get3A_7 : vector<1x128xf32> to vector<256x128xf32>
    %mul3A_166 = arith.mulf %mul3A_164, %mul3A_165 : vector<256x128xf32>
    %add3A_167 = vector.broadcast %get3A_10 : vector<1x128xf32> to vector<256x128xf32>
    %add3A_168 = arith.addf %mul3A_166, %add3A_167 : vector<256x128xf32>
    %swap3A_169 = arith.constant 0 : index
    %swap3A_170 = arith.constant 7 : index
    %swap3A_171 = arith.constant 0 : index
    %swap3A_172 = vector.load %arg5[%swap3A_169, %swap3A_170, %swap3A_171] : memref<256x24x128xf32, #tpu.memory_space<vmem>>, vector<256x1x128xf32>
    %swap3A_173 = vector.shape_cast %swap3A_172 : vector<256x1x128xf32> to vector<256x128xf32>
    %swap3A_174 = vector.shape_cast %add3A_168 : vector<256x128xf32> to vector<256x1x128xf32>
    tpu.vector_store %arg5[%swap3A_169, %swap3A_170, %swap3A_171], %swap3A_174 {strides = array<i32>} : memref<256x24x128xf32, #tpu.memory_space<vmem>>, vector<256x1x128xf32>,
    %slice3A_175 = vector.extract_strided_slice %sub3A_22 {offsets = [8, 0], sizes = [1, 128], strides = [1, 1]} : vector<21x128xf32> to vector<1x128xf32>
    %add3A_176 = vector.broadcast %slice3A_175 : vector<1x128xf32> to vector<256x128xf32>
    %add3A_177 = arith.addf %sub3A_14, %add3A_176 : vector<256x128xf32>
    %slice3A_178 = vector.extract_strided_slice %div3A_48 {offsets = [0, 8], sizes = [256, 1], strides = [1, 1]} : vector<256x21xf32> to vector<256x1xf32>
    %mul3A_179 = vector.broadcast %slice3A_178 : vector<256x1xf32> to vector<256x128xf32>
    %mul3A_180 = arith.mulf %add3A_177, %mul3A_179 : vector<256x128xf32>
    %mul3A_181 = vector.broadcast %get3A_7 : vector<1x128xf32> to vector<256x128xf32>
    %mul3A_182 = arith.mulf %mul3A_180, %mul3A_181 : vector<256x128xf32>
    %add3A_183 = vector.broadcast %get3A_10 : vector<1x128xf32> to vector<256x128xf32>
    %add3A_184 = arith.addf %mul3A_182, %add3A_183 : vector<256x128xf32>
    %swap3A_185 = arith.constant 0 : index
    %swap3A_186 = arith.constant 8 : index
    %swap3A_187 = arith.constant 0 : index
    %swap3A_188 = vector.load %arg5[%swap3A_185, %swap3A_186, %swap3A_187] : memref<256x24x128xf32, #tpu.memory_space<vmem>>, vector<256x1x128xf32>
    %swap3A_189 = vector.shape_cast %swap3A_188 : vector<256x1x128xf32> to vector<256x128xf32>
    %swap3A_190 = vector.shape_cast %add3A_184 : vector<256x128xf32> to vector<256x1x128xf32>
    tpu.vector_store %arg5[%swap3A_185, %swap3A_186, %swap3A_187], %swap3A_190 {strides = array<i32>} : memref<256x24x128xf32, #tpu.memory_space<vmem>>, vector<256x1x128xf32>,
    %slice3A_191 = vector.extract_strided_slice %sub3A_22 {offsets = [9, 0], sizes = [1, 128], strides = [1, 1]} : vector<21x128xf32> to vector<1x128xf32>
    %add3A_192 = vector.broadcast %slice3A_191 : vector<1x128xf32> to vector<256x128xf32>
    %add3A_193 = arith.addf %sub3A_14, %add3A_192 : vector<256x128xf32>
    %slice3A_194 = vector.extract_strided_slice %div3A_48 {offsets = [0, 9], sizes = [256, 1], strides = [1, 1]} : vector<256x21xf32> to vector<256x1xf32>
    %mul3A_195 = vector.broadcast %slice3A_194 : vector<256x1xf32> to vector<256x128xf32>
    %mul3A_196 = arith.mulf %add3A_193, %mul3A_195 : vector<256x128xf32>
    %mul3A_197 = vector.broadcast %get3A_7 : vector<1x128xf32> to vector<256x128xf32>
    %mul3A_198 = arith.mulf %mul3A_196, %mul3A_197 : vector<256x128xf32>
    %add3A_199 = vector.broadcast %get3A_10 : vector<1x128xf32> to vector<256x128xf32>
    %add3A_200 = arith.addf %mul3A_198, %add3A_199 : vector<256x128xf32>
    %swap3A_201 = arith.constant 0 : index
    %swap3A_202 = arith.constant 9 : index
    %swap3A_203 = arith.constant 0 : index
    %swap3A_204 = vector.load %arg5[%swap3A_201, %swap3A_202, %swap3A_203] : memref<256x24x128xf32, #tpu.memory_space<vmem>>, vector<256x1x128xf32>
    %swap3A_205 = vector.shape_cast %swap3A_204 : vector<256x1x128xf32> to vector<256x128xf32>
    %swap3A_206 = vector.shape_cast %add3A_200 : vector<256x128xf32> to vector<256x1x128xf32>
    tpu.vector_store %arg5[%swap3A_201, %swap3A_202, %swap3A_203], %swap3A_206 {strides = array<i32>} : memref<256x24x128xf32, #tpu.memory_space<vmem>>, vector<256x1x128xf32>,
    %slice3A_207 = vector.extract_strided_slice %sub3A_22 {offsets = [10, 0], sizes = [1, 128], strides = [1, 1]} : vector<21x128xf32> to vector<1x128xf32>
    %add3A_208 = vector.broadcast %slice3A_207 : vector<1x128xf32> to vector<256x128xf32>
    %add3A_209 = arith.addf %sub3A_14, %add3A_208 : vector<256x128xf32>
    %slice3A_210 = vector.extract_strided_slice %div3A_48 {offsets = [0, 10], sizes = [256, 1], strides = [1, 1]} : vector<256x21xf32> to vector<256x1xf32>
    %mul3A_211 = vector.broadcast %slice3A_210 : vector<256x1xf32> to vector<256x128xf32>
    %mul3A_212 = arith.mulf %add3A_209, %mul3A_211 : vector<256x128xf32>
    %mul3A_213 = vector.broadcast %get3A_7 : vector<1x128xf32> to vector<256x128xf32>
    %mul3A_214 = arith.mulf %mul3A_212, %mul3A_213 : vector<256x128xf32>
    %add3A_215 = vector.broadcast %get3A_10 : vector<1x128xf32> to vector<256x128xf32>
    %add3A_216 = arith.addf %mul3A_214, %add3A_215 : vector<256x128xf32>
    %swap3A_217 = arith.constant 0 : index
    %swap3A_218 = arith.constant 10 : index
    %swap3A_219 = arith.constant 0 : index
    %swap3A_220 = vector.load %arg5[%swap3A_217, %swap3A_218, %swap3A_219] : memref<256x24x128xf32, #tpu.memory_space<vmem>>, vector<256x1x128xf32>
    %swap3A_221 = vector.shape_cast %swap3A_220 : vector<256x1x128xf32> to vector<256x128xf32>
    %swap3A_222 = vector.shape_cast %add3A_216 : vector<256x128xf32> to vector<256x1x128xf32>
    tpu.vector_store %arg5[%swap3A_217, %swap3A_218, %swap3A_219], %swap3A_222 {strides = array<i32>} : memref<256x24x128xf32, #tpu.memory_space<vmem>>, vector<256x1x128xf32>,
    %slice3A_223 = vector.extract_strided_slice %sub3A_22 {offsets = [11, 0], sizes = [1, 128], strides = [1, 1]} : vector<21x128xf32> to vector<1x128xf32>
    %add3A_224 = vector.broadcast %slice3A_223 : vector<1x128xf32> to vector<256x128xf32>
    %add3A_225 = arith.addf %sub3A_14, %add3A_224 : vector<256x128xf32>
    %slice3A_226 = vector.extract_strided_slice %div3A_48 {offsets = [0, 11], sizes = [256, 1], strides = [1, 1]} : vector<256x21xf32> to vector<256x1xf32>
    %mul3A_227 = vector.broadcast %slice3A_226 : vector<256x1xf32> to vector<256x128xf32>
    %mul3A_228 = arith.mulf %add3A_225, %mul3A_227 : vector<256x128xf32>
    %mul3A_229 = vector.broadcast %get3A_7 : vector<1x128xf32> to vector<256x128xf32>
    %mul3A_230 = arith.mulf %mul3A_228, %mul3A_229 : vector<256x128xf32>
    %add3A_231 = vector.broadcast %get3A_10 : vector<1x128xf32> to vector<256x128xf32>
    %add3A_232 = arith.addf %mul3A_230, %add3A_231 : vector<256x128xf32>
    %swap3A_233 = arith.constant 0 : index
    %swap3A_234 = arith.constant 11 : index
    %swap3A_235 = arith.constant 0 : index
    %swap3A_236 = vector.load %arg5[%swap3A_233, %swap3A_234, %swap3A_235] : memref<256x24x128xf32, #tpu.memory_space<vmem>>, vector<256x1x128xf32>
    %swap3A_237 = vector.shape_cast %swap3A_236 : vector<256x1x128xf32> to vector<256x128xf32>
    %swap3A_238 = vector.shape_cast %add3A_232 : vector<256x128xf32> to vector<256x1x128xf32>
    tpu.vector_store %arg5[%swap3A_233, %swap3A_234, %swap3A_235], %swap3A_238 {strides = array<i32>} : memref<256x24x128xf32, #tpu.memory_space<vmem>>, vector<256x1x128xf32>,
    %slice3A_239 = vector.extract_strided_slice %sub3A_22 {offsets = [12, 0], sizes = [1, 128], strides = [1, 1]} : vector<21x128xf32> to vector<1x128xf32>
    %add3A_240 = vector.broadcast %slice3A_239 : vector<1x128xf32> to vector<256x128xf32>
    %add3A_241 = arith.addf %sub3A_14, %add3A_240 : vector<256x128xf32>
    %slice3A_242 = vector.extract_strided_slice %div3A_48 {offsets = [0, 12], sizes = [256, 1], strides = [1, 1]} : vector<256x21xf32> to vector<256x1xf32>
    %mul3A_243 = vector.broadcast %slice3A_242 : vector<256x1xf32> to vector<256x128xf32>
    %mul3A_244 = arith.mulf %add3A_241, %mul3A_243 : vector<256x128xf32>
    %mul3A_245 = vector.broadcast %get3A_7 : vector<1x128xf32> to vector<256x128xf32>
    %mul3A_246 = arith.mulf %mul3A_244, %mul3A_245 : vector<256x128xf32>
    %add3A_247 = vector.broadcast %get3A_10 : vector<1x128xf32> to vector<256x128xf32>
    %add3A_248 = arith.addf %mul3A_246, %add3A_247 : vector<256x128xf32>
    %swap3A_249 = arith.constant 0 : index
    %swap3A_250 = arith.constant 12 : index
    %swap3A_251 = arith.constant 0 : index
    %swap3A_252 = vector.load %arg5[%swap3A_249, %swap3A_250, %swap3A_251] : memref<256x24x128xf32, #tpu.memory_space<vmem>>, vector<256x1x128xf32>
    %swap3A_253 = vector.shape_cast %swap3A_252 : vector<256x1x128xf32> to vector<256x128xf32>
    %swap3A_254 = vector.shape_cast %add3A_248 : vector<256x128xf32> to vector<256x1x128xf32>
    tpu.vector_store %arg5[%swap3A_249, %swap3A_250, %swap3A_251], %swap3A_254 {strides = array<i32>} : memref<256x24x128xf32, #tpu.memory_space<vmem>>, vector<256x1x128xf32>,
    %slice3A_255 = vector.extract_strided_slice %sub3A_22 {offsets = [13, 0], sizes = [1, 128], strides = [1, 1]} : vector<21x128xf32> to vector<1x128xf32>
    %add3A_256 = vector.broadcast %slice3A_255 : vector<1x128xf32> to vector<256x128xf32>
    %add3A_257 = arith.addf %sub3A_14, %add3A_256 : vector<256x128xf32>
    %slice3A_258 = vector.extract_strided_slice %div3A_48 {offsets = [0, 13], sizes = [256, 1], strides = [1, 1]} : vector<256x21xf32> to vector<256x1xf32>
    %mul3A_259 = vector.broadcast %slice3A_258 : vector<256x1xf32> to vector<256x128xf32>
    %mul3A_260 = arith.mulf %add3A_257, %mul3A_259 : vector<256x128xf32>
    %mul3A_261 = vector.broadcast %get3A_7 : vector<1x128xf32> to vector<256x128xf32>
    %mul3A_262 = arith.mulf %mul3A_260, %mul3A_261 : vector<256x128xf32>
    %add3A_263 = vector.broadcast %get3A_10 : vector<1x128xf32> to vector<256x128xf32>
    %add3A_264 = arith.addf %mul3A_262, %add3A_263 : vector<256x128xf32>
    %swap3A_265 = arith.constant 0 : index
    %swap3A_266 = arith.constant 13 : index
    %swap3A_267 = arith.constant 0 : index
    %swap3A_268 = vector.load %arg5[%swap3A_265, %swap3A_266, %swap3A_267] : memref<256x24x128xf32, #tpu.memory_space<vmem>>, vector<256x1x128xf32>
    %swap3A_269 = vector.shape_cast %swap3A_268 : vector<256x1x128xf32> to vector<256x128xf32>
    %swap3A_270 = vector.shape_cast %add3A_264 : vector<256x128xf32> to vector<256x1x128xf32>
    tpu.vector_store %arg5[%swap3A_265, %swap3A_266, %swap3A_267], %swap3A_270 {strides = array<i32>} : memref<256x24x128xf32, #tpu.memory_space<vmem>>, vector<256x1x128xf32>,
    %slice3A_271 = vector.extract_strided_slice %sub3A_22 {offsets = [14, 0], sizes = [1, 128], strides = [1, 1]} : vector<21x128xf32> to vector<1x128xf32>
    %add3A_272 = vector.broadcast %slice3A_271 : vector<1x128xf32> to vector<256x128xf32>
    %add3A_273 = arith.addf %sub3A_14, %add3A_272 : vector<256x128xf32>
    %slice3A_274 = vector.extract_strided_slice %div3A_48 {offsets = [0, 14], sizes = [256, 1], strides = [1, 1]} : vector<256x21xf32> to vector<256x1xf32>
    %mul3A_275 = vector.broadcast %slice3A_274 : vector<256x1xf32> to vector<256x128xf32>
    %mul3A_276 = arith.mulf %add3A_273, %mul3A_275 : vector<256x128xf32>
    %mul3A_277 = vector.broadcast %get3A_7 : vector<1x128xf32> to vector<256x128xf32>
    %mul3A_278 = arith.mulf %mul3A_276, %mul3A_277 : vector<256x128xf32>
    %add3A_279 = vector.broadcast %get3A_10 : vector<1x128xf32> to vector<256x128xf32>
    %add3A_280 = arith.addf %mul3A_278, %add3A_279 : vector<256x128xf32>
    %swap3A_281 = arith.constant 0 : index
    %swap3A_282 = arith.constant 14 : index
    %swap3A_283 = arith.constant 0 : index
    %swap3A_284 = vector.load %arg5[%swap3A_281, %swap3A_282, %swap3A_283] : memref<256x24x128xf32, #tpu.memory_space<vmem>>, vector<256x1x128xf32>
    %swap3A_285 = vector.shape_cast %swap3A_284 : vector<256x1x128xf32> to vector<256x128xf32>
    %swap3A_286 = vector.shape_cast %add3A_280 : vector<256x128xf32> to vector<256x1x128xf32>
    tpu.vector_store %arg5[%swap3A_281, %swap3A_282, %swap3A_283], %swap3A_286 {strides = array<i32>} : memref<256x24x128xf32, #tpu.memory_space<vmem>>, vector<256x1x128xf32>,
    %slice3A_287 = vector.extract_strided_slice %sub3A_22 {offsets = [15, 0], sizes = [1, 128], strides = [1, 1]} : vector<21x128xf32> to vector<1x128xf32>
    %add3A_288 = vector.broadcast %slice3A_287 : vector<1x128xf32> to vector<256x128xf32>
    %add3A_289 = arith.addf %sub3A_14, %add3A_288 : vector<256x128xf32>
    %slice3A_290 = vector.extract_strided_slice %div3A_48 {offsets = [0, 15], sizes = [256, 1], strides = [1, 1]} : vector<256x21xf32> to vector<256x1xf32>
    %mul3A_291 = vector.broadcast %slice3A_290 : vector<256x1xf32> to vector<256x128xf32>
    %mul3A_292 = arith.mulf %add3A_289, %mul3A_291 : vector<256x128xf32>
    %mul3A_293 = vector.broadcast %get3A_7 : vector<1x128xf32> to vector<256x128xf32>
    %mul3A_294 = arith.mulf %mul3A_292, %mul3A_293 : vector<256x128xf32>
    %add3A_295 = vector.broadcast %get3A_10 : vector<1x128xf32> to vector<256x128xf32>
    %add3A_296 = arith.addf %mul3A_294, %add3A_295 : vector<256x128xf32>
    %swap3A_297 = arith.constant 0 : index
    %swap3A_298 = arith.constant 15 : index
    %swap3A_299 = arith.constant 0 : index
    %swap3A_300 = vector.load %arg5[%swap3A_297, %swap3A_298, %swap3A_299] : memref<256x24x128xf32, #tpu.memory_space<vmem>>, vector<256x1x128xf32>
    %swap3A_301 = vector.shape_cast %swap3A_300 : vector<256x1x128xf32> to vector<256x128xf32>
    %swap3A_302 = vector.shape_cast %add3A_296 : vector<256x128xf32> to vector<256x1x128xf32>
    tpu.vector_store %arg5[%swap3A_297, %swap3A_298, %swap3A_299], %swap3A_302 {strides = array<i32>} : memref<256x24x128xf32, #tpu.memory_space<vmem>>, vector<256x1x128xf32>,
    %slice3A_303 = vector.extract_strided_slice %sub3A_22 {offsets = [16, 0], sizes = [1, 128], strides = [1, 1]} : vector<21x128xf32> to vector<1x128xf32>
    %add3A_304 = vector.broadcast %slice3A_303 : vector<1x128xf32> to vector<256x128xf32>
    %add3A_305 = arith.addf %sub3A_14, %add3A_304 : vector<256x128xf32>
    %slice3A_306 = vector.extract_strided_slice %div3A_48 {offsets = [0, 16], sizes = [256, 1], strides = [1, 1]} : vector<256x21xf32> to vector<256x1xf32>
    %mul3A_307 = vector.broadcast %slice3A_306 : vector<256x1xf32> to vector<256x128xf32>
    %mul3A_308 = arith.mulf %add3A_305, %mul3A_307 : vector<256x128xf32>
    %mul3A_309 = vector.broadcast %get3A_7 : vector<1x128xf32> to vector<256x128xf32>
    %mul3A_310 = arith.mulf %mul3A_308, %mul3A_309 : vector<256x128xf32>
    %add3A_311 = vector.broadcast %get3A_10 : vector<1x128xf32> to vector<256x128xf32>
    %add3A_312 = arith.addf %mul3A_310, %add3A_311 : vector<256x128xf32>
    %swap3A_313 = arith.constant 0 : index
    %swap3A_314 = arith.constant 16 : index
    %swap3A_315 = arith.constant 0 : index
    %swap3A_316 = vector.load %arg5[%swap3A_313, %swap3A_314, %swap3A_315] : memref<256x24x128xf32, #tpu.memory_space<vmem>>, vector<256x1x128xf32>
    %swap3A_317 = vector.shape_cast %swap3A_316 : vector<256x1x128xf32> to vector<256x128xf32>
    %swap3A_318 = vector.shape_cast %add3A_312 : vector<256x128xf32> to vector<256x1x128xf32>
    tpu.vector_store %arg5[%swap3A_313, %swap3A_314, %swap3A_315], %swap3A_318 {strides = array<i32>} : memref<256x24x128xf32, #tpu.memory_space<vmem>>, vector<256x1x128xf32>,
    %slice3A_319 = vector.extract_strided_slice %sub3A_22 {offsets = [17, 0], sizes = [1, 128], strides = [1, 1]} : vector<21x128xf32> to vector<1x128xf32>
    %add3A_320 = vector.broadcast %slice3A_319 : vector<1x128xf32> to vector<256x128xf32>
    %add3A_321 = arith.addf %sub3A_14, %add3A_320 : vector<256x128xf32>
    %slice3A_322 = vector.extract_strided_slice %div3A_48 {offsets = [0, 17], sizes = [256, 1], strides = [1, 1]} : vector<256x21xf32> to vector<256x1xf32>
    %mul3A_323 = vector.broadcast %slice3A_322 : vector<256x1xf32> to vector<256x128xf32>
    %mul3A_324 = arith.mulf %add3A_321, %mul3A_323 : vector<256x128xf32>
    %mul3A_325 = vector.broadcast %get3A_7 : vector<1x128xf32> to vector<256x128xf32>
    %mul3A_326 = arith.mulf %mul3A_324, %mul3A_325 : vector<256x128xf32>
    %add3A_327 = vector.broadcast %get3A_10 : vector<1x128xf32> to vector<256x128xf32>
    %add3A_328 = arith.addf %mul3A_326, %add3A_327 : vector<256x128xf32>
    %swap3A_329 = arith.constant 0 : index
    %swap3A_330 = arith.constant 17 : index
    %swap3A_331 = arith.constant 0 : index
    %swap3A_332 = vector.load %arg5[%swap3A_329, %swap3A_330, %swap3A_331] : memref<256x24x128xf32, #tpu.memory_space<vmem>>, vector<256x1x128xf32>
    %swap3A_333 = vector.shape_cast %swap3A_332 : vector<256x1x128xf32> to vector<256x128xf32>
    %swap3A_334 = vector.shape_cast %add3A_328 : vector<256x128xf32> to vector<256x1x128xf32>
    tpu.vector_store %arg5[%swap3A_329, %swap3A_330, %swap3A_331], %swap3A_334 {strides = array<i32>} : memref<256x24x128xf32, #tpu.memory_space<vmem>>, vector<256x1x128xf32>,
    %slice3A_335 = vector.extract_strided_slice %sub3A_22 {offsets = [18, 0], sizes = [1, 128], strides = [1, 1]} : vector<21x128xf32> to vector<1x128xf32>
    %add3A_336 = vector.broadcast %slice3A_335 : vector<1x128xf32> to vector<256x128xf32>
    %add3A_337 = arith.addf %sub3A_14, %add3A_336 : vector<256x128xf32>
    %slice3A_338 = vector.extract_strided_slice %div3A_48 {offsets = [0, 18], sizes = [256, 1], strides = [1, 1]} : vector<256x21xf32> to vector<256x1xf32>
    %mul3A_339 = vector.broadcast %slice3A_338 : vector<256x1xf32> to vector<256x128xf32>
    %mul3A_340 = arith.mulf %add3A_337, %mul3A_339 : vector<256x128xf32>
    %mul3A_341 = vector.broadcast %get3A_7 : vector<1x128xf32> to vector<256x128xf32>
    %mul3A_342 = arith.mulf %mul3A_340, %mul3A_341 : vector<256x128xf32>
    %add3A_343 = vector.broadcast %get3A_10 : vector<1x128xf32> to vector<256x128xf32>
    %add3A_344 = arith.addf %mul3A_342, %add3A_343 : vector<256x128xf32>
    %swap3A_345 = arith.constant 0 : index
    %swap3A_346 = arith.constant 18 : index
    %swap3A_347 = arith.constant 0 : index
    %swap3A_348 = vector.load %arg5[%swap3A_345, %swap3A_346, %swap3A_347] : memref<256x24x128xf32, #tpu.memory_space<vmem>>, vector<256x1x128xf32>
    %swap3A_349 = vector.shape_cast %swap3A_348 : vector<256x1x128xf32> to vector<256x128xf32>
    %swap3A_350 = vector.shape_cast %add3A_344 : vector<256x128xf32> to vector<256x1x128xf32>
    tpu.vector_store %arg5[%swap3A_345, %swap3A_346, %swap3A_347], %swap3A_350 {strides = array<i32>} : memref<256x24x128xf32, #tpu.memory_space<vmem>>, vector<256x1x128xf32>,
    %slice3A_351 = vector.extract_strided_slice %sub3A_22 {offsets = [19, 0], sizes = [1, 128], strides = [1, 1]} : vector<21x128xf32> to vector<1x128xf32>
    %add3A_352 = vector.broadcast %slice3A_351 : vector<1x128xf32> to vector<256x128xf32>
    %add3A_353 = arith.addf %sub3A_14, %add3A_352 : vector<256x128xf32>
    %slice3A_354 = vector.extract_strided_slice %div3A_48 {offsets = [0, 19], sizes = [256, 1], strides = [1, 1]} : vector<256x21xf32> to vector<256x1xf32>
    %mul3A_355 = vector.broadcast %slice3A_354 : vector<256x1xf32> to vector<256x128xf32>
    %mul3A_356 = arith.mulf %add3A_353, %mul3A_355 : vector<256x128xf32>
    %mul3A_357 = vector.broadcast %get3A_7 : vector<1x128xf32> to vector<256x128xf32>
    %mul3A_358 = arith.mulf %mul3A_356, %mul3A_357 : vector<256x128xf32>
    %add3A_359 = vector.broadcast %get3A_10 : vector<1x128xf32> to vector<256x128xf32>
    %add3A_360 = arith.addf %mul3A_358, %add3A_359 : vector<256x128xf32>
    %swap3A_361 = arith.constant 0 : index
    %swap3A_362 = arith.constant 19 : index
    %swap3A_363 = arith.constant 0 : index
    %swap3A_364 = vector.load %arg5[%swap3A_361, %swap3A_362, %swap3A_363] : memref<256x24x128xf32, #tpu.memory_space<vmem>>, vector<256x1x128xf32>
    %swap3A_365 = vector.shape_cast %swap3A_364 : vector<256x1x128xf32> to vector<256x128xf32>
    %swap3A_366 = vector.shape_cast %add3A_360 : vector<256x128xf32> to vector<256x1x128xf32>
    tpu.vector_store %arg5[%swap3A_361, %swap3A_362, %swap3A_363], %swap3A_366 {strides = array<i32>} : memref<256x24x128xf32, #tpu.memory_space<vmem>>, vector<256x1x128xf32>,
    %slice3A_367 = vector.extract_strided_slice %sub3A_22 {offsets = [20, 0], sizes = [1, 128], strides = [1, 1]} : vector<21x128xf32> to vector<1x128xf32>
    %add3A_368 = vector.broadcast %slice3A_367 : vector<1x128xf32> to vector<256x128xf32>
    %add3A_369 = arith.addf %sub3A_14, %add3A_368 : vector<256x128xf32>
    %slice3A_370 = vector.extract_strided_slice %div3A_48 {offsets = [0, 20], sizes = [256, 1], strides = [1, 1]} : vector<256x21xf32> to vector<256x1xf32>
    %mul3A_371 = vector.broadcast %slice3A_370 : vector<256x1xf32> to vector<256x128xf32>
    %mul3A_372 = arith.mulf %add3A_369, %mul3A_371 : vector<256x128xf32>
    %mul3A_373 = vector.broadcast %get3A_7 : vector<1x128xf32> to vector<256x128xf32>
    %mul3A_374 = arith.mulf %mul3A_372, %mul3A_373 : vector<256x128xf32>
    %add3A_375 = vector.broadcast %get3A_10 : vector<1x128xf32> to vector<256x128xf32>
    %add3A_376 = arith.addf %mul3A_374, %add3A_375 : vector<256x128xf32>
    %swap3A_377 = arith.constant 0 : index
    %swap3A_378 = arith.constant 20 : index
    %swap3A_379 = arith.constant 0 : index
    %swap3A_380 = vector.load %arg5[%swap3A_377, %swap3A_378, %swap3A_379] : memref<256x24x128xf32, #tpu.memory_space<vmem>>, vector<256x1x128xf32>
    %swap3A_381 = vector.shape_cast %swap3A_380 : vector<256x1x128xf32> to vector<256x128xf32>
    %swap3A_382 = vector.shape_cast %add3A_376 : vector<256x128xf32> to vector<256x1x128xf32>
    tpu.vector_store %arg5[%swap3A_377, %swap3A_378, %swap3A_379], %swap3A_382 {strides = array<i32>} : memref<256x24x128xf32, #tpu.memory_space<vmem>>, vector<256x1x128xf32>,
    return
  }
  func.func @transform_0(%arg0: i32) -> (i32, i32) {
    %c0_i32 = arith.constant 0 : i32
    %c0_i32_0 = arith.constant 0 : i32
    return %arg0, %c0_i32 : i32, i32
  }
  func.func @transform_1(%arg0: i32) -> (i32, i32) {
    %c0_i32 = arith.constant 0 : i32
    %c0_i32_0 = arith.constant 0 : i32
    %c0_i32_1 = arith.constant 0 : i32
    return %c0_i32, %c0_i32_0 : i32, i32
  }
  func.func @transform_2(%arg0: i32) -> (i32, i32) {
    %c0_i32 = arith.constant 0 : i32
    %c0_i32_0 = arith.constant 0 : i32
    %c0_i32_1 = arith.constant 0 : i32
    return %c0_i32, %c0_i32_0 : i32, i32
  }
  func.func @transform_3(%arg0: i32) -> (i32, i32) {
    %c0_i32 = arith.constant 0 : i32
    %c0_i32_0 = arith.constant 0 : i32
    %c0_i32_1 = arith.constant 0 : i32
    return %c0_i32, %c0_i32_0 : i32, i32
  }
  func.func @transform_4(%arg0: i32) -> (i32, i32, i32) {
    %c0_i32 = arith.constant 0 : i32
    %c0_i32_0 = arith.constant 0 : i32
    %c0_i32_1 = arith.constant 0 : i32
    return %arg0, %c0_i32, %c0_i32_0 : i32, i32, i32
  }
}

</mosaic_0001>

<sc_bundles>
// kernel: kernel.4.cloned.1.call-start
scs
__scs_entry_jumppad:
0x0: {  	(pc) =	sbr.rel $0x88, $3  }
0x1: {  	(tag) =	ssettag $0x0;
	lr =	simm.s32 $0x1  }
0x2: {  	[smem:$0x3F9C] =	sst lr;
	_ =	strace $0xD0000000  }
0x3: {  	_ = 	snop  }
0x4: {  	_ = 	snop  }
0x5: {  	_ = 	snop  }
0x6: {  	_ = 	snop  }
0x7: {  	_ = 	snop  }
__scs_overlays_trampoline_lowered:
0x8: {  	[smem:$0x3FAB] =	sst s0  }
0x9: {  	[smem:$0x3FAC] =	sst s1  }
0xa: {  	[smem:$0x3FAD] =	sst s2  }
0xb: {  	[smem:$0x3FAE] =	sst s3  }
0xc: {  	[smem:$0x3FAF] =	sst s4  }
0xd: {  	[smem:$0x3FB0] =	sst s5  }
0xe: {  	[smem:$0x3FB1] =	sst s6  }
0xf: {  	[smem:$0x3FB2] =	sst s7  }
0x10: {  	[smem:$0x3FB3] =	sst s8  }
0x11: {  	[smem:$0x3FB4] =	sst s9;
	s0 =	simm.s32 @!p0 $0x0  }
0x12: {  	s1 =	sld [smem:$0x3F9A];
	s0 =	simm.s32 @p0 $0x1  }
0x13: {  	[smem:$0x3FB5] =	sst s0;
	s0 =	simm.s32 @!p1 $0x0  }
0x14: {  	s2 =	sld [smem:$0x3F99];
	s0 =	simm.s32 @p1 $0x1  }
0x15: {  	[smem:$0x3FB6] =	sst s0;
	s0 =	simm.s32 @!p2 $0x0  }
0x16: {  	s3 =	sld [smem:$0x3FDB];
	s0 =	simm.s32 @p2 $0x1  }
0x17: {  	s4 =	simm.s32 $0x1BF5;
	[smem:$0x3FB8] =	sst s0  }
0x18: {  	s0 =	sld [smem:$0x3F9B];
	_ =	swait.ge [sflag:s4], $0x0  }
0x19: {  	s7 =	sld [smem:$0x3F9C]  }
0x1a: {  	s8 =	sadd.s32 $0xFFFFE003, lr  }
0x1b: {  	s9 =	sadd.s32 $0xFFFFFEF7, lr;
	s5 =	simm.s32 $0xFFFFFFFF;
	p2 =	slt.u32 s8, $0xFFFFF086  }
0x1c: {  	p1 =	slt.u32 s9, $0xF7A;
	s5 =	simm.s32 @!p2 $0x0  }
0x1d: {  	s5 =	simm.s32 @p1 $0x1;
	p0 =	seq.s32 s7, s2  }
0x1e: {  	s7 =	smul.u32 @!p0 $0xF7A, s2;
	p2 =	seq.s32 @!p0 s5, $0x0  }
0x1f: {  	s9 =	smul.u32 $0xF7A, s1;
	s8 =	simm.s32 @!p0 $0x1BF5;
	p2 =	por !p2, p0  }
0x20: {  	[sflag:s8] =	ssyncset.s32 @!p0 $0xFFFFF086;
	s6 =	sadd.s32 @!p0 s3, s7;
	s7 =	simm.s32 @!p0 $0x108  }
0x21: {  	s3 =	sadd.s32 s3, s9;
	s6 =	sadd.s32 @!p0 $0x88, s6;
	s7 =	simm.s32 @p2 $0x1082  }
0x22: {  	[simem:s7], [sflag:s8] =	dma.local @!p0 [hbm:s6], $0xF7A  }
0x23: {  	s9 =	sor.u32 $0xD0000000, s2;
	s6 =	simm.s32 $0x108;
	_ =	swait.ge @!p0 [sflag:s8], $0x0  }
0x24: {  	s3 =	sadd.s32 $0x88, s3;
	s6 =	simm.s32 @!p1 $0x1082;
	[sflag:s4] =	ssyncset.s32 $0xFFFFF086  }
0x25: {  	[simem:s6], [sflag:s4] =	dma.local [hbm:s3], $0xF7A  }
0x26: {  	[smem:$0x3F9C] =	sst s1;
	(tag) =	ssettag s2;
	_ =	strace s9  }
0x27: {  	s1 =	sld [smem:$0x3FAC]  }
0x28: {  	s2 =	sld [smem:$0x3FAD]  }
0x29: {  	s4 =	sld [smem:$0x3FAF]  }
0x2a: {  	p0 =	seq.s32 s5, $0x0;
	s5 =	sld [smem:$0x3FB0]  }
0x2b: {  	s6 =	sld [smem:$0x3FB1]  }
0x2c: {  	s7 =	sld [smem:$0x3FB2]  }
0x2d: {  	s3 =	simm.s32 $0x108;
	s8 =	sld [smem:$0x3FB3]  }
0x2e: {  	s3 =	simm.s32 @!p0 $0x1082;
	s9 =	sld [smem:$0x3FB4]  }
0x2f: {  	lr =	sadd.s32 s0, s3;
	s0 =	sld [smem:$0x3FAB]  }
0x30: {  	s3 =	sld [smem:$0x3FAE]  }
0x31: {  	[smem:$0x3FB7] =	sst s10  }
0x32: {  	s10 =	sld [smem:$0x3FB5];
	_ =	sdelay $0x3  }
0x33: {  	p0 =	seq.s32 s10, $0x1;
	s10 =	sld [smem:$0x3FB7];
	_ =	sdelay $0x3  }
0x34: {  	[smem:$0x3FB7] =	sst s10  }
0x35: {  	s10 =	sld [smem:$0x3FB6];
	_ =	sdelay $0x3  }
0x36: {  	p1 =	seq.s32 s10, $0x1;
	s10 =	sld [smem:$0x3FB7];
	_ =	sdelay $0x3  }
0x37: {  	[smem:$0x3FB7] =	sst s10  }
0x38: {  	s10 =	sld [smem:$0x3FB8]  }
0x39: {  	_ = 	snop;
	(pc) =	sbr.ind lr, $3  }
0x3a: {  	_ = 	snop  }
0x3b: {  	_ = 	snop  }
0x3c: {  	p2 =	seq.s32 s10, $0x1;
	s10 =	sld [smem:$0x3FB7]  }
0x3d: {  	_ =	shalt  }
0x3e: {  	_ =	shalt  }
0x3f: {  	_ =	shalt  }
0x40: {  	_ =	shalt  }
0x41: {  	_ =	shalt  }
0x42: {  	_ =	shalt  }
0x43: {  	_ =	shalt  }
0x44: {  	_ =	shalt  }
0x45: {  	_ =	shalt  }
0x46: {  	_ =	shalt  }
0x47: {  	_ =	shalt  }
0x48: {  	_ =	shalt  }
0x49: {  	_ =	shalt  }
0x4a: {  	_ =	shalt  }
0x4b: {  	_ =	shalt  }
0x4c: {  	_ =	shalt  }
0x4d: {  	_ =	shalt  }
0x4e: {  	_ =	shalt  }
0x4f: {  	_ =	shalt  }
0x50: {  	_ =	shalt  }
0x51: {  	_ =	shalt  }
0x52: {  	_ =	shalt  }
0x53: {  	_ =	shalt  }
0x54: {  	_ =	shalt  }
0x55: {  	_ =	shalt  }
0x56: {  	_ =	shalt  }
0x57: {  	_ =	shalt  }
0x58: {  	_ =	shalt  }
0x59: {  	_ =	shalt  }
0x5a: {  	_ =	shalt  }
0x5b: {  	_ =	shalt  }
0x5c: {  	_ =	shalt  }
0x5d: {  	_ =	shalt  }
0x5e: {  	_ =	shalt  }
0x5f: {  	_ =	shalt  }
0x60: {  	_ =	shalt  }
0x61: {  	_ =	shalt  }
0x62: {  	_ =	shalt  }
0x63: {  	_ =	shalt  }
0x64: {  	_ =	shalt  }
0x65: {  	_ =	shalt  }
0x66: {  	_ =	shalt  }
0x67: {  	_ =	shalt  }
0x68: {  	_ =	shalt  }
0x69: {  	_ =	shalt  }
0x6a: {  	_ =	shalt  }
0x6b: {  	_ =	shalt  }
0x6c: {  	_ =	shalt  }
0x6d: {  	_ =	shalt  }
0x6e: {  	_ =	shalt  }
0x6f: {  	_ =	shalt  }
0x70: {  	_ =	shalt  }
0x71: {  	_ =	shalt  }
0x72: {  	_ =	shalt  }
0x73: {  	_ =	shalt  }
0x74: {  	_ =	shalt  }
0x75: {  	_ =	shalt  }
0x76: {  	_ =	shalt  }
0x77: {  	_ =	shalt  }
0x78: {  	_ =	shalt  }
0x79: {  	_ =	shalt  }
0x7a: {  	_ =	shalt  }
0x7b: {  	_ =	shalt  }
0x7c: {  	_ =	shalt  }
0x7d: {  	_ =	shalt  }
0x7e: {  	_ =	shalt  }
0x7f: {  	_ =	shalt  }
0x80: {  	_ =	shalt  }
0x81: {  	_ =	shalt  }
0x82: {  	_ =	shalt  }
0x83: {  	_ =	shalt  }
0x84: {  	_ =	shalt  }
0x85: {  	_ =	shalt  }
0x86: {  	_ =	shalt  }
0x87: {  	_ =	shalt  }
.Lfunc_end0:
.L_simem_size_0:
called_computation_lowered:
.L_overlay_start_0:
0x88: {  	s2 =	sld [smem:$0x3FD9]  }
0x89: {  	s3 =	sld [smem:$0x3FFE];
	_ =	sdelay $0x1  }
0x8a: {  	s1 =	srdreg.scid  }
0x8b: {  	s0 =	sand.u32 $0x1, s1  }
0x8c: {  	s17 =	sshll.u32 s0, $0xA;
	s2 =	sadd.s32 s3, s2  }
0x8d: {  	s2 =	sadd.s32 s2, s17  }
0x8e: {  	[smem:$0x3FC3] =	sst s2  }
0x8f: {  	_ = 	snop  }
0x90: {  	s2 =	sld [smem:$0x3FC9]  }
0x91: {  	s18 =	sld [smem:$0x3FD0];
	(tm) =	ssettm $0x1  }
0x92: {  	s4 =	sld [smem:$0x3FFB];
	_ =	sdelay $0x3  }
0x93: {  	_ =	strace s4  }
0x94: {  	s4 =	sld [smem:$0x3FFC];
	_ =	sdelay $0x3  }
0x95: {  	_ =	strace s4  }
0x96: {  	s4 =	sld [smem:$0x3FFD];
	_ =	sdelay $0x3  }
0x97: {  	_ =	strace s4  }
0x98: {  	_ =	strace $0x8FFFFFFF  }
0x99: {  	s19 =	sld [smem:$0x3FDB];
	_ =	sdelay $0x1  }
0x9a: {  	s5 =	simm.s32 $_scs_section_size  }
0x9b: {  	s6 =	simm.s32 $_size__tile_overlayer_lowered;
	s7 =	simm.s32 $_tile_overlayer_lowered  }
0x9c: {  	s22 =	simm.s32 $0x1BFF;
	s21 =	sshll.u32 s7, $0x1;
	s4 =	sadd.s32 s5, s19  }
0x9d: {  	s8 =	simm.s32 $0x0;
	s20 =	sshll.u32 s6, $0x1;
	s6 =	sadd.s32 s21, s4  }
0x9e: {  	[timem:s8], [sflag:s22] =	dma.local [hbm:s6], s20  }
0x9f: {  	_ =	swait.ge [sflag:s22], s20  }
0xa0: {  	s5 =	ssub.s32 $0x0, s20;
	[sflag:s22] =	ssyncset.done $0x0  }
0xa1: {  	[sflag:s22] =	ssyncadd.s32 s5;
	_ =	sdelay $0x1  }
0xa2: {  	s23 =	simm.s32 $0x1B8B  }
0xa3: {  	_ =	swait.ge [sflag:s23], $0x1  }
0xa4: {  	[sflag:s23] =	ssyncset.done $0x0  }
0xa5: {  	s25 =	simm.s32 $0x1B8E;
	s24 =	sld [smem:$0x3FFE];
	[sflag:s23] =	ssyncadd.s32 $0xFFFFFFFF  }
0xa6: {  	s26 =	simm.s32 $execute0_lowered;
	[smem:$0x3FD2] =	sst s25  }
0xa7: {  	s6 =	sshll.u32 s26, $0x1;
	_ =	strace $0x80000046;
	[dreg:$0x1] =	wrdreg $0xFFFFFFFF  }
0xa8: {  	s28 =	simm.s32 $_size_execute0_lowered;
	s4 =	sadd.s32 s4, s6;
	[dreg:$0x0] =	wrdreg $0x0  }
0xa9: {  	s6 =	sshll.u32 s28, $0x1;
	[dreg:$0x2] =	wrdreg s4  }
0xaa: {  	[dreg:$0x3] =	wrdreg s6  }
0xab: {  	[dreg:$0x4] =	wrdreg $0xC0  }
0xac: {  	_ =	task [dreg:s8], $0x5FFFF  }
0xad: {  	[dreg:$0x1] =	wrdreg $0xFFFFFFFF  }
0xae: {  	[dreg:$0x0] =	wrdreg $0x60  }
0xaf: {  	[dreg:$0x2] =	wrdreg s2  }
0xb0: {  	[dreg:$0x3] =	wrdreg s24  }
0xb1: {  	[dreg:$0x4] =	wrdreg s18  }
0xb2: {  	[dreg:$0x5] =	wrdreg $0x0  }
0xb3: {  	[dreg:$0x6] =	wrdreg $0x9  }
0xb4: {  	_ =	task.clear_ibuf [dreg:s8], $0x7FFFF;
	_ =	strace $0x90000046  }
0xb5: {  	s29 =	simm.s32 $0x9;
	_ =	strace $0x80000048  }
0xb6: {  	_ =	swait.ge [sflag:s29], $0x1  }
0xb7: {  	[sflag:s29] =	ssyncadd.s32 $0xFFFFFFFF  }
0xb8: {  	_ =	strace $0x90000048  }
0xb9: {  	_ =	sfence  }
0xba: {  	s30 =	sld [smem:$0x0];
	_ =	sdelay $0x2  }
0xbb: {  	s31 =	sshll.u32 s1, $0xD;
	s1 =	sshrl.u32 s1, $0x2  }
0xbc: {  	s3 =	sand.u32 $0x4000, s31;
	s1 =	sadd.s32 s1, s30  }
0xbd: {  	s0 =	sor.u32 s3, s0;
	s1 =	sshll.u32 s1, $0x11  }
0xbe: {  	s0 =	sor.u32 s1, s0  }
0xbf: {  	s0 =	sadd.s32 $0x8F2B, s0  }
0xc0: {  	[sflag:s0] =	ssyncadd.remote.s32 $0x1  }
0xc1: {  	_ =	sfence.sel $0xFFFF  }
0xc2: {  	[dreg:$0x0] =	wrdreg $0xFFFFFFFF;
	(pc) =	sbr.abs _section_cstart, $3  }
0xc3: {  	[dreg:$0x1] =	wrdreg $0xFFFFFFFF  }
0xc4: {  	_ =	task.clear_ibuf [dreg:s8], $0x2FFFF;
	_ =	strace $0x9FFFFFFF  }
0xc5: {  	(tm) =	ssettm $0x7FFFFFFF  }
tec
execute0_lowered:
.L_overlay_start_1:
0x0: {  	(tag) =	ssettag $0x1  }
0x1: {  	s4 =	rddreg [dreg:$0x0]  }
0x2: {  	s5 =	rddreg [dreg:$0x1]  }
0x3: {  	s6 =	rddreg [dreg:$0x2]  }
0x4: {  	s1 =	rddreg [dreg:$0x3]  }
0x5: {  	s0 =	rddreg [dreg:$0x4];
	s3 =	simm.s32 $0x0  }
0x6: {  	s23 =	simm.s32 $0x200;
	[smem:$0x7FF] =	sst s3  }
0x7: {  	s24 =	simm.s32 $0x400;
	_ =	strace $0x80000047;
	[dreg:$0x7] =	wrdreg s23  }
0x8: {  	s25 =	simm.s32 $0x18000;
	[dreg:$0x8] =	wrdreg s24  }
0x9: {  	s26 =	simm.s32 $0x18A00;
	[dreg:$0x9] =	wrdreg s25  }
0xa: {  	s28 =	simm.s32 $0x18A40;
	[dreg:$0xa] =	wrdreg s26  }
0xb: {  	s29 =	simm.s32 $0x18A80;
	[dreg:$0xb] =	wrdreg s28  }
0xc: {  	s30 =	simm.s32 $0x18AC0;
	[dreg:$0xc] =	wrdreg s29  }
0xd: {  	s31 =	simm.s32 $0x18B00;
	[dreg:$0xd] =	wrdreg s30  }
0xe: {  	s11 =	simm.s32 $0x18C00;
	[dreg:$0xe] =	wrdreg s31  }
0xf: {  	s13 =	simm.s32 $0x18C40;
	[dreg:$0x12] =	wrdreg s11  }
0x10: {  	s14 =	simm.s32 $0x18C80;
	[dreg:$0x13] =	wrdreg s13  }
0x11: {  	s15 =	simm.s32 $0x18CC0;
	[dreg:$0x14] =	wrdreg s14  }
0x12: {  	s7 =	srdreg.scid;
	s16 =	simm.s32 $0x18D00;
	[dreg:$0x15] =	wrdreg s15  }
0x13: {  	s2 =	stileid.u32;
	s17 =	simm.s32 $0x18D40;
	[dreg:$0x16] =	wrdreg s16  }
0x14: {  	s19 =	simm.s32 $0x18D80;
	s9 =	sshll.u32 s2, $0x14;
	[dreg:$0x17] =	wrdreg s17  }
0x15: {  	s6 =	sadd.s32 s9, s6;
	s9 =	simm.s32 $0x18BC0;
	[dreg:$0x18] =	wrdreg s19  }
0x16: {  	s7 =	sand.u32 $0x1, s7;
	s24 =	simm.s32 $0x18E40;
	[dreg:$0x11] =	wrdreg s9  }
0x17: {  	s12 =	smul.u32 $0x3000, s2;
	s25 =	simm.s32 $0x18E80;
	[dreg:$0x1b] =	wrdreg s24  }
0x18: {  	s20 =	smul.u32 $0x60000, s2;
	s26 =	simm.s32 $0x18EC0;
	[dreg:$0x1c] =	wrdreg s25  }
0x19: {  	s8 =	sshll.u32 s7, $0x9;
	s29 =	simm.s32 $0x18F40;
	[dreg:$0x1d] =	wrdreg s26  }
0x1a: {  	s21 =	sshll.u32 s7, $0xD;
	s30 =	simm.s32 $0x18F80;
	[dreg:$0x1f] =	wrdreg s29  }
0x1b: {  	s10 =	smul.u32 $0x30000, s7;
	s31 =	simm.s32 $0x18FC0;
	[smem:$0x7F4] =	sst s30  }
0x1c: {  	s7 =	ssub.s32 $0x2, s7;
	s11 =	simm.s32 $0x19000;
	[smem:$0x7F5] =	sst s31  }
0x1d: {  	s28 =	sshll.u32 s2, $0x6;
	s13 =	simm.s32 $0x19080;
	[smem:$0x7F6] =	sst s11  }
0x1e: {  	s14 =	simm.s32 $0x190C0;
	s15 =	simm.s32 $0x19100;
	[smem:$0x7F8] =	sst s13  }
0x1f: {  	s16 =	simm.s32 $0x19140;
	s17 =	simm.s32 $0x19180;
	[smem:$0x7F9] =	sst s14  }
0x20: {  	s4 =	sadd.s32 s4, s8;
	s22 =	sadd.s32 s21, s6;
	[smem:$0x7FA] =	sst s15  }
0x21: {  	s6 =	simm.s32 $0x18B40;
	s8 =	simm.s32 $0x18B80;
	[smem:$0x7FB] =	sst s16  }
0x22: {  	s18 =	sshrl.u32 s7, $0x1;
	s21 =	simm.s32 $0x18DC0;
	[smem:$0x7FC] =	sst s17  }
0x23: {  	s23 =	sshrl.u32 s20, $0x2;
	s11 =	simm.s32 $0x18800;
	[dreg:$0x5] =	wrdreg s4  }
0x24: {  	s13 =	simm.s32 $0x19200;
	s14 =	simm.s32 $0x1B200;
	[dreg:$0x6] =	wrdreg s22  }
0x25: {  	s15 =	simm.s32 $0x1;
	s16 =	simm.s32 $0x1D200;
	[dreg:$0xf] =	wrdreg s6  }
0x26: {  	s17 =	simm.s32 $0x2;
	[dreg:$0x10] =	wrdreg s8;
	s4 =	sadd.s32 $0xE00, s5  }
0x27: {  	s6 =	sadd.s32 s12, s10;
	s7 =	ssub.s32 s7, s18;
	[dreg:$0x19] =	wrdreg s21  }
0x28: {  	s22 =	simm.s32 $0x18E00;
	s9 =	sadd.s32 s23, s1;
	s10 =	simm.s32 $0x18F00  }
0x29: {  	s8 =	sshll.u32 s2, $0xD;
	s12 =	simm.s32 $0x19040;
	s18 =	simm.s32 $0x191C0  }
0x2a: {  	s5 =	sadd.s32 s6, s5;
	[dreg:$0x1a] =	wrdreg s22;
	s6 =	sor.u32 $0x1C03, s28  }
0x2b: {  	[dreg:$0x1e] =	wrdreg s10;
	s7 =	smax.u32 s7, $0x1;
	s9 =	sshrl.u32 s9, $0x3  }
0x2c: {  	s10 =	simm.s32 $0x3;
	[smem:$0x7F7] =	sst s12;
	s12 =	simm.s32 $0x40  }
0x2d: {  	[smem:$0x7FD] =	sst s18;
	s18 =	simm.s32 $0x0;
	s5 =	sadd.s32 $0x1000, s5  }
.LBB2_1:
0x2e: {  	[spmem:s9], [sflag:s6] =	dma.local [hbm:s5], $0x3000  }
0x2f: {  	_ =	swait.ge [sflag:s10], $0x3000  }
0x30: {  	[sflag:s10] =	ssyncset.done $0x0  }
0x31: {  	[sflag:s10] =	ssyncadd.s32 $0xFFFFD000  }
0x32: {  	[tilespmem:s11], [sflag:$0x3] =	stream.linear.gather [hbm4b:s4+s3], $0x200, $0x38;
	[tilespmem:$0x1F200] =	vst v63  }
0x33: {  	_ =	swait.ge [sflag:s10], $0x200  }
0x34: {  	[sflag:s10] =	ssyncset.done $0x0  }
0x35: {  	s19 =	smov.u32 s8;
	[sflag:s10] =	ssyncadd.s32 $0xFFFFFE00  }
0x36: {  	s20 =	simm.s32 $0x0;
	s21 =	simm.s32 $0x0;
	[bflag:$0x0] =	sbarrier.arrive $0xFFFF  }
.LBB2_2:
0x37: {  	s22 =	rddreg [dreg:$0x5]  }
0x38: {  	s23 =	rddreg [dreg:$0x7];
	s25 =	sand.u32 $0x40, s20  }
0x39: {  	s24 =	rddreg [dreg:$0x8];
	s31 =	sand.u32 $0x1FC00, s19;
	s22 =	sadd.s32 s25, s22  }
0x3a: {  	s26 =	rddreg [dreg:$0x9];
	s22 =	sadd.s32 s31, s22  }
0x3b: {  	[tilespmem:s26], [sflag:$0x3] =	stream.strided.gather [hbm4b:s22+s23], $0x800, s24, s23, $0x38;
	[tilespmem:$0x1F200] =	vst v63  }
0x3c: {  	_ =	swait.ge [sflag:s10], $0x800  }
0x3d: {  	p0 =	seq.s32 s21, $0x0;
	[sflag:s10] =	ssyncset.done $0x0  }
0x3e: {  	s22 =	simm.s32 @!p0 $0x2;
	[sflag:s10] =	ssyncadd.s32 $0xFFFFF800  }
0x3f: {  	_ =	swait.ge @!p0 [sflag:s22], $0x2000  }
0x40: {  	[sflag:s22] =	ssyncset.done @!p0 $0x0  }
0x41: {  	[sflag:s22] =	ssyncadd.s32 @!p0 $0xFFFFE000  }
0x42: {  	_ =	swait.ge @!p0 [sflag:s22], $0x2000  }
0x43: {  	[sflag:s22] =	ssyncset.done @!p0 $0x0  }
0x44: {  	[sflag:s22] =	ssyncadd.s32 @!p0 $0xFFFFE000  }
0x45: {  	_ =	swait.ge @!p0 [sflag:s22], $0x2000  }
0x46: {  	[sflag:s22] =	ssyncset.done @!p0 $0x0  }
0x47: {  	[sflag:s22] =	ssyncadd.s32 @!p0 $0xFFFFE000  }
0x48: {  	v0 =	vld [tilespmem:$0x18000]  }
0x49: {  	v1 =	vld [tilespmem:$0x18800]  }
0x4a: {  	v2 =	vld [tilespmem:$0x18010]  }
0x4b: {  	v3 =	vld [tilespmem:$0x18810]  }
0x4c: {  	v4 =	vld [tilespmem:$0x18020]  }
0x4d: {  	v5 =	vld [tilespmem:$0x18820]  }
0x4e: {  	v6 =	vld [tilespmem:$0x18030]  }
0x4f: {  	v7 =	vld [tilespmem:$0x18830];
	_ =	sdelay $0x1  }
0x50: {  	v0 =	vadd.s32 v0, v1  }
0x51: {  	v53 =	vadd.s32 v2, v3;
	[tilespmem:$0x18A00] =	vst v0  }
0x52: {  	v54 =	vadd.s32 v4, v5;
	[tilespmem:$0x18A10] =	vst v53  }
0x53: {  	v55 =	vadd.s32 v6, v7;
	[tilespmem:$0x18A20] =	vst v54  }
0x54: {  	s24 =	rddreg [dreg:$0xa];
	[tilespmem:$0x18A30] =	vst v55  }
0x55: {  	[tilespmem:s13], [sflag:$0x1] =	stream.indirect.gather [spmem:s1], $0x80, s24, s12, $0xb8;
	[tilespmem:$0x1F200] =	vst v63  }
0x56: {  	v56 =	vld [tilespmem:$0x18040]  }
0x57: {  	v57 =	vld [tilespmem:$0x18840]  }
0x58: {  	v58 =	vld [tilespmem:$0x18050]  }
0x59: {  	v59 =	vld [tilespmem:$0x18850]  }
0x5a: {  	v60 =	vld [tilespmem:$0x18060]  }
0x5b: {  	v61 =	vld [tilespmem:$0x18860]  }
0x5c: {  	v62 =	vld [tilespmem:$0x18070]  }
0x5d: {  	v63 =	vld [tilespmem:$0x18870];
	_ =	sdelay $0x1  }
0x5e: {  	v0 =	vadd.s32 v56, v57  }
0x5f: {  	v9 =	vadd.s32 v58, v59;
	[tilespmem:$0x18A40] =	vst v0  }
0x60: {  	v10 =	vadd.s32 v60, v61;
	[tilespmem:$0x18A50] =	vst v9  }
0x61: {  	v11 =	vadd.s32 v62, v63;
	[tilespmem:$0x18A60] =	vst v10  }
0x62: {  	s25 =	rddreg [dreg:$0xb];
	[tilespmem:$0x18A70] =	vst v11  }
0x63: {  	[tilespmem:s14], [sflag:$0x1] =	stream.indirect.gather [spmem:s1], $0x80, s25, s12, $0xb8;
	[tilespmem:$0x1F200] =	vst v63  }
0x64: {  	_ =	swait.ge [sflag:s15], $0x2000  }
0x65: {  	s26 =	rddreg [dreg:$0x6];
	[sflag:s15] =	ssyncset.done $0x0  }
0x66: {  	[sflag:s15] =	ssyncadd.s32 $0xFFFFE000;
	s22 =	sadd.s32 s21, s26  }
0x67: {  	[hbm4b:s22+s3] =	stream.linear.scatter [tilespmem:s13], [sflag:$0x2], $0x2000, $0x38;
	[tilespmem:$0x1F200] =	vst v63  }
0x68: {  	v12 =	vld [tilespmem:$0x18200]  }
0x69: {  	v13 =	vld [tilespmem:$0x18880]  }
0x6a: {  	v14 =	vld [tilespmem:$0x18210]  }
0x6b: {  	v15 =	vld [tilespmem:$0x18890]  }
0x6c: {  	v16 =	vld [tilespmem:$0x18220]  }
0x6d: {  	v17 =	vld [tilespmem:$0x188A0]  }
0x6e: {  	v18 =	vld [tilespmem:$0x18230]  }
0x6f: {  	v19 =	vld [tilespmem:$0x188B0];
	_ =	sdelay $0x1  }
0x70: {  	v0 =	vadd.s32 v12, v13  }
0x71: {  	v20 =	vadd.s32 v14, v15;
	[tilespmem:$0x18A80] =	vst v0  }
0x72: {  	v21 =	vadd.s32 v16, v17;
	[tilespmem:$0x18A90] =	vst v20  }
0x73: {  	v22 =	vadd.s32 v18, v19;
	[tilespmem:$0x18AA0] =	vst v21  }
0x74: {  	s28 =	rddreg [dreg:$0xc];
	[tilespmem:$0x18AB0] =	vst v22  }
0x75: {  	[tilespmem:s16], [sflag:$0x1] =	stream.indirect.gather [spmem:s1], $0x80, s28, s12, $0xb8;
	[tilespmem:$0x1F200] =	vst v63  }
0x76: {  	_ =	swait.ge [sflag:s15], $0x2000  }
0x77: {  	[sflag:s15] =	ssyncset.done $0x0  }
0x78: {  	s29 =	sadd.s32 $0x400, s22;
	[sflag:s15] =	ssyncadd.s32 $0xFFFFE000  }
0x79: {  	[hbm4b:s29+s3] =	stream.linear.scatter [tilespmem:s14], [sflag:$0x2], $0x2000, $0x38;
	[tilespmem:$0x1F200] =	vst v63  }
0x7a: {  	v23 =	vld [tilespmem:$0x18240]  }
0x7b: {  	v24 =	vld [tilespmem:$0x188C0]  }
0x7c: {  	v25 =	vld [tilespmem:$0x18250]  }
0x7d: {  	v26 =	vld [tilespmem:$0x188D0]  }
0x7e: {  	v27 =	vld [tilespmem:$0x18260]  }
0x7f: {  	v28 =	vld [tilespmem:$0x188E0]  }
0x80: {  	v29 =	vld [tilespmem:$0x18270]  }
0x81: {  	v30 =	vld [tilespmem:$0x188F0];
	_ =	sdelay $0x1  }
0x82: {  	v0 =	vadd.s32 v23, v24  }
0x83: {  	v31 =	vadd.s32 v25, v26;
	[tilespmem:$0x18AC0] =	vst v0  }
0x84: {  	v32 =	vadd.s32 v27, v28;
	[tilespmem:$0x18AD0] =	vst v31  }
0x85: {  	v33 =	vadd.s32 v29, v30;
	[tilespmem:$0x18AE0] =	vst v32  }
0x86: {  	[tilespmem:$0x18AF0] =	vst v33  }
0x87: {  	_ =	swait.ge [sflag:s17], $0x2000  }
0x88: {  	[sflag:s17] =	ssyncset.done $0x0  }
0x89: {  	s30 =	rddreg [dreg:$0xd];
	[sflag:s17] =	ssyncadd.s32 $0xFFFFE000  }
0x8a: {  	[tilespmem:s13], [sflag:$0x1] =	stream.indirect.gather [spmem:s1], $0x80, s30, s12, $0xb8;
	[tilespmem:$0x1F200] =	vst v63  }
0x8b: {  	_ =	swait.ge [sflag:s15], $0x2000  }
0x8c: {  	[sflag:s15] =	ssyncset.done $0x0  }
0x8d: {  	s31 =	sadd.s32 $0x800, s22;
	[sflag:s15] =	ssyncadd.s32 $0xFFFFE000  }
0x8e: {  	[hbm4b:s31+s3] =	stream.linear.scatter [tilespmem:s16], [sflag:$0x2], $0x2000, $0x38;
	[tilespmem:$0x1F200] =	vst v63  }
0x8f: {  	v34 =	vld [tilespmem:$0x18400]  }
0x90: {  	v35 =	vld [tilespmem:$0x18900]  }
0x91: {  	v36 =	vld [tilespmem:$0x18410]  }
0x92: {  	v37 =	vld [tilespmem:$0x18910]  }
0x93: {  	v38 =	vld [tilespmem:$0x18420]  }
0x94: {  	v39 =	vld [tilespmem:$0x18920]  }
0x95: {  	v40 =	vld [tilespmem:$0x18430]  }
0x96: {  	v41 =	vld [tilespmem:$0x18930];
	_ =	sdelay $0x1  }
0x97: {  	v0 =	vadd.s32 v34, v35  }
0x98: {  	v42 =	vadd.s32 v36, v37;
	[tilespmem:$0x18B00] =	vst v0  }
0x99: {  	v43 =	vadd.s32 v38, v39;
	[tilespmem:$0x18B10] =	vst v42  }
0x9a: {  	v44 =	vadd.s32 v40, v41;
	[tilespmem:$0x18B20] =	vst v43  }
0x9b: {  	[tilespmem:$0x18B30] =	vst v44  }
0x9c: {  	_ =	swait.ge [sflag:s17], $0x2000  }
0x9d: {  	[sflag:s17] =	ssyncset.done $0x0  }
0x9e: {  	s24 =	rddreg [dreg:$0xe];
	[sflag:s17] =	ssyncadd.s32 $0xFFFFE000  }
0x9f: {  	[tilespmem:s14], [sflag:$0x1] =	stream.indirect.gather [spmem:s1], $0x80, s24, s12, $0xb8;
	[tilespmem:$0x1F200] =	vst v63  }
0xa0: {  	_ =	swait.ge [sflag:s15], $0x2000  }
0xa1: {  	[sflag:s15] =	ssyncset.done $0x0  }
0xa2: {  	s25 =	sadd.s32 $0xC00, s22;
	[sflag:s15] =	ssyncadd.s32 $0xFFFFE000  }
0xa3: {  	[hbm4b:s25+s3] =	stream.linear.scatter [tilespmem:s13], [sflag:$0x2], $0x2000, $0x38;
	[tilespmem:$0x1F200] =	vst v63  }
0xa4: {  	v45 =	vld [tilespmem:$0x18440]  }
0xa5: {  	v46 =	vld [tilespmem:$0x18940]  }
0xa6: {  	v47 =	vld [tilespmem:$0x18450]  }
0xa7: {  	v48 =	vld [tilespmem:$0x18950]  }
0xa8: {  	v49 =	vld [tilespmem:$0x18460]  }
0xa9: {  	v50 =	vld [tilespmem:$0x18960]  }
0xaa: {  	v51 =	vld [tilespmem:$0x18470]  }
0xab: {  	v52 =	vld [tilespmem:$0x18970];
	_ =	sdelay $0x1  }
0xac: {  	v0 =	vadd.s32 v45, v46  }
0xad: {  	v53 =	vadd.s32 v47, v48;
	[tilespmem:$0x18B40] =	vst v0  }
0xae: {  	v54 =	vadd.s32 v49, v50;
	[tilespmem:$0x18B50] =	vst v53  }
0xaf: {  	v55 =	vadd.s32 v51, v52;
	[tilespmem:$0x18B60] =	vst v54  }
0xb0: {  	[tilespmem:$0x18B70] =	vst v55  }
0xb1: {  	_ =	swait.ge [sflag:s17], $0x2000  }
0xb2: {  	[sflag:s17] =	ssyncset.done $0x0  }
0xb3: {  	s26 =	rddreg [dreg:$0xf];
	[sflag:s17] =	ssyncadd.s32 $0xFFFFE000  }
0xb4: {  	[tilespmem:s16], [sflag:$0x1] =	stream.indirect.gather [spmem:s1], $0x80, s26, s12, $0xb8;
	[tilespmem:$0x1F200] =	vst v63  }
0xb5: {  	_ =	swait.ge [sflag:s15], $0x2000  }
0xb6: {  	[sflag:s15] =	ssyncset.done $0x0  }
0xb7: {  	s28 =	sadd.s32 $0x1000, s22;
	[sflag:s15] =	ssyncadd.s32 $0xFFFFE000  }
0xb8: {  	[hbm4b:s28+s3] =	stream.linear.scatter [tilespmem:s14], [sflag:$0x2], $0x2000, $0x38;
	[tilespmem:$0x1F200] =	vst v63  }
0xb9: {  	v56 =	vld [tilespmem:$0x18600]  }
0xba: {  	v57 =	vld [tilespmem:$0x18980]  }
0xbb: {  	v58 =	vld [tilespmem:$0x18610]  }
0xbc: {  	v59 =	vld [tilespmem:$0x18990]  }
0xbd: {  	v60 =	vld [tilespmem:$0x18620]  }
0xbe: {  	v61 =	vld [tilespmem:$0x189A0]  }
0xbf: {  	v62 =	vld [tilespmem:$0x18630]  }
0xc0: {  	v63 =	vld [tilespmem:$0x189B0];
	_ =	sdelay $0x1  }
0xc1: {  	v0 =	vadd.s32 v56, v57  }
0xc2: {  	v9 =	vadd.s32 v58, v59;
	[tilespmem:$0x18B80] =	vst v0  }
0xc3: {  	v10 =	vadd.s32 v60, v61;
	[tilespmem:$0x18B90] =	vst v9  }
0xc4: {  	v11 =	vadd.s32 v62, v63;
	[tilespmem:$0x18BA0] =	vst v10  }
0xc5: {  	[tilespmem:$0x18BB0] =	vst v11  }
0xc6: {  	_ =	swait.ge [sflag:s17], $0x2000  }
0xc7: {  	[sflag:s17] =	ssyncset.done $0x0  }
0xc8: {  	s29 =	rddreg [dreg:$0x10];
	[sflag:s17] =	ssyncadd.s32 $0xFFFFE000  }
0xc9: {  	[tilespmem:s13], [sflag:$0x1] =	stream.indirect.gather [spmem:s1], $0x80, s29, s12, $0xb8;
	[tilespmem:$0x1F200] =	vst v63  }
0xca: {  	_ =	swait.ge [sflag:s15], $0x2000  }
0xcb: {  	[sflag:s15] =	ssyncset.done $0x0  }
0xcc: {  	s30 =	sadd.s32 $0x1400, s22;
	[sflag:s15] =	ssyncadd.s32 $0xFFFFE000  }
0xcd: {  	[hbm4b:s30+s3] =	stream.linear.scatter [tilespmem:s16], [sflag:$0x2], $0x2000, $0x38;
	[tilespmem:$0x1F200] =	vst v63  }
0xce: {  	v12 =	vld [tilespmem:$0x18640]  }
0xcf: {  	v13 =	vld [tilespmem:$0x189C0]  }
0xd0: {  	v14 =	vld [tilespmem:$0x18650]  }
0xd1: {  	v15 =	vld [tilespmem:$0x189D0]  }
0xd2: {  	v16 =	vld [tilespmem:$0x18660]  }
0xd3: {  	v17 =	vld [tilespmem:$0x189E0]  }
0xd4: {  	v18 =	vld [tilespmem:$0x18670]  }
0xd5: {  	v19 =	vld [tilespmem:$0x189F0];
	_ =	sdelay $0x1  }
0xd6: {  	v0 =	vadd.s32 v12, v13  }
0xd7: {  	v20 =	vadd.s32 v14, v15;
	[tilespmem:$0x18BC0] =	vst v0  }
0xd8: {  	v21 =	vadd.s32 v16, v17;
	[tilespmem:$0x18BD0] =	vst v20  }
0xd9: {  	v22 =	vadd.s32 v18, v19;
	[tilespmem:$0x18BE0] =	vst v21  }
0xda: {  	[tilespmem:$0x18BF0] =	vst v22  }
0xdb: {  	_ =	swait.ge [sflag:s17], $0x2000  }
0xdc: {  	[sflag:s17] =	ssyncset.done $0x0  }
0xdd: {  	s31 =	rddreg [dreg:$0x11];
	[sflag:s17] =	ssyncadd.s32 $0xFFFFE000  }
0xde: {  	[tilespmem:s14], [sflag:$0x1] =	stream.indirect.gather [spmem:s1], $0x80, s31, s12, $0xb8;
	[tilespmem:$0x1F200] =	vst v63  }
0xdf: {  	_ =	swait.ge [sflag:s15], $0x2000  }
0xe0: {  	[sflag:s15] =	ssyncset.done $0x0  }
0xe1: {  	s24 =	sadd.s32 $0x1800, s22;
	[sflag:s15] =	ssyncadd.s32 $0xFFFFE000  }
0xe2: {  	[hbm4b:s24+s3] =	stream.linear.scatter [tilespmem:s13], [sflag:$0x2], $0x2000, $0x38;
	[tilespmem:$0x1F200] =	vst v63  }
0xe3: {  	v23 =	vld [tilespmem:$0x18080]  }
0xe4: {  	v24 =	vld [tilespmem:$0x18800]  }
0xe5: {  	v25 =	vld [tilespmem:$0x18090]  }
0xe6: {  	v26 =	vld [tilespmem:$0x18810]  }
0xe7: {  	v27 =	vld [tilespmem:$0x180A0]  }
0xe8: {  	v28 =	vld [tilespmem:$0x18820]  }
0xe9: {  	v29 =	vld [tilespmem:$0x180B0]  }
0xea: {  	v30 =	vld [tilespmem:$0x18830];
	_ =	sdelay $0x1  }
0xeb: {  	v0 =	vadd.s32 v23, v24  }
0xec: {  	v31 =	vadd.s32 v25, v26;
	[tilespmem:$0x18C00] =	vst v0  }
0xed: {  	v32 =	vadd.s32 v27, v28;
	[tilespmem:$0x18C10] =	vst v31  }
0xee: {  	v33 =	vadd.s32 v29, v30;
	[tilespmem:$0x18C20] =	vst v32  }
0xef: {  	[tilespmem:$0x18C30] =	vst v33  }
0xf0: {  	_ =	swait.ge [sflag:s17], $0x2000  }
0xf1: {  	[sflag:s17] =	ssyncset.done $0x0  }
0xf2: {  	s25 =	rddreg [dreg:$0x12];
	[sflag:s17] =	ssyncadd.s32 $0xFFFFE000  }
0xf3: {  	[tilespmem:s16], [sflag:$0x1] =	stream.indirect.gather [spmem:s1], $0x80, s25, s12, $0xb8;
	[tilespmem:$0x1F200] =	vst v63  }
0xf4: {  	_ =	swait.ge [sflag:s15], $0x2000  }
0xf5: {  	[sflag:s15] =	ssyncset.done $0x0  }
0xf6: {  	s26 =	sadd.s32 $0x1C00, s22;
	[sflag:s15] =	ssyncadd.s32 $0xFFFFE000  }
0xf7: {  	[hbm4b:s26+s3] =	stream.linear.scatter [tilespmem:s14], [sflag:$0x2], $0x2000, $0x38;
	[tilespmem:$0x1F200] =	vst v63  }
0xf8: {  	v34 =	vld [tilespmem:$0x180C0]  }
0xf9: {  	v35 =	vld [tilespmem:$0x18840]  }
0xfa: {  	v36 =	vld [tilespmem:$0x180D0]  }
0xfb: {  	v37 =	vld [tilespmem:$0x18850]  }
0xfc: {  	v38 =	vld [tilespmem:$0x180E0]  }
0xfd: {  	v39 =	vld [tilespmem:$0x18860]  }
0xfe: {  	v40 =	vld [tilespmem:$0x180F0]  }
0xff: {  	v41 =	vld [tilespmem:$0x18870];
	_ =	sdelay $0x1  }
0x100: {  	v0 =	vadd.s32 v34, v35  }
0x101: {  	v42 =	vadd.s32 v36, v37;
	[tilespmem:$0x18C40] =	vst v0  }
0x102: {  	v43 =	vadd.s32 v38, v39;
	[tilespmem:$0x18C50] =	vst v42  }
0x103: {  	v44 =	vadd.s32 v40, v41;
	[tilespmem:$0x18C60] =	vst v43  }
0x104: {  	[tilespmem:$0x18C70] =	vst v44  }
0x105: {  	_ =	swait.ge [sflag:s17], $0x2000  }
0x106: {  	[sflag:s17] =	ssyncset.done $0x0  }
0x107: {  	s28 =	rddreg [dreg:$0x13];
	[sflag:s17] =	ssyncadd.s32 $0xFFFFE000  }
0x108: {  	[tilespmem:s13], [sflag:$0x1] =	stream.indirect.gather [spmem:s1], $0x80, s28, s12, $0xb8;
	[tilespmem:$0x1F200] =	vst v63  }
0x109: {  	_ =	swait.ge [sflag:s15], $0x2000  }
0x10a: {  	[sflag:s15] =	ssyncset.done $0x0  }
0x10b: {  	s29 =	sadd.s32 $0x4000, s22;
	[sflag:s15] =	ssyncadd.s32 $0xFFFFE000  }
0x10c: {  	[hbm4b:s29+s3] =	stream.linear.scatter [tilespmem:s16], [sflag:$0x2], $0x2000, $0x38;
	[tilespmem:$0x1F200] =	vst v63  }
0x10d: {  	v45 =	vld [tilespmem:$0x18280]  }
0x10e: {  	v46 =	vld [tilespmem:$0x18880]  }
0x10f: {  	v47 =	vld [tilespmem:$0x18290]  }
0x110: {  	v48 =	vld [tilespmem:$0x18890]  }
0x111: {  	v49 =	vld [tilespmem:$0x182A0]  }
0x112: {  	v50 =	vld [tilespmem:$0x188A0]  }
0x113: {  	v51 =	vld [tilespmem:$0x182B0]  }
0x114: {  	v52 =	vld [tilespmem:$0x188B0];
	_ =	sdelay $0x1  }
0x115: {  	v0 =	vadd.s32 v45, v46  }
0x116: {  	v53 =	vadd.s32 v47, v48;
	[tilespmem:$0x18C80] =	vst v0  }
0x117: {  	v54 =	vadd.s32 v49, v50;
	[tilespmem:$0x18C90] =	vst v53  }
0x118: {  	v55 =	vadd.s32 v51, v52;
	[tilespmem:$0x18CA0] =	vst v54  }
0x119: {  	[tilespmem:$0x18CB0] =	vst v55  }
0x11a: {  	_ =	swait.ge [sflag:s17], $0x2000  }
0x11b: {  	[sflag:s17] =	ssyncset.done $0x0  }
0x11c: {  	s30 =	rddreg [dreg:$0x14];
	[sflag:s17] =	ssyncadd.s32 $0xFFFFE000  }
0x11d: {  	[tilespmem:s14], [sflag:$0x1] =	stream.indirect.gather [spmem:s1], $0x80, s30, s12, $0xb8;
	[tilespmem:$0x1F200] =	vst v63  }
0x11e: {  	_ =	swait.ge [sflag:s15], $0x2000  }
0x11f: {  	[sflag:s15] =	ssyncset.done $0x0  }
0x120: {  	s31 =	sadd.s32 $0x4400, s22;
	[sflag:s15] =	ssyncadd.s32 $0xFFFFE000  }
0x121: {  	[hbm4b:s31+s3] =	stream.linear.scatter [tilespmem:s13], [sflag:$0x2], $0x2000, $0x38;
	[tilespmem:$0x1F200] =	vst v63  }
0x122: {  	v56 =	vld [tilespmem:$0x182C0]  }
0x123: {  	v57 =	vld [tilespmem:$0x188C0]  }
0x124: {  	v58 =	vld [tilespmem:$0x182D0]  }
0x125: {  	v59 =	vld [tilespmem:$0x188D0]  }
0x126: {  	v60 =	vld [tilespmem:$0x182E0]  }
0x127: {  	v61 =	vld [tilespmem:$0x188E0]  }
0x128: {  	v62 =	vld [tilespmem:$0x182F0]  }
0x129: {  	v63 =	vld [tilespmem:$0x188F0];
	_ =	sdelay $0x1  }
0x12a: {  	v0 =	vadd.s32 v56, v57  }
0x12b: {  	v9 =	vadd.s32 v58, v59;
	[tilespmem:$0x18CC0] =	vst v0  }
0x12c: {  	v10 =	vadd.s32 v60, v61;
	[tilespmem:$0x18CD0] =	vst v9  }
0x12d: {  	v11 =	vadd.s32 v62, v63;
	[tilespmem:$0x18CE0] =	vst v10  }
0x12e: {  	[tilespmem:$0x18CF0] =	vst v11  }
0x12f: {  	_ =	swait.ge [sflag:s17], $0x2000  }
0x130: {  	[sflag:s17] =	ssyncset.done $0x0  }
0x131: {  	s24 =	rddreg [dreg:$0x15];
	[sflag:s17] =	ssyncadd.s32 $0xFFFFE000  }
0x132: {  	[tilespmem:s16], [sflag:$0x1] =	stream.indirect.gather [spmem:s1], $0x80, s24, s12, $0xb8;
	[tilespmem:$0x1F200] =	vst v63  }
0x133: {  	_ =	swait.ge [sflag:s15], $0x2000  }
0x134: {  	[sflag:s15] =	ssyncset.done $0x0  }
0x135: {  	s25 =	sadd.s32 $0x4800, s22;
	[sflag:s15] =	ssyncadd.s32 $0xFFFFE000  }
0x136: {  	[hbm4b:s25+s3] =	stream.linear.scatter [tilespmem:s14], [sflag:$0x2], $0x2000, $0x38;
	[tilespmem:$0x1F200] =	vst v63  }
0x137: {  	v12 =	vld [tilespmem:$0x18480]  }
0x138: {  	v13 =	vld [tilespmem:$0x18900]  }
0x139: {  	v14 =	vld [tilespmem:$0x18490]  }
0x13a: {  	v15 =	vld [tilespmem:$0x18910]  }
0x13b: {  	v16 =	vld [tilespmem:$0x184A0]  }
0x13c: {  	v17 =	vld [tilespmem:$0x18920]  }
0x13d: {  	v18 =	vld [tilespmem:$0x184B0]  }
0x13e: {  	v19 =	vld [tilespmem:$0x18930];
	_ =	sdelay $0x1  }
0x13f: {  	v0 =	vadd.s32 v12, v13  }
0x140: {  	v20 =	vadd.s32 v14, v15;
	[tilespmem:$0x18D00] =	vst v0  }
0x141: {  	v21 =	vadd.s32 v16, v17;
	[tilespmem:$0x18D10] =	vst v20  }
0x142: {  	v22 =	vadd.s32 v18, v19;
	[tilespmem:$0x18D20] =	vst v21  }
0x143: {  	[tilespmem:$0x18D30] =	vst v22  }
0x144: {  	_ =	swait.ge [sflag:s17], $0x2000  }
0x145: {  	[sflag:s17] =	ssyncset.done $0x0  }
0x146: {  	s26 =	rddreg [dreg:$0x16];
	[sflag:s17] =	ssyncadd.s32 $0xFFFFE000  }
0x147: {  	[tilespmem:s13], [sflag:$0x1] =	stream.indirect.gather [spmem:s1], $0x80, s26, s12, $0xb8;
	[tilespmem:$0x1F200] =	vst v63  }
0x148: {  	_ =	swait.ge [sflag:s15], $0x2000  }
0x149: {  	[sflag:s15] =	ssyncset.done $0x0  }
0x14a: {  	s28 =	sadd.s32 $0x4C00, s22;
	[sflag:s15] =	ssyncadd.s32 $0xFFFFE000  }
0x14b: {  	[hbm4b:s28+s3] =	stream.linear.scatter [tilespmem:s16], [sflag:$0x2], $0x2000, $0x38;
	[tilespmem:$0x1F200] =	vst v63  }
0x14c: {  	v23 =	vld [tilespmem:$0x184C0]  }
0x14d: {  	v24 =	vld [tilespmem:$0x18940]  }
0x14e: {  	v25 =	vld [tilespmem:$0x184D0]  }
0x14f: {  	v26 =	vld [tilespmem:$0x18950]  }
0x150: {  	v27 =	vld [tilespmem:$0x184E0]  }
0x151: {  	v28 =	vld [tilespmem:$0x18960]  }
0x152: {  	v29 =	vld [tilespmem:$0x184F0]  }
0x153: {  	v30 =	vld [tilespmem:$0x18970];
	_ =	sdelay $0x1  }
0x154: {  	v0 =	vadd.s32 v23, v24  }
0x155: {  	v31 =	vadd.s32 v25, v26;
	[tilespmem:$0x18D40] =	vst v0  }
0x156: {  	v32 =	vadd.s32 v27, v28;
	[tilespmem:$0x18D50] =	vst v31  }
0x157: {  	v33 =	vadd.s32 v29, v30;
	[tilespmem:$0x18D60] =	vst v32  }
0x158: {  	[tilespmem:$0x18D70] =	vst v33  }
0x159: {  	_ =	swait.ge [sflag:s17], $0x2000  }
0x15a: {  	[sflag:s17] =	ssyncset.done $0x0  }
0x15b: {  	s29 =	rddreg [dreg:$0x17];
	[sflag:s17] =	ssyncadd.s32 $0xFFFFE000  }
0x15c: {  	[tilespmem:s14], [sflag:$0x1] =	stream.indirect.gather [spmem:s1], $0x80, s29, s12, $0xb8;
	[tilespmem:$0x1F200] =	vst v63  }
0x15d: {  	_ =	swait.ge [sflag:s15], $0x2000  }
0x15e: {  	[sflag:s15] =	ssyncset.done $0x0  }
0x15f: {  	s30 =	sadd.s32 $0x5000, s22;
	[sflag:s15] =	ssyncadd.s32 $0xFFFFE000  }
0x160: {  	[hbm4b:s30+s3] =	stream.linear.scatter [tilespmem:s13], [sflag:$0x2], $0x2000, $0x38;
	[tilespmem:$0x1F200] =	vst v63  }
0x161: {  	v34 =	vld [tilespmem:$0x18680]  }
0x162: {  	v35 =	vld [tilespmem:$0x18980]  }
0x163: {  	v36 =	vld [tilespmem:$0x18690]  }
0x164: {  	v37 =	vld [tilespmem:$0x18990]  }
0x165: {  	v38 =	vld [tilespmem:$0x186A0]  }
0x166: {  	v39 =	vld [tilespmem:$0x189A0]  }
0x167: {  	v40 =	vld [tilespmem:$0x186B0]  }
0x168: {  	v41 =	vld [tilespmem:$0x189B0];
	_ =	sdelay $0x1  }
0x169: {  	v0 =	vadd.s32 v34, v35  }
0x16a: {  	v42 =	vadd.s32 v36, v37;
	[tilespmem:$0x18D80] =	vst v0  }
0x16b: {  	v43 =	vadd.s32 v38, v39;
	[tilespmem:$0x18D90] =	vst v42  }
0x16c: {  	v44 =	vadd.s32 v40, v41;
	[tilespmem:$0x18DA0] =	vst v43  }
0x16d: {  	[tilespmem:$0x18DB0] =	vst v44  }
0x16e: {  	_ =	swait.ge [sflag:s17], $0x2000  }
0x16f: {  	[sflag:s17] =	ssyncset.done $0x0  }
0x170: {  	s31 =	rddreg [dreg:$0x18];
	[sflag:s17] =	ssyncadd.s32 $0xFFFFE000  }
0x171: {  	[tilespmem:s16], [sflag:$0x1] =	stream.indirect.gather [spmem:s1], $0x80, s31, s12, $0xb8;
	[tilespmem:$0x1F200] =	vst v63  }
0x172: {  	_ =	swait.ge [sflag:s15], $0x2000  }
0x173: {  	[sflag:s15] =	ssyncset.done $0x0  }
0x174: {  	s24 =	sadd.s32 $0x5400, s22;
	[sflag:s15] =	ssyncadd.s32 $0xFFFFE000  }
0x175: {  	[hbm4b:s24+s3] =	stream.linear.scatter [tilespmem:s14], [sflag:$0x2], $0x2000, $0x38;
	[tilespmem:$0x1F200] =	vst v63  }
0x176: {  	v45 =	vld [tilespmem:$0x186C0]  }
0x177: {  	v46 =	vld [tilespmem:$0x189C0]  }
0x178: {  	v47 =	vld [tilespmem:$0x186D0]  }
0x179: {  	v48 =	vld [tilespmem:$0x189D0]  }
0x17a: {  	v49 =	vld [tilespmem:$0x186E0]  }
0x17b: {  	v50 =	vld [tilespmem:$0x189E0]  }
0x17c: {  	v51 =	vld [tilespmem:$0x186F0]  }
0x17d: {  	v52 =	vld [tilespmem:$0x189F0];
	_ =	sdelay $0x1  }
0x17e: {  	v0 =	vadd.s32 v45, v46  }
0x17f: {  	v53 =	vadd.s32 v47, v48;
	[tilespmem:$0x18DC0] =	vst v0  }
0x180: {  	v54 =	vadd.s32 v49, v50;
	[tilespmem:$0x18DD0] =	vst v53  }
0x181: {  	v55 =	vadd.s32 v51, v52;
	[tilespmem:$0x18DE0] =	vst v54  }
0x182: {  	[tilespmem:$0x18DF0] =	vst v55  }
0x183: {  	_ =	swait.ge [sflag:s17], $0x2000  }
0x184: {  	[sflag:s17] =	ssyncset.done $0x0  }
0x185: {  	s25 =	rddreg [dreg:$0x19];
	[sflag:s17] =	ssyncadd.s32 $0xFFFFE000  }
0x186: {  	[tilespmem:s13], [sflag:$0x1] =	stream.indirect.gather [spmem:s1], $0x80, s25, s12, $0xb8;
	[tilespmem:$0x1F200] =	vst v63  }
0x187: {  	_ =	swait.ge [sflag:s15], $0x2000  }
0x188: {  	[sflag:s15] =	ssyncset.done $0x0  }
0x189: {  	s26 =	sadd.s32 $0x5800, s22;
	[sflag:s15] =	ssyncadd.s32 $0xFFFFE000  }
0x18a: {  	[hbm4b:s26+s3] =	stream.linear.scatter [tilespmem:s16], [sflag:$0x2], $0x2000, $0x38;
	[tilespmem:$0x1F200] =	vst v63  }
0x18b: {  	v56 =	vld [tilespmem:$0x18100]  }
0x18c: {  	v57 =	vld [tilespmem:$0x18800]  }
0x18d: {  	v58 =	vld [tilespmem:$0x18110]  }
0x18e: {  	v59 =	vld [tilespmem:$0x18810]  }
0x18f: {  	v60 =	vld [tilespmem:$0x18120]  }
0x190: {  	v61 =	vld [tilespmem:$0x18820]  }
0x191: {  	v62 =	vld [tilespmem:$0x18130]  }
0x192: {  	v63 =	vld [tilespmem:$0x18830];
	_ =	sdelay $0x1  }
0x193: {  	v0 =	vadd.s32 v56, v57  }
0x194: {  	v9 =	vadd.s32 v58, v59;
	[tilespmem:$0x18E00] =	vst v0  }
0x195: {  	v10 =	vadd.s32 v60, v61;
	[tilespmem:$0x18E10] =	vst v9  }
0x196: {  	v11 =	vadd.s32 v62, v63;
	[tilespmem:$0x18E20] =	vst v10  }
0x197: {  	[tilespmem:$0x18E30] =	vst v11  }
0x198: {  	_ =	swait.ge [sflag:s17], $0x2000  }
0x199: {  	[sflag:s17] =	ssyncset.done $0x0  }
0x19a: {  	s28 =	rddreg [dreg:$0x1a];
	[sflag:s17] =	ssyncadd.s32 $0xFFFFE000  }
0x19b: {  	[tilespmem:s14], [sflag:$0x1] =	stream.indirect.gather [spmem:s1], $0x80, s28, s12, $0xb8;
	[tilespmem:$0x1F200] =	vst v63  }
0x19c: {  	_ =	swait.ge [sflag:s15], $0x2000  }
0x19d: {  	[sflag:s15] =	ssyncset.done $0x0  }
0x19e: {  	s29 =	sadd.s32 $0x5C00, s22;
	[sflag:s15] =	ssyncadd.s32 $0xFFFFE000  }
0x19f: {  	[hbm4b:s29+s3] =	stream.linear.scatter [tilespmem:s13], [sflag:$0x2], $0x2000, $0x38;
	[tilespmem:$0x1F200] =	vst v63  }
0x1a0: {  	v12 =	vld [tilespmem:$0x18140]  }
0x1a1: {  	v13 =	vld [tilespmem:$0x18840]  }
0x1a2: {  	v14 =	vld [tilespmem:$0x18150]  }
0x1a3: {  	v15 =	vld [tilespmem:$0x18850]  }
0x1a4: {  	v16 =	vld [tilespmem:$0x18160]  }
0x1a5: {  	v17 =	vld [tilespmem:$0x18860]  }
0x1a6: {  	v18 =	vld [tilespmem:$0x18170]  }
0x1a7: {  	v19 =	vld [tilespmem:$0x18870];
	_ =	sdelay $0x1  }
0x1a8: {  	v0 =	vadd.s32 v12, v13  }
0x1a9: {  	v20 =	vadd.s32 v14, v15;
	[tilespmem:$0x18E40] =	vst v0  }
0x1aa: {  	v21 =	vadd.s32 v16, v17;
	[tilespmem:$0x18E50] =	vst v20  }
0x1ab: {  	v22 =	vadd.s32 v18, v19;
	[tilespmem:$0x18E60] =	vst v21  }
0x1ac: {  	[tilespmem:$0x18E70] =	vst v22  }
0x1ad: {  	_ =	swait.ge [sflag:s17], $0x2000  }
0x1ae: {  	[sflag:s17] =	ssyncset.done $0x0  }
0x1af: {  	s30 =	rddreg [dreg:$0x1b];
	[sflag:s17] =	ssyncadd.s32 $0xFFFFE000  }
0x1b0: {  	[tilespmem:s16], [sflag:$0x1] =	stream.indirect.gather [spmem:s1], $0x80, s30, s12, $0xb8;
	[tilespmem:$0x1F200] =	vst v63  }
0x1b1: {  	_ =	swait.ge [sflag:s15], $0x2000  }
0x1b2: {  	[sflag:s15] =	ssyncset.done $0x0  }
0x1b3: {  	s31 =	sadd.s32 $0x8000, s22;
	[sflag:s15] =	ssyncadd.s32 $0xFFFFE000  }
0x1b4: {  	[hbm4b:s31+s3] =	stream.linear.scatter [tilespmem:s14], [sflag:$0x2], $0x2000, $0x38;
	[tilespmem:$0x1F200] =	vst v63  }
0x1b5: {  	v23 =	vld [tilespmem:$0x18300]  }
0x1b6: {  	v24 =	vld [tilespmem:$0x18880]  }
0x1b7: {  	v25 =	vld [tilespmem:$0x18310]  }
0x1b8: {  	v26 =	vld [tilespmem:$0x18890]  }
0x1b9: {  	v27 =	vld [tilespmem:$0x18320]  }
0x1ba: {  	v28 =	vld [tilespmem:$0x188A0]  }
0x1bb: {  	v29 =	vld [tilespmem:$0x18330]  }
0x1bc: {  	v30 =	vld [tilespmem:$0x188B0];
	_ =	sdelay $0x1  }
0x1bd: {  	v0 =	vadd.s32 v23, v24  }
0x1be: {  	v31 =	vadd.s32 v25, v26;
	[tilespmem:$0x18E80] =	vst v0  }
0x1bf: {  	v32 =	vadd.s32 v27, v28;
	[tilespmem:$0x18E90] =	vst v31  }
0x1c0: {  	v33 =	vadd.s32 v29, v30;
	[tilespmem:$0x18EA0] =	vst v32  }
0x1c1: {  	[tilespmem:$0x18EB0] =	vst v33  }
0x1c2: {  	_ =	swait.ge [sflag:s17], $0x2000  }
0x1c3: {  	[sflag:s17] =	ssyncset.done $0x0  }
0x1c4: {  	s24 =	rddreg [dreg:$0x1c];
	[sflag:s17] =	ssyncadd.s32 $0xFFFFE000  }
0x1c5: {  	[tilespmem:s13], [sflag:$0x1] =	stream.indirect.gather [spmem:s1], $0x80, s24, s12, $0xb8;
	[tilespmem:$0x1F200] =	vst v63  }
0x1c6: {  	_ =	swait.ge [sflag:s15], $0x2000  }
0x1c7: {  	[sflag:s15] =	ssyncset.done $0x0  }
0x1c8: {  	s25 =	sadd.s32 $0x8400, s22;
	[sflag:s15] =	ssyncadd.s32 $0xFFFFE000  }
0x1c9: {  	[hbm4b:s25+s3] =	stream.linear.scatter [tilespmem:s16], [sflag:$0x2], $0x2000, $0x38;
	[tilespmem:$0x1F200] =	vst v63  }
0x1ca: {  	v34 =	vld [tilespmem:$0x18340]  }
0x1cb: {  	v35 =	vld [tilespmem:$0x188C0]  }
0x1cc: {  	v36 =	vld [tilespmem:$0x18350]  }
0x1cd: {  	v37 =	vld [tilespmem:$0x188D0]  }
0x1ce: {  	v38 =	vld [tilespmem:$0x18360]  }
0x1cf: {  	v39 =	vld [tilespmem:$0x188E0]  }
0x1d0: {  	v40 =	vld [tilespmem:$0x18370]  }
0x1d1: {  	v41 =	vld [tilespmem:$0x188F0];
	_ =	sdelay $0x1  }
0x1d2: {  	v0 =	vadd.s32 v34, v35  }
0x1d3: {  	v42 =	vadd.s32 v36, v37;
	[tilespmem:$0x18EC0] =	vst v0  }
0x1d4: {  	v43 =	vadd.s32 v38, v39;
	[tilespmem:$0x18ED0] =	vst v42  }
0x1d5: {  	v44 =	vadd.s32 v40, v41;
	[tilespmem:$0x18EE0] =	vst v43  }
0x1d6: {  	[tilespmem:$0x18EF0] =	vst v44  }
0x1d7: {  	_ =	swait.ge [sflag:s17], $0x2000  }
0x1d8: {  	[sflag:s17] =	ssyncset.done $0x0  }
0x1d9: {  	s26 =	rddreg [dreg:$0x1d];
	[sflag:s17] =	ssyncadd.s32 $0xFFFFE000  }
0x1da: {  	[tilespmem:s14], [sflag:$0x1] =	stream.indirect.gather [spmem:s1], $0x80, s26, s12, $0xb8;
	[tilespmem:$0x1F200] =	vst v63  }
0x1db: {  	_ =	swait.ge [sflag:s15], $0x2000  }
0x1dc: {  	[sflag:s15] =	ssyncset.done $0x0  }
0x1dd: {  	s28 =	sadd.s32 $0x8800, s22;
	[sflag:s15] =	ssyncadd.s32 $0xFFFFE000  }
0x1de: {  	[hbm4b:s28+s3] =	stream.linear.scatter [tilespmem:s13], [sflag:$0x2], $0x2000, $0x38;
	[tilespmem:$0x1F200] =	vst v63  }
0x1df: {  	v45 =	vld [tilespmem:$0x18500]  }
0x1e0: {  	v46 =	vld [tilespmem:$0x18900]  }
0x1e1: {  	v47 =	vld [tilespmem:$0x18510]  }
0x1e2: {  	v48 =	vld [tilespmem:$0x18910]  }
0x1e3: {  	v49 =	vld [tilespmem:$0x18520]  }
0x1e4: {  	v50 =	vld [tilespmem:$0x18920]  }
0x1e5: {  	v51 =	vld [tilespmem:$0x18530]  }
0x1e6: {  	v52 =	vld [tilespmem:$0x18930];
	_ =	sdelay $0x1  }
0x1e7: {  	v0 =	vadd.s32 v45, v46  }
0x1e8: {  	v53 =	vadd.s32 v47, v48;
	[tilespmem:$0x18F00] =	vst v0  }
0x1e9: {  	v54 =	vadd.s32 v49, v50;
	[tilespmem:$0x18F10] =	vst v53  }
0x1ea: {  	v55 =	vadd.s32 v51, v52;
	[tilespmem:$0x18F20] =	vst v54  }
0x1eb: {  	[tilespmem:$0x18F30] =	vst v55  }
0x1ec: {  	_ =	swait.ge [sflag:s17], $0x2000  }
0x1ed: {  	[sflag:s17] =	ssyncset.done $0x0  }
0x1ee: {  	s29 =	rddreg [dreg:$0x1e];
	[sflag:s17] =	ssyncadd.s32 $0xFFFFE000  }
0x1ef: {  	[tilespmem:s16], [sflag:$0x1] =	stream.indirect.gather [spmem:s1], $0x80, s29, s12, $0xb8;
	[tilespmem:$0x1F200] =	vst v63  }
0x1f0: {  	_ =	swait.ge [sflag:s15], $0x2000  }
0x1f1: {  	[sflag:s15] =	ssyncset.done $0x0  }
0x1f2: {  	s30 =	sadd.s32 $0x8C00, s22;
	[sflag:s15] =	ssyncadd.s32 $0xFFFFE000  }
0x1f3: {  	[hbm4b:s30+s3] =	stream.linear.scatter [tilespmem:s14], [sflag:$0x2], $0x2000, $0x38;
	[tilespmem:$0x1F200] =	vst v63  }
0x1f4: {  	v56 =	vld [tilespmem:$0x18540]  }
0x1f5: {  	v57 =	vld [tilespmem:$0x18940]  }
0x1f6: {  	v58 =	vld [tilespmem:$0x18550]  }
0x1f7: {  	v59 =	vld [tilespmem:$0x18950]  }
0x1f8: {  	v60 =	vld [tilespmem:$0x18560]  }
0x1f9: {  	v61 =	vld [tilespmem:$0x18960]  }
0x1fa: {  	v62 =	vld [tilespmem:$0x18570]  }
0x1fb: {  	v63 =	vld [tilespmem:$0x18970];
	_ =	sdelay $0x1  }
0x1fc: {  	v0 =	vadd.s32 v56, v57  }
0x1fd: {  	v8 =	vadd.s32 v58, v59;
	[tilespmem:$0x18F40] =	vst v0  }
0x1fe: {  	v9 =	vadd.s32 v60, v61;
	[tilespmem:$0x18F50] =	vst v8  }
0x1ff: {  	v10 =	vadd.s32 v62, v63;
	[tilespmem:$0x18F60] =	vst v9  }
0x200: {  	[tilespmem:$0x18F70] =	vst v10  }
0x201: {  	_ =	swait.ge [sflag:s17], $0x2000  }
0x202: {  	[sflag:s17] =	ssyncset.done $0x0  }
0x203: {  	s31 =	rddreg [dreg:$0x1f];
	[sflag:s17] =	ssyncadd.s32 $0xFFFFE000  }
0x204: {  	[tilespmem:s13], [sflag:$0x1] =	stream.indirect.gather [spmem:s1], $0x80, s31, s12, $0xb8;
	[tilespmem:$0x1F200] =	vst v63  }
0x205: {  	_ =	swait.ge [sflag:s15], $0x2000  }
0x206: {  	[sflag:s15] =	ssyncset.done $0x0  }
0x207: {  	s24 =	sadd.s32 $0x9000, s22;
	[sflag:s15] =	ssyncadd.s32 $0xFFFFE000  }
0x208: {  	[hbm4b:s24+s3] =	stream.linear.scatter [tilespmem:s16], [sflag:$0x2], $0x2000, $0x38;
	[tilespmem:$0x1F200] =	vst v63  }
0x209: {  	v11 =	vld [tilespmem:$0x18700]  }
0x20a: {  	v12 =	vld [tilespmem:$0x18980]  }
0x20b: {  	v13 =	vld [tilespmem:$0x18710]  }
0x20c: {  	v14 =	vld [tilespmem:$0x18990]  }
0x20d: {  	v15 =	vld [tilespmem:$0x18720]  }
0x20e: {  	v16 =	vld [tilespmem:$0x189A0]  }
0x20f: {  	v17 =	vld [tilespmem:$0x18730]  }
0x210: {  	v18 =	vld [tilespmem:$0x189B0];
	_ =	sdelay $0x1  }
0x211: {  	v0 =	vadd.s32 v11, v12  }
0x212: {  	v19 =	vadd.s32 v13, v14;
	[tilespmem:$0x18F80] =	vst v0  }
0x213: {  	v20 =	vadd.s32 v15, v16;
	[tilespmem:$0x18F90] =	vst v19  }
0x214: {  	v21 =	vadd.s32 v17, v18;
	[tilespmem:$0x18FA0] =	vst v20  }
0x215: {  	[tilespmem:$0x18FB0] =	vst v21  }
0x216: {  	_ =	swait.ge [sflag:s17], $0x2000  }
0x217: {  	s25 =	sld [smem:$0x7F4]  }
0x218: {  	[sflag:s17] =	ssyncset.done $0x0  }
0x219: {  	[sflag:s17] =	ssyncadd.s32 $0xFFFFE000  }
0x21a: {  	[tilespmem:s14], [sflag:$0x1] =	stream.indirect.gather [spmem:s1], $0x80, s25, s12, $0xb8;
	[tilespmem:$0x1F200] =	vst v63  }
0x21b: {  	_ =	swait.ge [sflag:s15], $0x2000  }
0x21c: {  	[sflag:s15] =	ssyncset.done $0x0  }
0x21d: {  	s26 =	sadd.s32 $0x9400, s22;
	[sflag:s15] =	ssyncadd.s32 $0xFFFFE000  }
0x21e: {  	[hbm4b:s26+s3] =	stream.linear.scatter [tilespmem:s13], [sflag:$0x2], $0x2000, $0x38;
	[tilespmem:$0x1F200] =	vst v63  }
0x21f: {  	v22 =	vld [tilespmem:$0x18740]  }
0x220: {  	v23 =	vld [tilespmem:$0x189C0]  }
0x221: {  	v24 =	vld [tilespmem:$0x18750]  }
0x222: {  	v25 =	vld [tilespmem:$0x189D0]  }
0x223: {  	v26 =	vld [tilespmem:$0x18760]  }
0x224: {  	v27 =	vld [tilespmem:$0x189E0]  }
0x225: {  	v28 =	vld [tilespmem:$0x18770]  }
0x226: {  	v29 =	vld [tilespmem:$0x189F0];
	_ =	sdelay $0x1  }
0x227: {  	v0 =	vadd.s32 v22, v23  }
0x228: {  	v30 =	vadd.s32 v24, v25;
	[tilespmem:$0x18FC0] =	vst v0  }
0x229: {  	v31 =	vadd.s32 v26, v27;
	[tilespmem:$0x18FD0] =	vst v30  }
0x22a: {  	v32 =	vadd.s32 v28, v29;
	[tilespmem:$0x18FE0] =	vst v31  }
0x22b: {  	[tilespmem:$0x18FF0] =	vst v32  }
0x22c: {  	_ =	swait.ge [sflag:s17], $0x2000  }
0x22d: {  	s28 =	sld [smem:$0x7F5]  }
0x22e: {  	[sflag:s17] =	ssyncset.done $0x0  }
0x22f: {  	[sflag:s17] =	ssyncadd.s32 $0xFFFFE000  }
0x230: {  	[tilespmem:s16], [sflag:$0x1] =	stream.indirect.gather [spmem:s1], $0x80, s28, s12, $0xb8;
	[tilespmem:$0x1F200] =	vst v63  }
0x231: {  	_ =	swait.ge [sflag:s15], $0x2000  }
0x232: {  	[sflag:s15] =	ssyncset.done $0x0  }
0x233: {  	s29 =	sadd.s32 $0x9800, s22;
	[sflag:s15] =	ssyncadd.s32 $0xFFFFE000  }
0x234: {  	[hbm4b:s29+s3] =	stream.linear.scatter [tilespmem:s14], [sflag:$0x2], $0x2000, $0x38;
	[tilespmem:$0x1F200] =	vst v63  }
0x235: {  	v33 =	vld [tilespmem:$0x18180]  }
0x236: {  	v34 =	vld [tilespmem:$0x18800]  }
0x237: {  	v35 =	vld [tilespmem:$0x18190]  }
0x238: {  	v36 =	vld [tilespmem:$0x18810]  }
0x239: {  	v37 =	vld [tilespmem:$0x181A0]  }
0x23a: {  	v38 =	vld [tilespmem:$0x18820]  }
0x23b: {  	v39 =	vld [tilespmem:$0x181B0]  }
0x23c: {  	v40 =	vld [tilespmem:$0x18830];
	_ =	sdelay $0x1  }
0x23d: {  	v0 =	vadd.s32 v33, v34  }
0x23e: {  	v41 =	vadd.s32 v35, v36;
	[tilespmem:$0x19000] =	vst v0  }
0x23f: {  	v42 =	vadd.s32 v37, v38;
	[tilespmem:$0x19010] =	vst v41  }
0x240: {  	v43 =	vadd.s32 v39, v40;
	[tilespmem:$0x19020] =	vst v42  }
0x241: {  	[tilespmem:$0x19030] =	vst v43  }
0x242: {  	_ =	swait.ge [sflag:s17], $0x2000  }
0x243: {  	s30 =	sld [smem:$0x7F6]  }
0x244: {  	[sflag:s17] =	ssyncset.done $0x0  }
0x245: {  	[sflag:s17] =	ssyncadd.s32 $0xFFFFE000  }
0x246: {  	[tilespmem:s13], [sflag:$0x1] =	stream.indirect.gather [spmem:s1], $0x80, s30, s12, $0xb8;
	[tilespmem:$0x1F200] =	vst v63  }
0x247: {  	_ =	swait.ge [sflag:s15], $0x2000  }
0x248: {  	[sflag:s15] =	ssyncset.done $0x0  }
0x249: {  	s31 =	sadd.s32 $0x9C00, s22;
	[sflag:s15] =	ssyncadd.s32 $0xFFFFE000  }
0x24a: {  	[hbm4b:s31+s3] =	stream.linear.scatter [tilespmem:s16], [sflag:$0x2], $0x2000, $0x38;
	[tilespmem:$0x1F200] =	vst v63  }
0x24b: {  	v44 =	vld [tilespmem:$0x181C0]  }
0x24c: {  	v45 =	vld [tilespmem:$0x18840]  }
0x24d: {  	v46 =	vld [tilespmem:$0x181D0]  }
0x24e: {  	v47 =	vld [tilespmem:$0x18850]  }
0x24f: {  	v48 =	vld [tilespmem:$0x181E0]  }
0x250: {  	v49 =	vld [tilespmem:$0x18860]  }
0x251: {  	v50 =	vld [tilespmem:$0x181F0]  }
0x252: {  	v51 =	vld [tilespmem:$0x18870];
	_ =	sdelay $0x1  }
0x253: {  	v0 =	vadd.s32 v44, v45  }
0x254: {  	v52 =	vadd.s32 v46, v47;
	[tilespmem:$0x19040] =	vst v0  }
0x255: {  	v53 =	vadd.s32 v48, v49;
	[tilespmem:$0x19050] =	vst v52  }
0x256: {  	v54 =	vadd.s32 v50, v51;
	[tilespmem:$0x19060] =	vst v53  }
0x257: {  	[tilespmem:$0x19070] =	vst v54  }
0x258: {  	_ =	swait.ge [sflag:s17], $0x2000  }
0x259: {  	s24 =	sld [smem:$0x7F7]  }
0x25a: {  	[sflag:s17] =	ssyncset.done $0x0  }
0x25b: {  	[sflag:s17] =	ssyncadd.s32 $0xFFFFE000  }
0x25c: {  	[tilespmem:s14], [sflag:$0x1] =	stream.indirect.gather [spmem:s1], $0x80, s24, s12, $0xb8;
	[tilespmem:$0x1F200] =	vst v63  }
0x25d: {  	_ =	swait.ge [sflag:s15], $0x2000  }
0x25e: {  	[sflag:s15] =	ssyncset.done $0x0  }
0x25f: {  	s25 =	sadd.s32 $0xC000, s22;
	[sflag:s15] =	ssyncadd.s32 $0xFFFFE000  }
0x260: {  	[hbm4b:s25+s3] =	stream.linear.scatter [tilespmem:s13], [sflag:$0x2], $0x2000, $0x38;
	[tilespmem:$0x1F200] =	vst v63  }
0x261: {  	v55 =	vld [tilespmem:$0x18380]  }
0x262: {  	v56 =	vld [tilespmem:$0x18880]  }
0x263: {  	v57 =	vld [tilespmem:$0x18390]  }
0x264: {  	v58 =	vld [tilespmem:$0x18890]  }
0x265: {  	v59 =	vld [tilespmem:$0x183A0]  }
0x266: {  	v60 =	vld [tilespmem:$0x188A0]  }
0x267: {  	v61 =	vld [tilespmem:$0x183B0]  }
0x268: {  	v62 =	vld [tilespmem:$0x188B0];
	_ =	sdelay $0x1  }
0x269: {  	v0 =	vadd.s32 v55, v56  }
0x26a: {  	v63 =	vadd.s32 v57, v58;
	[tilespmem:$0x19080] =	vst v0  }
0x26b: {  	v5 =	vadd.s32 v59, v60;
	[tilespmem:$0x19090] =	vst v63  }
0x26c: {  	v8 =	vadd.s32 v61, v62;
	[tilespmem:$0x190A0] =	vst v5  }
0x26d: {  	[tilespmem:$0x190B0] =	vst v8  }
0x26e: {  	_ =	swait.ge [sflag:s17], $0x2000  }
0x26f: {  	s26 =	sld [smem:$0x7F8]  }
0x270: {  	[sflag:s17] =	ssyncset.done $0x0  }
0x271: {  	[sflag:s17] =	ssyncadd.s32 $0xFFFFE000  }
0x272: {  	[tilespmem:s16], [sflag:$0x1] =	stream.indirect.gather [spmem:s1], $0x80, s26, s12, $0xb8;
	[tilespmem:$0x1F200] =	vst v63  }
0x273: {  	_ =	swait.ge [sflag:s15], $0x2000  }
0x274: {  	[sflag:s15] =	ssyncset.done $0x0  }
0x275: {  	s28 =	sadd.s32 $0xC400, s22;
	[sflag:s15] =	ssyncadd.s32 $0xFFFFE000  }
0x276: {  	[hbm4b:s28+s3] =	stream.linear.scatter [tilespmem:s14], [sflag:$0x2], $0x2000, $0x38;
	[tilespmem:$0x1F200] =	vst v63  }
0x277: {  	v9 =	vld [tilespmem:$0x183C0]  }
0x278: {  	v10 =	vld [tilespmem:$0x188C0]  }
0x279: {  	v11 =	vld [tilespmem:$0x183D0]  }
0x27a: {  	v12 =	vld [tilespmem:$0x188D0]  }
0x27b: {  	v13 =	vld [tilespmem:$0x183E0]  }
0x27c: {  	v14 =	vld [tilespmem:$0x188E0]  }
0x27d: {  	v15 =	vld [tilespmem:$0x183F0]  }
0x27e: {  	v16 =	vld [tilespmem:$0x188F0];
	_ =	sdelay $0x1  }
0x27f: {  	v0 =	vadd.s32 v9, v10  }
0x280: {  	v17 =	vadd.s32 v11, v12;
	[tilespmem:$0x190C0] =	vst v0  }
0x281: {  	v18 =	vadd.s32 v13, v14;
	[tilespmem:$0x190D0] =	vst v17  }
0x282: {  	v19 =	vadd.s32 v15, v16;
	[tilespmem:$0x190E0] =	vst v18  }
0x283: {  	[tilespmem:$0x190F0] =	vst v19  }
0x284: {  	_ =	swait.ge [sflag:s17], $0x2000  }
0x285: {  	s29 =	sld [smem:$0x7F9]  }
0x286: {  	[sflag:s17] =	ssyncset.done $0x0  }
0x287: {  	[sflag:s17] =	ssyncadd.s32 $0xFFFFE000  }
0x288: {  	[tilespmem:s13], [sflag:$0x1] =	stream.indirect.gather [spmem:s1], $0x80, s29, s12, $0xb8;
	[tilespmem:$0x1F200] =	vst v63  }
0x289: {  	_ =	swait.ge [sflag:s15], $0x2000  }
0x28a: {  	[sflag:s15] =	ssyncset.done $0x0  }
0x28b: {  	s30 =	sadd.s32 $0xC800, s22;
	[sflag:s15] =	ssyncadd.s32 $0xFFFFE000  }
0x28c: {  	[hbm4b:s30+s3] =	stream.linear.scatter [tilespmem:s16], [sflag:$0x2], $0x2000, $0x38;
	[tilespmem:$0x1F200] =	vst v63  }
0x28d: {  	v20 =	vld [tilespmem:$0x18580]  }
0x28e: {  	v21 =	vld [tilespmem:$0x18900]  }
0x28f: {  	v22 =	vld [tilespmem:$0x18590]  }
0x290: {  	v23 =	vld [tilespmem:$0x18910]  }
0x291: {  	v24 =	vld [tilespmem:$0x185A0]  }
0x292: {  	v25 =	vld [tilespmem:$0x18920]  }
0x293: {  	v26 =	vld [tilespmem:$0x185B0]  }
0x294: {  	v27 =	vld [tilespmem:$0x18930];
	_ =	sdelay $0x1  }
0x295: {  	v0 =	vadd.s32 v20, v21  }
0x296: {  	v28 =	vadd.s32 v22, v23;
	[tilespmem:$0x19100] =	vst v0  }
0x297: {  	v29 =	vadd.s32 v24, v25;
	[tilespmem:$0x19110] =	vst v28  }
0x298: {  	v30 =	vadd.s32 v26, v27;
	[tilespmem:$0x19120] =	vst v29  }
0x299: {  	[tilespmem:$0x19130] =	vst v30  }
0x29a: {  	_ =	swait.ge [sflag:s17], $0x2000  }
0x29b: {  	s31 =	sld [smem:$0x7FA]  }
0x29c: {  	[sflag:s17] =	ssyncset.done $0x0  }
0x29d: {  	[sflag:s17] =	ssyncadd.s32 $0xFFFFE000  }
0x29e: {  	[tilespmem:s14], [sflag:$0x1] =	stream.indirect.gather [spmem:s1], $0x80, s31, s12, $0xb8;
	[tilespmem:$0x1F200] =	vst v63  }
0x29f: {  	_ =	swait.ge [sflag:s15], $0x2000  }
0x2a0: {  	[sflag:s15] =	ssyncset.done $0x0  }
0x2a1: {  	s24 =	sadd.s32 $0xCC00, s22;
	[sflag:s15] =	ssyncadd.s32 $0xFFFFE000  }
0x2a2: {  	[hbm4b:s24+s3] =	stream.linear.scatter [tilespmem:s13], [sflag:$0x2], $0x2000, $0x38;
	[tilespmem:$0x1F200] =	vst v63  }
0x2a3: {  	v31 =	vld [tilespmem:$0x185C0]  }
0x2a4: {  	v32 =	vld [tilespmem:$0x18940]  }
0x2a5: {  	v33 =	vld [tilespmem:$0x185D0]  }
0x2a6: {  	v34 =	vld [tilespmem:$0x18950]  }
0x2a7: {  	v35 =	vld [tilespmem:$0x185E0]  }
0x2a8: {  	v36 =	vld [tilespmem:$0x18960]  }
0x2a9: {  	v37 =	vld [tilespmem:$0x185F0]  }
0x2aa: {  	v38 =	vld [tilespmem:$0x18970];
	_ =	sdelay $0x1  }
0x2ab: {  	v0 =	vadd.s32 v31, v32  }
0x2ac: {  	v39 =	vadd.s32 v33, v34;
	[tilespmem:$0x19140] =	vst v0  }
0x2ad: {  	v40 =	vadd.s32 v35, v36;
	[tilespmem:$0x19150] =	vst v39  }
0x2ae: {  	v41 =	vadd.s32 v37, v38;
	[tilespmem:$0x19160] =	vst v40  }
0x2af: {  	[tilespmem:$0x19170] =	vst v41  }
0x2b0: {  	_ =	swait.ge [sflag:s17], $0x2000  }
0x2b1: {  	s25 =	sld [smem:$0x7FB]  }
0x2b2: {  	[sflag:s17] =	ssyncset.done $0x0  }
0x2b3: {  	[sflag:s17] =	ssyncadd.s32 $0xFFFFE000  }
0x2b4: {  	[tilespmem:s16], [sflag:$0x1] =	stream.indirect.gather [spmem:s1], $0x80, s25, s12, $0xb8;
	[tilespmem:$0x1F200] =	vst v63  }
0x2b5: {  	_ =	swait.ge [sflag:s15], $0x2000  }
0x2b6: {  	[sflag:s15] =	ssyncset.done $0x0  }
0x2b7: {  	s26 =	sadd.s32 $0xD000, s22;
	[sflag:s15] =	ssyncadd.s32 $0xFFFFE000  }
0x2b8: {  	[hbm4b:s26+s3] =	stream.linear.scatter [tilespmem:s14], [sflag:$0x2], $0x2000, $0x38;
	[tilespmem:$0x1F200] =	vst v63  }
0x2b9: {  	v42 =	vld [tilespmem:$0x18780]  }
0x2ba: {  	v43 =	vld [tilespmem:$0x18980]  }
0x2bb: {  	v44 =	vld [tilespmem:$0x18790]  }
0x2bc: {  	v45 =	vld [tilespmem:$0x18990]  }
0x2bd: {  	v46 =	vld [tilespmem:$0x187A0]  }
0x2be: {  	v47 =	vld [tilespmem:$0x189A0]  }
0x2bf: {  	v48 =	vld [tilespmem:$0x187B0]  }
0x2c0: {  	v49 =	vld [tilespmem:$0x189B0];
	_ =	sdelay $0x1  }
0x2c1: {  	v0 =	vadd.s32 v42, v43  }
0x2c2: {  	v50 =	vadd.s32 v44, v45;
	[tilespmem:$0x19180] =	vst v0  }
0x2c3: {  	v51 =	vadd.s32 v46, v47;
	[tilespmem:$0x19190] =	vst v50  }
0x2c4: {  	v52 =	vadd.s32 v48, v49;
	[tilespmem:$0x191A0] =	vst v51  }
0x2c5: {  	[tilespmem:$0x191B0] =	vst v52  }
0x2c6: {  	_ =	swait.ge [sflag:s17], $0x2000  }
0x2c7: {  	s28 =	sld [smem:$0x7FC]  }
0x2c8: {  	[sflag:s17] =	ssyncset.done $0x0  }
0x2c9: {  	[sflag:s17] =	ssyncadd.s32 $0xFFFFE000  }
0x2ca: {  	[tilespmem:s13], [sflag:$0x1] =	stream.indirect.gather [spmem:s1], $0x80, s28, s12, $0xb8;
	[tilespmem:$0x1F200] =	vst v63  }
0x2cb: {  	_ =	swait.ge [sflag:s15], $0x2000  }
0x2cc: {  	[sflag:s15] =	ssyncset.done $0x0  }
0x2cd: {  	s29 =	sadd.s32 $0xD400, s22;
	[sflag:s15] =	ssyncadd.s32 $0xFFFFE000  }
0x2ce: {  	[hbm4b:s29+s3] =	stream.linear.scatter [tilespmem:s16], [sflag:$0x2], $0x2000, $0x38;
	[tilespmem:$0x1F200] =	vst v63  }
0x2cf: {  	v53 =	vld [tilespmem:$0x187C0]  }
0x2d0: {  	v54 =	vld [tilespmem:$0x189C0]  }
0x2d1: {  	v55 =	vld [tilespmem:$0x187D0]  }
0x2d2: {  	v56 =	vld [tilespmem:$0x189D0]  }
0x2d3: {  	v57 =	vld [tilespmem:$0x187E0]  }
0x2d4: {  	v58 =	vld [tilespmem:$0x189E0]  }
0x2d5: {  	v59 =	vld [tilespmem:$0x187F0]  }
0x2d6: {  	v60 =	vld [tilespmem:$0x189F0];
	_ =	sdelay $0x1  }
0x2d7: {  	v0 =	vadd.s32 v53, v54  }
0x2d8: {  	v61 =	vadd.s32 v55, v56;
	[tilespmem:$0x191C0] =	vst v0  }
0x2d9: {  	v62 =	vadd.s32 v57, v58;
	[tilespmem:$0x191D0] =	vst v61  }
0x2da: {  	v63 =	vadd.s32 v59, v60;
	[tilespmem:$0x191E0] =	vst v62  }
0x2db: {  	[tilespmem:$0x191F0] =	vst v63  }
0x2dc: {  	_ =	swait.ge [sflag:s17], $0x2000  }
0x2dd: {  	s30 =	sld [smem:$0x7FD]  }
0x2de: {  	[sflag:s17] =	ssyncset.done $0x0  }
0x2df: {  	[sflag:s17] =	ssyncadd.s32 $0xFFFFE000  }
0x2e0: {  	[tilespmem:s14], [sflag:$0x1] =	stream.indirect.gather [spmem:s1], $0x80, s30, s12, $0xb8;
	[tilespmem:$0x1F200] =	vst v63  }
0x2e1: {  	_ =	swait.ge [sflag:s15], $0x2000  }
0x2e2: {  	s21 =	sadd.s32 $0x10000, s21;
	[sflag:s15] =	ssyncset.done $0x0  }
0x2e3: {  	p0 =	sne.s32 s21, $0x100000;
	s31 =	sadd.s32 $0xD800, s22;
	[sflag:s15] =	ssyncadd.s32 $0xFFFFE000  }
0x2e4: {  	[hbm4b:s31+s3] =	stream.linear.scatter [tilespmem:s13], [sflag:$0x2], $0x2000, $0x38;
	[tilespmem:$0x1F200] =	vst v63  }
.Ltmp0:
0x2e5: {  	_ = 	snop;
	(pc) =	sbr.rel @p0 .LBB2_2-.Ltmp0, $4  }
0x2e6: {  	_ =	swait.ge [sflag:s15], $0x2000  }
0x2e7: {  	s20 =	sadd.s32 $0x40, s20;
	[sflag:s15] =	ssyncset.done $0x0  }
0x2e8: {  	s19 =	sadd.s32 $0x200, s19;
	s22 =	sadd.s32 $0xDC00, s22;
	[sflag:s15] =	ssyncadd.s32 $0xFFFFE000  }
0x2e9: {  	[hbm4b:s22+s3] =	stream.linear.scatter [tilespmem:s14], [sflag:$0x2], $0x2000, $0x38;
	[tilespmem:$0x1F200] =	vst v63  }
0x2ea: {  	_ =	swait.ge [sflag:s17], $0x2000  }
0x2eb: {  	[sflag:s17] =	ssyncset.done $0x0  }
0x2ec: {  	s18 =	sadd.s32 $0x1, s18;
	[sflag:s17] =	ssyncadd.s32 $0xFFFFE000  }
0x2ed: {  	p0 =	sne.s32 s18, s7;
	_ =	swait.ge [sflag:s17], $0x2000  }
.Ltmp1:
0x2ee: {  	[sflag:s17] =	ssyncset.done $0x0;
	(pc) =	sbr.rel @p0 .LBB2_1-.Ltmp1, $4  }
0x2ef: {  	[sflag:s17] =	ssyncadd.s32 $0xFFFFE000  }
0x2f0: {  	_ =	swait.ge [sflag:s17], $0x2000  }
0x2f1: {  	[sflag:s17] =	ssyncset.done $0x0  }
0x2f2: {  	[sflag:s17] =	ssyncadd.s32 $0xFFFFE000  }
0x2f3: {  	_ =	sfence.sel $0x180000  }
0x2f4: {  	[bflag:$0x0] =	sbarrier.arrive $0xFFFF  }
0x2f5: {  	p0 =	sne.s32 s2, $0x0;
	_ =	strace $0x90000047  }
0x2f6: {  	s0 =	sadd.s32 @!p0 $0x100000, s0;
	[bflag:$0x2] =	sbarrier.arrive $0xFFFF  }
0x2f7: {  	[sflag:s0] =	ssyncadd.tile.s32 @!p0 $0x1;
	_ =	shalt  }
.Lfunc_end2:
_tile_overlayer_lowered:
.L_overlay_start_2:
0x2f8: {  	(tag) =	ssettag $0x2  }
0x2f9: {  	s0 =	rddreg [dreg:$0x0];
	s2 =	stileid.u32  }
0x2fa: {  	s1 =	rddreg [dreg:$0x1];
	p0 =	sne.s32 s2, $0x0  }
0x2fb: {  	s3 =	rddreg [dreg:$0x2];
	[bflag:$0x3] =	sbarrier.arrive $0xFFFF;
	s2 =	simm.s32 @!p0 $0x1C03  }
0x2fc: {  	[timem:s3], [sflag:s2] =	dma.local @!p0 [hbm:s0], s1  }
0x2fd: {  	s0 =	simm.s32 @!p0 $0x3  }
0x2fe: {  	_ =	swait.ge @!p0 [sflag:s0], s1  }
0x2ff: {  	s1 =	ssub.s32 @!p0 $0x0, s1;
	[sflag:s0] =	ssyncset.done @!p0 $0x0  }
0x300: {  	[sflag:s0] =	ssyncadd.s32 @!p0 s1  }
0x301: {  	[bflag:$0x3] =	sbarrier.arrive $0xFFFF  }
0x302: {  	_ =	shalt  }

</sc_bundles>
